<compile_context>
chip_gen: v7x
topology: tpu7x:2x2x1
jax: 0.10.2.dev20260603
libtpu: 0.0.44.dev20260713+nightly
codegen_flags: <defaults>
</compile_context>

<pallas_src>
import functools

import jax
import jax.numpy as jnp
from jax import lax
from jax.experimental import pallas as pl
from jax.experimental.pallas import tpu as pltpu
from jax.experimental.pallas import tpu_sc as plsc

N_NODES = 10000
D = 512
B = 2048
K = 32
L = 16
NW = 32
RPW = B // NW
R = 2
NCH = RPW // R
NPAIR = NCH // 2
CPD = D // L


def _sc_body(feat_hbm, ids_hbm, self_hbm, out_hbm,
             ids_v, table_v, nd_v, inv_v,
             rows0, rows1, self0, self1, out0, out1,
             sem_r0, sem_r1, sem_s0, sem_s1, sem_o0, sem_o1):
    cid = lax.axis_index("c")
    sid = lax.axis_index("s")
    wid = sid * 2 + cid
    row0 = wid * RPW

    pltpu.sync_copy(ids_hbm.at[pl.ds(row0 * K, RPW * K)], ids_v)

    pos_a = lax.iota(jnp.int32, L)
    pos_b = pos_a + L
    zf = jnp.zeros((L,), jnp.float32)
    zi = jnp.zeros((L,), jnp.int32)

    def dd_body(r, carry):
        base = r * K
        a = ids_v[pl.ds(base, L)]
        b = ids_v[pl.ds(base + L, L)]
        plsc.store_scatter(table_v, [a], pos_a)
        plsc.store_scatter(table_v, [b], pos_b)
        ga = plsc.load_gather(table_v, [a])
        gb = plsc.load_gather(table_v, [b])
        fa = ga == pos_a
        fb = gb == pos_b
        id0 = plsc.load_gather(ids_v, [zi + base])
        ids_v[pl.ds(base, L)] = jnp.where(fa, a, id0)
        ids_v[pl.ds(base + L, L)] = jnp.where(fb, b, id0)
        fa_f = jnp.where(fa, 1.0, 0.0).astype(jnp.float32)
        fb_f = jnp.where(fb, 1.0, 0.0).astype(jnp.float32)
        n_unique = jnp.sum(fa_f) + jnp.sum(fb_f)
        nd_v[r, pl.ds(0, L)] = (K - n_unique) + zf
        inv_v[r, pl.ds(0, L)] = (1.0 + zf) / (n_unique + zf)
        return carry

    lax.fori_loop(0, RPW, dd_body, 0)

    def rows_dma(ch, buf, sem):
        idx = ids_v.at[pl.ds(ch * R * K, R * K)]
        return pltpu.make_async_copy(feat_hbm.at[idx], buf, sem)

    def self_dma(ch, buf, sem):
        return pltpu.make_async_copy(
            self_hbm.at[pl.ds(row0 + ch * R, R)], buf, sem)

    UNROLL = 1

    def compute(ch, rows_b, self_b, out_b):
        for rr in range(R):
            def acc_body(jj, acc):
                for u in range(UNROLL):
                    rbase = rr * K + jj * UNROLL + u
                    acc = tuple(acc[c] + rows_b[rbase, pl.ds(c * L, L)]
                                for c in range(CPD))
                return acc

            acc0 = tuple(jnp.zeros((L,), jnp.float32) for _ in range(CPD))
            acc = lax.fori_loop(0, K // UNROLL, acc_body, acc0)

            r = ch * R + rr
            nd = nd_v[r, pl.ds(0, L)]
            inv = inv_v[r, pl.ds(0, L)]
            for c in range(CPD):
                r0c = rows_b[rr * K, pl.ds(c * L, L)]
                aggc = (acc[c] - nd * r0c) * inv
                out_b[rr, pl.ds(c * L, L)] = self_b[rr, pl.ds(c * L, L)] - aggc
                out_b[rr, pl.ds(D + c * L, L)] = aggc

    def out_dma(ch, buf, sem):
        return pltpu.make_async_copy(
            buf, out_hbm.at[pl.ds(row0 + ch * R, R)], sem)

    rows_dma(0, rows0, sem_r0).start()
    self_dma(0, self0, sem_s0).start()

    def pair_body(i2, carry):
        ch0 = i2 * 2
        ch1 = ch0 + 1
        rows_dma(ch1, rows1, sem_r1).start()
        self_dma(ch1, self1, sem_s1).start()

        rows_dma(ch0, rows0, sem_r0).wait()
        self_dma(ch0, self0, sem_s0).wait()

        @pl.when(i2 > 0)
        def _():
            out_dma(ch0 - 2, out0, sem_o0).wait()

        compute(ch0, rows0, self0, out0)
        out_dma(ch0, out0, sem_o0).start()

        @pl.when(i2 < NPAIR - 1)
        def _():
            rows_dma(ch0 + 2, rows0, sem_r0).start()
            self_dma(ch0 + 2, self0, sem_s0).start()

        rows_dma(ch1, rows1, sem_r1).wait()
        self_dma(ch1, self1, sem_s1).wait()

        @pl.when(i2 > 0)
        def _():
            out_dma(ch1 - 2, out1, sem_o1).wait()

        compute(ch1, rows1, self1, out1)
        out_dma(ch1, out1, sem_o1).start()
        return carry

    lax.fori_loop(0, NPAIR, pair_body, 0)
    out_dma(NCH - 2, out0, sem_o0).wait()
    out_dma(NCH - 1, out1, sem_o1).wait()


@jax.jit
def _intra_agg(features, ids_flat, self_feats):
    mesh = plsc.VectorSubcoreMesh(core_axis_name="c", subcore_axis_name="s")
    f = functools.partial(
        pl.kernel,
        mesh=mesh,
        compiler_params=pltpu.CompilerParams(needs_layout_passes=False),
        out_type=jax.ShapeDtypeStruct((B, 2 * D), jnp.float32),
        scratch_types=[
            pltpu.VMEM((RPW * K,), jnp.int32),
            pltpu.VMEM((N_NODES,), jnp.int32),
            pltpu.VMEM((RPW, L), jnp.float32),
            pltpu.VMEM((RPW, L), jnp.float32),
            pltpu.VMEM((R * K, D), jnp.float32),
            pltpu.VMEM((R * K, D), jnp.float32),
            pltpu.VMEM((R, D), jnp.float32),
            pltpu.VMEM((R, D), jnp.float32),
            pltpu.VMEM((R, 2 * D), jnp.float32),
            pltpu.VMEM((R, 2 * D), jnp.float32),
            pltpu.SemaphoreType.DMA,
            pltpu.SemaphoreType.DMA,
            pltpu.SemaphoreType.DMA,
            pltpu.SemaphoreType.DMA,
            pltpu.SemaphoreType.DMA,
            pltpu.SemaphoreType.DMA,
        ],
    )(_sc_body)
    return f(features, ids_flat, self_feats)


def kernel(features, nodes, to_neighs_list, self_feats):
    del nodes
    ids_flat = to_neighs_list.astype(jnp.int32).reshape(-1)
    return _intra_agg(features, ids_flat, self_feats)

# --- scband reference (transcript-rebuilt; emitter-appended) ---
"""Pipeline reference for scband-intra-agg-62423054680429 (READ-ONLY COPY).

The authoritative reference and input builder live on the scoring server;
editing this copy changes nothing except your own understanding.
"""

import jax, jax.numpy as jnp
import numpy as np

N_NODES = 10000
D_FEAT = 512
BATCH = 2048
K_NEIGH = 32

def setup_inputs(seed: int = 0) -> dict:
    key = jax.random.key(seed)
    k1, k2, k3, k4 = jax.random.split(key, 4)
    features = jax.random.normal(k1, (N_NODES, D_FEAT), dtype=jnp.float32)
    nodes = jax.random.randint(k2, (BATCH,), 0, N_NODES, dtype=jnp.int64)
    to_neighs_list = jax.random.randint(k3, (BATCH, K_NEIGH), 0, N_NODES, dtype=jnp.int64)
    self_feats = jax.random.normal(k4, (BATCH, D_FEAT), dtype=jnp.float32)
    return {"features": features, "nodes": nodes, "to_neighs_list": to_neighs_list, "self_feats": self_feats}

def reference(features, nodes, to_neighs_list, self_feats):
    # Faithful translation of IntraAgg.forward.
    # The torch code builds a per-batch-node set of neighbors, constructs a
    # normalized 0/1 membership mask over the unique neighbor set, and does a
    # dense mask.mm(embed_matrix). Reindexing to 'unique_nodes' is just a column
    # permutation/subset of the full node set, so using all N columns yields an
    # identical aggregation. Duplicate neighbor ids collapse via .set(1.0),
    # exactly matching the set() dedup + mask[r, c] = 1 semantics.
    B, K = to_neighs_list.shape
    N = features.shape[0]
    rows = jnp.repeat(jnp.arange(B), K)
    cols = to_neighs_list.reshape(-1)
    mask = jnp.zeros((B, N), dtype=features.dtype)
    mask = mask.at[rows, cols].set(1.0)  # scatter-overwrite (set semantics like torch mask[r,c]=1)
    num_neigh = mask.sum(axis=1, keepdims=True)
    mask = mask / num_neigh
    agg_feats = mask @ features  # dense [B, N] x [N, d] matmul, as in torch mask.mm(embed_matrix)
    diff_feats = self_feats - agg_feats
    cat_feats = jnp.concatenate((diff_feats, agg_feats), axis=1)
    return cat_feats

if __name__ == "__main__":
    import jax
    _d = setup_inputs()
    print(jax.jit(kernel)(*tuple(_d.values())))

</pallas_src>

<mosaic_0001>
#map = affine_map<(d0, d1) -> (0, 0)>
#map1 = affine_map<(d0, d1) -> (0)>
module attributes {stable_mosaic.version = 14 : i64} {
  func.func @_sc_body(%arg0: i32, %arg1: i32, %arg2: memref<10000x512xf32, #tpu.memory_space<hbm>>, %arg3: memref<65536xi32, #tpu.memory_space<hbm>>, %arg4: memref<2048x512xf32, #tpu.memory_space<hbm>>, %arg5: memref<2048x1024xf32, #tpu.memory_space<hbm>>, %arg6: memref<2048xi32, #tpu.memory_space<vmem>>, %arg7: memref<10000xi32, #tpu.memory_space<vmem>>, %arg8: memref<64x16xf32, #tpu.memory_space<vmem>>, %arg9: memref<64x16xf32, #tpu.memory_space<vmem>>, %arg10: memref<64x512xf32, #tpu.memory_space<vmem>>, %arg11: memref<64x512xf32, #tpu.memory_space<vmem>>, %arg12: memref<2x512xf32, #tpu.memory_space<vmem>>, %arg13: memref<2x512xf32, #tpu.memory_space<vmem>>, %arg14: memref<2x1024xf32, #tpu.memory_space<vmem>>, %arg15: memref<2x1024xf32, #tpu.memory_space<vmem>>, %arg16: memref<!tpu.dma_semaphore, #tpu.memory_space<semaphore_mem>>, %arg17: memref<!tpu.dma_semaphore, #tpu.memory_space<semaphore_mem>>, %arg18: memref<!tpu.dma_semaphore, #tpu.memory_space<semaphore_mem>>, %arg19: memref<!tpu.dma_semaphore, #tpu.memory_space<semaphore_mem>>, %arg20: memref<!tpu.dma_semaphore, #tpu.memory_space<semaphore_mem>>, %arg21: memref<!tpu.dma_semaphore, #tpu.memory_space<semaphore_mem>>) attributes {dimension_semantics = [#tpu.dimension_semantics<core_parallel>, #tpu.dimension_semantics<subcore_parallel>], iteration_bounds = array<i64: 2, 16>, scalar_prefetch = 0 : i64, scratch_operands = 16 : i64, tpu.core_type = #tpu.core_type<sc_vector_subcore>, window_params = [{transform_indices = #map}, {transform_indices = #map1}, {transform_indices = #map}, {transform_indices = #map}]} {
    %mul3A = arith.constant 2 : i32
    %mul3A_0 = arith.muli %arg1, %mul3A : i32
    %add3A = arith.addi %mul3A_0, %arg0 : i32
    %mul3A_1 = arith.constant 64 : i32
    %mul3A_2 = arith.muli %add3A, %mul3A_1 : i32
    %mul3A_3 = arith.constant 32 : i32
    %mul3A_4 = arith.muli %mul3A_2, %mul3A_3 : i32
    "tpu.region"() ({
      %run_scoped3A = tpu.sem_alloc : memref<!tpu.dma_semaphore, #tpu.memory_space<semaphore_mem>>
      %dma_start3A_43 = tpu.memref_slice %arg3[%mul3A_4] : memref<65536xi32, #tpu.memory_space<hbm>> -> memref<2048xi32, #tpu.memory_space<hbm>>
      %dma_start3A_44 = tpu.memref_slice %arg3[%mul3A_4] : memref<65536xi32, #tpu.memory_space<hbm>> -> memref<2048xi32, #tpu.memory_space<hbm>>
      tpu.enqueue_dma source(%dma_start3A_44 : memref<2048xi32, #tpu.memory_space<hbm>>) target(%arg6 : memref<2048xi32, #tpu.memory_space<vmem>>) target_semaphore(%run_scoped3A : memref<!tpu.dma_semaphore, #tpu.memory_space<semaphore_mem>>)
      %dma_wait3A_45 = tpu.memref_slice %arg3[%mul3A_4] : memref<65536xi32, #tpu.memory_space<hbm>> -> memref<2048xi32, #tpu.memory_space<hbm>>
      %dma_wait3A_46 = tpu.memref_slice %arg3[%mul3A_4] : memref<65536xi32, #tpu.memory_space<hbm>> -> memref<2048xi32, #tpu.memory_space<hbm>>
      tpu.wait_dma2 semaphore(%run_scoped3A : memref<!tpu.dma_semaphore, #tpu.memory_space<semaphore_mem>>) src(%dma_wait3A_46 : memref<2048xi32, #tpu.memory_space<hbm>>) dst(%arg6 : memref<2048xi32, #tpu.memory_space<vmem>>)
      tpu.yield
    }) : () -> ()
    %iota3A = tpu.iota {dimensions = array<i32: 0>} : vector<16xi32>
    %add3A_5 = arith.constant 16 : i32
    %add3A_6 = vector.broadcast %add3A_5 : i32 to vector<16xi32>
    %add3A_7 = arith.addi %iota3A, %add3A_6 : vector<16xi32>
    %broadcast_in_dim3A = arith.constant 0.000000e+00 : f32
    %broadcast_in_dim3A_8 = vector.broadcast %broadcast_in_dim3A : f32 to vector<16xf32>
    %broadcast_in_dim3A_9 = arith.constant 0 : i32
    %broadcast_in_dim3A_10 = vector.broadcast %broadcast_in_dim3A_9 : i32 to vector<16xi32>
    %scan3A = arith.constant 0 : i32
    %scan3A_11 = arith.constant 0 : i32
    %scan3A_12 = arith.constant 64 : i32
    %scan3A_13 = arith.addi %scan3A_11, %scan3A_12 : i32
    %scan3A_14 = arith.constant 1 : i32
    scf.for %scan3A_43 = %scan3A_11 to %scan3A_13 step %scan3A_14  : i32 {
      %mul3A_44 = arith.constant 32 : i32
      %mul3A_45 = arith.muli %scan3A_43, %mul3A_44 : i32
      %get3A = arith.index_cast %mul3A_45 : i32 to index
      %get3A_46 = tpu.vector_load %arg6[%get3A] {strides = array<i32>} : memref<2048xi32, #tpu.memory_space<vmem>>, vector<16xi32>,
      %add3A_47 = arith.constant 16 : i32
      %add3A_48 = arith.addi %mul3A_45, %add3A_47 : i32
      %get3A_49 = arith.index_cast %add3A_48 : i32 to index
      %get3A_50 = tpu.vector_load %arg6[%get3A_49] {strides = array<i32>} : memref<2048xi32, #tpu.memory_space<vmem>>, vector<16xi32>,
      tpu.vector_store_idx %arg7[%get3A_46], %iota3A : memref<10000xi32, #tpu.memory_space<vmem>>[vector<16xi32>], vector<16xi32>,
      tpu.vector_store_idx %arg7[%get3A_50], %add3A_7 : memref<10000xi32, #tpu.memory_space<vmem>>[vector<16xi32>], vector<16xi32>,
      %gather3A = tpu.vector_load_idx %arg7[%get3A_46] : memref<10000xi32, #tpu.memory_space<vmem>>[vector<16xi32>], vector<16xi32>,
      %gather3A_51 = tpu.vector_load_idx %arg7[%get3A_50] : memref<10000xi32, #tpu.memory_space<vmem>>[vector<16xi32>], vector<16xi32>,
      %eq3A = arith.cmpi eq, %gather3A, %iota3A : vector<16xi32>
      %eq3A_52 = arith.cmpi eq, %gather3A_51, %add3A_7 : vector<16xi32>
      %add3A_53 = vector.broadcast %mul3A_45 : i32 to vector<16xi32>
      %add3A_54 = arith.addi %broadcast_in_dim3A_10, %add3A_53 : vector<16xi32>
      %gather3A_55 = tpu.vector_load_idx %arg6[%add3A_54] : memref<2048xi32, #tpu.memory_space<vmem>>[vector<16xi32>], vector<16xi32>,
      %select_n3A = arith.select %eq3A, %get3A_46, %gather3A_55 : vector<16xi1>, vector<16xi32>
      %swap3A = arith.index_cast %mul3A_45 : i32 to index
      %swap3A_56 = tpu.vector_load %arg6[%swap3A] {strides = array<i32>} : memref<2048xi32, #tpu.memory_space<vmem>>, vector<16xi32>,
      tpu.vector_store %arg6[%swap3A], %select_n3A {strides = array<i32>} : memref<2048xi32, #tpu.memory_space<vmem>>, vector<16xi32>,
      %select_n3A_57 = arith.select %eq3A_52, %get3A_50, %gather3A_55 : vector<16xi1>, vector<16xi32>
      %add3A_58 = arith.constant 16 : i32
      %add3A_59 = arith.addi %mul3A_45, %add3A_58 : i32
      %swap3A_60 = arith.index_cast %add3A_59 : i32 to index
      %swap3A_61 = tpu.vector_load %arg6[%swap3A_60] {strides = array<i32>} : memref<2048xi32, #tpu.memory_space<vmem>>, vector<16xi32>,
      tpu.vector_store %arg6[%swap3A_60], %select_n3A_57 {strides = array<i32>} : memref<2048xi32, #tpu.memory_space<vmem>>, vector<16xi32>,
      %jit3A = arith.constant 1.000000e+00 : f32
      %jit3A_62 = arith.constant 0.000000e+00 : f32
      %broadcast_in_dim3A_63 = vector.broadcast %jit3A : f32 to vector<16xf32>
      %broadcast_in_dim3A_64 = vector.broadcast %jit3A_62 : f32 to vector<16xf32>
      %select_n3A_65 = arith.select %eq3A, %broadcast_in_dim3A_63, %broadcast_in_dim3A_64 : vector<16xi1>, vector<16xf32>
      %jit3A_66 = arith.constant 1.000000e+00 : f32
      %jit3A_67 = arith.constant 0.000000e+00 : f32
      %broadcast_in_dim3A_68 = vector.broadcast %jit3A_66 : f32 to vector<16xf32>
      %broadcast_in_dim3A_69 = vector.broadcast %jit3A_67 : f32 to vector<16xf32>
      %select_n3A_70 = arith.select %eq3A_52, %broadcast_in_dim3A_68, %broadcast_in_dim3A_69 : vector<16xi1>, vector<16xf32>
      %reduce_sum3A = arith.constant true
      %reduce_sum3A_71 = vector.broadcast %reduce_sum3A : i1 to vector<16xi1>
      %reduce_sum3A_72 = tpu.scan <sum>, %select_n3A_65 masked %reduce_sum3A_71 : vector<16xf32>, vector<16xi1> -> vector<16xf32>
      %reduce_sum3A_73 = vector.extract %reduce_sum3A_72[15] : f32 from vector<16xf32>
      %reduce_sum3A_74 = arith.constant true
      %reduce_sum3A_75 = vector.broadcast %reduce_sum3A_74 : i1 to vector<16xi1>
      %reduce_sum3A_76 = tpu.scan <sum>, %select_n3A_70 masked %reduce_sum3A_75 : vector<16xf32>, vector<16xi1> -> vector<16xf32>
      %reduce_sum3A_77 = vector.extract %reduce_sum3A_76[15] : f32 from vector<16xf32>
      %add3A_78 = arith.addf %reduce_sum3A_73, %reduce_sum3A_77 : f32
      %sub3A = arith.constant 3.200000e+01 : f32
      %sub3A_79 = arith.subf %sub3A, %add3A_78 : f32
      %add3A_80 = vector.broadcast %sub3A_79 : f32 to vector<16xf32>
      %add3A_81 = arith.addf %add3A_80, %broadcast_in_dim3A_8 : vector<16xf32>
      %swap3A_82 = arith.index_cast %scan3A_43 : i32 to index
      %swap3A_83 = arith.constant 0 : index
      %swap3A_84 = tpu.vector_load %arg8[%swap3A_82, %swap3A_83] {strides = array<i32>} : memref<64x16xf32, #tpu.memory_space<vmem>>, vector<16xf32>,
      tpu.vector_store %arg8[%swap3A_82, %swap3A_83], %add3A_81 {strides = array<i32>} : memref<64x16xf32, #tpu.memory_space<vmem>>, vector<16xf32>,
      %add3A_85 = arith.constant 1.000000e+00 : f32
      %add3A_86 = vector.broadcast %add3A_85 : f32 to vector<16xf32>
      %add3A_87 = arith.addf %add3A_86, %broadcast_in_dim3A_8 : vector<16xf32>
      %add3A_88 = vector.broadcast %add3A_78 : f32 to vector<16xf32>
      %add3A_89 = arith.addf %add3A_88, %broadcast_in_dim3A_8 : vector<16xf32>
      %div3A = arith.divf %add3A_87, %add3A_89 : vector<16xf32>
      %swap3A_90 = arith.index_cast %scan3A_43 : i32 to index
      %swap3A_91 = arith.constant 0 : index
      %swap3A_92 = tpu.vector_load %arg9[%swap3A_90, %swap3A_91] {strides = array<i32>} : memref<64x16xf32, #tpu.memory_space<vmem>>, vector<16xf32>,
      tpu.vector_store %arg9[%swap3A_90, %swap3A_91], %div3A {strides = array<i32>} : memref<64x16xf32, #tpu.memory_space<vmem>>, vector<16xf32>,
    }
    %scan3A_15 = arith.constant 64 : i32
    %dma_start3A = arith.constant 0 : i32
    %dma_start3A_16 = tpu.memref_slice %arg6[%dma_start3A] : memref<2048xi32, #tpu.memory_space<vmem>> -> memref<64xi32, #tpu.memory_space<vmem>>
    %dma_start3A_17 = arith.constant 0 : i32
    %dma_start3A_18 = arith.constant 0 : i32
    %dma_start3A_19 = tpu.memref_slice %arg2[%dma_start3A_17, %dma_start3A_18] : memref<10000x512xf32, #tpu.memory_space<hbm>> -> memref<10000x512xf32, #tpu.memory_space<hbm>>
    tpu.enqueue_indirect_dma source(%dma_start3A_19 : memref<10000x512xf32, #tpu.memory_space<hbm>>) target(%arg10 : memref<64x512xf32, #tpu.memory_space<vmem>>) offsets(%dma_start3A_16 : memref<64xi32, #tpu.memory_space<vmem>>) semaphore(%arg16 : memref<!tpu.dma_semaphore, #tpu.memory_space<semaphore_mem>>)
    %add3A_20 = arith.constant 0 : i32
    %add3A_21 = arith.addi %mul3A_2, %add3A_20 : i32
    %dma_start3A_22 = arith.constant 0 : i32
    %dma_start3A_23 = tpu.memref_slice %arg4[%add3A_21, %dma_start3A_22] : memref<2048x512xf32, #tpu.memory_space<hbm>> -> memref<2x512xf32, #tpu.memory_space<hbm>>
    %dma_start3A_24 = arith.constant 0 : i32
    %dma_start3A_25 = tpu.memref_slice %arg4[%add3A_21, %dma_start3A_24] : memref<2048x512xf32, #tpu.memory_space<hbm>> -> memref<2x512xf32, #tpu.memory_space<hbm>>
    tpu.enqueue_dma source(%dma_start3A_25 : memref<2x512xf32, #tpu.memory_space<hbm>>) target(%arg12 : memref<2x512xf32, #tpu.memory_space<vmem>>) target_semaphore(%arg18 : memref<!tpu.dma_semaphore, #tpu.memory_space<semaphore_mem>>)
    %scan3A_26 = arith.constant 0 : i32
    %scan3A_27 = arith.constant 0 : i32
    %scan3A_28 = arith.constant 16 : i32
    %scan3A_29 = arith.addi %scan3A_27, %scan3A_28 : i32
    %scan3A_30 = arith.constant 1 : i32
    scf.for %scan3A_43 = %scan3A_27 to %scan3A_29 step %scan3A_30  : i32 {
      %mul3A_44 = arith.constant 2 : i32
      %mul3A_45 = arith.muli %scan3A_43, %mul3A_44 : i32
      %add3A_46 = arith.constant 1 : i32
      %add3A_47 = arith.addi %mul3A_45, %add3A_46 : i32
      %mul3A_48 = arith.constant 2 : i32
      %mul3A_49 = arith.muli %add3A_47, %mul3A_48 : i32
      %mul3A_50 = arith.constant 32 : i32
      %mul3A_51 = arith.muli %mul3A_49, %mul3A_50 : i32
      %dma_start3A_52 = tpu.memref_slice %arg6[%mul3A_51] : memref<2048xi32, #tpu.memory_space<vmem>> -> memref<64xi32, #tpu.memory_space<vmem>>
      %dma_start3A_53 = arith.constant 0 : i32
      %dma_start3A_54 = arith.constant 0 : i32
      %dma_start3A_55 = tpu.memref_slice %arg2[%dma_start3A_53, %dma_start3A_54] : memref<10000x512xf32, #tpu.memory_space<hbm>> -> memref<10000x512xf32, #tpu.memory_space<hbm>>
      tpu.enqueue_indirect_dma source(%dma_start3A_55 : memref<10000x512xf32, #tpu.memory_space<hbm>>) target(%arg11 : memref<64x512xf32, #tpu.memory_space<vmem>>) offsets(%dma_start3A_52 : memref<64xi32, #tpu.memory_space<vmem>>) semaphore(%arg17 : memref<!tpu.dma_semaphore, #tpu.memory_space<semaphore_mem>>)
      %mul3A_56 = arith.constant 2 : i32
      %mul3A_57 = arith.muli %add3A_47, %mul3A_56 : i32
      %add3A_58 = arith.addi %mul3A_2, %mul3A_57 : i32
      %dma_start3A_59 = arith.constant 0 : i32
      %dma_start3A_60 = tpu.memref_slice %arg4[%add3A_58, %dma_start3A_59] : memref<2048x512xf32, #tpu.memory_space<hbm>> -> memref<2x512xf32, #tpu.memory_space<hbm>>
      %dma_start3A_61 = arith.constant 0 : i32
      %dma_start3A_62 = tpu.memref_slice %arg4[%add3A_58, %dma_start3A_61] : memref<2048x512xf32, #tpu.memory_space<hbm>> -> memref<2x512xf32, #tpu.memory_space<hbm>>
      tpu.enqueue_dma source(%dma_start3A_62 : memref<2x512xf32, #tpu.memory_space<hbm>>) target(%arg13 : memref<2x512xf32, #tpu.memory_space<vmem>>) target_semaphore(%arg19 : memref<!tpu.dma_semaphore, #tpu.memory_space<semaphore_mem>>)
      %mul3A_63 = arith.constant 2 : i32
      %mul3A_64 = arith.muli %mul3A_45, %mul3A_63 : i32
      %mul3A_65 = arith.constant 32 : i32
      %mul3A_66 = arith.muli %mul3A_64, %mul3A_65 : i32
      %dma_wait3A_67 = tpu.memref_slice %arg6[%mul3A_66] : memref<2048xi32, #tpu.memory_space<vmem>> -> memref<64xi32, #tpu.memory_space<vmem>>
      %dma_wait3A_68 = arith.constant 0 : i32
      %dma_wait3A_69 = arith.constant 0 : i32
      %dma_wait3A_70 = tpu.memref_slice %arg2[%dma_wait3A_68, %dma_wait3A_69] : memref<10000x512xf32, #tpu.memory_space<hbm>> -> memref<10000x512xf32, #tpu.memory_space<hbm>>
      tpu.wait_indirect_dma semaphore(%arg16 : memref<!tpu.dma_semaphore, #tpu.memory_space<semaphore_mem>>) src(%dma_wait3A_70 : memref<10000x512xf32, #tpu.memory_space<hbm>>) dst(%arg10 : memref<64x512xf32, #tpu.memory_space<vmem>>)
      %mul3A_71 = arith.constant 2 : i32
      %mul3A_72 = arith.muli %mul3A_45, %mul3A_71 : i32
      %add3A_73 = arith.addi %mul3A_2, %mul3A_72 : i32
      %dma_wait3A_74 = arith.constant 0 : i32
      %dma_wait3A_75 = tpu.memref_slice %arg4[%add3A_73, %dma_wait3A_74] : memref<2048x512xf32, #tpu.memory_space<hbm>> -> memref<2x512xf32, #tpu.memory_space<hbm>>
      %dma_wait3A_76 = arith.constant 0 : i32
      %dma_wait3A_77 = tpu.memref_slice %arg4[%add3A_73, %dma_wait3A_76] : memref<2048x512xf32, #tpu.memory_space<hbm>> -> memref<2x512xf32, #tpu.memory_space<hbm>>
      tpu.wait_dma2 semaphore(%arg18 : memref<!tpu.dma_semaphore, #tpu.memory_space<semaphore_mem>>) src(%dma_wait3A_77 : memref<2x512xf32, #tpu.memory_space<hbm>>) dst(%arg12 : memref<2x512xf32, #tpu.memory_space<vmem>>)
      %gt3A = arith.constant 0 : i32
      %gt3A_78 = arith.cmpi sgt, %scan3A_43, %gt3A : i32
      %convert_element_type3A = arith.extui %gt3A_78 : i1 to i32
      %cond3A = arith.constant 0 : i32
      %cond3A_79 = arith.cmpi ne, %convert_element_type3A, %cond3A : i32
      scf.if %cond3A_79 {
        %sub3A_2995 = arith.constant 2 : i32
        %sub3A_2996 = arith.subi %mul3A_45, %sub3A_2995 : i32
        %mul3A_2997 = arith.constant 2 : i32
        %mul3A_2998 = arith.muli %sub3A_2996, %mul3A_2997 : i32
        %add3A_2999 = arith.addi %mul3A_2, %mul3A_2998 : i32
        %dma_wait3A_3000 = arith.constant 0 : i32
        %dma_wait3A_3001 = tpu.memref_slice %arg5[%add3A_2999, %dma_wait3A_3000] : memref<2048x1024xf32, #tpu.memory_space<hbm>> -> memref<2x1024xf32, #tpu.memory_space<hbm>>
        %dma_wait3A_3002 = arith.constant 0 : i32
        %dma_wait3A_3003 = tpu.memref_slice %arg5[%add3A_2999, %dma_wait3A_3002] : memref<2048x1024xf32, #tpu.memory_space<hbm>> -> memref<2x1024xf32, #tpu.memory_space<hbm>>
        tpu.wait_dma2 semaphore(%arg20 : memref<!tpu.dma_semaphore, #tpu.memory_space<semaphore_mem>>) src(%arg14 : memref<2x1024xf32, #tpu.memory_space<vmem>>) dst(%dma_wait3A_3003 : memref<2x1024xf32, #tpu.memory_space<hbm>>)
      } else {
      }
      %broadcast_in_dim3A_80 = arith.constant 0.000000e+00 : f32
      %broadcast_in_dim3A_81 = vector.broadcast %broadcast_in_dim3A_80 : f32 to vector<16xf32>
      %broadcast_in_dim3A_82 = arith.constant 0.000000e+00 : f32
      %broadcast_in_dim3A_83 = vector.broadcast %broadcast_in_dim3A_82 : f32 to vector<16xf32>
      %broadcast_in_dim3A_84 = arith.constant 0.000000e+00 : f32
      %broadcast_in_dim3A_85 = vector.broadcast %broadcast_in_dim3A_84 : f32 to vector<16xf32>
      %broadcast_in_dim3A_86 = arith.constant 0.000000e+00 : f32
      %broadcast_in_dim3A_87 = vector.broadcast %broadcast_in_dim3A_86 : f32 to vector<16xf32>
      %broadcast_in_dim3A_88 = arith.constant 0.000000e+00 : f32
      %broadcast_in_dim3A_89 = vector.broadcast %broadcast_in_dim3A_88 : f32 to vector<16xf32>
      %broadcast_in_dim3A_90 = arith.constant 0.000000e+00 : f32
      %broadcast_in_dim3A_91 = vector.broadcast %broadcast_in_dim3A_90 : f32 to vector<16xf32>
      %broadcast_in_dim3A_92 = arith.constant 0.000000e+00 : f32
      %broadcast_in_dim3A_93 = vector.broadcast %broadcast_in_dim3A_92 : f32 to vector<16xf32>
      %broadcast_in_dim3A_94 = arith.constant 0.000000e+00 : f32
      %broadcast_in_dim3A_95 = vector.broadcast %broadcast_in_dim3A_94 : f32 to vector<16xf32>
      %broadcast_in_dim3A_96 = arith.constant 0.000000e+00 : f32
      %broadcast_in_dim3A_97 = vector.broadcast %broadcast_in_dim3A_96 : f32 to vector<16xf32>
      %broadcast_in_dim3A_98 = arith.constant 0.000000e+00 : f32
      %broadcast_in_dim3A_99 = vector.broadcast %broadcast_in_dim3A_98 : f32 to vector<16xf32>
      %broadcast_in_dim3A_100 = arith.constant 0.000000e+00 : f32
      %broadcast_in_dim3A_101 = vector.broadcast %broadcast_in_dim3A_100 : f32 to vector<16xf32>
      %broadcast_in_dim3A_102 = arith.constant 0.000000e+00 : f32
      %broadcast_in_dim3A_103 = vector.broadcast %broadcast_in_dim3A_102 : f32 to vector<16xf32>
      %broadcast_in_dim3A_104 = arith.constant 0.000000e+00 : f32
      %broadcast_in_dim3A_105 = vector.broadcast %broadcast_in_dim3A_104 : f32 to vector<16xf32>
      %broadcast_in_dim3A_106 = arith.constant 0.000000e+00 : f32
      %broadcast_in_dim3A_107 = vector.broadcast %broadcast_in_dim3A_106 : f32 to vector<16xf32>
      %broadcast_in_dim3A_108 = arith.constant 0.000000e+00 : f32
      %broadcast_in_dim3A_109 = vector.broadcast %broadcast_in_dim3A_108 : f32 to vector<16xf32>
      %broadcast_in_dim3A_110 = arith.constant 0.000000e+00 : f32
      %broadcast_in_dim3A_111 = vector.broadcast %broadcast_in_dim3A_110 : f32 to vector<16xf32>
      %broadcast_in_dim3A_112 = arith.constant 0.000000e+00 : f32
      %broadcast_in_dim3A_113 = vector.broadcast %broadcast_in_dim3A_112 : f32 to vector<16xf32>
      %broadcast_in_dim3A_114 = arith.constant 0.000000e+00 : f32
      %broadcast_in_dim3A_115 = vector.broadcast %broadcast_in_dim3A_114 : f32 to vector<16xf32>
      %broadcast_in_dim3A_116 = arith.constant 0.000000e+00 : f32
      %broadcast_in_dim3A_117 = vector.broadcast %broadcast_in_dim3A_116 : f32 to vector<16xf32>
      %broadcast_in_dim3A_118 = arith.constant 0.000000e+00 : f32
      %broadcast_in_dim3A_119 = vector.broadcast %broadcast_in_dim3A_118 : f32 to vector<16xf32>
      %broadcast_in_dim3A_120 = arith.constant 0.000000e+00 : f32
      %broadcast_in_dim3A_121 = vector.broadcast %broadcast_in_dim3A_120 : f32 to vector<16xf32>
      %broadcast_in_dim3A_122 = arith.constant 0.000000e+00 : f32
      %broadcast_in_dim3A_123 = vector.broadcast %broadcast_in_dim3A_122 : f32 to vector<16xf32>
      %broadcast_in_dim3A_124 = arith.constant 0.000000e+00 : f32
      %broadcast_in_dim3A_125 = vector.broadcast %broadcast_in_dim3A_124 : f32 to vector<16xf32>
      %broadcast_in_dim3A_126 = arith.constant 0.000000e+00 : f32
      %broadcast_in_dim3A_127 = vector.broadcast %broadcast_in_dim3A_126 : f32 to vector<16xf32>
      %broadcast_in_dim3A_128 = arith.constant 0.000000e+00 : f32
      %broadcast_in_dim3A_129 = vector.broadcast %broadcast_in_dim3A_128 : f32 to vector<16xf32>
      %broadcast_in_dim3A_130 = arith.constant 0.000000e+00 : f32
      %broadcast_in_dim3A_131 = vector.broadcast %broadcast_in_dim3A_130 : f32 to vector<16xf32>
      %broadcast_in_dim3A_132 = arith.constant 0.000000e+00 : f32
      %broadcast_in_dim3A_133 = vector.broadcast %broadcast_in_dim3A_132 : f32 to vector<16xf32>
      %broadcast_in_dim3A_134 = arith.constant 0.000000e+00 : f32
      %broadcast_in_dim3A_135 = vector.broadcast %broadcast_in_dim3A_134 : f32 to vector<16xf32>
      %broadcast_in_dim3A_136 = arith.constant 0.000000e+00 : f32
      %broadcast_in_dim3A_137 = vector.broadcast %broadcast_in_dim3A_136 : f32 to vector<16xf32>
      %broadcast_in_dim3A_138 = arith.constant 0.000000e+00 : f32
      %broadcast_in_dim3A_139 = vector.broadcast %broadcast_in_dim3A_138 : f32 to vector<16xf32>
      %broadcast_in_dim3A_140 = arith.constant 0.000000e+00 : f32
      %broadcast_in_dim3A_141 = vector.broadcast %broadcast_in_dim3A_140 : f32 to vector<16xf32>
      %broadcast_in_dim3A_142 = arith.constant 0.000000e+00 : f32
      %broadcast_in_dim3A_143 = vector.broadcast %broadcast_in_dim3A_142 : f32 to vector<16xf32>
      %scan3A_144 = arith.constant 0 : i32
      %scan3A_145 = arith.constant 32 : i32
      %scan3A_146 = arith.addi %scan3A_144, %scan3A_145 : i32
      %scan3A_147 = arith.constant 1 : i32
      %scan3A_148:32 = scf.for %scan3A_2995 = %scan3A_144 to %scan3A_146 step %scan3A_147 iter_args(%scan3A_2996 = %broadcast_in_dim3A_81, %scan3A_2997 = %broadcast_in_dim3A_83, %scan3A_2998 = %broadcast_in_dim3A_85, %scan3A_2999 = %broadcast_in_dim3A_87, %scan3A_3000 = %broadcast_in_dim3A_89, %scan3A_3001 = %broadcast_in_dim3A_91, %scan3A_3002 = %broadcast_in_dim3A_93, %scan3A_3003 = %broadcast_in_dim3A_95, %scan3A_3004 = %broadcast_in_dim3A_97, %scan3A_3005 = %broadcast_in_dim3A_99, %scan3A_3006 = %broadcast_in_dim3A_101, %scan3A_3007 = %broadcast_in_dim3A_103, %scan3A_3008 = %broadcast_in_dim3A_105, %scan3A_3009 = %broadcast_in_dim3A_107, %scan3A_3010 = %broadcast_in_dim3A_109, %scan3A_3011 = %broadcast_in_dim3A_111, %scan3A_3012 = %broadcast_in_dim3A_113, %scan3A_3013 = %broadcast_in_dim3A_115, %scan3A_3014 = %broadcast_in_dim3A_117, %scan3A_3015 = %broadcast_in_dim3A_119, %scan3A_3016 = %broadcast_in_dim3A_121, %scan3A_3017 = %broadcast_in_dim3A_123, %scan3A_3018 = %broadcast_in_dim3A_125, %scan3A_3019 = %broadcast_in_dim3A_127, %scan3A_3020 = %broadcast_in_dim3A_129, %scan3A_3021 = %broadcast_in_dim3A_131, %scan3A_3022 = %broadcast_in_dim3A_133, %scan3A_3023 = %broadcast_in_dim3A_135, %scan3A_3024 = %broadcast_in_dim3A_137, %scan3A_3025 = %broadcast_in_dim3A_139, %scan3A_3026 = %broadcast_in_dim3A_141, %scan3A_3027 = %broadcast_in_dim3A_143) -> (vector<16xf32>, vector<16xf32>, vector<16xf32>, vector<16xf32>, vector<16xf32>, vector<16xf32>, vector<16xf32>, vector<16xf32>, vector<16xf32>, vector<16xf32>, vector<16xf32>, vector<16xf32>, vector<16xf32>, vector<16xf32>, vector<16xf32>, vector<16xf32>, vector<16xf32>, vector<16xf32>, vector<16xf32>, vector<16xf32>, vector<16xf32>, vector<16xf32>, vector<16xf32>, vector<16xf32>, vector<16xf32>, vector<16xf32>, vector<16xf32>, vector<16xf32>, vector<16xf32>, vector<16xf32>, vector<16xf32>, vector<16xf32>)  : i32 {
        %mul3A_3028 = arith.constant 1 : i32
        %mul3A_3029 = arith.muli %scan3A_2995, %mul3A_3028 : i32
        %add3A_3030 = arith.constant 0 : i32
        %add3A_3031 = arith.addi %add3A_3030, %mul3A_3029 : i32
        %add3A_3032 = arith.constant 0 : i32
        %add3A_3033 = arith.addi %add3A_3031, %add3A_3032 : i32
        %get3A_3034 = arith.index_cast %add3A_3033 : i32 to index
        %get3A_3035 = arith.constant 0 : index
        %get3A_3036 = tpu.vector_load %arg10[%get3A_3034, %get3A_3035] {strides = array<i32>} : memref<64x512xf32, #tpu.memory_space<vmem>>, vector<16xf32>,
        %add3A_3037 = arith.addf %scan3A_2996, %get3A_3036 : vector<16xf32>
        %get3A_3038 = arith.index_cast %add3A_3033 : i32 to index
        %get3A_3039 = arith.constant 16 : index
        %get3A_3040 = tpu.vector_load %arg10[%get3A_3038, %get3A_3039] {strides = array<i32>} : memref<64x512xf32, #tpu.memory_space<vmem>>, vector<16xf32>,
        %add3A_3041 = arith.addf %scan3A_2997, %get3A_3040 : vector<16xf32>
        %get3A_3042 = arith.index_cast %add3A_3033 : i32 to index
        %get3A_3043 = arith.constant 32 : index
        %get3A_3044 = tpu.vector_load %arg10[%get3A_3042, %get3A_3043] {strides = array<i32>} : memref<64x512xf32, #tpu.memory_space<vmem>>, vector<16xf32>,
        %add3A_3045 = arith.addf %scan3A_2998, %get3A_3044 : vector<16xf32>
        %get3A_3046 = arith.index_cast %add3A_3033 : i32 to index
        %get3A_3047 = arith.constant 48 : index
        %get3A_3048 = tpu.vector_load %arg10[%get3A_3046, %get3A_3047] {strides = array<i32>} : memref<64x512xf32, #tpu.memory_space<vmem>>, vector<16xf32>,
        %add3A_3049 = arith.addf %scan3A_2999, %get3A_3048 : vector<16xf32>
        %get3A_3050 = arith.index_cast %add3A_3033 : i32 to index
        %get3A_3051 = arith.constant 64 : index
        %get3A_3052 = tpu.vector_load %arg10[%get3A_3050, %get3A_3051] {strides = array<i32>} : memref<64x512xf32, #tpu.memory_space<vmem>>, vector<16xf32>,
        %add3A_3053 = arith.addf %scan3A_3000, %get3A_3052 : vector<16xf32>
        %get3A_3054 = arith.index_cast %add3A_3033 : i32 to index
        %get3A_3055 = arith.constant 80 : index
        %get3A_3056 = tpu.vector_load %arg10[%get3A_3054, %get3A_3055] {strides = array<i32>} : memref<64x512xf32, #tpu.memory_space<vmem>>, vector<16xf32>,
        %add3A_3057 = arith.addf %scan3A_3001, %get3A_3056 : vector<16xf32>
        %get3A_3058 = arith.index_cast %add3A_3033 : i32 to index
        %get3A_3059 = arith.constant 96 : index
        %get3A_3060 = tpu.vector_load %arg10[%get3A_3058, %get3A_3059] {strides = array<i32>} : memref<64x512xf32, #tpu.memory_space<vmem>>, vector<16xf32>,
        %add3A_3061 = arith.addf %scan3A_3002, %get3A_3060 : vector<16xf32>
        %get3A_3062 = arith.index_cast %add3A_3033 : i32 to index
        %get3A_3063 = arith.constant 112 : index
        %get3A_3064 = tpu.vector_load %arg10[%get3A_3062, %get3A_3063] {strides = array<i32>} : memref<64x512xf32, #tpu.memory_space<vmem>>, vector<16xf32>,
        %add3A_3065 = arith.addf %scan3A_3003, %get3A_3064 : vector<16xf32>
        %get3A_3066 = arith.index_cast %add3A_3033 : i32 to index
        %get3A_3067 = arith.constant 128 : index
        %get3A_3068 = tpu.vector_load %arg10[%get3A_3066, %get3A_3067] {strides = array<i32>} : memref<64x512xf32, #tpu.memory_space<vmem>>, vector<16xf32>,
        %add3A_3069 = arith.addf %scan3A_3004, %get3A_3068 : vector<16xf32>
        %get3A_3070 = arith.index_cast %add3A_3033 : i32 to index
        %get3A_3071 = arith.constant 144 : index
        %get3A_3072 = tpu.vector_load %arg10[%get3A_3070, %get3A_3071] {strides = array<i32>} : memref<64x512xf32, #tpu.memory_space<vmem>>, vector<16xf32>,
        %add3A_3073 = arith.addf %scan3A_3005, %get3A_3072 : vector<16xf32>
        %get3A_3074 = arith.index_cast %add3A_3033 : i32 to index
        %get3A_3075 = arith.constant 160 : index
        %get3A_3076 = tpu.vector_load %arg10[%get3A_3074, %get3A_3075] {strides = array<i32>} : memref<64x512xf32, #tpu.memory_space<vmem>>, vector<16xf32>,
        %add3A_3077 = arith.addf %scan3A_3006, %get3A_3076 : vector<16xf32>
        %get3A_3078 = arith.index_cast %add3A_3033 : i32 to index
        %get3A_3079 = arith.constant 176 : index
        %get3A_3080 = tpu.vector_load %arg10[%get3A_3078, %get3A_3079] {strides = array<i32>} : memref<64x512xf32, #tpu.memory_space<vmem>>, vector<16xf32>,
        %add3A_3081 = arith.addf %scan3A_3007, %get3A_3080 : vector<16xf32>
        %get3A_3082 = arith.index_cast %add3A_3033 : i32 to index
        %get3A_3083 = arith.constant 192 : index
        %get3A_3084 = tpu.vector_load %arg10[%get3A_3082, %get3A_3083] {strides = array<i32>} : memref<64x512xf32, #tpu.memory_space<vmem>>, vector<16xf32>,
        %add3A_3085 = arith.addf %scan3A_3008, %get3A_3084 : vector<16xf32>
        %get3A_3086 = arith.index_cast %add3A_3033 : i32 to index
        %get3A_3087 = arith.constant 208 : index
        %get3A_3088 = tpu.vector_load %arg10[%get3A_3086, %get3A_3087] {strides = array<i32>} : memref<64x512xf32, #tpu.memory_space<vmem>>, vector<16xf32>,
        %add3A_3089 = arith.addf %scan3A_3009, %get3A_3088 : vector<16xf32>
        %get3A_3090 = arith.index_cast %add3A_3033 : i32 to index
        %get3A_3091 = arith.constant 224 : index
        %get3A_3092 = tpu.vector_load %arg10[%get3A_3090, %get3A_3091] {strides = array<i32>} : memref<64x512xf32, #tpu.memory_space<vmem>>, vector<16xf32>,
        %add3A_3093 = arith.addf %scan3A_3010, %get3A_3092 : vector<16xf32>
        %get3A_3094 = arith.index_cast %add3A_3033 : i32 to index
        %get3A_3095 = arith.constant 240 : index
        %get3A_3096 = tpu.vector_load %arg10[%get3A_3094, %get3A_3095] {strides = array<i32>} : memref<64x512xf32, #tpu.memory_space<vmem>>, vector<16xf32>,
        %add3A_3097 = arith.addf %scan3A_3011, %get3A_3096 : vector<16xf32>
        %get3A_3098 = arith.index_cast %add3A_3033 : i32 to index
        %get3A_3099 = arith.constant 256 : index
        %get3A_3100 = tpu.vector_load %arg10[%get3A_3098, %get3A_3099] {strides = array<i32>} : memref<64x512xf32, #tpu.memory_space<vmem>>, vector<16xf32>,
        %add3A_3101 = arith.addf %scan3A_3012, %get3A_3100 : vector<16xf32>
        %get3A_3102 = arith.index_cast %add3A_3033 : i32 to index
        %get3A_3103 = arith.constant 272 : index
        %get3A_3104 = tpu.vector_load %arg10[%get3A_3102, %get3A_3103] {strides = array<i32>} : memref<64x512xf32, #tpu.memory_space<vmem>>, vector<16xf32>,
        %add3A_3105 = arith.addf %scan3A_3013, %get3A_3104 : vector<16xf32>
        %get3A_3106 = arith.index_cast %add3A_3033 : i32 to index
        %get3A_3107 = arith.constant 288 : index
        %get3A_3108 = tpu.vector_load %arg10[%get3A_3106, %get3A_3107] {strides = array<i32>} : memref<64x512xf32, #tpu.memory_space<vmem>>, vector<16xf32>,
        %add3A_3109 = arith.addf %scan3A_3014, %get3A_3108 : vector<16xf32>
        %get3A_3110 = arith.index_cast %add3A_3033 : i32 to index
        %get3A_3111 = arith.constant 304 : index
        %get3A_3112 = tpu.vector_load %arg10[%get3A_3110, %get3A_3111] {strides = array<i32>} : memref<64x512xf32, #tpu.memory_space<vmem>>, vector<16xf32>,
        %add3A_3113 = arith.addf %scan3A_3015, %get3A_3112 : vector<16xf32>
        %get3A_3114 = arith.index_cast %add3A_3033 : i32 to index
        %get3A_3115 = arith.constant 320 : index
        %get3A_3116 = tpu.vector_load %arg10[%get3A_3114, %get3A_3115] {strides = array<i32>} : memref<64x512xf32, #tpu.memory_space<vmem>>, vector<16xf32>,
        %add3A_3117 = arith.addf %scan3A_3016, %get3A_3116 : vector<16xf32>
        %get3A_3118 = arith.index_cast %add3A_3033 : i32 to index
        %get3A_3119 = arith.constant 336 : index
        %get3A_3120 = tpu.vector_load %arg10[%get3A_3118, %get3A_3119] {strides = array<i32>} : memref<64x512xf32, #tpu.memory_space<vmem>>, vector<16xf32>,
        %add3A_3121 = arith.addf %scan3A_3017, %get3A_3120 : vector<16xf32>
        %get3A_3122 = arith.index_cast %add3A_3033 : i32 to index
        %get3A_3123 = arith.constant 352 : index
        %get3A_3124 = tpu.vector_load %arg10[%get3A_3122, %get3A_3123] {strides = array<i32>} : memref<64x512xf32, #tpu.memory_space<vmem>>, vector<16xf32>,
        %add3A_3125 = arith.addf %scan3A_3018, %get3A_3124 : vector<16xf32>
        %get3A_3126 = arith.index_cast %add3A_3033 : i32 to index
        %get3A_3127 = arith.constant 368 : index
        %get3A_3128 = tpu.vector_load %arg10[%get3A_3126, %get3A_3127] {strides = array<i32>} : memref<64x512xf32, #tpu.memory_space<vmem>>, vector<16xf32>,
        %add3A_3129 = arith.addf %scan3A_3019, %get3A_3128 : vector<16xf32>
        %get3A_3130 = arith.index_cast %add3A_3033 : i32 to index
        %get3A_3131 = arith.constant 384 : index
        %get3A_3132 = tpu.vector_load %arg10[%get3A_3130, %get3A_3131] {strides = array<i32>} : memref<64x512xf32, #tpu.memory_space<vmem>>, vector<16xf32>,
        %add3A_3133 = arith.addf %scan3A_3020, %get3A_3132 : vector<16xf32>
        %get3A_3134 = arith.index_cast %add3A_3033 : i32 to index
        %get3A_3135 = arith.constant 400 : index
        %get3A_3136 = tpu.vector_load %arg10[%get3A_3134, %get3A_3135] {strides = array<i32>} : memref<64x512xf32, #tpu.memory_space<vmem>>, vector<16xf32>,
        %add3A_3137 = arith.addf %scan3A_3021, %get3A_3136 : vector<16xf32>
        %get3A_3138 = arith.index_cast %add3A_3033 : i32 to index
        %get3A_3139 = arith.constant 416 : index
        %get3A_3140 = tpu.vector_load %arg10[%get3A_3138, %get3A_3139] {strides = array<i32>} : memref<64x512xf32, #tpu.memory_space<vmem>>, vector<16xf32>,
        %add3A_3141 = arith.addf %scan3A_3022, %get3A_3140 : vector<16xf32>
        %get3A_3142 = arith.index_cast %add3A_3033 : i32 to index
        %get3A_3143 = arith.constant 432 : index
        %get3A_3144 = tpu.vector_load %arg10[%get3A_3142, %get3A_3143] {strides = array<i32>} : memref<64x512xf32, #tpu.memory_space<vmem>>, vector<16xf32>,
        %add3A_3145 = arith.addf %scan3A_3023, %get3A_3144 : vector<16xf32>
        %get3A_3146 = arith.index_cast %add3A_3033 : i32 to index
        %get3A_3147 = arith.constant 448 : index
        %get3A_3148 = tpu.vector_load %arg10[%get3A_3146, %get3A_3147] {strides = array<i32>} : memref<64x512xf32, #tpu.memory_space<vmem>>, vector<16xf32>,
        %add3A_3149 = arith.addf %scan3A_3024, %get3A_3148 : vector<16xf32>
        %get3A_3150 = arith.index_cast %add3A_3033 : i32 to index
        %get3A_3151 = arith.constant 464 : index
        %get3A_3152 = tpu.vector_load %arg10[%get3A_3150, %get3A_3151] {strides = array<i32>} : memref<64x512xf32, #tpu.memory_space<vmem>>, vector<16xf32>,
        %add3A_3153 = arith.addf %scan3A_3025, %get3A_3152 : vector<16xf32>
        %get3A_3154 = arith.index_cast %add3A_3033 : i32 to index
        %get3A_3155 = arith.constant 480 : index
        %get3A_3156 = tpu.vector_load %arg10[%get3A_3154, %get3A_3155] {strides = array<i32>} : memref<64x512xf32, #tpu.memory_space<vmem>>, vector<16xf32>,
        %add3A_3157 = arith.addf %scan3A_3026, %get3A_3156 : vector<16xf32>
        %get3A_3158 = arith.index_cast %add3A_3033 : i32 to index
        %get3A_3159 = arith.constant 496 : index
        %get3A_3160 = tpu.vector_load %arg10[%get3A_3158, %get3A_3159] {strides = array<i32>} : memref<64x512xf32, #tpu.memory_space<vmem>>, vector<16xf32>,
        %add3A_3161 = arith.addf %scan3A_3027, %get3A_3160 : vector<16xf32>
        scf.yield %add3A_3037, %add3A_3041, %add3A_3045, %add3A_3049, %add3A_3053, %add3A_3057, %add3A_3061, %add3A_3065, %add3A_3069, %add3A_3073, %add3A_3077, %add3A_3081, %add3A_3085, %add3A_3089, %add3A_3093, %add3A_3097, %add3A_3101, %add3A_3105, %add3A_3109, %add3A_3113, %add3A_3117, %add3A_3121, %add3A_3125, %add3A_3129, %add3A_3133, %add3A_3137, %add3A_3141, %add3A_3145, %add3A_3149, %add3A_3153, %add3A_3157, %add3A_3161 : vector<16xf32>, vector<16xf32>, vector<16xf32>, vector<16xf32>, vector<16xf32>, vector<16xf32>, vector<16xf32>, vector<16xf32>, vector<16xf32>, vector<16xf32>, vector<16xf32>, vector<16xf32>, vector<16xf32>, vector<16xf32>, vector<16xf32>, vector<16xf32>, vector<16xf32>, vector<16xf32>, vector<16xf32>, vector<16xf32>, vector<16xf32>, vector<16xf32>, vector<16xf32>, vector<16xf32>, vector<16xf32>, vector<16xf32>, vector<16xf32>, vector<16xf32>, vector<16xf32>, vector<16xf32>, vector<16xf32>, vector<16xf32>
      }
      %scan3A_149 = arith.constant 32 : i32
      %mul3A_150 = arith.constant 2 : i32
      %mul3A_151 = arith.muli %mul3A_45, %mul3A_150 : i32
      %add3A_152 = arith.constant 0 : i32
      %add3A_153 = arith.addi %mul3A_151, %add3A_152 : i32
      %get3A = arith.index_cast %add3A_153 : i32 to index
      %get3A_154 = arith.constant 0 : index
      %get3A_155 = tpu.vector_load %arg8[%get3A, %get3A_154] {strides = array<i32>} : memref<64x16xf32, #tpu.memory_space<vmem>>, vector<16xf32>,
      %get3A_156 = arith.index_cast %add3A_153 : i32 to index
      %get3A_157 = arith.constant 0 : index
      %get3A_158 = tpu.vector_load %arg9[%get3A_156, %get3A_157] {strides = array<i32>} : memref<64x16xf32, #tpu.memory_space<vmem>>, vector<16xf32>,
      %get3A_159 = arith.constant 0 : i32
      %get3A_160 = arith.index_cast %get3A_159 : i32 to index
      %get3A_161 = arith.constant 0 : index
      %get3A_162 = tpu.vector_load %arg10[%get3A_160, %get3A_161] {strides = array<i32>} : memref<64x512xf32, #tpu.memory_space<vmem>>, vector<16xf32>,
      %mul3A_163 = arith.mulf %get3A_155, %get3A_162 : vector<16xf32>
      %sub3A = arith.subf %scan3A_148#0, %mul3A_163 : vector<16xf32>
      %mul3A_164 = arith.mulf %sub3A, %get3A_158 : vector<16xf32>
      %get3A_165 = arith.constant 0 : i32
      %get3A_166 = arith.index_cast %get3A_165 : i32 to index
      %get3A_167 = arith.constant 0 : index
      %get3A_168 = tpu.vector_load %arg12[%get3A_166, %get3A_167] {strides = array<i32>} : memref<2x512xf32, #tpu.memory_space<vmem>>, vector<16xf32>,
      %sub3A_169 = arith.subf %get3A_168, %mul3A_164 : vector<16xf32>
      %swap3A = arith.constant 0 : i32
      %swap3A_170 = arith.index_cast %swap3A : i32 to index
      %swap3A_171 = arith.constant 0 : index
      %swap3A_172 = tpu.vector_load %arg14[%swap3A_170, %swap3A_171] {strides = array<i32>} : memref<2x1024xf32, #tpu.memory_space<vmem>>, vector<16xf32>,
      tpu.vector_store %arg14[%swap3A_170, %swap3A_171], %sub3A_169 {strides = array<i32>} : memref<2x1024xf32, #tpu.memory_space<vmem>>, vector<16xf32>,
      %swap3A_173 = arith.constant 0 : i32
      %swap3A_174 = arith.index_cast %swap3A_173 : i32 to index
      %swap3A_175 = arith.constant 512 : index
      %swap3A_176 = tpu.vector_load %arg14[%swap3A_174, %swap3A_175] {strides = array<i32>} : memref<2x1024xf32, #tpu.memory_space<vmem>>, vector<16xf32>,
      tpu.vector_store %arg14[%swap3A_174, %swap3A_175], %mul3A_164 {strides = array<i32>} : memref<2x1024xf32, #tpu.memory_space<vmem>>, vector<16xf32>,
      %get3A_177 = arith.constant 0 : i32
      %get3A_178 = arith.index_cast %get3A_177 : i32 to index
      %get3A_179 = arith.constant 16 : index
      %get3A_180 = tpu.vector_load %arg10[%get3A_178, %get3A_179] {strides = array<i32>} : memref<64x512xf32, #tpu.memory_space<vmem>>, vector<16xf32>,
      %mul3A_181 = arith.mulf %get3A_155, %get3A_180 : vector<16xf32>
      %sub3A_182 = arith.subf %scan3A_148#1, %mul3A_181 : vector<16xf32>
      %mul3A_183 = arith.mulf %sub3A_182, %get3A_158 : vector<16xf32>
      %get3A_184 = arith.constant 0 : i32
      %get3A_185 = arith.index_cast %get3A_184 : i32 to index
      %get3A_186 = arith.constant 16 : index
      %get3A_187 = tpu.vector_load %arg12[%get3A_185, %get3A_186] {strides = array<i32>} : memref<2x512xf32, #tpu.memory_space<vmem>>, vector<16xf32>,
      %sub3A_188 = arith.subf %get3A_187, %mul3A_183 : vector<16xf32>
      %swap3A_189 = arith.constant 0 : i32
      %swap3A_190 = arith.index_cast %swap3A_189 : i32 to index
      %swap3A_191 = arith.constant 16 : index
      %swap3A_192 = tpu.vector_load %arg14[%swap3A_190, %swap3A_191] {strides = array<i32>} : memref<2x1024xf32, #tpu.memory_space<vmem>>, vector<16xf32>,
      tpu.vector_store %arg14[%swap3A_190, %swap3A_191], %sub3A_188 {strides = array<i32>} : memref<2x1024xf32, #tpu.memory_space<vmem>>, vector<16xf32>,
      %swap3A_193 = arith.constant 0 : i32
      %swap3A_194 = arith.index_cast %swap3A_193 : i32 to index
      %swap3A_195 = arith.constant 528 : index
      %swap3A_196 = tpu.vector_load %arg14[%swap3A_194, %swap3A_195] {strides = array<i32>} : memref<2x1024xf32, #tpu.memory_space<vmem>>, vector<16xf32>,
      tpu.vector_store %arg14[%swap3A_194, %swap3A_195], %mul3A_183 {strides = array<i32>} : memref<2x1024xf32, #tpu.memory_space<vmem>>, vector<16xf32>,
      %get3A_197 = arith.constant 0 : i32
      %get3A_198 = arith.index_cast %get3A_197 : i32 to index
      %get3A_199 = arith.constant 32 : index
      %get3A_200 = tpu.vector_load %arg10[%get3A_198, %get3A_199] {strides = array<i32>} : memref<64x512xf32, #tpu.memory_space<vmem>>, vector<16xf32>,
      %mul3A_201 = arith.mulf %get3A_155, %get3A_200 : vector<16xf32>
      %sub3A_202 = arith.subf %scan3A_148#2, %mul3A_201 : vector<16xf32>
      %mul3A_203 = arith.mulf %sub3A_202, %get3A_158 : vector<16xf32>
      %get3A_204 = arith.constant 0 : i32
      %get3A_205 = arith.index_cast %get3A_204 : i32 to index
      %get3A_206 = arith.constant 32 : index
      %get3A_207 = tpu.vector_load %arg12[%get3A_205, %get3A_206] {strides = array<i32>} : memref<2x512xf32, #tpu.memory_space<vmem>>, vector<16xf32>,
      %sub3A_208 = arith.subf %get3A_207, %mul3A_203 : vector<16xf32>
      %swap3A_209 = arith.constant 0 : i32
      %swap3A_210 = arith.index_cast %swap3A_209 : i32 to index
      %swap3A_211 = arith.constant 32 : index
      %swap3A_212 = tpu.vector_load %arg14[%swap3A_210, %swap3A_211] {strides = array<i32>} : memref<2x1024xf32, #tpu.memory_space<vmem>>, vector<16xf32>,
      tpu.vector_store %arg14[%swap3A_210, %swap3A_211], %sub3A_208 {strides = array<i32>} : memref<2x1024xf32, #tpu.memory_space<vmem>>, vector<16xf32>,
      %swap3A_213 = arith.constant 0 : i32
      %swap3A_214 = arith.index_cast %swap3A_213 : i32 to index
      %swap3A_215 = arith.constant 544 : index
      %swap3A_216 = tpu.vector_load %arg14[%swap3A_214, %swap3A_215] {strides = array<i32>} : memref<2x1024xf32, #tpu.memory_space<vmem>>, vector<16xf32>,
      tpu.vector_store %arg14[%swap3A_214, %swap3A_215], %mul3A_203 {strides = array<i32>} : memref<2x1024xf32, #tpu.memory_space<vmem>>, vector<16xf32>,
      %get3A_217 = arith.constant 0 : i32
      %get3A_218 = arith.index_cast %get3A_217 : i32 to index
      %get3A_219 = arith.constant 48 : index
      %get3A_220 = tpu.vector_load %arg10[%get3A_218, %get3A_219] {strides = array<i32>} : memref<64x512xf32, #tpu.memory_space<vmem>>, vector<16xf32>,
      %mul3A_221 = arith.mulf %get3A_155, %get3A_220 : vector<16xf32>
      %sub3A_222 = arith.subf %scan3A_148#3, %mul3A_221 : vector<16xf32>
      %mul3A_223 = arith.mulf %sub3A_222, %get3A_158 : vector<16xf32>
      %get3A_224 = arith.constant 0 : i32
      %get3A_225 = arith.index_cast %get3A_224 : i32 to index
      %get3A_226 = arith.constant 48 : index
      %get3A_227 = tpu.vector_load %arg12[%get3A_225, %get3A_226] {strides = array<i32>} : memref<2x512xf32, #tpu.memory_space<vmem>>, vector<16xf32>,
      %sub3A_228 = arith.subf %get3A_227, %mul3A_223 : vector<16xf32>
      %swap3A_229 = arith.constant 0 : i32
      %swap3A_230 = arith.index_cast %swap3A_229 : i32 to index
      %swap3A_231 = arith.constant 48 : index
      %swap3A_232 = tpu.vector_load %arg14[%swap3A_230, %swap3A_231] {strides = array<i32>} : memref<2x1024xf32, #tpu.memory_space<vmem>>, vector<16xf32>,
      tpu.vector_store %arg14[%swap3A_230, %swap3A_231], %sub3A_228 {strides = array<i32>} : memref<2x1024xf32, #tpu.memory_space<vmem>>, vector<16xf32>,
      %swap3A_233 = arith.constant 0 : i32
      %swap3A_234 = arith.index_cast %swap3A_233 : i32 to index
      %swap3A_235 = arith.constant 560 : index
      %swap3A_236 = tpu.vector_load %arg14[%swap3A_234, %swap3A_235] {strides = array<i32>} : memref<2x1024xf32, #tpu.memory_space<vmem>>, vector<16xf32>,
      tpu.vector_store %arg14[%swap3A_234, %swap3A_235], %mul3A_223 {strides = array<i32>} : memref<2x1024xf32, #tpu.memory_space<vmem>>, vector<16xf32>,
      %get3A_237 = arith.constant 0 : i32
      %get3A_238 = arith.index_cast %get3A_237 : i32 to index
      %get3A_239 = arith.constant 64 : index
      %get3A_240 = tpu.vector_load %arg10[%get3A_238, %get3A_239] {strides = array<i32>} : memref<64x512xf32, #tpu.memory_space<vmem>>, vector<16xf32>,
      %mul3A_241 = arith.mulf %get3A_155, %get3A_240 : vector<16xf32>
      %sub3A_242 = arith.subf %scan3A_148#4, %mul3A_241 : vector<16xf32>
      %mul3A_243 = arith.mulf %sub3A_242, %get3A_158 : vector<16xf32>
      %get3A_244 = arith.constant 0 : i32
      %get3A_245 = arith.index_cast %get3A_244 : i32 to index
      %get3A_246 = arith.constant 64 : index
      %get3A_247 = tpu.vector_load %arg12[%get3A_245, %get3A_246] {strides = array<i32>} : memref<2x512xf32, #tpu.memory_space<vmem>>, vector<16xf32>,
      %sub3A_248 = arith.subf %get3A_247, %mul3A_243 : vector<16xf32>
      %swap3A_249 = arith.constant 0 : i32
      %swap3A_250 = arith.index_cast %swap3A_249 : i32 to index
      %swap3A_251 = arith.constant 64 : index
      %swap3A_252 = tpu.vector_load %arg14[%swap3A_250, %swap3A_251] {strides = array<i32>} : memref<2x1024xf32, #tpu.memory_space<vmem>>, vector<16xf32>,
      tpu.vector_store %arg14[%swap3A_250, %swap3A_251], %sub3A_248 {strides = array<i32>} : memref<2x1024xf32, #tpu.memory_space<vmem>>, vector<16xf32>,
      %swap3A_253 = arith.constant 0 : i32
      %swap3A_254 = arith.index_cast %swap3A_253 : i32 to index
      %swap3A_255 = arith.constant 576 : index
      %swap3A_256 = tpu.vector_load %arg14[%swap3A_254, %swap3A_255] {strides = array<i32>} : memref<2x1024xf32, #tpu.memory_space<vmem>>, vector<16xf32>,
      tpu.vector_store %arg14[%swap3A_254, %swap3A_255], %mul3A_243 {strides = array<i32>} : memref<2x1024xf32, #tpu.memory_space<vmem>>, vector<16xf32>,
      %get3A_257 = arith.constant 0 : i32
      %get3A_258 = arith.index_cast %get3A_257 : i32 to index
      %get3A_259 = arith.constant 80 : index
      %get3A_260 = tpu.vector_load %arg10[%get3A_258, %get3A_259] {strides = array<i32>} : memref<64x512xf32, #tpu.memory_space<vmem>>, vector<16xf32>,
      %mul3A_261 = arith.mulf %get3A_155, %get3A_260 : vector<16xf32>
      %sub3A_262 = arith.subf %scan3A_148#5, %mul3A_261 : vector<16xf32>
      %mul3A_263 = arith.mulf %sub3A_262, %get3A_158 : vector<16xf32>
      %get3A_264 = arith.constant 0 : i32
      %get3A_265 = arith.index_cast %get3A_264 : i32 to index
      %get3A_266 = arith.constant 80 : index
      %get3A_267 = tpu.vector_load %arg12[%get3A_265, %get3A_266] {strides = array<i32>} : memref<2x512xf32, #tpu.memory_space<vmem>>, vector<16xf32>,
      %sub3A_268 = arith.subf %get3A_267, %mul3A_263 : vector<16xf32>
      %swap3A_269 = arith.constant 0 : i32
      %swap3A_270 = arith.index_cast %swap3A_269 : i32 to index
      %swap3A_271 = arith.constant 80 : index
      %swap3A_272 = tpu.vector_load %arg14[%swap3A_270, %swap3A_271] {strides = array<i32>} : memref<2x1024xf32, #tpu.memory_space<vmem>>, vector<16xf32>,
      tpu.vector_store %arg14[%swap3A_270, %swap3A_271], %sub3A_268 {strides = array<i32>} : memref<2x1024xf32, #tpu.memory_space<vmem>>, vector<16xf32>,
      %swap3A_273 = arith.constant 0 : i32
      %swap3A_274 = arith.index_cast %swap3A_273 : i32 to index
      %swap3A_275 = arith.constant 592 : index
      %swap3A_276 = tpu.vector_load %arg14[%swap3A_274, %swap3A_275] {strides = array<i32>} : memref<2x1024xf32, #tpu.memory_space<vmem>>, vector<16xf32>,
      tpu.vector_store %arg14[%swap3A_274, %swap3A_275], %mul3A_263 {strides = array<i32>} : memref<2x1024xf32, #tpu.memory_space<vmem>>, vector<16xf32>,
      %get3A_277 = arith.constant 0 : i32
      %get3A_278 = arith.index_cast %get3A_277 : i32 to index
      %get3A_279 = arith.constant 96 : index
      %get3A_280 = tpu.vector_load %arg10[%get3A_278, %get3A_279] {strides = array<i32>} : memref<64x512xf32, #tpu.memory_space<vmem>>, vector<16xf32>,
      %mul3A_281 = arith.mulf %get3A_155, %get3A_280 : vector<16xf32>
      %sub3A_282 = arith.subf %scan3A_148#6, %mul3A_281 : vector<16xf32>
      %mul3A_283 = arith.mulf %sub3A_282, %get3A_158 : vector<16xf32>
      %get3A_284 = arith.constant 0 : i32
      %get3A_285 = arith.index_cast %get3A_284 : i32 to index
      %get3A_286 = arith.constant 96 : index
      %get3A_287 = tpu.vector_load %arg12[%get3A_285, %get3A_286] {strides = array<i32>} : memref<2x512xf32, #tpu.memory_space<vmem>>, vector<16xf32>,
      %sub3A_288 = arith.subf %get3A_287, %mul3A_283 : vector<16xf32>
      %swap3A_289 = arith.constant 0 : i32
      %swap3A_290 = arith.index_cast %swap3A_289 : i32 to index
      %swap3A_291 = arith.constant 96 : index
      %swap3A_292 = tpu.vector_load %arg14[%swap3A_290, %swap3A_291] {strides = array<i32>} : memref<2x1024xf32, #tpu.memory_space<vmem>>, vector<16xf32>,
      tpu.vector_store %arg14[%swap3A_290, %swap3A_291], %sub3A_288 {strides = array<i32>} : memref<2x1024xf32, #tpu.memory_space<vmem>>, vector<16xf32>,
      %swap3A_293 = arith.constant 0 : i32
      %swap3A_294 = arith.index_cast %swap3A_293 : i32 to index
      %swap3A_295 = arith.constant 608 : index
      %swap3A_296 = tpu.vector_load %arg14[%swap3A_294, %swap3A_295] {strides = array<i32>} : memref<2x1024xf32, #tpu.memory_space<vmem>>, vector<16xf32>,
      tpu.vector_store %arg14[%swap3A_294, %swap3A_295], %mul3A_283 {strides = array<i32>} : memref<2x1024xf32, #tpu.memory_space<vmem>>, vector<16xf32>,
      %get3A_297 = arith.constant 0 : i32
      %get3A_298 = arith.index_cast %get3A_297 : i32 to index
      %get3A_299 = arith.constant 112 : index
      %get3A_300 = tpu.vector_load %arg10[%get3A_298, %get3A_299] {strides = array<i32>} : memref<64x512xf32, #tpu.memory_space<vmem>>, vector<16xf32>,
      %mul3A_301 = arith.mulf %get3A_155, %get3A_300 : vector<16xf32>
      %sub3A_302 = arith.subf %scan3A_148#7, %mul3A_301 : vector<16xf32>
      %mul3A_303 = arith.mulf %sub3A_302, %get3A_158 : vector<16xf32>
      %get3A_304 = arith.constant 0 : i32
      %get3A_305 = arith.index_cast %get3A_304 : i32 to index
      %get3A_306 = arith.constant 112 : index
      %get3A_307 = tpu.vector_load %arg12[%get3A_305, %get3A_306] {strides = array<i32>} : memref<2x512xf32, #tpu.memory_space<vmem>>, vector<16xf32>,
      %sub3A_308 = arith.subf %get3A_307, %mul3A_303 : vector<16xf32>
      %swap3A_309 = arith.constant 0 : i32
      %swap3A_310 = arith.index_cast %swap3A_309 : i32 to index
      %swap3A_311 = arith.constant 112 : index
      %swap3A_312 = tpu.vector_load %arg14[%swap3A_310, %swap3A_311] {strides = array<i32>} : memref<2x1024xf32, #tpu.memory_space<vmem>>, vector<16xf32>,
      tpu.vector_store %arg14[%swap3A_310, %swap3A_311], %sub3A_308 {strides = array<i32>} : memref<2x1024xf32, #tpu.memory_space<vmem>>, vector<16xf32>,
      %swap3A_313 = arith.constant 0 : i32
      %swap3A_314 = arith.index_cast %swap3A_313 : i32 to index
      %swap3A_315 = arith.constant 624 : index
      %swap3A_316 = tpu.vector_load %arg14[%swap3A_314, %swap3A_315] {strides = array<i32>} : memref<2x1024xf32, #tpu.memory_space<vmem>>, vector<16xf32>,
      tpu.vector_store %arg14[%swap3A_314, %swap3A_315], %mul3A_303 {strides = array<i32>} : memref<2x1024xf32, #tpu.memory_space<vmem>>, vector<16xf32>,
      %get3A_317 = arith.constant 0 : i32
      %get3A_318 = arith.index_cast %get3A_317 : i32 to index
      %get3A_319 = arith.constant 128 : index
      %get3A_320 = tpu.vector_load %arg10[%get3A_318, %get3A_319] {strides = array<i32>} : memref<64x512xf32, #tpu.memory_space<vmem>>, vector<16xf32>,
      %mul3A_321 = arith.mulf %get3A_155, %get3A_320 : vector<16xf32>
      %sub3A_322 = arith.subf %scan3A_148#8, %mul3A_321 : vector<16xf32>
      %mul3A_323 = arith.mulf %sub3A_322, %get3A_158 : vector<16xf32>
      %get3A_324 = arith.constant 0 : i32
      %get3A_325 = arith.index_cast %get3A_324 : i32 to index
      %get3A_326 = arith.constant 128 : index
      %get3A_327 = tpu.vector_load %arg12[%get3A_325, %get3A_326] {strides = array<i32>} : memref<2x512xf32, #tpu.memory_space<vmem>>, vector<16xf32>,
      %sub3A_328 = arith.subf %get3A_327, %mul3A_323 : vector<16xf32>
      %swap3A_329 = arith.constant 0 : i32
      %swap3A_330 = arith.index_cast %swap3A_329 : i32 to index
      %swap3A_331 = arith.constant 128 : index
      %swap3A_332 = tpu.vector_load %arg14[%swap3A_330, %swap3A_331] {strides = array<i32>} : memref<2x1024xf32, #tpu.memory_space<vmem>>, vector<16xf32>,
      tpu.vector_store %arg14[%swap3A_330, %swap3A_331], %sub3A_328 {strides = array<i32>} : memref<2x1024xf32, #tpu.memory_space<vmem>>, vector<16xf32>,
      %swap3A_333 = arith.constant 0 : i32
      %swap3A_334 = arith.index_cast %swap3A_333 : i32 to index
      %swap3A_335 = arith.constant 640 : index
      %swap3A_336 = tpu.vector_load %arg14[%swap3A_334, %swap3A_335] {strides = array<i32>} : memref<2x1024xf32, #tpu.memory_space<vmem>>, vector<16xf32>,
      tpu.vector_store %arg14[%swap3A_334, %swap3A_335], %mul3A_323 {strides = array<i32>} : memref<2x1024xf32, #tpu.memory_space<vmem>>, vector<16xf32>,
      %get3A_337 = arith.constant 0 : i32
      %get3A_338 = arith.index_cast %get3A_337 : i32 to index
      %get3A_339 = arith.constant 144 : index
      %get3A_340 = tpu.vector_load %arg10[%get3A_338, %get3A_339] {strides = array<i32>} : memref<64x512xf32, #tpu.memory_space<vmem>>, vector<16xf32>,
      %mul3A_341 = arith.mulf %get3A_155, %get3A_340 : vector<16xf32>
      %sub3A_342 = arith.subf %scan3A_148#9, %mul3A_341 : vector<16xf32>
      %mul3A_343 = arith.mulf %sub3A_342, %get3A_158 : vector<16xf32>
      %get3A_344 = arith.constant 0 : i32
      %get3A_345 = arith.index_cast %get3A_344 : i32 to index
      %get3A_346 = arith.constant 144 : index
      %get3A_347 = tpu.vector_load %arg12[%get3A_345, %get3A_346] {strides = array<i32>} : memref<2x512xf32, #tpu.memory_space<vmem>>, vector<16xf32>,
      %sub3A_348 = arith.subf %get3A_347, %mul3A_343 : vector<16xf32>
      %swap3A_349 = arith.constant 0 : i32
      %swap3A_350 = arith.index_cast %swap3A_349 : i32 to index
      %swap3A_351 = arith.constant 144 : index
      %swap3A_352 = tpu.vector_load %arg14[%swap3A_350, %swap3A_351] {strides = array<i32>} : memref<2x1024xf32, #tpu.memory_space<vmem>>, vector<16xf32>,
      tpu.vector_store %arg14[%swap3A_350, %swap3A_351], %sub3A_348 {strides = array<i32>} : memref<2x1024xf32, #tpu.memory_space<vmem>>, vector<16xf32>,
      %swap3A_353 = arith.constant 0 : i32
      %swap3A_354 = arith.index_cast %swap3A_353 : i32 to index
      %swap3A_355 = arith.constant 656 : index
      %swap3A_356 = tpu.vector_load %arg14[%swap3A_354, %swap3A_355] {strides = array<i32>} : memref<2x1024xf32, #tpu.memory_space<vmem>>, vector<16xf32>,
      tpu.vector_store %arg14[%swap3A_354, %swap3A_355], %mul3A_343 {strides = array<i32>} : memref<2x1024xf32, #tpu.memory_space<vmem>>, vector<16xf32>,
      %get3A_357 = arith.constant 0 : i32
      %get3A_358 = arith.index_cast %get3A_357 : i32 to index
      %get3A_359 = arith.constant 160 : index
      %get3A_360 = tpu.vector_load %arg10[%get3A_358, %get3A_359] {strides = array<i32>} : memref<64x512xf32, #tpu.memory_space<vmem>>, vector<16xf32>,
      %mul3A_361 = arith.mulf %get3A_155, %get3A_360 : vector<16xf32>
      %sub3A_362 = arith.subf %scan3A_148#10, %mul3A_361 : vector<16xf32>
      %mul3A_363 = arith.mulf %sub3A_362, %get3A_158 : vector<16xf32>
      %get3A_364 = arith.constant 0 : i32
      %get3A_365 = arith.index_cast %get3A_364 : i32 to index
      %get3A_366 = arith.constant 160 : index
      %get3A_367 = tpu.vector_load %arg12[%get3A_365, %get3A_366] {strides = array<i32>} : memref<2x512xf32, #tpu.memory_space<vmem>>, vector<16xf32>,
      %sub3A_368 = arith.subf %get3A_367, %mul3A_363 : vector<16xf32>
      %swap3A_369 = arith.constant 0 : i32
      %swap3A_370 = arith.index_cast %swap3A_369 : i32 to index
      %swap3A_371 = arith.constant 160 : index
      %swap3A_372 = tpu.vector_load %arg14[%swap3A_370, %swap3A_371] {strides = array<i32>} : memref<2x1024xf32, #tpu.memory_space<vmem>>, vector<16xf32>,
      tpu.vector_store %arg14[%swap3A_370, %swap3A_371], %sub3A_368 {strides = array<i32>} : memref<2x1024xf32, #tpu.memory_space<vmem>>, vector<16xf32>,
      %swap3A_373 = arith.constant 0 : i32
      %swap3A_374 = arith.index_cast %swap3A_373 : i32 to index
      %swap3A_375 = arith.constant 672 : index
      %swap3A_376 = tpu.vector_load %arg14[%swap3A_374, %swap3A_375] {strides = array<i32>} : memref<2x1024xf32, #tpu.memory_space<vmem>>, vector<16xf32>,
      tpu.vector_store %arg14[%swap3A_374, %swap3A_375], %mul3A_363 {strides = array<i32>} : memref<2x1024xf32, #tpu.memory_space<vmem>>, vector<16xf32>,
      %get3A_377 = arith.constant 0 : i32
      %get3A_378 = arith.index_cast %get3A_377 : i32 to index
      %get3A_379 = arith.constant 176 : index
      %get3A_380 = tpu.vector_load %arg10[%get3A_378, %get3A_379] {strides = array<i32>} : memref<64x512xf32, #tpu.memory_space<vmem>>, vector<16xf32>,
      %mul3A_381 = arith.mulf %get3A_155, %get3A_380 : vector<16xf32>
      %sub3A_382 = arith.subf %scan3A_148#11, %mul3A_381 : vector<16xf32>
      %mul3A_383 = arith.mulf %sub3A_382, %get3A_158 : vector<16xf32>
      %get3A_384 = arith.constant 0 : i32
      %get3A_385 = arith.index_cast %get3A_384 : i32 to index
      %get3A_386 = arith.constant 176 : index
      %get3A_387 = tpu.vector_load %arg12[%get3A_385, %get3A_386] {strides = array<i32>} : memref<2x512xf32, #tpu.memory_space<vmem>>, vector<16xf32>,
      %sub3A_388 = arith.subf %get3A_387, %mul3A_383 : vector<16xf32>
      %swap3A_389 = arith.constant 0 : i32
      %swap3A_390 = arith.index_cast %swap3A_389 : i32 to index
      %swap3A_391 = arith.constant 176 : index
      %swap3A_392 = tpu.vector_load %arg14[%swap3A_390, %swap3A_391] {strides = array<i32>} : memref<2x1024xf32, #tpu.memory_space<vmem>>, vector<16xf32>,
      tpu.vector_store %arg14[%swap3A_390, %swap3A_391], %sub3A_388 {strides = array<i32>} : memref<2x1024xf32, #tpu.memory_space<vmem>>, vector<16xf32>,
      %swap3A_393 = arith.constant 0 : i32
      %swap3A_394 = arith.index_cast %swap3A_393 : i32 to index
      %swap3A_395 = arith.constant 688 : index
      %swap3A_396 = tpu.vector_load %arg14[%swap3A_394, %swap3A_395] {strides = array<i32>} : memref<2x1024xf32, #tpu.memory_space<vmem>>, vector<16xf32>,
      tpu.vector_store %arg14[%swap3A_394, %swap3A_395], %mul3A_383 {strides = array<i32>} : memref<2x1024xf32, #tpu.memory_space<vmem>>, vector<16xf32>,
      %get3A_397 = arith.constant 0 : i32
      %get3A_398 = arith.index_cast %get3A_397 : i32 to index
      %get3A_399 = arith.constant 192 : index
      %get3A_400 = tpu.vector_load %arg10[%get3A_398, %get3A_399] {strides = array<i32>} : memref<64x512xf32, #tpu.memory_space<vmem>>, vector<16xf32>,
      %mul3A_401 = arith.mulf %get3A_155, %get3A_400 : vector<16xf32>
      %sub3A_402 = arith.subf %scan3A_148#12, %mul3A_401 : vector<16xf32>
      %mul3A_403 = arith.mulf %sub3A_402, %get3A_158 : vector<16xf32>
      %get3A_404 = arith.constant 0 : i32
      %get3A_405 = arith.index_cast %get3A_404 : i32 to index
      %get3A_406 = arith.constant 192 : index
      %get3A_407 = tpu.vector_load %arg12[%get3A_405, %get3A_406] {strides = array<i32>} : memref<2x512xf32, #tpu.memory_space<vmem>>, vector<16xf32>,
      %sub3A_408 = arith.subf %get3A_407, %mul3A_403 : vector<16xf32>
      %swap3A_409 = arith.constant 0 : i32
      %swap3A_410 = arith.index_cast %swap3A_409 : i32 to index
      %swap3A_411 = arith.constant 192 : index
      %swap3A_412 = tpu.vector_load %arg14[%swap3A_410, %swap3A_411] {strides = array<i32>} : memref<2x1024xf32, #tpu.memory_space<vmem>>, vector<16xf32>,
      tpu.vector_store %arg14[%swap3A_410, %swap3A_411], %sub3A_408 {strides = array<i32>} : memref<2x1024xf32, #tpu.memory_space<vmem>>, vector<16xf32>,
      %swap3A_413 = arith.constant 0 : i32
      %swap3A_414 = arith.index_cast %swap3A_413 : i32 to index
      %swap3A_415 = arith.constant 704 : index
      %swap3A_416 = tpu.vector_load %arg14[%swap3A_414, %swap3A_415] {strides = array<i32>} : memref<2x1024xf32, #tpu.memory_space<vmem>>, vector<16xf32>,
      tpu.vector_store %arg14[%swap3A_414, %swap3A_415], %mul3A_403 {strides = array<i32>} : memref<2x1024xf32, #tpu.memory_space<vmem>>, vector<16xf32>,
      %get3A_417 = arith.constant 0 : i32
      %get3A_418 = arith.index_cast %get3A_417 : i32 to index
      %get3A_419 = arith.constant 208 : index
      %get3A_420 = tpu.vector_load %arg10[%get3A_418, %get3A_419] {strides = array<i32>} : memref<64x512xf32, #tpu.memory_space<vmem>>, vector<16xf32>,
      %mul3A_421 = arith.mulf %get3A_155, %get3A_420 : vector<16xf32>
      %sub3A_422 = arith.subf %scan3A_148#13, %mul3A_421 : vector<16xf32>
      %mul3A_423 = arith.mulf %sub3A_422, %get3A_158 : vector<16xf32>
      %get3A_424 = arith.constant 0 : i32
      %get3A_425 = arith.index_cast %get3A_424 : i32 to index
      %get3A_426 = arith.constant 208 : index
      %get3A_427 = tpu.vector_load %arg12[%get3A_425, %get3A_426] {strides = array<i32>} : memref<2x512xf32, #tpu.memory_space<vmem>>, vector<16xf32>,
      %sub3A_428 = arith.subf %get3A_427, %mul3A_423 : vector<16xf32>
      %swap3A_429 = arith.constant 0 : i32
      %swap3A_430 = arith.index_cast %swap3A_429 : i32 to index
      %swap3A_431 = arith.constant 208 : index
      %swap3A_432 = tpu.vector_load %arg14[%swap3A_430, %swap3A_431] {strides = array<i32>} : memref<2x1024xf32, #tpu.memory_space<vmem>>, vector<16xf32>,
      tpu.vector_store %arg14[%swap3A_430, %swap3A_431], %sub3A_428 {strides = array<i32>} : memref<2x1024xf32, #tpu.memory_space<vmem>>, vector<16xf32>,
      %swap3A_433 = arith.constant 0 : i32
      %swap3A_434 = arith.index_cast %swap3A_433 : i32 to index
      %swap3A_435 = arith.constant 720 : index
      %swap3A_436 = tpu.vector_load %arg14[%swap3A_434, %swap3A_435] {strides = array<i32>} : memref<2x1024xf32, #tpu.memory_space<vmem>>, vector<16xf32>,
      tpu.vector_store %arg14[%swap3A_434, %swap3A_435], %mul3A_423 {strides = array<i32>} : memref<2x1024xf32, #tpu.memory_space<vmem>>, vector<16xf32>,
      %get3A_437 = arith.constant 0 : i32
      %get3A_438 = arith.index_cast %get3A_437 : i32 to index
      %get3A_439 = arith.constant 224 : index
      %get3A_440 = tpu.vector_load %arg10[%get3A_438, %get3A_439] {strides = array<i32>} : memref<64x512xf32, #tpu.memory_space<vmem>>, vector<16xf32>,
      %mul3A_441 = arith.mulf %get3A_155, %get3A_440 : vector<16xf32>
      %sub3A_442 = arith.subf %scan3A_148#14, %mul3A_441 : vector<16xf32>
      %mul3A_443 = arith.mulf %sub3A_442, %get3A_158 : vector<16xf32>
      %get3A_444 = arith.constant 0 : i32
      %get3A_445 = arith.index_cast %get3A_444 : i32 to index
      %get3A_446 = arith.constant 224 : index
      %get3A_447 = tpu.vector_load %arg12[%get3A_445, %get3A_446] {strides = array<i32>} : memref<2x512xf32, #tpu.memory_space<vmem>>, vector<16xf32>,
      %sub3A_448 = arith.subf %get3A_447, %mul3A_443 : vector<16xf32>
      %swap3A_449 = arith.constant 0 : i32
      %swap3A_450 = arith.index_cast %swap3A_449 : i32 to index
      %swap3A_451 = arith.constant 224 : index
      %swap3A_452 = tpu.vector_load %arg14[%swap3A_450, %swap3A_451] {strides = array<i32>} : memref<2x1024xf32, #tpu.memory_space<vmem>>, vector<16xf32>,
      tpu.vector_store %arg14[%swap3A_450, %swap3A_451], %sub3A_448 {strides = array<i32>} : memref<2x1024xf32, #tpu.memory_space<vmem>>, vector<16xf32>,
      %swap3A_453 = arith.constant 0 : i32
      %swap3A_454 = arith.index_cast %swap3A_453 : i32 to index
      %swap3A_455 = arith.constant 736 : index
      %swap3A_456 = tpu.vector_load %arg14[%swap3A_454, %swap3A_455] {strides = array<i32>} : memref<2x1024xf32, #tpu.memory_space<vmem>>, vector<16xf32>,
      tpu.vector_store %arg14[%swap3A_454, %swap3A_455], %mul3A_443 {strides = array<i32>} : memref<2x1024xf32, #tpu.memory_space<vmem>>, vector<16xf32>,
      %get3A_457 = arith.constant 0 : i32
      %get3A_458 = arith.index_cast %get3A_457 : i32 to index
      %get3A_459 = arith.constant 240 : index
      %get3A_460 = tpu.vector_load %arg10[%get3A_458, %get3A_459] {strides = array<i32>} : memref<64x512xf32, #tpu.memory_space<vmem>>, vector<16xf32>,
      %mul3A_461 = arith.mulf %get3A_155, %get3A_460 : vector<16xf32>
      %sub3A_462 = arith.subf %scan3A_148#15, %mul3A_461 : vector<16xf32>
      %mul3A_463 = arith.mulf %sub3A_462, %get3A_158 : vector<16xf32>
      %get3A_464 = arith.constant 0 : i32
      %get3A_465 = arith.index_cast %get3A_464 : i32 to index
      %get3A_466 = arith.constant 240 : index
      %get3A_467 = tpu.vector_load %arg12[%get3A_465, %get3A_466] {strides = array<i32>} : memref<2x512xf32, #tpu.memory_space<vmem>>, vector<16xf32>,
      %sub3A_468 = arith.subf %get3A_467, %mul3A_463 : vector<16xf32>
      %swap3A_469 = arith.constant 0 : i32
      %swap3A_470 = arith.index_cast %swap3A_469 : i32 to index
      %swap3A_471 = arith.constant 240 : index
      %swap3A_472 = tpu.vector_load %arg14[%swap3A_470, %swap3A_471] {strides = array<i32>} : memref<2x1024xf32, #tpu.memory_space<vmem>>, vector<16xf32>,
      tpu.vector_store %arg14[%swap3A_470, %swap3A_471], %sub3A_468 {strides = array<i32>} : memref<2x1024xf32, #tpu.memory_space<vmem>>, vector<16xf32>,
      %swap3A_473 = arith.constant 0 : i32
      %swap3A_474 = arith.index_cast %swap3A_473 : i32 to index
      %swap3A_475 = arith.constant 752 : index
      %swap3A_476 = tpu.vector_load %arg14[%swap3A_474, %swap3A_475] {strides = array<i32>} : memref<2x1024xf32, #tpu.memory_space<vmem>>, vector<16xf32>,
      tpu.vector_store %arg14[%swap3A_474, %swap3A_475], %mul3A_463 {strides = array<i32>} : memref<2x1024xf32, #tpu.memory_space<vmem>>, vector<16xf32>,
      %get3A_477 = arith.constant 0 : i32
      %get3A_478 = arith.index_cast %get3A_477 : i32 to index
      %get3A_479 = arith.constant 256 : index
      %get3A_480 = tpu.vector_load %arg10[%get3A_478, %get3A_479] {strides = array<i32>} : memref<64x512xf32, #tpu.memory_space<vmem>>, vector<16xf32>,
      %mul3A_481 = arith.mulf %get3A_155, %get3A_480 : vector<16xf32>
      %sub3A_482 = arith.subf %scan3A_148#16, %mul3A_481 : vector<16xf32>
      %mul3A_483 = arith.mulf %sub3A_482, %get3A_158 : vector<16xf32>
      %get3A_484 = arith.constant 0 : i32
      %get3A_485 = arith.index_cast %get3A_484 : i32 to index
      %get3A_486 = arith.constant 256 : index
      %get3A_487 = tpu.vector_load %arg12[%get3A_485, %get3A_486] {strides = array<i32>} : memref<2x512xf32, #tpu.memory_space<vmem>>, vector<16xf32>,
      %sub3A_488 = arith.subf %get3A_487, %mul3A_483 : vector<16xf32>
      %swap3A_489 = arith.constant 0 : i32
      %swap3A_490 = arith.index_cast %swap3A_489 : i32 to index
      %swap3A_491 = arith.constant 256 : index
      %swap3A_492 = tpu.vector_load %arg14[%swap3A_490, %swap3A_491] {strides = array<i32>} : memref<2x1024xf32, #tpu.memory_space<vmem>>, vector<16xf32>,
      tpu.vector_store %arg14[%swap3A_490, %swap3A_491], %sub3A_488 {strides = array<i32>} : memref<2x1024xf32, #tpu.memory_space<vmem>>, vector<16xf32>,
      %swap3A_493 = arith.constant 0 : i32
      %swap3A_494 = arith.index_cast %swap3A_493 : i32 to index
      %swap3A_495 = arith.constant 768 : index
      %swap3A_496 = tpu.vector_load %arg14[%swap3A_494, %swap3A_495] {strides = array<i32>} : memref<2x1024xf32, #tpu.memory_space<vmem>>, vector<16xf32>,
      tpu.vector_store %arg14[%swap3A_494, %swap3A_495], %mul3A_483 {strides = array<i32>} : memref<2x1024xf32, #tpu.memory_space<vmem>>, vector<16xf32>,
      %get3A_497 = arith.constant 0 : i32
      %get3A_498 = arith.index_cast %get3A_497 : i32 to index
      %get3A_499 = arith.constant 272 : index
      %get3A_500 = tpu.vector_load %arg10[%get3A_498, %get3A_499] {strides = array<i32>} : memref<64x512xf32, #tpu.memory_space<vmem>>, vector<16xf32>,
      %mul3A_501 = arith.mulf %get3A_155, %get3A_500 : vector<16xf32>
      %sub3A_502 = arith.subf %scan3A_148#17, %mul3A_501 : vector<16xf32>
      %mul3A_503 = arith.mulf %sub3A_502, %get3A_158 : vector<16xf32>
      %get3A_504 = arith.constant 0 : i32
      %get3A_505 = arith.index_cast %get3A_504 : i32 to index
      %get3A_506 = arith.constant 272 : index
      %get3A_507 = tpu.vector_load %arg12[%get3A_505, %get3A_506] {strides = array<i32>} : memref<2x512xf32, #tpu.memory_space<vmem>>, vector<16xf32>,
      %sub3A_508 = arith.subf %get3A_507, %mul3A_503 : vector<16xf32>
      %swap3A_509 = arith.constant 0 : i32
      %swap3A_510 = arith.index_cast %swap3A_509 : i32 to index
      %swap3A_511 = arith.constant 272 : index
      %swap3A_512 = tpu.vector_load %arg14[%swap3A_510, %swap3A_511] {strides = array<i32>} : memref<2x1024xf32, #tpu.memory_space<vmem>>, vector<16xf32>,
      tpu.vector_store %arg14[%swap3A_510, %swap3A_511], %sub3A_508 {strides = array<i32>} : memref<2x1024xf32, #tpu.memory_space<vmem>>, vector<16xf32>,
      %swap3A_513 = arith.constant 0 : i32
      %swap3A_514 = arith.index_cast %swap3A_513 : i32 to index
      %swap3A_515 = arith.constant 784 : index
      %swap3A_516 = tpu.vector_load %arg14[%swap3A_514, %swap3A_515] {strides = array<i32>} : memref<2x1024xf32, #tpu.memory_space<vmem>>, vector<16xf32>,
      tpu.vector_store %arg14[%swap3A_514, %swap3A_515], %mul3A_503 {strides = array<i32>} : memref<2x1024xf32, #tpu.memory_space<vmem>>, vector<16xf32>,
      %get3A_517 = arith.constant 0 : i32
      %get3A_518 = arith.index_cast %get3A_517 : i32 to index
      %get3A_519 = arith.constant 288 : index
      %get3A_520 = tpu.vector_load %arg10[%get3A_518, %get3A_519] {strides = array<i32>} : memref<64x512xf32, #tpu.memory_space<vmem>>, vector<16xf32>,
      %mul3A_521 = arith.mulf %get3A_155, %get3A_520 : vector<16xf32>
      %sub3A_522 = arith.subf %scan3A_148#18, %mul3A_521 : vector<16xf32>
      %mul3A_523 = arith.mulf %sub3A_522, %get3A_158 : vector<16xf32>
      %get3A_524 = arith.constant 0 : i32
      %get3A_525 = arith.index_cast %get3A_524 : i32 to index
      %get3A_526 = arith.constant 288 : index
      %get3A_527 = tpu.vector_load %arg12[%get3A_525, %get3A_526] {strides = array<i32>} : memref<2x512xf32, #tpu.memory_space<vmem>>, vector<16xf32>,
      %sub3A_528 = arith.subf %get3A_527, %mul3A_523 : vector<16xf32>
      %swap3A_529 = arith.constant 0 : i32
      %swap3A_530 = arith.index_cast %swap3A_529 : i32 to index
      %swap3A_531 = arith.constant 288 : index
      %swap3A_532 = tpu.vector_load %arg14[%swap3A_530, %swap3A_531] {strides = array<i32>} : memref<2x1024xf32, #tpu.memory_space<vmem>>, vector<16xf32>,
      tpu.vector_store %arg14[%swap3A_530, %swap3A_531], %sub3A_528 {strides = array<i32>} : memref<2x1024xf32, #tpu.memory_space<vmem>>, vector<16xf32>,
      %swap3A_533 = arith.constant 0 : i32
      %swap3A_534 = arith.index_cast %swap3A_533 : i32 to index
      %swap3A_535 = arith.constant 800 : index
      %swap3A_536 = tpu.vector_load %arg14[%swap3A_534, %swap3A_535] {strides = array<i32>} : memref<2x1024xf32, #tpu.memory_space<vmem>>, vector<16xf32>,
      tpu.vector_store %arg14[%swap3A_534, %swap3A_535], %mul3A_523 {strides = array<i32>} : memref<2x1024xf32, #tpu.memory_space<vmem>>, vector<16xf32>,
      %get3A_537 = arith.constant 0 : i32
      %get3A_538 = arith.index_cast %get3A_537 : i32 to index
      %get3A_539 = arith.constant 304 : index
      %get3A_540 = tpu.vector_load %arg10[%get3A_538, %get3A_539] {strides = array<i32>} : memref<64x512xf32, #tpu.memory_space<vmem>>, vector<16xf32>,
      %mul3A_541 = arith.mulf %get3A_155, %get3A_540 : vector<16xf32>
      %sub3A_542 = arith.subf %scan3A_148#19, %mul3A_541 : vector<16xf32>
      %mul3A_543 = arith.mulf %sub3A_542, %get3A_158 : vector<16xf32>
      %get3A_544 = arith.constant 0 : i32
      %get3A_545 = arith.index_cast %get3A_544 : i32 to index
      %get3A_546 = arith.constant 304 : index
      %get3A_547 = tpu.vector_load %arg12[%get3A_545, %get3A_546] {strides = array<i32>} : memref<2x512xf32, #tpu.memory_space<vmem>>, vector<16xf32>,
      %sub3A_548 = arith.subf %get3A_547, %mul3A_543 : vector<16xf32>
      %swap3A_549 = arith.constant 0 : i32
      %swap3A_550 = arith.index_cast %swap3A_549 : i32 to index
      %swap3A_551 = arith.constant 304 : index
      %swap3A_552 = tpu.vector_load %arg14[%swap3A_550, %swap3A_551] {strides = array<i32>} : memref<2x1024xf32, #tpu.memory_space<vmem>>, vector<16xf32>,
      tpu.vector_store %arg14[%swap3A_550, %swap3A_551], %sub3A_548 {strides = array<i32>} : memref<2x1024xf32, #tpu.memory_space<vmem>>, vector<16xf32>,
      %swap3A_553 = arith.constant 0 : i32
      %swap3A_554 = arith.index_cast %swap3A_553 : i32 to index
      %swap3A_555 = arith.constant 816 : index
      %swap3A_556 = tpu.vector_load %arg14[%swap3A_554, %swap3A_555] {strides = array<i32>} : memref<2x1024xf32, #tpu.memory_space<vmem>>, vector<16xf32>,
      tpu.vector_store %arg14[%swap3A_554, %swap3A_555], %mul3A_543 {strides = array<i32>} : memref<2x1024xf32, #tpu.memory_space<vmem>>, vector<16xf32>,
      %get3A_557 = arith.constant 0 : i32
      %get3A_558 = arith.index_cast %get3A_557 : i32 to index
      %get3A_559 = arith.constant 320 : index
      %get3A_560 = tpu.vector_load %arg10[%get3A_558, %get3A_559] {strides = array<i32>} : memref<64x512xf32, #tpu.memory_space<vmem>>, vector<16xf32>,
      %mul3A_561 = arith.mulf %get3A_155, %get3A_560 : vector<16xf32>
      %sub3A_562 = arith.subf %scan3A_148#20, %mul3A_561 : vector<16xf32>
      %mul3A_563 = arith.mulf %sub3A_562, %get3A_158 : vector<16xf32>
      %get3A_564 = arith.constant 0 : i32
      %get3A_565 = arith.index_cast %get3A_564 : i32 to index
      %get3A_566 = arith.constant 320 : index
      %get3A_567 = tpu.vector_load %arg12[%get3A_565, %get3A_566] {strides = array<i32>} : memref<2x512xf32, #tpu.memory_space<vmem>>, vector<16xf32>,
      %sub3A_568 = arith.subf %get3A_567, %mul3A_563 : vector<16xf32>
      %swap3A_569 = arith.constant 0 : i32
      %swap3A_570 = arith.index_cast %swap3A_569 : i32 to index
      %swap3A_571 = arith.constant 320 : index
      %swap3A_572 = tpu.vector_load %arg14[%swap3A_570, %swap3A_571] {strides = array<i32>} : memref<2x1024xf32, #tpu.memory_space<vmem>>, vector<16xf32>,
      tpu.vector_store %arg14[%swap3A_570, %swap3A_571], %sub3A_568 {strides = array<i32>} : memref<2x1024xf32, #tpu.memory_space<vmem>>, vector<16xf32>,
      %swap3A_573 = arith.constant 0 : i32
      %swap3A_574 = arith.index_cast %swap3A_573 : i32 to index
      %swap3A_575 = arith.constant 832 : index
      %swap3A_576 = tpu.vector_load %arg14[%swap3A_574, %swap3A_575] {strides = array<i32>} : memref<2x1024xf32, #tpu.memory_space<vmem>>, vector<16xf32>,
      tpu.vector_store %arg14[%swap3A_574, %swap3A_575], %mul3A_563 {strides = array<i32>} : memref<2x1024xf32, #tpu.memory_space<vmem>>, vector<16xf32>,
      %get3A_577 = arith.constant 0 : i32
      %get3A_578 = arith.index_cast %get3A_577 : i32 to index
      %get3A_579 = arith.constant 336 : index
      %get3A_580 = tpu.vector_load %arg10[%get3A_578, %get3A_579] {strides = array<i32>} : memref<64x512xf32, #tpu.memory_space<vmem>>, vector<16xf32>,
      %mul3A_581 = arith.mulf %get3A_155, %get3A_580 : vector<16xf32>
      %sub3A_582 = arith.subf %scan3A_148#21, %mul3A_581 : vector<16xf32>
      %mul3A_583 = arith.mulf %sub3A_582, %get3A_158 : vector<16xf32>
      %get3A_584 = arith.constant 0 : i32
      %get3A_585 = arith.index_cast %get3A_584 : i32 to index
      %get3A_586 = arith.constant 336 : index
      %get3A_587 = tpu.vector_load %arg12[%get3A_585, %get3A_586] {strides = array<i32>} : memref<2x512xf32, #tpu.memory_space<vmem>>, vector<16xf32>,
      %sub3A_588 = arith.subf %get3A_587, %mul3A_583 : vector<16xf32>
      %swap3A_589 = arith.constant 0 : i32
      %swap3A_590 = arith.index_cast %swap3A_589 : i32 to index
      %swap3A_591 = arith.constant 336 : index
      %swap3A_592 = tpu.vector_load %arg14[%swap3A_590, %swap3A_591] {strides = array<i32>} : memref<2x1024xf32, #tpu.memory_space<vmem>>, vector<16xf32>,
      tpu.vector_store %arg14[%swap3A_590, %swap3A_591], %sub3A_588 {strides = array<i32>} : memref<2x1024xf32, #tpu.memory_space<vmem>>, vector<16xf32>,
      %swap3A_593 = arith.constant 0 : i32
      %swap3A_594 = arith.index_cast %swap3A_593 : i32 to index
      %swap3A_595 = arith.constant 848 : index
      %swap3A_596 = tpu.vector_load %arg14[%swap3A_594, %swap3A_595] {strides = array<i32>} : memref<2x1024xf32, #tpu.memory_space<vmem>>, vector<16xf32>,
      tpu.vector_store %arg14[%swap3A_594, %swap3A_595], %mul3A_583 {strides = array<i32>} : memref<2x1024xf32, #tpu.memory_space<vmem>>, vector<16xf32>,
      %get3A_597 = arith.constant 0 : i32
      %get3A_598 = arith.index_cast %get3A_597 : i32 to index
      %get3A_599 = arith.constant 352 : index
      %get3A_600 = tpu.vector_load %arg10[%get3A_598, %get3A_599] {strides = array<i32>} : memref<64x512xf32, #tpu.memory_space<vmem>>, vector<16xf32>,
      %mul3A_601 = arith.mulf %get3A_155, %get3A_600 : vector<16xf32>
      %sub3A_602 = arith.subf %scan3A_148#22, %mul3A_601 : vector<16xf32>
      %mul3A_603 = arith.mulf %sub3A_602, %get3A_158 : vector<16xf32>
      %get3A_604 = arith.constant 0 : i32
      %get3A_605 = arith.index_cast %get3A_604 : i32 to index
      %get3A_606 = arith.constant 352 : index
      %get3A_607 = tpu.vector_load %arg12[%get3A_605, %get3A_606] {strides = array<i32>} : memref<2x512xf32, #tpu.memory_space<vmem>>, vector<16xf32>,
      %sub3A_608 = arith.subf %get3A_607, %mul3A_603 : vector<16xf32>
      %swap3A_609 = arith.constant 0 : i32
      %swap3A_610 = arith.index_cast %swap3A_609 : i32 to index
      %swap3A_611 = arith.constant 352 : index
      %swap3A_612 = tpu.vector_load %arg14[%swap3A_610, %swap3A_611] {strides = array<i32>} : memref<2x1024xf32, #tpu.memory_space<vmem>>, vector<16xf32>,
      tpu.vector_store %arg14[%swap3A_610, %swap3A_611], %sub3A_608 {strides = array<i32>} : memref<2x1024xf32, #tpu.memory_space<vmem>>, vector<16xf32>,
      %swap3A_613 = arith.constant 0 : i32
      %swap3A_614 = arith.index_cast %swap3A_613 : i32 to index
      %swap3A_615 = arith.constant 864 : index
      %swap3A_616 = tpu.vector_load %arg14[%swap3A_614, %swap3A_615] {strides = array<i32>} : memref<2x1024xf32, #tpu.memory_space<vmem>>, vector<16xf32>,
      tpu.vector_store %arg14[%swap3A_614, %swap3A_615], %mul3A_603 {strides = array<i32>} : memref<2x1024xf32, #tpu.memory_space<vmem>>, vector<16xf32>,
      %get3A_617 = arith.constant 0 : i32
      %get3A_618 = arith.index_cast %get3A_617 : i32 to index
      %get3A_619 = arith.constant 368 : index
      %get3A_620 = tpu.vector_load %arg10[%get3A_618, %get3A_619] {strides = array<i32>} : memref<64x512xf32, #tpu.memory_space<vmem>>, vector<16xf32>,
      %mul3A_621 = arith.mulf %get3A_155, %get3A_620 : vector<16xf32>
      %sub3A_622 = arith.subf %scan3A_148#23, %mul3A_621 : vector<16xf32>
      %mul3A_623 = arith.mulf %sub3A_622, %get3A_158 : vector<16xf32>
      %get3A_624 = arith.constant 0 : i32
      %get3A_625 = arith.index_cast %get3A_624 : i32 to index
      %get3A_626 = arith.constant 368 : index
      %get3A_627 = tpu.vector_load %arg12[%get3A_625, %get3A_626] {strides = array<i32>} : memref<2x512xf32, #tpu.memory_space<vmem>>, vector<16xf32>,
      %sub3A_628 = arith.subf %get3A_627, %mul3A_623 : vector<16xf32>
      %swap3A_629 = arith.constant 0 : i32
      %swap3A_630 = arith.index_cast %swap3A_629 : i32 to index
      %swap3A_631 = arith.constant 368 : index
      %swap3A_632 = tpu.vector_load %arg14[%swap3A_630, %swap3A_631] {strides = array<i32>} : memref<2x1024xf32, #tpu.memory_space<vmem>>, vector<16xf32>,
      tpu.vector_store %arg14[%swap3A_630, %swap3A_631], %sub3A_628 {strides = array<i32>} : memref<2x1024xf32, #tpu.memory_space<vmem>>, vector<16xf32>,
      %swap3A_633 = arith.constant 0 : i32
      %swap3A_634 = arith.index_cast %swap3A_633 : i32 to index
      %swap3A_635 = arith.constant 880 : index
      %swap3A_636 = tpu.vector_load %arg14[%swap3A_634, %swap3A_635] {strides = array<i32>} : memref<2x1024xf32, #tpu.memory_space<vmem>>, vector<16xf32>,
      tpu.vector_store %arg14[%swap3A_634, %swap3A_635], %mul3A_623 {strides = array<i32>} : memref<2x1024xf32, #tpu.memory_space<vmem>>, vector<16xf32>,
      %get3A_637 = arith.constant 0 : i32
      %get3A_638 = arith.index_cast %get3A_637 : i32 to index
      %get3A_639 = arith.constant 384 : index
      %get3A_640 = tpu.vector_load %arg10[%get3A_638, %get3A_639] {strides = array<i32>} : memref<64x512xf32, #tpu.memory_space<vmem>>, vector<16xf32>,
      %mul3A_641 = arith.mulf %get3A_155, %get3A_640 : vector<16xf32>
      %sub3A_642 = arith.subf %scan3A_148#24, %mul3A_641 : vector<16xf32>
      %mul3A_643 = arith.mulf %sub3A_642, %get3A_158 : vector<16xf32>
      %get3A_644 = arith.constant 0 : i32
      %get3A_645 = arith.index_cast %get3A_644 : i32 to index
      %get3A_646 = arith.constant 384 : index
      %get3A_647 = tpu.vector_load %arg12[%get3A_645, %get3A_646] {strides = array<i32>} : memref<2x512xf32, #tpu.memory_space<vmem>>, vector<16xf32>,
      %sub3A_648 = arith.subf %get3A_647, %mul3A_643 : vector<16xf32>
      %swap3A_649 = arith.constant 0 : i32
      %swap3A_650 = arith.index_cast %swap3A_649 : i32 to index
      %swap3A_651 = arith.constant 384 : index
      %swap3A_652 = tpu.vector_load %arg14[%swap3A_650, %swap3A_651] {strides = array<i32>} : memref<2x1024xf32, #tpu.memory_space<vmem>>, vector<16xf32>,
      tpu.vector_store %arg14[%swap3A_650, %swap3A_651], %sub3A_648 {strides = array<i32>} : memref<2x1024xf32, #tpu.memory_space<vmem>>, vector<16xf32>,
      %swap3A_653 = arith.constant 0 : i32
      %swap3A_654 = arith.index_cast %swap3A_653 : i32 to index
      %swap3A_655 = arith.constant 896 : index
      %swap3A_656 = tpu.vector_load %arg14[%swap3A_654, %swap3A_655] {strides = array<i32>} : memref<2x1024xf32, #tpu.memory_space<vmem>>, vector<16xf32>,
      tpu.vector_store %arg14[%swap3A_654, %swap3A_655], %mul3A_643 {strides = array<i32>} : memref<2x1024xf32, #tpu.memory_space<vmem>>, vector<16xf32>,
      %get3A_657 = arith.constant 0 : i32
      %get3A_658 = arith.index_cast %get3A_657 : i32 to index
      %get3A_659 = arith.constant 400 : index
      %get3A_660 = tpu.vector_load %arg10[%get3A_658, %get3A_659] {strides = array<i32>} : memref<64x512xf32, #tpu.memory_space<vmem>>, vector<16xf32>,
      %mul3A_661 = arith.mulf %get3A_155, %get3A_660 : vector<16xf32>
      %sub3A_662 = arith.subf %scan3A_148#25, %mul3A_661 : vector<16xf32>
      %mul3A_663 = arith.mulf %sub3A_662, %get3A_158 : vector<16xf32>
      %get3A_664 = arith.constant 0 : i32
      %get3A_665 = arith.index_cast %get3A_664 : i32 to index
      %get3A_666 = arith.constant 400 : index
      %get3A_667 = tpu.vector_load %arg12[%get3A_665, %get3A_666] {strides = array<i32>} : memref<2x512xf32, #tpu.memory_space<vmem>>, vector<16xf32>,
      %sub3A_668 = arith.subf %get3A_667, %mul3A_663 : vector<16xf32>
      %swap3A_669 = arith.constant 0 : i32
      %swap3A_670 = arith.index_cast %swap3A_669 : i32 to index
      %swap3A_671 = arith.constant 400 : index
      %swap3A_672 = tpu.vector_load %arg14[%swap3A_670, %swap3A_671] {strides = array<i32>} : memref<2x1024xf32, #tpu.memory_space<vmem>>, vector<16xf32>,
      tpu.vector_store %arg14[%swap3A_670, %swap3A_671], %sub3A_668 {strides = array<i32>} : memref<2x1024xf32, #tpu.memory_space<vmem>>, vector<16xf32>,
      %swap3A_673 = arith.constant 0 : i32
      %swap3A_674 = arith.index_cast %swap3A_673 : i32 to index
      %swap3A_675 = arith.constant 912 : index
      %swap3A_676 = tpu.vector_load %arg14[%swap3A_674, %swap3A_675] {strides = array<i32>} : memref<2x1024xf32, #tpu.memory_space<vmem>>, vector<16xf32>,
      tpu.vector_store %arg14[%swap3A_674, %swap3A_675], %mul3A_663 {strides = array<i32>} : memref<2x1024xf32, #tpu.memory_space<vmem>>, vector<16xf32>,
      %get3A_677 = arith.constant 0 : i32
      %get3A_678 = arith.index_cast %get3A_677 : i32 to index
      %get3A_679 = arith.constant 416 : index
      %get3A_680 = tpu.vector_load %arg10[%get3A_678, %get3A_679] {strides = array<i32>} : memref<64x512xf32, #tpu.memory_space<vmem>>, vector<16xf32>,
      %mul3A_681 = arith.mulf %get3A_155, %get3A_680 : vector<16xf32>
      %sub3A_682 = arith.subf %scan3A_148#26, %mul3A_681 : vector<16xf32>
      %mul3A_683 = arith.mulf %sub3A_682, %get3A_158 : vector<16xf32>
      %get3A_684 = arith.constant 0 : i32
      %get3A_685 = arith.index_cast %get3A_684 : i32 to index
      %get3A_686 = arith.constant 416 : index
      %get3A_687 = tpu.vector_load %arg12[%get3A_685, %get3A_686] {strides = array<i32>} : memref<2x512xf32, #tpu.memory_space<vmem>>, vector<16xf32>,
      %sub3A_688 = arith.subf %get3A_687, %mul3A_683 : vector<16xf32>
      %swap3A_689 = arith.constant 0 : i32
      %swap3A_690 = arith.index_cast %swap3A_689 : i32 to index
      %swap3A_691 = arith.constant 416 : index
      %swap3A_692 = tpu.vector_load %arg14[%swap3A_690, %swap3A_691] {strides = array<i32>} : memref<2x1024xf32, #tpu.memory_space<vmem>>, vector<16xf32>,
      tpu.vector_store %arg14[%swap3A_690, %swap3A_691], %sub3A_688 {strides = array<i32>} : memref<2x1024xf32, #tpu.memory_space<vmem>>, vector<16xf32>,
      %swap3A_693 = arith.constant 0 : i32
      %swap3A_694 = arith.index_cast %swap3A_693 : i32 to index
      %swap3A_695 = arith.constant 928 : index
      %swap3A_696 = tpu.vector_load %arg14[%swap3A_694, %swap3A_695] {strides = array<i32>} : memref<2x1024xf32, #tpu.memory_space<vmem>>, vector<16xf32>,
      tpu.vector_store %arg14[%swap3A_694, %swap3A_695], %mul3A_683 {strides = array<i32>} : memref<2x1024xf32, #tpu.memory_space<vmem>>, vector<16xf32>,
      %get3A_697 = arith.constant 0 : i32
      %get3A_698 = arith.index_cast %get3A_697 : i32 to index
      %get3A_699 = arith.constant 432 : index
      %get3A_700 = tpu.vector_load %arg10[%get3A_698, %get3A_699] {strides = array<i32>} : memref<64x512xf32, #tpu.memory_space<vmem>>, vector<16xf32>,
      %mul3A_701 = arith.mulf %get3A_155, %get3A_700 : vector<16xf32>
      %sub3A_702 = arith.subf %scan3A_148#27, %mul3A_701 : vector<16xf32>
      %mul3A_703 = arith.mulf %sub3A_702, %get3A_158 : vector<16xf32>
      %get3A_704 = arith.constant 0 : i32
      %get3A_705 = arith.index_cast %get3A_704 : i32 to index
      %get3A_706 = arith.constant 432 : index
      %get3A_707 = tpu.vector_load %arg12[%get3A_705, %get3A_706] {strides = array<i32>} : memref<2x512xf32, #tpu.memory_space<vmem>>, vector<16xf32>,
      %sub3A_708 = arith.subf %get3A_707, %mul3A_703 : vector<16xf32>
      %swap3A_709 = arith.constant 0 : i32
      %swap3A_710 = arith.index_cast %swap3A_709 : i32 to index
      %swap3A_711 = arith.constant 432 : index
      %swap3A_712 = tpu.vector_load %arg14[%swap3A_710, %swap3A_711] {strides = array<i32>} : memref<2x1024xf32, #tpu.memory_space<vmem>>, vector<16xf32>,
      tpu.vector_store %arg14[%swap3A_710, %swap3A_711], %sub3A_708 {strides = array<i32>} : memref<2x1024xf32, #tpu.memory_space<vmem>>, vector<16xf32>,
      %swap3A_713 = arith.constant 0 : i32
      %swap3A_714 = arith.index_cast %swap3A_713 : i32 to index
      %swap3A_715 = arith.constant 944 : index
      %swap3A_716 = tpu.vector_load %arg14[%swap3A_714, %swap3A_715] {strides = array<i32>} : memref<2x1024xf32, #tpu.memory_space<vmem>>, vector<16xf32>,
      tpu.vector_store %arg14[%swap3A_714, %swap3A_715], %mul3A_703 {strides = array<i32>} : memref<2x1024xf32, #tpu.memory_space<vmem>>, vector<16xf32>,
      %get3A_717 = arith.constant 0 : i32
      %get3A_718 = arith.index_cast %get3A_717 : i32 to index
      %get3A_719 = arith.constant 448 : index
      %get3A_720 = tpu.vector_load %arg10[%get3A_718, %get3A_719] {strides = array<i32>} : memref<64x512xf32, #tpu.memory_space<vmem>>, vector<16xf32>,
      %mul3A_721 = arith.mulf %get3A_155, %get3A_720 : vector<16xf32>
      %sub3A_722 = arith.subf %scan3A_148#28, %mul3A_721 : vector<16xf32>
      %mul3A_723 = arith.mulf %sub3A_722, %get3A_158 : vector<16xf32>
      %get3A_724 = arith.constant 0 : i32
      %get3A_725 = arith.index_cast %get3A_724 : i32 to index
      %get3A_726 = arith.constant 448 : index
      %get3A_727 = tpu.vector_load %arg12[%get3A_725, %get3A_726] {strides = array<i32>} : memref<2x512xf32, #tpu.memory_space<vmem>>, vector<16xf32>,
      %sub3A_728 = arith.subf %get3A_727, %mul3A_723 : vector<16xf32>
      %swap3A_729 = arith.constant 0 : i32
      %swap3A_730 = arith.index_cast %swap3A_729 : i32 to index
      %swap3A_731 = arith.constant 448 : index
      %swap3A_732 = tpu.vector_load %arg14[%swap3A_730, %swap3A_731] {strides = array<i32>} : memref<2x1024xf32, #tpu.memory_space<vmem>>, vector<16xf32>,
      tpu.vector_store %arg14[%swap3A_730, %swap3A_731], %sub3A_728 {strides = array<i32>} : memref<2x1024xf32, #tpu.memory_space<vmem>>, vector<16xf32>,
      %swap3A_733 = arith.constant 0 : i32
      %swap3A_734 = arith.index_cast %swap3A_733 : i32 to index
      %swap3A_735 = arith.constant 960 : index
      %swap3A_736 = tpu.vector_load %arg14[%swap3A_734, %swap3A_735] {strides = array<i32>} : memref<2x1024xf32, #tpu.memory_space<vmem>>, vector<16xf32>,
      tpu.vector_store %arg14[%swap3A_734, %swap3A_735], %mul3A_723 {strides = array<i32>} : memref<2x1024xf32, #tpu.memory_space<vmem>>, vector<16xf32>,
      %get3A_737 = arith.constant 0 : i32
      %get3A_738 = arith.index_cast %get3A_737 : i32 to index
      %get3A_739 = arith.constant 464 : index
      %get3A_740 = tpu.vector_load %arg10[%get3A_738, %get3A_739] {strides = array<i32>} : memref<64x512xf32, #tpu.memory_space<vmem>>, vector<16xf32>,
      %mul3A_741 = arith.mulf %get3A_155, %get3A_740 : vector<16xf32>
      %sub3A_742 = arith.subf %scan3A_148#29, %mul3A_741 : vector<16xf32>
      %mul3A_743 = arith.mulf %sub3A_742, %get3A_158 : vector<16xf32>
      %get3A_744 = arith.constant 0 : i32
      %get3A_745 = arith.index_cast %get3A_744 : i32 to index
      %get3A_746 = arith.constant 464 : index
      %get3A_747 = tpu.vector_load %arg12[%get3A_745, %get3A_746] {strides = array<i32>} : memref<2x512xf32, #tpu.memory_space<vmem>>, vector<16xf32>,
      %sub3A_748 = arith.subf %get3A_747, %mul3A_743 : vector<16xf32>
      %swap3A_749 = arith.constant 0 : i32
      %swap3A_750 = arith.index_cast %swap3A_749 : i32 to index
      %swap3A_751 = arith.constant 464 : index
      %swap3A_752 = tpu.vector_load %arg14[%swap3A_750, %swap3A_751] {strides = array<i32>} : memref<2x1024xf32, #tpu.memory_space<vmem>>, vector<16xf32>,
      tpu.vector_store %arg14[%swap3A_750, %swap3A_751], %sub3A_748 {strides = array<i32>} : memref<2x1024xf32, #tpu.memory_space<vmem>>, vector<16xf32>,
      %swap3A_753 = arith.constant 0 : i32
      %swap3A_754 = arith.index_cast %swap3A_753 : i32 to index
      %swap3A_755 = arith.constant 976 : index
      %swap3A_756 = tpu.vector_load %arg14[%swap3A_754, %swap3A_755] {strides = array<i32>} : memref<2x1024xf32, #tpu.memory_space<vmem>>, vector<16xf32>,
      tpu.vector_store %arg14[%swap3A_754, %swap3A_755], %mul3A_743 {strides = array<i32>} : memref<2x1024xf32, #tpu.memory_space<vmem>>, vector<16xf32>,
      %get3A_757 = arith.constant 0 : i32
      %get3A_758 = arith.index_cast %get3A_757 : i32 to index
      %get3A_759 = arith.constant 480 : index
      %get3A_760 = tpu.vector_load %arg10[%get3A_758, %get3A_759] {strides = array<i32>} : memref<64x512xf32, #tpu.memory_space<vmem>>, vector<16xf32>,
      %mul3A_761 = arith.mulf %get3A_155, %get3A_760 : vector<16xf32>
      %sub3A_762 = arith.subf %scan3A_148#30, %mul3A_761 : vector<16xf32>
      %mul3A_763 = arith.mulf %sub3A_762, %get3A_158 : vector<16xf32>
      %get3A_764 = arith.constant 0 : i32
      %get3A_765 = arith.index_cast %get3A_764 : i32 to index
      %get3A_766 = arith.constant 480 : index
      %get3A_767 = tpu.vector_load %arg12[%get3A_765, %get3A_766] {strides = array<i32>} : memref<2x512xf32, #tpu.memory_space<vmem>>, vector<16xf32>,
      %sub3A_768 = arith.subf %get3A_767, %mul3A_763 : vector<16xf32>
      %swap3A_769 = arith.constant 0 : i32
      %swap3A_770 = arith.index_cast %swap3A_769 : i32 to index
      %swap3A_771 = arith.constant 480 : index
      %swap3A_772 = tpu.vector_load %arg14[%swap3A_770, %swap3A_771] {strides = array<i32>} : memref<2x1024xf32, #tpu.memory_space<vmem>>, vector<16xf32>,
      tpu.vector_store %arg14[%swap3A_770, %swap3A_771], %sub3A_768 {strides = array<i32>} : memref<2x1024xf32, #tpu.memory_space<vmem>>, vector<16xf32>,
      %swap3A_773 = arith.constant 0 : i32
      %swap3A_774 = arith.index_cast %swap3A_773 : i32 to index
      %swap3A_775 = arith.constant 992 : index
      %swap3A_776 = tpu.vector_load %arg14[%swap3A_774, %swap3A_775] {strides = array<i32>} : memref<2x1024xf32, #tpu.memory_space<vmem>>, vector<16xf32>,
      tpu.vector_store %arg14[%swap3A_774, %swap3A_775], %mul3A_763 {strides = array<i32>} : memref<2x1024xf32, #tpu.memory_space<vmem>>, vector<16xf32>,
      %get3A_777 = arith.constant 0 : i32
      %get3A_778 = arith.index_cast %get3A_777 : i32 to index
      %get3A_779 = arith.constant 496 : index
      %get3A_780 = tpu.vector_load %arg10[%get3A_778, %get3A_779] {strides = array<i32>} : memref<64x512xf32, #tpu.memory_space<vmem>>, vector<16xf32>,
      %mul3A_781 = arith.mulf %get3A_155, %get3A_780 : vector<16xf32>
      %sub3A_782 = arith.subf %scan3A_148#31, %mul3A_781 : vector<16xf32>
      %mul3A_783 = arith.mulf %sub3A_782, %get3A_158 : vector<16xf32>
      %get3A_784 = arith.constant 0 : i32
      %get3A_785 = arith.index_cast %get3A_784 : i32 to index
      %get3A_786 = arith.constant 496 : index
      %get3A_787 = tpu.vector_load %arg12[%get3A_785, %get3A_786] {strides = array<i32>} : memref<2x512xf32, #tpu.memory_space<vmem>>, vector<16xf32>,
      %sub3A_788 = arith.subf %get3A_787, %mul3A_783 : vector<16xf32>
      %swap3A_789 = arith.constant 0 : i32
      %swap3A_790 = arith.index_cast %swap3A_789 : i32 to index
      %swap3A_791 = arith.constant 496 : index
      %swap3A_792 = tpu.vector_load %arg14[%swap3A_790, %swap3A_791] {strides = array<i32>} : memref<2x1024xf32, #tpu.memory_space<vmem>>, vector<16xf32>,
      tpu.vector_store %arg14[%swap3A_790, %swap3A_791], %sub3A_788 {strides = array<i32>} : memref<2x1024xf32, #tpu.memory_space<vmem>>, vector<16xf32>,
      %swap3A_793 = arith.constant 0 : i32
      %swap3A_794 = arith.index_cast %swap3A_793 : i32 to index
      %swap3A_795 = arith.constant 1008 : index
      %swap3A_796 = tpu.vector_load %arg14[%swap3A_794, %swap3A_795] {strides = array<i32>} : memref<2x1024xf32, #tpu.memory_space<vmem>>, vector<16xf32>,
      tpu.vector_store %arg14[%swap3A_794, %swap3A_795], %mul3A_783 {strides = array<i32>} : memref<2x1024xf32, #tpu.memory_space<vmem>>, vector<16xf32>,
      %broadcast_in_dim3A_797 = arith.constant 0.000000e+00 : f32
      %broadcast_in_dim3A_798 = vector.broadcast %broadcast_in_dim3A_797 : f32 to vector<16xf32>
      %broadcast_in_dim3A_799 = arith.constant 0.000000e+00 : f32
      %broadcast_in_dim3A_800 = vector.broadcast %broadcast_in_dim3A_799 : f32 to vector<16xf32>
      %broadcast_in_dim3A_801 = arith.constant 0.000000e+00 : f32
      %broadcast_in_dim3A_802 = vector.broadcast %broadcast_in_dim3A_801 : f32 to vector<16xf32>
      %broadcast_in_dim3A_803 = arith.constant 0.000000e+00 : f32
      %broadcast_in_dim3A_804 = vector.broadcast %broadcast_in_dim3A_803 : f32 to vector<16xf32>
      %broadcast_in_dim3A_805 = arith.constant 0.000000e+00 : f32
      %broadcast_in_dim3A_806 = vector.broadcast %broadcast_in_dim3A_805 : f32 to vector<16xf32>
      %broadcast_in_dim3A_807 = arith.constant 0.000000e+00 : f32
      %broadcast_in_dim3A_808 = vector.broadcast %broadcast_in_dim3A_807 : f32 to vector<16xf32>
      %broadcast_in_dim3A_809 = arith.constant 0.000000e+00 : f32
      %broadcast_in_dim3A_810 = vector.broadcast %broadcast_in_dim3A_809 : f32 to vector<16xf32>
      %broadcast_in_dim3A_811 = arith.constant 0.000000e+00 : f32
      %broadcast_in_dim3A_812 = vector.broadcast %broadcast_in_dim3A_811 : f32 to vector<16xf32>
      %broadcast_in_dim3A_813 = arith.constant 0.000000e+00 : f32
      %broadcast_in_dim3A_814 = vector.broadcast %broadcast_in_dim3A_813 : f32 to vector<16xf32>
      %broadcast_in_dim3A_815 = arith.constant 0.000000e+00 : f32
      %broadcast_in_dim3A_816 = vector.broadcast %broadcast_in_dim3A_815 : f32 to vector<16xf32>
      %broadcast_in_dim3A_817 = arith.constant 0.000000e+00 : f32
      %broadcast_in_dim3A_818 = vector.broadcast %broadcast_in_dim3A_817 : f32 to vector<16xf32>
      %broadcast_in_dim3A_819 = arith.constant 0.000000e+00 : f32
      %broadcast_in_dim3A_820 = vector.broadcast %broadcast_in_dim3A_819 : f32 to vector<16xf32>
      %broadcast_in_dim3A_821 = arith.constant 0.000000e+00 : f32
      %broadcast_in_dim3A_822 = vector.broadcast %broadcast_in_dim3A_821 : f32 to vector<16xf32>
      %broadcast_in_dim3A_823 = arith.constant 0.000000e+00 : f32
      %broadcast_in_dim3A_824 = vector.broadcast %broadcast_in_dim3A_823 : f32 to vector<16xf32>
      %broadcast_in_dim3A_825 = arith.constant 0.000000e+00 : f32
      %broadcast_in_dim3A_826 = vector.broadcast %broadcast_in_dim3A_825 : f32 to vector<16xf32>
      %broadcast_in_dim3A_827 = arith.constant 0.000000e+00 : f32
      %broadcast_in_dim3A_828 = vector.broadcast %broadcast_in_dim3A_827 : f32 to vector<16xf32>
      %broadcast_in_dim3A_829 = arith.constant 0.000000e+00 : f32
      %broadcast_in_dim3A_830 = vector.broadcast %broadcast_in_dim3A_829 : f32 to vector<16xf32>
      %broadcast_in_dim3A_831 = arith.constant 0.000000e+00 : f32
      %broadcast_in_dim3A_832 = vector.broadcast %broadcast_in_dim3A_831 : f32 to vector<16xf32>
      %broadcast_in_dim3A_833 = arith.constant 0.000000e+00 : f32
      %broadcast_in_dim3A_834 = vector.broadcast %broadcast_in_dim3A_833 : f32 to vector<16xf32>
      %broadcast_in_dim3A_835 = arith.constant 0.000000e+00 : f32
      %broadcast_in_dim3A_836 = vector.broadcast %broadcast_in_dim3A_835 : f32 to vector<16xf32>
      %broadcast_in_dim3A_837 = arith.constant 0.000000e+00 : f32
      %broadcast_in_dim3A_838 = vector.broadcast %broadcast_in_dim3A_837 : f32 to vector<16xf32>
      %broadcast_in_dim3A_839 = arith.constant 0.000000e+00 : f32
      %broadcast_in_dim3A_840 = vector.broadcast %broadcast_in_dim3A_839 : f32 to vector<16xf32>
      %broadcast_in_dim3A_841 = arith.constant 0.000000e+00 : f32
      %broadcast_in_dim3A_842 = vector.broadcast %broadcast_in_dim3A_841 : f32 to vector<16xf32>
      %broadcast_in_dim3A_843 = arith.constant 0.000000e+00 : f32
      %broadcast_in_dim3A_844 = vector.broadcast %broadcast_in_dim3A_843 : f32 to vector<16xf32>
      %broadcast_in_dim3A_845 = arith.constant 0.000000e+00 : f32
      %broadcast_in_dim3A_846 = vector.broadcast %broadcast_in_dim3A_845 : f32 to vector<16xf32>
      %broadcast_in_dim3A_847 = arith.constant 0.000000e+00 : f32
      %broadcast_in_dim3A_848 = vector.broadcast %broadcast_in_dim3A_847 : f32 to vector<16xf32>
      %broadcast_in_dim3A_849 = arith.constant 0.000000e+00 : f32
      %broadcast_in_dim3A_850 = vector.broadcast %broadcast_in_dim3A_849 : f32 to vector<16xf32>
      %broadcast_in_dim3A_851 = arith.constant 0.000000e+00 : f32
      %broadcast_in_dim3A_852 = vector.broadcast %broadcast_in_dim3A_851 : f32 to vector<16xf32>
      %broadcast_in_dim3A_853 = arith.constant 0.000000e+00 : f32
      %broadcast_in_dim3A_854 = vector.broadcast %broadcast_in_dim3A_853 : f32 to vector<16xf32>
      %broadcast_in_dim3A_855 = arith.constant 0.000000e+00 : f32
      %broadcast_in_dim3A_856 = vector.broadcast %broadcast_in_dim3A_855 : f32 to vector<16xf32>
      %broadcast_in_dim3A_857 = arith.constant 0.000000e+00 : f32
      %broadcast_in_dim3A_858 = vector.broadcast %broadcast_in_dim3A_857 : f32 to vector<16xf32>
      %broadcast_in_dim3A_859 = arith.constant 0.000000e+00 : f32
      %broadcast_in_dim3A_860 = vector.broadcast %broadcast_in_dim3A_859 : f32 to vector<16xf32>
      %scan3A_861 = arith.constant 0 : i32
      %scan3A_862 = arith.constant 32 : i32
      %scan3A_863 = arith.addi %scan3A_861, %scan3A_862 : i32
      %scan3A_864 = arith.constant 1 : i32
      %scan3A_865:32 = scf.for %scan3A_2995 = %scan3A_861 to %scan3A_863 step %scan3A_864 iter_args(%scan3A_2996 = %broadcast_in_dim3A_798, %scan3A_2997 = %broadcast_in_dim3A_800, %scan3A_2998 = %broadcast_in_dim3A_802, %scan3A_2999 = %broadcast_in_dim3A_804, %scan3A_3000 = %broadcast_in_dim3A_806, %scan3A_3001 = %broadcast_in_dim3A_808, %scan3A_3002 = %broadcast_in_dim3A_810, %scan3A_3003 = %broadcast_in_dim3A_812, %scan3A_3004 = %broadcast_in_dim3A_814, %scan3A_3005 = %broadcast_in_dim3A_816, %scan3A_3006 = %broadcast_in_dim3A_818, %scan3A_3007 = %broadcast_in_dim3A_820, %scan3A_3008 = %broadcast_in_dim3A_822, %scan3A_3009 = %broadcast_in_dim3A_824, %scan3A_3010 = %broadcast_in_dim3A_826, %scan3A_3011 = %broadcast_in_dim3A_828, %scan3A_3012 = %broadcast_in_dim3A_830, %scan3A_3013 = %broadcast_in_dim3A_832, %scan3A_3014 = %broadcast_in_dim3A_834, %scan3A_3015 = %broadcast_in_dim3A_836, %scan3A_3016 = %broadcast_in_dim3A_838, %scan3A_3017 = %broadcast_in_dim3A_840, %scan3A_3018 = %broadcast_in_dim3A_842, %scan3A_3019 = %broadcast_in_dim3A_844, %scan3A_3020 = %broadcast_in_dim3A_846, %scan3A_3021 = %broadcast_in_dim3A_848, %scan3A_3022 = %broadcast_in_dim3A_850, %scan3A_3023 = %broadcast_in_dim3A_852, %scan3A_3024 = %broadcast_in_dim3A_854, %scan3A_3025 = %broadcast_in_dim3A_856, %scan3A_3026 = %broadcast_in_dim3A_858, %scan3A_3027 = %broadcast_in_dim3A_860) -> (vector<16xf32>, vector<16xf32>, vector<16xf32>, vector<16xf32>, vector<16xf32>, vector<16xf32>, vector<16xf32>, vector<16xf32>, vector<16xf32>, vector<16xf32>, vector<16xf32>, vector<16xf32>, vector<16xf32>, vector<16xf32>, vector<16xf32>, vector<16xf32>, vector<16xf32>, vector<16xf32>, vector<16xf32>, vector<16xf32>, vector<16xf32>, vector<16xf32>, vector<16xf32>, vector<16xf32>, vector<16xf32>, vector<16xf32>, vector<16xf32>, vector<16xf32>, vector<16xf32>, vector<16xf32>, vector<16xf32>, vector<16xf32>)  : i32 {
        %mul3A_3028 = arith.constant 1 : i32
        %mul3A_3029 = arith.muli %scan3A_2995, %mul3A_3028 : i32
        %add3A_3030 = arith.constant 32 : i32
        %add3A_3031 = arith.addi %add3A_3030, %mul3A_3029 : i32
        %add3A_3032 = arith.constant 0 : i32
        %add3A_3033 = arith.addi %add3A_3031, %add3A_3032 : i32
        %get3A_3034 = arith.index_cast %add3A_3033 : i32 to index
        %get3A_3035 = arith.constant 0 : index
        %get3A_3036 = tpu.vector_load %arg10[%get3A_3034, %get3A_3035] {strides = array<i32>} : memref<64x512xf32, #tpu.memory_space<vmem>>, vector<16xf32>,
        %add3A_3037 = arith.addf %scan3A_2996, %get3A_3036 : vector<16xf32>
        %get3A_3038 = arith.index_cast %add3A_3033 : i32 to index
        %get3A_3039 = arith.constant 16 : index
        %get3A_3040 = tpu.vector_load %arg10[%get3A_3038, %get3A_3039] {strides = array<i32>} : memref<64x512xf32, #tpu.memory_space<vmem>>, vector<16xf32>,
        %add3A_3041 = arith.addf %scan3A_2997, %get3A_3040 : vector<16xf32>
        %get3A_3042 = arith.index_cast %add3A_3033 : i32 to index
        %get3A_3043 = arith.constant 32 : index
        %get3A_3044 = tpu.vector_load %arg10[%get3A_3042, %get3A_3043] {strides = array<i32>} : memref<64x512xf32, #tpu.memory_space<vmem>>, vector<16xf32>,
        %add3A_3045 = arith.addf %scan3A_2998, %get3A_3044 : vector<16xf32>
        %get3A_3046 = arith.index_cast %add3A_3033 : i32 to index
        %get3A_3047 = arith.constant 48 : index
        %get3A_3048 = tpu.vector_load %arg10[%get3A_3046, %get3A_3047] {strides = array<i32>} : memref<64x512xf32, #tpu.memory_space<vmem>>, vector<16xf32>,
        %add3A_3049 = arith.addf %scan3A_2999, %get3A_3048 : vector<16xf32>
        %get3A_3050 = arith.index_cast %add3A_3033 : i32 to index
        %get3A_3051 = arith.constant 64 : index
        %get3A_3052 = tpu.vector_load %arg10[%get3A_3050, %get3A_3051] {strides = array<i32>} : memref<64x512xf32, #tpu.memory_space<vmem>>, vector<16xf32>,
        %add3A_3053 = arith.addf %scan3A_3000, %get3A_3052 : vector<16xf32>
        %get3A_3054 = arith.index_cast %add3A_3033 : i32 to index
        %get3A_3055 = arith.constant 80 : index
        %get3A_3056 = tpu.vector_load %arg10[%get3A_3054, %get3A_3055] {strides = array<i32>} : memref<64x512xf32, #tpu.memory_space<vmem>>, vector<16xf32>,
        %add3A_3057 = arith.addf %scan3A_3001, %get3A_3056 : vector<16xf32>
        %get3A_3058 = arith.index_cast %add3A_3033 : i32 to index
        %get3A_3059 = arith.constant 96 : index
        %get3A_3060 = tpu.vector_load %arg10[%get3A_3058, %get3A_3059] {strides = array<i32>} : memref<64x512xf32, #tpu.memory_space<vmem>>, vector<16xf32>,
        %add3A_3061 = arith.addf %scan3A_3002, %get3A_3060 : vector<16xf32>
        %get3A_3062 = arith.index_cast %add3A_3033 : i32 to index
        %get3A_3063 = arith.constant 112 : index
        %get3A_3064 = tpu.vector_load %arg10[%get3A_3062, %get3A_3063] {strides = array<i32>} : memref<64x512xf32, #tpu.memory_space<vmem>>, vector<16xf32>,
        %add3A_3065 = arith.addf %scan3A_3003, %get3A_3064 : vector<16xf32>
        %get3A_3066 = arith.index_cast %add3A_3033 : i32 to index
        %get3A_3067 = arith.constant 128 : index
        %get3A_3068 = tpu.vector_load %arg10[%get3A_3066, %get3A_3067] {strides = array<i32>} : memref<64x512xf32, #tpu.memory_space<vmem>>, vector<16xf32>,
        %add3A_3069 = arith.addf %scan3A_3004, %get3A_3068 : vector<16xf32>
        %get3A_3070 = arith.index_cast %add3A_3033 : i32 to index
        %get3A_3071 = arith.constant 144 : index
        %get3A_3072 = tpu.vector_load %arg10[%get3A_3070, %get3A_3071] {strides = array<i32>} : memref<64x512xf32, #tpu.memory_space<vmem>>, vector<16xf32>,
        %add3A_3073 = arith.addf %scan3A_3005, %get3A_3072 : vector<16xf32>
        %get3A_3074 = arith.index_cast %add3A_3033 : i32 to index
        %get3A_3075 = arith.constant 160 : index
        %get3A_3076 = tpu.vector_load %arg10[%get3A_3074, %get3A_3075] {strides = array<i32>} : memref<64x512xf32, #tpu.memory_space<vmem>>, vector<16xf32>,
        %add3A_3077 = arith.addf %scan3A_3006, %get3A_3076 : vector<16xf32>
        %get3A_3078 = arith.index_cast %add3A_3033 : i32 to index
        %get3A_3079 = arith.constant 176 : index
        %get3A_3080 = tpu.vector_load %arg10[%get3A_3078, %get3A_3079] {strides = array<i32>} : memref<64x512xf32, #tpu.memory_space<vmem>>, vector<16xf32>,
        %add3A_3081 = arith.addf %scan3A_3007, %get3A_3080 : vector<16xf32>
        %get3A_3082 = arith.index_cast %add3A_3033 : i32 to index
        %get3A_3083 = arith.constant 192 : index
        %get3A_3084 = tpu.vector_load %arg10[%get3A_3082, %get3A_3083] {strides = array<i32>} : memref<64x512xf32, #tpu.memory_space<vmem>>, vector<16xf32>,
        %add3A_3085 = arith.addf %scan3A_3008, %get3A_3084 : vector<16xf32>
        %get3A_3086 = arith.index_cast %add3A_3033 : i32 to index
        %get3A_3087 = arith.constant 208 : index
        %get3A_3088 = tpu.vector_load %arg10[%get3A_3086, %get3A_3087] {strides = array<i32>} : memref<64x512xf32, #tpu.memory_space<vmem>>, vector<16xf32>,
        %add3A_3089 = arith.addf %scan3A_3009, %get3A_3088 : vector<16xf32>
        %get3A_3090 = arith.index_cast %add3A_3033 : i32 to index
        %get3A_3091 = arith.constant 224 : index
        %get3A_3092 = tpu.vector_load %arg10[%get3A_3090, %get3A_3091] {strides = array<i32>} : memref<64x512xf32, #tpu.memory_space<vmem>>, vector<16xf32>,
        %add3A_3093 = arith.addf %scan3A_3010, %get3A_3092 : vector<16xf32>
        %get3A_3094 = arith.index_cast %add3A_3033 : i32 to index
        %get3A_3095 = arith.constant 240 : index
        %get3A_3096 = tpu.vector_load %arg10[%get3A_3094, %get3A_3095] {strides = array<i32>} : memref<64x512xf32, #tpu.memory_space<vmem>>, vector<16xf32>,
        %add3A_3097 = arith.addf %scan3A_3011, %get3A_3096 : vector<16xf32>
        %get3A_3098 = arith.index_cast %add3A_3033 : i32 to index
        %get3A_3099 = arith.constant 256 : index
        %get3A_3100 = tpu.vector_load %arg10[%get3A_3098, %get3A_3099] {strides = array<i32>} : memref<64x512xf32, #tpu.memory_space<vmem>>, vector<16xf32>,
        %add3A_3101 = arith.addf %scan3A_3012, %get3A_3100 : vector<16xf32>
        %get3A_3102 = arith.index_cast %add3A_3033 : i32 to index
        %get3A_3103 = arith.constant 272 : index
        %get3A_3104 = tpu.vector_load %arg10[%get3A_3102, %get3A_3103] {strides = array<i32>} : memref<64x512xf32, #tpu.memory_space<vmem>>, vector<16xf32>,
        %add3A_3105 = arith.addf %scan3A_3013, %get3A_3104 : vector<16xf32>
        %get3A_3106 = arith.index_cast %add3A_3033 : i32 to index
        %get3A_3107 = arith.constant 288 : index
        %get3A_3108 = tpu.vector_load %arg10[%get3A_3106, %get3A_3107] {strides = array<i32>} : memref<64x512xf32, #tpu.memory_space<vmem>>, vector<16xf32>,
        %add3A_3109 = arith.addf %scan3A_3014, %get3A_3108 : vector<16xf32>
        %get3A_3110 = arith.index_cast %add3A_3033 : i32 to index
        %get3A_3111 = arith.constant 304 : index
        %get3A_3112 = tpu.vector_load %arg10[%get3A_3110, %get3A_3111] {strides = array<i32>} : memref<64x512xf32, #tpu.memory_space<vmem>>, vector<16xf32>,
        %add3A_3113 = arith.addf %scan3A_3015, %get3A_3112 : vector<16xf32>
        %get3A_3114 = arith.index_cast %add3A_3033 : i32 to index
        %get3A_3115 = arith.constant 320 : index
        %get3A_3116 = tpu.vector_load %arg10[%get3A_3114, %get3A_3115] {strides = array<i32>} : memref<64x512xf32, #tpu.memory_space<vmem>>, vector<16xf32>,
        %add3A_3117 = arith.addf %scan3A_3016, %get3A_3116 : vector<16xf32>
        %get3A_3118 = arith.index_cast %add3A_3033 : i32 to index
        %get3A_3119 = arith.constant 336 : index
        %get3A_3120 = tpu.vector_load %arg10[%get3A_3118, %get3A_3119] {strides = array<i32>} : memref<64x512xf32, #tpu.memory_space<vmem>>, vector<16xf32>,
        %add3A_3121 = arith.addf %scan3A_3017, %get3A_3120 : vector<16xf32>
        %get3A_3122 = arith.index_cast %add3A_3033 : i32 to index
        %get3A_3123 = arith.constant 352 : index
        %get3A_3124 = tpu.vector_load %arg10[%get3A_3122, %get3A_3123] {strides = array<i32>} : memref<64x512xf32, #tpu.memory_space<vmem>>, vector<16xf32>,
        %add3A_3125 = arith.addf %scan3A_3018, %get3A_3124 : vector<16xf32>
        %get3A_3126 = arith.index_cast %add3A_3033 : i32 to index
        %get3A_3127 = arith.constant 368 : index
        %get3A_3128 = tpu.vector_load %arg10[%get3A_3126, %get3A_3127] {strides = array<i32>} : memref<64x512xf32, #tpu.memory_space<vmem>>, vector<16xf32>,
        %add3A_3129 = arith.addf %scan3A_3019, %get3A_3128 : vector<16xf32>
        %get3A_3130 = arith.index_cast %add3A_3033 : i32 to index
        %get3A_3131 = arith.constant 384 : index
        %get3A_3132 = tpu.vector_load %arg10[%get3A_3130, %get3A_3131] {strides = array<i32>} : memref<64x512xf32, #tpu.memory_space<vmem>>, vector<16xf32>,
        %add3A_3133 = arith.addf %scan3A_3020, %get3A_3132 : vector<16xf32>
        %get3A_3134 = arith.index_cast %add3A_3033 : i32 to index
        %get3A_3135 = arith.constant 400 : index
        %get3A_3136 = tpu.vector_load %arg10[%get3A_3134, %get3A_3135] {strides = array<i32>} : memref<64x512xf32, #tpu.memory_space<vmem>>, vector<16xf32>,
        %add3A_3137 = arith.addf %scan3A_3021, %get3A_3136 : vector<16xf32>
        %get3A_3138 = arith.index_cast %add3A_3033 : i32 to index
        %get3A_3139 = arith.constant 416 : index
        %get3A_3140 = tpu.vector_load %arg10[%get3A_3138, %get3A_3139] {strides = array<i32>} : memref<64x512xf32, #tpu.memory_space<vmem>>, vector<16xf32>,
        %add3A_3141 = arith.addf %scan3A_3022, %get3A_3140 : vector<16xf32>
        %get3A_3142 = arith.index_cast %add3A_3033 : i32 to index
        %get3A_3143 = arith.constant 432 : index
        %get3A_3144 = tpu.vector_load %arg10[%get3A_3142, %get3A_3143] {strides = array<i32>} : memref<64x512xf32, #tpu.memory_space<vmem>>, vector<16xf32>,
        %add3A_3145 = arith.addf %scan3A_3023, %get3A_3144 : vector<16xf32>
        %get3A_3146 = arith.index_cast %add3A_3033 : i32 to index
        %get3A_3147 = arith.constant 448 : index
        %get3A_3148 = tpu.vector_load %arg10[%get3A_3146, %get3A_3147] {strides = array<i32>} : memref<64x512xf32, #tpu.memory_space<vmem>>, vector<16xf32>,
        %add3A_3149 = arith.addf %scan3A_3024, %get3A_3148 : vector<16xf32>
        %get3A_3150 = arith.index_cast %add3A_3033 : i32 to index
        %get3A_3151 = arith.constant 464 : index
        %get3A_3152 = tpu.vector_load %arg10[%get3A_3150, %get3A_3151] {strides = array<i32>} : memref<64x512xf32, #tpu.memory_space<vmem>>, vector<16xf32>,
        %add3A_3153 = arith.addf %scan3A_3025, %get3A_3152 : vector<16xf32>
        %get3A_3154 = arith.index_cast %add3A_3033 : i32 to index
        %get3A_3155 = arith.constant 480 : index
        %get3A_3156 = tpu.vector_load %arg10[%get3A_3154, %get3A_3155] {strides = array<i32>} : memref<64x512xf32, #tpu.memory_space<vmem>>, vector<16xf32>,
        %add3A_3157 = arith.addf %scan3A_3026, %get3A_3156 : vector<16xf32>
        %get3A_3158 = arith.index_cast %add3A_3033 : i32 to index
        %get3A_3159 = arith.constant 496 : index
        %get3A_3160 = tpu.vector_load %arg10[%get3A_3158, %get3A_3159] {strides = array<i32>} : memref<64x512xf32, #tpu.memory_space<vmem>>, vector<16xf32>,
        %add3A_3161 = arith.addf %scan3A_3027, %get3A_3160 : vector<16xf32>
        scf.yield %add3A_3037, %add3A_3041, %add3A_3045, %add3A_3049, %add3A_3053, %add3A_3057, %add3A_3061, %add3A_3065, %add3A_3069, %add3A_3073, %add3A_3077, %add3A_3081, %add3A_3085, %add3A_3089, %add3A_3093, %add3A_3097, %add3A_3101, %add3A_3105, %add3A_3109, %add3A_3113, %add3A_3117, %add3A_3121, %add3A_3125, %add3A_3129, %add3A_3133, %add3A_3137, %add3A_3141, %add3A_3145, %add3A_3149, %add3A_3153, %add3A_3157, %add3A_3161 : vector<16xf32>, vector<16xf32>, vector<16xf32>, vector<16xf32>, vector<16xf32>, vector<16xf32>, vector<16xf32>, vector<16xf32>, vector<16xf32>, vector<16xf32>, vector<16xf32>, vector<16xf32>, vector<16xf32>, vector<16xf32>, vector<16xf32>, vector<16xf32>, vector<16xf32>, vector<16xf32>, vector<16xf32>, vector<16xf32>, vector<16xf32>, vector<16xf32>, vector<16xf32>, vector<16xf32>, vector<16xf32>, vector<16xf32>, vector<16xf32>, vector<16xf32>, vector<16xf32>, vector<16xf32>, vector<16xf32>, vector<16xf32>
      }
      %scan3A_866 = arith.constant 32 : i32
      %mul3A_867 = arith.constant 2 : i32
      %mul3A_868 = arith.muli %mul3A_45, %mul3A_867 : i32
      %add3A_869 = arith.constant 1 : i32
      %add3A_870 = arith.addi %mul3A_868, %add3A_869 : i32
      %get3A_871 = arith.index_cast %add3A_870 : i32 to index
      %get3A_872 = arith.constant 0 : index
      %get3A_873 = tpu.vector_load %arg8[%get3A_871, %get3A_872] {strides = array<i32>} : memref<64x16xf32, #tpu.memory_space<vmem>>, vector<16xf32>,
      %get3A_874 = arith.index_cast %add3A_870 : i32 to index
      %get3A_875 = arith.constant 0 : index
      %get3A_876 = tpu.vector_load %arg9[%get3A_874, %get3A_875] {strides = array<i32>} : memref<64x16xf32, #tpu.memory_space<vmem>>, vector<16xf32>,
      %get3A_877 = arith.constant 32 : i32
      %get3A_878 = arith.index_cast %get3A_877 : i32 to index
      %get3A_879 = arith.constant 0 : index
      %get3A_880 = tpu.vector_load %arg10[%get3A_878, %get3A_879] {strides = array<i32>} : memref<64x512xf32, #tpu.memory_space<vmem>>, vector<16xf32>,
      %mul3A_881 = arith.mulf %get3A_873, %get3A_880 : vector<16xf32>
      %sub3A_882 = arith.subf %scan3A_865#0, %mul3A_881 : vector<16xf32>
      %mul3A_883 = arith.mulf %sub3A_882, %get3A_876 : vector<16xf32>
      %get3A_884 = arith.constant 1 : i32
      %get3A_885 = arith.index_cast %get3A_884 : i32 to index
      %get3A_886 = arith.constant 0 : index
      %get3A_887 = tpu.vector_load %arg12[%get3A_885, %get3A_886] {strides = array<i32>} : memref<2x512xf32, #tpu.memory_space<vmem>>, vector<16xf32>,
      %sub3A_888 = arith.subf %get3A_887, %mul3A_883 : vector<16xf32>
      %swap3A_889 = arith.constant 1 : i32
      %swap3A_890 = arith.index_cast %swap3A_889 : i32 to index
      %swap3A_891 = arith.constant 0 : index
      %swap3A_892 = tpu.vector_load %arg14[%swap3A_890, %swap3A_891] {strides = array<i32>} : memref<2x1024xf32, #tpu.memory_space<vmem>>, vector<16xf32>,
      tpu.vector_store %arg14[%swap3A_890, %swap3A_891], %sub3A_888 {strides = array<i32>} : memref<2x1024xf32, #tpu.memory_space<vmem>>, vector<16xf32>,
      %swap3A_893 = arith.constant 1 : i32
      %swap3A_894 = arith.index_cast %swap3A_893 : i32 to index
      %swap3A_895 = arith.constant 512 : index
      %swap3A_896 = tpu.vector_load %arg14[%swap3A_894, %swap3A_895] {strides = array<i32>} : memref<2x1024xf32, #tpu.memory_space<vmem>>, vector<16xf32>,
      tpu.vector_store %arg14[%swap3A_894, %swap3A_895], %mul3A_883 {strides = array<i32>} : memref<2x1024xf32, #tpu.memory_space<vmem>>, vector<16xf32>,
      %get3A_897 = arith.constant 32 : i32
      %get3A_898 = arith.index_cast %get3A_897 : i32 to index
      %get3A_899 = arith.constant 16 : index
      %get3A_900 = tpu.vector_load %arg10[%get3A_898, %get3A_899] {strides = array<i32>} : memref<64x512xf32, #tpu.memory_space<vmem>>, vector<16xf32>,
      %mul3A_901 = arith.mulf %get3A_873, %get3A_900 : vector<16xf32>
      %sub3A_902 = arith.subf %scan3A_865#1, %mul3A_901 : vector<16xf32>
      %mul3A_903 = arith.mulf %sub3A_902, %get3A_876 : vector<16xf32>
      %get3A_904 = arith.constant 1 : i32
      %get3A_905 = arith.index_cast %get3A_904 : i32 to index
      %get3A_906 = arith.constant 16 : index
      %get3A_907 = tpu.vector_load %arg12[%get3A_905, %get3A_906] {strides = array<i32>} : memref<2x512xf32, #tpu.memory_space<vmem>>, vector<16xf32>,
      %sub3A_908 = arith.subf %get3A_907, %mul3A_903 : vector<16xf32>
      %swap3A_909 = arith.constant 1 : i32
      %swap3A_910 = arith.index_cast %swap3A_909 : i32 to index
      %swap3A_911 = arith.constant 16 : index
      %swap3A_912 = tpu.vector_load %arg14[%swap3A_910, %swap3A_911] {strides = array<i32>} : memref<2x1024xf32, #tpu.memory_space<vmem>>, vector<16xf32>,
      tpu.vector_store %arg14[%swap3A_910, %swap3A_911], %sub3A_908 {strides = array<i32>} : memref<2x1024xf32, #tpu.memory_space<vmem>>, vector<16xf32>,
      %swap3A_913 = arith.constant 1 : i32
      %swap3A_914 = arith.index_cast %swap3A_913 : i32 to index
      %swap3A_915 = arith.constant 528 : index
      %swap3A_916 = tpu.vector_load %arg14[%swap3A_914, %swap3A_915] {strides = array<i32>} : memref<2x1024xf32, #tpu.memory_space<vmem>>, vector<16xf32>,
      tpu.vector_store %arg14[%swap3A_914, %swap3A_915], %mul3A_903 {strides = array<i32>} : memref<2x1024xf32, #tpu.memory_space<vmem>>, vector<16xf32>,
      %get3A_917 = arith.constant 32 : i32
      %get3A_918 = arith.index_cast %get3A_917 : i32 to index
      %get3A_919 = arith.constant 32 : index
      %get3A_920 = tpu.vector_load %arg10[%get3A_918, %get3A_919] {strides = array<i32>} : memref<64x512xf32, #tpu.memory_space<vmem>>, vector<16xf32>,
      %mul3A_921 = arith.mulf %get3A_873, %get3A_920 : vector<16xf32>
      %sub3A_922 = arith.subf %scan3A_865#2, %mul3A_921 : vector<16xf32>
      %mul3A_923 = arith.mulf %sub3A_922, %get3A_876 : vector<16xf32>
      %get3A_924 = arith.constant 1 : i32
      %get3A_925 = arith.index_cast %get3A_924 : i32 to index
      %get3A_926 = arith.constant 32 : index
      %get3A_927 = tpu.vector_load %arg12[%get3A_925, %get3A_926] {strides = array<i32>} : memref<2x512xf32, #tpu.memory_space<vmem>>, vector<16xf32>,
      %sub3A_928 = arith.subf %get3A_927, %mul3A_923 : vector<16xf32>
      %swap3A_929 = arith.constant 1 : i32
      %swap3A_930 = arith.index_cast %swap3A_929 : i32 to index
      %swap3A_931 = arith.constant 32 : index
      %swap3A_932 = tpu.vector_load %arg14[%swap3A_930, %swap3A_931] {strides = array<i32>} : memref<2x1024xf32, #tpu.memory_space<vmem>>, vector<16xf32>,
      tpu.vector_store %arg14[%swap3A_930, %swap3A_931], %sub3A_928 {strides = array<i32>} : memref<2x1024xf32, #tpu.memory_space<vmem>>, vector<16xf32>,
      %swap3A_933 = arith.constant 1 : i32
      %swap3A_934 = arith.index_cast %swap3A_933 : i32 to index
      %swap3A_935 = arith.constant 544 : index
      %swap3A_936 = tpu.vector_load %arg14[%swap3A_934, %swap3A_935] {strides = array<i32>} : memref<2x1024xf32, #tpu.memory_space<vmem>>, vector<16xf32>,
      tpu.vector_store %arg14[%swap3A_934, %swap3A_935], %mul3A_923 {strides = array<i32>} : memref<2x1024xf32, #tpu.memory_space<vmem>>, vector<16xf32>,
      %get3A_937 = arith.constant 32 : i32
      %get3A_938 = arith.index_cast %get3A_937 : i32 to index
      %get3A_939 = arith.constant 48 : index
      %get3A_940 = tpu.vector_load %arg10[%get3A_938, %get3A_939] {strides = array<i32>} : memref<64x512xf32, #tpu.memory_space<vmem>>, vector<16xf32>,
      %mul3A_941 = arith.mulf %get3A_873, %get3A_940 : vector<16xf32>
      %sub3A_942 = arith.subf %scan3A_865#3, %mul3A_941 : vector<16xf32>
      %mul3A_943 = arith.mulf %sub3A_942, %get3A_876 : vector<16xf32>
      %get3A_944 = arith.constant 1 : i32
      %get3A_945 = arith.index_cast %get3A_944 : i32 to index
      %get3A_946 = arith.constant 48 : index
      %get3A_947 = tpu.vector_load %arg12[%get3A_945, %get3A_946] {strides = array<i32>} : memref<2x512xf32, #tpu.memory_space<vmem>>, vector<16xf32>,
      %sub3A_948 = arith.subf %get3A_947, %mul3A_943 : vector<16xf32>
      %swap3A_949 = arith.constant 1 : i32
      %swap3A_950 = arith.index_cast %swap3A_949 : i32 to index
      %swap3A_951 = arith.constant 48 : index
      %swap3A_952 = tpu.vector_load %arg14[%swap3A_950, %swap3A_951] {strides = array<i32>} : memref<2x1024xf32, #tpu.memory_space<vmem>>, vector<16xf32>,
      tpu.vector_store %arg14[%swap3A_950, %swap3A_951], %sub3A_948 {strides = array<i32>} : memref<2x1024xf32, #tpu.memory_space<vmem>>, vector<16xf32>,
      %swap3A_953 = arith.constant 1 : i32
      %swap3A_954 = arith.index_cast %swap3A_953 : i32 to index
      %swap3A_955 = arith.constant 560 : index
      %swap3A_956 = tpu.vector_load %arg14[%swap3A_954, %swap3A_955] {strides = array<i32>} : memref<2x1024xf32, #tpu.memory_space<vmem>>, vector<16xf32>,
      tpu.vector_store %arg14[%swap3A_954, %swap3A_955], %mul3A_943 {strides = array<i32>} : memref<2x1024xf32, #tpu.memory_space<vmem>>, vector<16xf32>,
      %get3A_957 = arith.constant 32 : i32
      %get3A_958 = arith.index_cast %get3A_957 : i32 to index
      %get3A_959 = arith.constant 64 : index
      %get3A_960 = tpu.vector_load %arg10[%get3A_958, %get3A_959] {strides = array<i32>} : memref<64x512xf32, #tpu.memory_space<vmem>>, vector<16xf32>,
      %mul3A_961 = arith.mulf %get3A_873, %get3A_960 : vector<16xf32>
      %sub3A_962 = arith.subf %scan3A_865#4, %mul3A_961 : vector<16xf32>
      %mul3A_963 = arith.mulf %sub3A_962, %get3A_876 : vector<16xf32>
      %get3A_964 = arith.constant 1 : i32
      %get3A_965 = arith.index_cast %get3A_964 : i32 to index
      %get3A_966 = arith.constant 64 : index
      %get3A_967 = tpu.vector_load %arg12[%get3A_965, %get3A_966] {strides = array<i32>} : memref<2x512xf32, #tpu.memory_space<vmem>>, vector<16xf32>,
      %sub3A_968 = arith.subf %get3A_967, %mul3A_963 : vector<16xf32>
      %swap3A_969 = arith.constant 1 : i32
      %swap3A_970 = arith.index_cast %swap3A_969 : i32 to index
      %swap3A_971 = arith.constant 64 : index
      %swap3A_972 = tpu.vector_load %arg14[%swap3A_970, %swap3A_971] {strides = array<i32>} : memref<2x1024xf32, #tpu.memory_space<vmem>>, vector<16xf32>,
      tpu.vector_store %arg14[%swap3A_970, %swap3A_971], %sub3A_968 {strides = array<i32>} : memref<2x1024xf32, #tpu.memory_space<vmem>>, vector<16xf32>,
      %swap3A_973 = arith.constant 1 : i32
      %swap3A_974 = arith.index_cast %swap3A_973 : i32 to index
      %swap3A_975 = arith.constant 576 : index
      %swap3A_976 = tpu.vector_load %arg14[%swap3A_974, %swap3A_975] {strides = array<i32>} : memref<2x1024xf32, #tpu.memory_space<vmem>>, vector<16xf32>,
      tpu.vector_store %arg14[%swap3A_974, %swap3A_975], %mul3A_963 {strides = array<i32>} : memref<2x1024xf32, #tpu.memory_space<vmem>>, vector<16xf32>,
      %get3A_977 = arith.constant 32 : i32
      %get3A_978 = arith.index_cast %get3A_977 : i32 to index
      %get3A_979 = arith.constant 80 : index
      %get3A_980 = tpu.vector_load %arg10[%get3A_978, %get3A_979] {strides = array<i32>} : memref<64x512xf32, #tpu.memory_space<vmem>>, vector<16xf32>,
      %mul3A_981 = arith.mulf %get3A_873, %get3A_980 : vector<16xf32>
      %sub3A_982 = arith.subf %scan3A_865#5, %mul3A_981 : vector<16xf32>
      %mul3A_983 = arith.mulf %sub3A_982, %get3A_876 : vector<16xf32>
      %get3A_984 = arith.constant 1 : i32
      %get3A_985 = arith.index_cast %get3A_984 : i32 to index
      %get3A_986 = arith.constant 80 : index
      %get3A_987 = tpu.vector_load %arg12[%get3A_985, %get3A_986] {strides = array<i32>} : memref<2x512xf32, #tpu.memory_space<vmem>>, vector<16xf32>,
      %sub3A_988 = arith.subf %get3A_987, %mul3A_983 : vector<16xf32>
      %swap3A_989 = arith.constant 1 : i32
      %swap3A_990 = arith.index_cast %swap3A_989 : i32 to index
      %swap3A_991 = arith.constant 80 : index
      %swap3A_992 = tpu.vector_load %arg14[%swap3A_990, %swap3A_991] {strides = array<i32>} : memref<2x1024xf32, #tpu.memory_space<vmem>>, vector<16xf32>,
      tpu.vector_store %arg14[%swap3A_990, %swap3A_991], %sub3A_988 {strides = array<i32>} : memref<2x1024xf32, #tpu.memory_space<vmem>>, vector<16xf32>,
      %swap3A_993 = arith.constant 1 : i32
      %swap3A_994 = arith.index_cast %swap3A_993 : i32 to index
      %swap3A_995 = arith.constant 592 : index
      %swap3A_996 = tpu.vector_load %arg14[%swap3A_994, %swap3A_995] {strides = array<i32>} : memref<2x1024xf32, #tpu.memory_space<vmem>>, vector<16xf32>,
      tpu.vector_store %arg14[%swap3A_994, %swap3A_995], %mul3A_983 {strides = array<i32>} : memref<2x1024xf32, #tpu.memory_space<vmem>>, vector<16xf32>,
      %get3A_997 = arith.constant 32 : i32
      %get3A_998 = arith.index_cast %get3A_997 : i32 to index
      %get3A_999 = arith.constant 96 : index
      %get3A_1000 = tpu.vector_load %arg10[%get3A_998, %get3A_999] {strides = array<i32>} : memref<64x512xf32, #tpu.memory_space<vmem>>, vector<16xf32>,
      %mul3A_1001 = arith.mulf %get3A_873, %get3A_1000 : vector<16xf32>
      %sub3A_1002 = arith.subf %scan3A_865#6, %mul3A_1001 : vector<16xf32>
      %mul3A_1003 = arith.mulf %sub3A_1002, %get3A_876 : vector<16xf32>
      %get3A_1004 = arith.constant 1 : i32
      %get3A_1005 = arith.index_cast %get3A_1004 : i32 to index
      %get3A_1006 = arith.constant 96 : index
      %get3A_1007 = tpu.vector_load %arg12[%get3A_1005, %get3A_1006] {strides = array<i32>} : memref<2x512xf32, #tpu.memory_space<vmem>>, vector<16xf32>,
      %sub3A_1008 = arith.subf %get3A_1007, %mul3A_1003 : vector<16xf32>
      %swap3A_1009 = arith.constant 1 : i32
      %swap3A_1010 = arith.index_cast %swap3A_1009 : i32 to index
      %swap3A_1011 = arith.constant 96 : index
      %swap3A_1012 = tpu.vector_load %arg14[%swap3A_1010, %swap3A_1011] {strides = array<i32>} : memref<2x1024xf32, #tpu.memory_space<vmem>>, vector<16xf32>,
      tpu.vector_store %arg14[%swap3A_1010, %swap3A_1011], %sub3A_1008 {strides = array<i32>} : memref<2x1024xf32, #tpu.memory_space<vmem>>, vector<16xf32>,
      %swap3A_1013 = arith.constant 1 : i32
      %swap3A_1014 = arith.index_cast %swap3A_1013 : i32 to index
      %swap3A_1015 = arith.constant 608 : index
      %swap3A_1016 = tpu.vector_load %arg14[%swap3A_1014, %swap3A_1015] {strides = array<i32>} : memref<2x1024xf32, #tpu.memory_space<vmem>>, vector<16xf32>,
      tpu.vector_store %arg14[%swap3A_1014, %swap3A_1015], %mul3A_1003 {strides = array<i32>} : memref<2x1024xf32, #tpu.memory_space<vmem>>, vector<16xf32>,
      %get3A_1017 = arith.constant 32 : i32
      %get3A_1018 = arith.index_cast %get3A_1017 : i32 to index
      %get3A_1019 = arith.constant 112 : index
      %get3A_1020 = tpu.vector_load %arg10[%get3A_1018, %get3A_1019] {strides = array<i32>} : memref<64x512xf32, #tpu.memory_space<vmem>>, vector<16xf32>,
      %mul3A_1021 = arith.mulf %get3A_873, %get3A_1020 : vector<16xf32>
      %sub3A_1022 = arith.subf %scan3A_865#7, %mul3A_1021 : vector<16xf32>
      %mul3A_1023 = arith.mulf %sub3A_1022, %get3A_876 : vector<16xf32>
      %get3A_1024 = arith.constant 1 : i32
      %get3A_1025 = arith.index_cast %get3A_1024 : i32 to index
      %get3A_1026 = arith.constant 112 : index
      %get3A_1027 = tpu.vector_load %arg12[%get3A_1025, %get3A_1026] {strides = array<i32>} : memref<2x512xf32, #tpu.memory_space<vmem>>, vector<16xf32>,
      %sub3A_1028 = arith.subf %get3A_1027, %mul3A_1023 : vector<16xf32>
      %swap3A_1029 = arith.constant 1 : i32
      %swap3A_1030 = arith.index_cast %swap3A_1029 : i32 to index
      %swap3A_1031 = arith.constant 112 : index
      %swap3A_1032 = tpu.vector_load %arg14[%swap3A_1030, %swap3A_1031] {strides = array<i32>} : memref<2x1024xf32, #tpu.memory_space<vmem>>, vector<16xf32>,
      tpu.vector_store %arg14[%swap3A_1030, %swap3A_1031], %sub3A_1028 {strides = array<i32>} : memref<2x1024xf32, #tpu.memory_space<vmem>>, vector<16xf32>,
      %swap3A_1033 = arith.constant 1 : i32
      %swap3A_1034 = arith.index_cast %swap3A_1033 : i32 to index
      %swap3A_1035 = arith.constant 624 : index
      %swap3A_1036 = tpu.vector_load %arg14[%swap3A_1034, %swap3A_1035] {strides = array<i32>} : memref<2x1024xf32, #tpu.memory_space<vmem>>, vector<16xf32>,
      tpu.vector_store %arg14[%swap3A_1034, %swap3A_1035], %mul3A_1023 {strides = array<i32>} : memref<2x1024xf32, #tpu.memory_space<vmem>>, vector<16xf32>,
      %get3A_1037 = arith.constant 32 : i32
      %get3A_1038 = arith.index_cast %get3A_1037 : i32 to index
      %get3A_1039 = arith.constant 128 : index
      %get3A_1040 = tpu.vector_load %arg10[%get3A_1038, %get3A_1039] {strides = array<i32>} : memref<64x512xf32, #tpu.memory_space<vmem>>, vector<16xf32>,
      %mul3A_1041 = arith.mulf %get3A_873, %get3A_1040 : vector<16xf32>
      %sub3A_1042 = arith.subf %scan3A_865#8, %mul3A_1041 : vector<16xf32>
      %mul3A_1043 = arith.mulf %sub3A_1042, %get3A_876 : vector<16xf32>
      %get3A_1044 = arith.constant 1 : i32
      %get3A_1045 = arith.index_cast %get3A_1044 : i32 to index
      %get3A_1046 = arith.constant 128 : index
      %get3A_1047 = tpu.vector_load %arg12[%get3A_1045, %get3A_1046] {strides = array<i32>} : memref<2x512xf32, #tpu.memory_space<vmem>>, vector<16xf32>,
      %sub3A_1048 = arith.subf %get3A_1047, %mul3A_1043 : vector<16xf32>
      %swap3A_1049 = arith.constant 1 : i32
      %swap3A_1050 = arith.index_cast %swap3A_1049 : i32 to index
      %swap3A_1051 = arith.constant 128 : index
      %swap3A_1052 = tpu.vector_load %arg14[%swap3A_1050, %swap3A_1051] {strides = array<i32>} : memref<2x1024xf32, #tpu.memory_space<vmem>>, vector<16xf32>,
      tpu.vector_store %arg14[%swap3A_1050, %swap3A_1051], %sub3A_1048 {strides = array<i32>} : memref<2x1024xf32, #tpu.memory_space<vmem>>, vector<16xf32>,
      %swap3A_1053 = arith.constant 1 : i32
      %swap3A_1054 = arith.index_cast %swap3A_1053 : i32 to index
      %swap3A_1055 = arith.constant 640 : index
      %swap3A_1056 = tpu.vector_load %arg14[%swap3A_1054, %swap3A_1055] {strides = array<i32>} : memref<2x1024xf32, #tpu.memory_space<vmem>>, vector<16xf32>,
      tpu.vector_store %arg14[%swap3A_1054, %swap3A_1055], %mul3A_1043 {strides = array<i32>} : memref<2x1024xf32, #tpu.memory_space<vmem>>, vector<16xf32>,
      %get3A_1057 = arith.constant 32 : i32
      %get3A_1058 = arith.index_cast %get3A_1057 : i32 to index
      %get3A_1059 = arith.constant 144 : index
      %get3A_1060 = tpu.vector_load %arg10[%get3A_1058, %get3A_1059] {strides = array<i32>} : memref<64x512xf32, #tpu.memory_space<vmem>>, vector<16xf32>,
      %mul3A_1061 = arith.mulf %get3A_873, %get3A_1060 : vector<16xf32>
      %sub3A_1062 = arith.subf %scan3A_865#9, %mul3A_1061 : vector<16xf32>
      %mul3A_1063 = arith.mulf %sub3A_1062, %get3A_876 : vector<16xf32>
      %get3A_1064 = arith.constant 1 : i32
      %get3A_1065 = arith.index_cast %get3A_1064 : i32 to index
      %get3A_1066 = arith.constant 144 : index
      %get3A_1067 = tpu.vector_load %arg12[%get3A_1065, %get3A_1066] {strides = array<i32>} : memref<2x512xf32, #tpu.memory_space<vmem>>, vector<16xf32>,
      %sub3A_1068 = arith.subf %get3A_1067, %mul3A_1063 : vector<16xf32>
      %swap3A_1069 = arith.constant 1 : i32
      %swap3A_1070 = arith.index_cast %swap3A_1069 : i32 to index
      %swap3A_1071 = arith.constant 144 : index
      %swap3A_1072 = tpu.vector_load %arg14[%swap3A_1070, %swap3A_1071] {strides = array<i32>} : memref<2x1024xf32, #tpu.memory_space<vmem>>, vector<16xf32>,
      tpu.vector_store %arg14[%swap3A_1070, %swap3A_1071], %sub3A_1068 {strides = array<i32>} : memref<2x1024xf32, #tpu.memory_space<vmem>>, vector<16xf32>,
      %swap3A_1073 = arith.constant 1 : i32
      %swap3A_1074 = arith.index_cast %swap3A_1073 : i32 to index
      %swap3A_1075 = arith.constant 656 : index
      %swap3A_1076 = tpu.vector_load %arg14[%swap3A_1074, %swap3A_1075] {strides = array<i32>} : memref<2x1024xf32, #tpu.memory_space<vmem>>, vector<16xf32>,
      tpu.vector_store %arg14[%swap3A_1074, %swap3A_1075], %mul3A_1063 {strides = array<i32>} : memref<2x1024xf32, #tpu.memory_space<vmem>>, vector<16xf32>,
      %get3A_1077 = arith.constant 32 : i32
      %get3A_1078 = arith.index_cast %get3A_1077 : i32 to index
      %get3A_1079 = arith.constant 160 : index
      %get3A_1080 = tpu.vector_load %arg10[%get3A_1078, %get3A_1079] {strides = array<i32>} : memref<64x512xf32, #tpu.memory_space<vmem>>, vector<16xf32>,
      %mul3A_1081 = arith.mulf %get3A_873, %get3A_1080 : vector<16xf32>
      %sub3A_1082 = arith.subf %scan3A_865#10, %mul3A_1081 : vector<16xf32>
      %mul3A_1083 = arith.mulf %sub3A_1082, %get3A_876 : vector<16xf32>
      %get3A_1084 = arith.constant 1 : i32
      %get3A_1085 = arith.index_cast %get3A_1084 : i32 to index
      %get3A_1086 = arith.constant 160 : index
      %get3A_1087 = tpu.vector_load %arg12[%get3A_1085, %get3A_1086] {strides = array<i32>} : memref<2x512xf32, #tpu.memory_space<vmem>>, vector<16xf32>,
      %sub3A_1088 = arith.subf %get3A_1087, %mul3A_1083 : vector<16xf32>
      %swap3A_1089 = arith.constant 1 : i32
      %swap3A_1090 = arith.index_cast %swap3A_1089 : i32 to index
      %swap3A_1091 = arith.constant 160 : index
      %swap3A_1092 = tpu.vector_load %arg14[%swap3A_1090, %swap3A_1091] {strides = array<i32>} : memref<2x1024xf32, #tpu.memory_space<vmem>>, vector<16xf32>,
      tpu.vector_store %arg14[%swap3A_1090, %swap3A_1091], %sub3A_1088 {strides = array<i32>} : memref<2x1024xf32, #tpu.memory_space<vmem>>, vector<16xf32>,
      %swap3A_1093 = arith.constant 1 : i32
      %swap3A_1094 = arith.index_cast %swap3A_1093 : i32 to index
      %swap3A_1095 = arith.constant 672 : index
      %swap3A_1096 = tpu.vector_load %arg14[%swap3A_1094, %swap3A_1095] {strides = array<i32>} : memref<2x1024xf32, #tpu.memory_space<vmem>>, vector<16xf32>,
      tpu.vector_store %arg14[%swap3A_1094, %swap3A_1095], %mul3A_1083 {strides = array<i32>} : memref<2x1024xf32, #tpu.memory_space<vmem>>, vector<16xf32>,
      %get3A_1097 = arith.constant 32 : i32
      %get3A_1098 = arith.index_cast %get3A_1097 : i32 to index
      %get3A_1099 = arith.constant 176 : index
      %get3A_1100 = tpu.vector_load %arg10[%get3A_1098, %get3A_1099] {strides = array<i32>} : memref<64x512xf32, #tpu.memory_space<vmem>>, vector<16xf32>,
      %mul3A_1101 = arith.mulf %get3A_873, %get3A_1100 : vector<16xf32>
      %sub3A_1102 = arith.subf %scan3A_865#11, %mul3A_1101 : vector<16xf32>
      %mul3A_1103 = arith.mulf %sub3A_1102, %get3A_876 : vector<16xf32>
      %get3A_1104 = arith.constant 1 : i32
      %get3A_1105 = arith.index_cast %get3A_1104 : i32 to index
      %get3A_1106 = arith.constant 176 : index
      %get3A_1107 = tpu.vector_load %arg12[%get3A_1105, %get3A_1106] {strides = array<i32>} : memref<2x512xf32, #tpu.memory_space<vmem>>, vector<16xf32>,
      %sub3A_1108 = arith.subf %get3A_1107, %mul3A_1103 : vector<16xf32>
      %swap3A_1109 = arith.constant 1 : i32
      %swap3A_1110 = arith.index_cast %swap3A_1109 : i32 to index
      %swap3A_1111 = arith.constant 176 : index
      %swap3A_1112 = tpu.vector_load %arg14[%swap3A_1110, %swap3A_1111] {strides = array<i32>} : memref<2x1024xf32, #tpu.memory_space<vmem>>, vector<16xf32>,
      tpu.vector_store %arg14[%swap3A_1110, %swap3A_1111], %sub3A_1108 {strides = array<i32>} : memref<2x1024xf32, #tpu.memory_space<vmem>>, vector<16xf32>,
      %swap3A_1113 = arith.constant 1 : i32
      %swap3A_1114 = arith.index_cast %swap3A_1113 : i32 to index
      %swap3A_1115 = arith.constant 688 : index
      %swap3A_1116 = tpu.vector_load %arg14[%swap3A_1114, %swap3A_1115] {strides = array<i32>} : memref<2x1024xf32, #tpu.memory_space<vmem>>, vector<16xf32>,
      tpu.vector_store %arg14[%swap3A_1114, %swap3A_1115], %mul3A_1103 {strides = array<i32>} : memref<2x1024xf32, #tpu.memory_space<vmem>>, vector<16xf32>,
      %get3A_1117 = arith.constant 32 : i32
      %get3A_1118 = arith.index_cast %get3A_1117 : i32 to index
      %get3A_1119 = arith.constant 192 : index
      %get3A_1120 = tpu.vector_load %arg10[%get3A_1118, %get3A_1119] {strides = array<i32>} : memref<64x512xf32, #tpu.memory_space<vmem>>, vector<16xf32>,
      %mul3A_1121 = arith.mulf %get3A_873, %get3A_1120 : vector<16xf32>
      %sub3A_1122 = arith.subf %scan3A_865#12, %mul3A_1121 : vector<16xf32>
      %mul3A_1123 = arith.mulf %sub3A_1122, %get3A_876 : vector<16xf32>
      %get3A_1124 = arith.constant 1 : i32
      %get3A_1125 = arith.index_cast %get3A_1124 : i32 to index
      %get3A_1126 = arith.constant 192 : index
      %get3A_1127 = tpu.vector_load %arg12[%get3A_1125, %get3A_1126] {strides = array<i32>} : memref<2x512xf32, #tpu.memory_space<vmem>>, vector<16xf32>,
      %sub3A_1128 = arith.subf %get3A_1127, %mul3A_1123 : vector<16xf32>
      %swap3A_1129 = arith.constant 1 : i32
      %swap3A_1130 = arith.index_cast %swap3A_1129 : i32 to index
      %swap3A_1131 = arith.constant 192 : index
      %swap3A_1132 = tpu.vector_load %arg14[%swap3A_1130, %swap3A_1131] {strides = array<i32>} : memref<2x1024xf32, #tpu.memory_space<vmem>>, vector<16xf32>,
      tpu.vector_store %arg14[%swap3A_1130, %swap3A_1131], %sub3A_1128 {strides = array<i32>} : memref<2x1024xf32, #tpu.memory_space<vmem>>, vector<16xf32>,
      %swap3A_1133 = arith.constant 1 : i32
      %swap3A_1134 = arith.index_cast %swap3A_1133 : i32 to index
      %swap3A_1135 = arith.constant 704 : index
      %swap3A_1136 = tpu.vector_load %arg14[%swap3A_1134, %swap3A_1135] {strides = array<i32>} : memref<2x1024xf32, #tpu.memory_space<vmem>>, vector<16xf32>,
      tpu.vector_store %arg14[%swap3A_1134, %swap3A_1135], %mul3A_1123 {strides = array<i32>} : memref<2x1024xf32, #tpu.memory_space<vmem>>, vector<16xf32>,
      %get3A_1137 = arith.constant 32 : i32
      %get3A_1138 = arith.index_cast %get3A_1137 : i32 to index
      %get3A_1139 = arith.constant 208 : index
      %get3A_1140 = tpu.vector_load %arg10[%get3A_1138, %get3A_1139] {strides = array<i32>} : memref<64x512xf32, #tpu.memory_space<vmem>>, vector<16xf32>,
      %mul3A_1141 = arith.mulf %get3A_873, %get3A_1140 : vector<16xf32>
      %sub3A_1142 = arith.subf %scan3A_865#13, %mul3A_1141 : vector<16xf32>
      %mul3A_1143 = arith.mulf %sub3A_1142, %get3A_876 : vector<16xf32>
      %get3A_1144 = arith.constant 1 : i32
      %get3A_1145 = arith.index_cast %get3A_1144 : i32 to index
      %get3A_1146 = arith.constant 208 : index
      %get3A_1147 = tpu.vector_load %arg12[%get3A_1145, %get3A_1146] {strides = array<i32>} : memref<2x512xf32, #tpu.memory_space<vmem>>, vector<16xf32>,
      %sub3A_1148 = arith.subf %get3A_1147, %mul3A_1143 : vector<16xf32>
      %swap3A_1149 = arith.constant 1 : i32
      %swap3A_1150 = arith.index_cast %swap3A_1149 : i32 to index
      %swap3A_1151 = arith.constant 208 : index
      %swap3A_1152 = tpu.vector_load %arg14[%swap3A_1150, %swap3A_1151] {strides = array<i32>} : memref<2x1024xf32, #tpu.memory_space<vmem>>, vector<16xf32>,
      tpu.vector_store %arg14[%swap3A_1150, %swap3A_1151], %sub3A_1148 {strides = array<i32>} : memref<2x1024xf32, #tpu.memory_space<vmem>>, vector<16xf32>,
      %swap3A_1153 = arith.constant 1 : i32
      %swap3A_1154 = arith.index_cast %swap3A_1153 : i32 to index
      %swap3A_1155 = arith.constant 720 : index
      %swap3A_1156 = tpu.vector_load %arg14[%swap3A_1154, %swap3A_1155] {strides = array<i32>} : memref<2x1024xf32, #tpu.memory_space<vmem>>, vector<16xf32>,
      tpu.vector_store %arg14[%swap3A_1154, %swap3A_1155], %mul3A_1143 {strides = array<i32>} : memref<2x1024xf32, #tpu.memory_space<vmem>>, vector<16xf32>,
      %get3A_1157 = arith.constant 32 : i32
      %get3A_1158 = arith.index_cast %get3A_1157 : i32 to index
      %get3A_1159 = arith.constant 224 : index
      %get3A_1160 = tpu.vector_load %arg10[%get3A_1158, %get3A_1159] {strides = array<i32>} : memref<64x512xf32, #tpu.memory_space<vmem>>, vector<16xf32>,
      %mul3A_1161 = arith.mulf %get3A_873, %get3A_1160 : vector<16xf32>
      %sub3A_1162 = arith.subf %scan3A_865#14, %mul3A_1161 : vector<16xf32>
      %mul3A_1163 = arith.mulf %sub3A_1162, %get3A_876 : vector<16xf32>
      %get3A_1164 = arith.constant 1 : i32
      %get3A_1165 = arith.index_cast %get3A_1164 : i32 to index
      %get3A_1166 = arith.constant 224 : index
      %get3A_1167 = tpu.vector_load %arg12[%get3A_1165, %get3A_1166] {strides = array<i32>} : memref<2x512xf32, #tpu.memory_space<vmem>>, vector<16xf32>,
      %sub3A_1168 = arith.subf %get3A_1167, %mul3A_1163 : vector<16xf32>
      %swap3A_1169 = arith.constant 1 : i32
      %swap3A_1170 = arith.index_cast %swap3A_1169 : i32 to index
      %swap3A_1171 = arith.constant 224 : index
      %swap3A_1172 = tpu.vector_load %arg14[%swap3A_1170, %swap3A_1171] {strides = array<i32>} : memref<2x1024xf32, #tpu.memory_space<vmem>>, vector<16xf32>,
      tpu.vector_store %arg14[%swap3A_1170, %swap3A_1171], %sub3A_1168 {strides = array<i32>} : memref<2x1024xf32, #tpu.memory_space<vmem>>, vector<16xf32>,
      %swap3A_1173 = arith.constant 1 : i32
      %swap3A_1174 = arith.index_cast %swap3A_1173 : i32 to index
      %swap3A_1175 = arith.constant 736 : index
      %swap3A_1176 = tpu.vector_load %arg14[%swap3A_1174, %swap3A_1175] {strides = array<i32>} : memref<2x1024xf32, #tpu.memory_space<vmem>>, vector<16xf32>,
      tpu.vector_store %arg14[%swap3A_1174, %swap3A_1175], %mul3A_1163 {strides = array<i32>} : memref<2x1024xf32, #tpu.memory_space<vmem>>, vector<16xf32>,
      %get3A_1177 = arith.constant 32 : i32
      %get3A_1178 = arith.index_cast %get3A_1177 : i32 to index
      %get3A_1179 = arith.constant 240 : index
      %get3A_1180 = tpu.vector_load %arg10[%get3A_1178, %get3A_1179] {strides = array<i32>} : memref<64x512xf32, #tpu.memory_space<vmem>>, vector<16xf32>,
      %mul3A_1181 = arith.mulf %get3A_873, %get3A_1180 : vector<16xf32>
      %sub3A_1182 = arith.subf %scan3A_865#15, %mul3A_1181 : vector<16xf32>
      %mul3A_1183 = arith.mulf %sub3A_1182, %get3A_876 : vector<16xf32>
      %get3A_1184 = arith.constant 1 : i32
      %get3A_1185 = arith.index_cast %get3A_1184 : i32 to index
      %get3A_1186 = arith.constant 240 : index
      %get3A_1187 = tpu.vector_load %arg12[%get3A_1185, %get3A_1186] {strides = array<i32>} : memref<2x512xf32, #tpu.memory_space<vmem>>, vector<16xf32>,
      %sub3A_1188 = arith.subf %get3A_1187, %mul3A_1183 : vector<16xf32>
      %swap3A_1189 = arith.constant 1 : i32
      %swap3A_1190 = arith.index_cast %swap3A_1189 : i32 to index
      %swap3A_1191 = arith.constant 240 : index
      %swap3A_1192 = tpu.vector_load %arg14[%swap3A_1190, %swap3A_1191] {strides = array<i32>} : memref<2x1024xf32, #tpu.memory_space<vmem>>, vector<16xf32>,
      tpu.vector_store %arg14[%swap3A_1190, %swap3A_1191], %sub3A_1188 {strides = array<i32>} : memref<2x1024xf32, #tpu.memory_space<vmem>>, vector<16xf32>,
      %swap3A_1193 = arith.constant 1 : i32
      %swap3A_1194 = arith.index_cast %swap3A_1193 : i32 to index
      %swap3A_1195 = arith.constant 752 : index
      %swap3A_1196 = tpu.vector_load %arg14[%swap3A_1194, %swap3A_1195] {strides = array<i32>} : memref<2x1024xf32, #tpu.memory_space<vmem>>, vector<16xf32>,
      tpu.vector_store %arg14[%swap3A_1194, %swap3A_1195], %mul3A_1183 {strides = array<i32>} : memref<2x1024xf32, #tpu.memory_space<vmem>>, vector<16xf32>,
      %get3A_1197 = arith.constant 32 : i32
      %get3A_1198 = arith.index_cast %get3A_1197 : i32 to index
      %get3A_1199 = arith.constant 256 : index
      %get3A_1200 = tpu.vector_load %arg10[%get3A_1198, %get3A_1199] {strides = array<i32>} : memref<64x512xf32, #tpu.memory_space<vmem>>, vector<16xf32>,
      %mul3A_1201 = arith.mulf %get3A_873, %get3A_1200 : vector<16xf32>
      %sub3A_1202 = arith.subf %scan3A_865#16, %mul3A_1201 : vector<16xf32>
      %mul3A_1203 = arith.mulf %sub3A_1202, %get3A_876 : vector<16xf32>
      %get3A_1204 = arith.constant 1 : i32
      %get3A_1205 = arith.index_cast %get3A_1204 : i32 to index
      %get3A_1206 = arith.constant 256 : index
      %get3A_1207 = tpu.vector_load %arg12[%get3A_1205, %get3A_1206] {strides = array<i32>} : memref<2x512xf32, #tpu.memory_space<vmem>>, vector<16xf32>,
      %sub3A_1208 = arith.subf %get3A_1207, %mul3A_1203 : vector<16xf32>
      %swap3A_1209 = arith.constant 1 : i32
      %swap3A_1210 = arith.index_cast %swap3A_1209 : i32 to index
      %swap3A_1211 = arith.constant 256 : index
      %swap3A_1212 = tpu.vector_load %arg14[%swap3A_1210, %swap3A_1211] {strides = array<i32>} : memref<2x1024xf32, #tpu.memory_space<vmem>>, vector<16xf32>,
      tpu.vector_store %arg14[%swap3A_1210, %swap3A_1211], %sub3A_1208 {strides = array<i32>} : memref<2x1024xf32, #tpu.memory_space<vmem>>, vector<16xf32>,
      %swap3A_1213 = arith.constant 1 : i32
      %swap3A_1214 = arith.index_cast %swap3A_1213 : i32 to index
      %swap3A_1215 = arith.constant 768 : index
      %swap3A_1216 = tpu.vector_load %arg14[%swap3A_1214, %swap3A_1215] {strides = array<i32>} : memref<2x1024xf32, #tpu.memory_space<vmem>>, vector<16xf32>,
      tpu.vector_store %arg14[%swap3A_1214, %swap3A_1215], %mul3A_1203 {strides = array<i32>} : memref<2x1024xf32, #tpu.memory_space<vmem>>, vector<16xf32>,
      %get3A_1217 = arith.constant 32 : i32
      %get3A_1218 = arith.index_cast %get3A_1217 : i32 to index
      %get3A_1219 = arith.constant 272 : index
      %get3A_1220 = tpu.vector_load %arg10[%get3A_1218, %get3A_1219] {strides = array<i32>} : memref<64x512xf32, #tpu.memory_space<vmem>>, vector<16xf32>,
      %mul3A_1221 = arith.mulf %get3A_873, %get3A_1220 : vector<16xf32>
      %sub3A_1222 = arith.subf %scan3A_865#17, %mul3A_1221 : vector<16xf32>
      %mul3A_1223 = arith.mulf %sub3A_1222, %get3A_876 : vector<16xf32>
      %get3A_1224 = arith.constant 1 : i32
      %get3A_1225 = arith.index_cast %get3A_1224 : i32 to index
      %get3A_1226 = arith.constant 272 : index
      %get3A_1227 = tpu.vector_load %arg12[%get3A_1225, %get3A_1226] {strides = array<i32>} : memref<2x512xf32, #tpu.memory_space<vmem>>, vector<16xf32>,
      %sub3A_1228 = arith.subf %get3A_1227, %mul3A_1223 : vector<16xf32>
      %swap3A_1229 = arith.constant 1 : i32
      %swap3A_1230 = arith.index_cast %swap3A_1229 : i32 to index
      %swap3A_1231 = arith.constant 272 : index
      %swap3A_1232 = tpu.vector_load %arg14[%swap3A_1230, %swap3A_1231] {strides = array<i32>} : memref<2x1024xf32, #tpu.memory_space<vmem>>, vector<16xf32>,
      tpu.vector_store %arg14[%swap3A_1230, %swap3A_1231], %sub3A_1228 {strides = array<i32>} : memref<2x1024xf32, #tpu.memory_space<vmem>>, vector<16xf32>,
      %swap3A_1233 = arith.constant 1 : i32
      %swap3A_1234 = arith.index_cast %swap3A_1233 : i32 to index
      %swap3A_1235 = arith.constant 784 : index
      %swap3A_1236 = tpu.vector_load %arg14[%swap3A_1234, %swap3A_1235] {strides = array<i32>} : memref<2x1024xf32, #tpu.memory_space<vmem>>, vector<16xf32>,
      tpu.vector_store %arg14[%swap3A_1234, %swap3A_1235], %mul3A_1223 {strides = array<i32>} : memref<2x1024xf32, #tpu.memory_space<vmem>>, vector<16xf32>,
      %get3A_1237 = arith.constant 32 : i32
      %get3A_1238 = arith.index_cast %get3A_1237 : i32 to index
      %get3A_1239 = arith.constant 288 : index
      %get3A_1240 = tpu.vector_load %arg10[%get3A_1238, %get3A_1239] {strides = array<i32>} : memref<64x512xf32, #tpu.memory_space<vmem>>, vector<16xf32>,
      %mul3A_1241 = arith.mulf %get3A_873, %get3A_1240 : vector<16xf32>
      %sub3A_1242 = arith.subf %scan3A_865#18, %mul3A_1241 : vector<16xf32>
      %mul3A_1243 = arith.mulf %sub3A_1242, %get3A_876 : vector<16xf32>
      %get3A_1244 = arith.constant 1 : i32
      %get3A_1245 = arith.index_cast %get3A_1244 : i32 to index
      %get3A_1246 = arith.constant 288 : index
      %get3A_1247 = tpu.vector_load %arg12[%get3A_1245, %get3A_1246] {strides = array<i32>} : memref<2x512xf32, #tpu.memory_space<vmem>>, vector<16xf32>,
      %sub3A_1248 = arith.subf %get3A_1247, %mul3A_1243 : vector<16xf32>
      %swap3A_1249 = arith.constant 1 : i32
      %swap3A_1250 = arith.index_cast %swap3A_1249 : i32 to index
      %swap3A_1251 = arith.constant 288 : index
      %swap3A_1252 = tpu.vector_load %arg14[%swap3A_1250, %swap3A_1251] {strides = array<i32>} : memref<2x1024xf32, #tpu.memory_space<vmem>>, vector<16xf32>,
      tpu.vector_store %arg14[%swap3A_1250, %swap3A_1251], %sub3A_1248 {strides = array<i32>} : memref<2x1024xf32, #tpu.memory_space<vmem>>, vector<16xf32>,
      %swap3A_1253 = arith.constant 1 : i32
      %swap3A_1254 = arith.index_cast %swap3A_1253 : i32 to index
      %swap3A_1255 = arith.constant 800 : index
      %swap3A_1256 = tpu.vector_load %arg14[%swap3A_1254, %swap3A_1255] {strides = array<i32>} : memref<2x1024xf32, #tpu.memory_space<vmem>>, vector<16xf32>,
      tpu.vector_store %arg14[%swap3A_1254, %swap3A_1255], %mul3A_1243 {strides = array<i32>} : memref<2x1024xf32, #tpu.memory_space<vmem>>, vector<16xf32>,
      %get3A_1257 = arith.constant 32 : i32
      %get3A_1258 = arith.index_cast %get3A_1257 : i32 to index
      %get3A_1259 = arith.constant 304 : index
      %get3A_1260 = tpu.vector_load %arg10[%get3A_1258, %get3A_1259] {strides = array<i32>} : memref<64x512xf32, #tpu.memory_space<vmem>>, vector<16xf32>,
      %mul3A_1261 = arith.mulf %get3A_873, %get3A_1260 : vector<16xf32>
      %sub3A_1262 = arith.subf %scan3A_865#19, %mul3A_1261 : vector<16xf32>
      %mul3A_1263 = arith.mulf %sub3A_1262, %get3A_876 : vector<16xf32>
      %get3A_1264 = arith.constant 1 : i32
      %get3A_1265 = arith.index_cast %get3A_1264 : i32 to index
      %get3A_1266 = arith.constant 304 : index
      %get3A_1267 = tpu.vector_load %arg12[%get3A_1265, %get3A_1266] {strides = array<i32>} : memref<2x512xf32, #tpu.memory_space<vmem>>, vector<16xf32>,
      %sub3A_1268 = arith.subf %get3A_1267, %mul3A_1263 : vector<16xf32>
      %swap3A_1269 = arith.constant 1 : i32
      %swap3A_1270 = arith.index_cast %swap3A_1269 : i32 to index
      %swap3A_1271 = arith.constant 304 : index
      %swap3A_1272 = tpu.vector_load %arg14[%swap3A_1270, %swap3A_1271] {strides = array<i32>} : memref<2x1024xf32, #tpu.memory_space<vmem>>, vector<16xf32>,
      tpu.vector_store %arg14[%swap3A_1270, %swap3A_1271], %sub3A_1268 {strides = array<i32>} : memref<2x1024xf32, #tpu.memory_space<vmem>>, vector<16xf32>,
      %swap3A_1273 = arith.constant 1 : i32
      %swap3A_1274 = arith.index_cast %swap3A_1273 : i32 to index
      %swap3A_1275 = arith.constant 816 : index
      %swap3A_1276 = tpu.vector_load %arg14[%swap3A_1274, %swap3A_1275] {strides = array<i32>} : memref<2x1024xf32, #tpu.memory_space<vmem>>, vector<16xf32>,
      tpu.vector_store %arg14[%swap3A_1274, %swap3A_1275], %mul3A_1263 {strides = array<i32>} : memref<2x1024xf32, #tpu.memory_space<vmem>>, vector<16xf32>,
      %get3A_1277 = arith.constant 32 : i32
      %get3A_1278 = arith.index_cast %get3A_1277 : i32 to index
      %get3A_1279 = arith.constant 320 : index
      %get3A_1280 = tpu.vector_load %arg10[%get3A_1278, %get3A_1279] {strides = array<i32>} : memref<64x512xf32, #tpu.memory_space<vmem>>, vector<16xf32>,
      %mul3A_1281 = arith.mulf %get3A_873, %get3A_1280 : vector<16xf32>
      %sub3A_1282 = arith.subf %scan3A_865#20, %mul3A_1281 : vector<16xf32>
      %mul3A_1283 = arith.mulf %sub3A_1282, %get3A_876 : vector<16xf32>
      %get3A_1284 = arith.constant 1 : i32
      %get3A_1285 = arith.index_cast %get3A_1284 : i32 to index
      %get3A_1286 = arith.constant 320 : index
      %get3A_1287 = tpu.vector_load %arg12[%get3A_1285, %get3A_1286] {strides = array<i32>} : memref<2x512xf32, #tpu.memory_space<vmem>>, vector<16xf32>,
      %sub3A_1288 = arith.subf %get3A_1287, %mul3A_1283 : vector<16xf32>
      %swap3A_1289 = arith.constant 1 : i32
      %swap3A_1290 = arith.index_cast %swap3A_1289 : i32 to index
      %swap3A_1291 = arith.constant 320 : index
      %swap3A_1292 = tpu.vector_load %arg14[%swap3A_1290, %swap3A_1291] {strides = array<i32>} : memref<2x1024xf32, #tpu.memory_space<vmem>>, vector<16xf32>,
      tpu.vector_store %arg14[%swap3A_1290, %swap3A_1291], %sub3A_1288 {strides = array<i32>} : memref<2x1024xf32, #tpu.memory_space<vmem>>, vector<16xf32>,
      %swap3A_1293 = arith.constant 1 : i32
      %swap3A_1294 = arith.index_cast %swap3A_1293 : i32 to index
      %swap3A_1295 = arith.constant 832 : index
      %swap3A_1296 = tpu.vector_load %arg14[%swap3A_1294, %swap3A_1295] {strides = array<i32>} : memref<2x1024xf32, #tpu.memory_space<vmem>>, vector<16xf32>,
      tpu.vector_store %arg14[%swap3A_1294, %swap3A_1295], %mul3A_1283 {strides = array<i32>} : memref<2x1024xf32, #tpu.memory_space<vmem>>, vector<16xf32>,
      %get3A_1297 = arith.constant 32 : i32
      %get3A_1298 = arith.index_cast %get3A_1297 : i32 to index
      %get3A_1299 = arith.constant 336 : index
      %get3A_1300 = tpu.vector_load %arg10[%get3A_1298, %get3A_1299] {strides = array<i32>} : memref<64x512xf32, #tpu.memory_space<vmem>>, vector<16xf32>,
      %mul3A_1301 = arith.mulf %get3A_873, %get3A_1300 : vector<16xf32>
      %sub3A_1302 = arith.subf %scan3A_865#21, %mul3A_1301 : vector<16xf32>
      %mul3A_1303 = arith.mulf %sub3A_1302, %get3A_876 : vector<16xf32>
      %get3A_1304 = arith.constant 1 : i32
      %get3A_1305 = arith.index_cast %get3A_1304 : i32 to index
      %get3A_1306 = arith.constant 336 : index
      %get3A_1307 = tpu.vector_load %arg12[%get3A_1305, %get3A_1306] {strides = array<i32>} : memref<2x512xf32, #tpu.memory_space<vmem>>, vector<16xf32>,
      %sub3A_1308 = arith.subf %get3A_1307, %mul3A_1303 : vector<16xf32>
      %swap3A_1309 = arith.constant 1 : i32
      %swap3A_1310 = arith.index_cast %swap3A_1309 : i32 to index
      %swap3A_1311 = arith.constant 336 : index
      %swap3A_1312 = tpu.vector_load %arg14[%swap3A_1310, %swap3A_1311] {strides = array<i32>} : memref<2x1024xf32, #tpu.memory_space<vmem>>, vector<16xf32>,
      tpu.vector_store %arg14[%swap3A_1310, %swap3A_1311], %sub3A_1308 {strides = array<i32>} : memref<2x1024xf32, #tpu.memory_space<vmem>>, vector<16xf32>,
      %swap3A_1313 = arith.constant 1 : i32
      %swap3A_1314 = arith.index_cast %swap3A_1313 : i32 to index
      %swap3A_1315 = arith.constant 848 : index
      %swap3A_1316 = tpu.vector_load %arg14[%swap3A_1314, %swap3A_1315] {strides = array<i32>} : memref<2x1024xf32, #tpu.memory_space<vmem>>, vector<16xf32>,
      tpu.vector_store %arg14[%swap3A_1314, %swap3A_1315], %mul3A_1303 {strides = array<i32>} : memref<2x1024xf32, #tpu.memory_space<vmem>>, vector<16xf32>,
      %get3A_1317 = arith.constant 32 : i32
      %get3A_1318 = arith.index_cast %get3A_1317 : i32 to index
      %get3A_1319 = arith.constant 352 : index
      %get3A_1320 = tpu.vector_load %arg10[%get3A_1318, %get3A_1319] {strides = array<i32>} : memref<64x512xf32, #tpu.memory_space<vmem>>, vector<16xf32>,
      %mul3A_1321 = arith.mulf %get3A_873, %get3A_1320 : vector<16xf32>
      %sub3A_1322 = arith.subf %scan3A_865#22, %mul3A_1321 : vector<16xf32>
      %mul3A_1323 = arith.mulf %sub3A_1322, %get3A_876 : vector<16xf32>
      %get3A_1324 = arith.constant 1 : i32
      %get3A_1325 = arith.index_cast %get3A_1324 : i32 to index
      %get3A_1326 = arith.constant 352 : index
      %get3A_1327 = tpu.vector_load %arg12[%get3A_1325, %get3A_1326] {strides = array<i32>} : memref<2x512xf32, #tpu.memory_space<vmem>>, vector<16xf32>,
      %sub3A_1328 = arith.subf %get3A_1327, %mul3A_1323 : vector<16xf32>
      %swap3A_1329 = arith.constant 1 : i32
      %swap3A_1330 = arith.index_cast %swap3A_1329 : i32 to index
      %swap3A_1331 = arith.constant 352 : index
      %swap3A_1332 = tpu.vector_load %arg14[%swap3A_1330, %swap3A_1331] {strides = array<i32>} : memref<2x1024xf32, #tpu.memory_space<vmem>>, vector<16xf32>,
      tpu.vector_store %arg14[%swap3A_1330, %swap3A_1331], %sub3A_1328 {strides = array<i32>} : memref<2x1024xf32, #tpu.memory_space<vmem>>, vector<16xf32>,
      %swap3A_1333 = arith.constant 1 : i32
      %swap3A_1334 = arith.index_cast %swap3A_1333 : i32 to index
      %swap3A_1335 = arith.constant 864 : index
      %swap3A_1336 = tpu.vector_load %arg14[%swap3A_1334, %swap3A_1335] {strides = array<i32>} : memref<2x1024xf32, #tpu.memory_space<vmem>>, vector<16xf32>,
      tpu.vector_store %arg14[%swap3A_1334, %swap3A_1335], %mul3A_1323 {strides = array<i32>} : memref<2x1024xf32, #tpu.memory_space<vmem>>, vector<16xf32>,
      %get3A_1337 = arith.constant 32 : i32
      %get3A_1338 = arith.index_cast %get3A_1337 : i32 to index
      %get3A_1339 = arith.constant 368 : index
      %get3A_1340 = tpu.vector_load %arg10[%get3A_1338, %get3A_1339] {strides = array<i32>} : memref<64x512xf32, #tpu.memory_space<vmem>>, vector<16xf32>,
      %mul3A_1341 = arith.mulf %get3A_873, %get3A_1340 : vector<16xf32>
      %sub3A_1342 = arith.subf %scan3A_865#23, %mul3A_1341 : vector<16xf32>
      %mul3A_1343 = arith.mulf %sub3A_1342, %get3A_876 : vector<16xf32>
      %get3A_1344 = arith.constant 1 : i32
      %get3A_1345 = arith.index_cast %get3A_1344 : i32 to index
      %get3A_1346 = arith.constant 368 : index
      %get3A_1347 = tpu.vector_load %arg12[%get3A_1345, %get3A_1346] {strides = array<i32>} : memref<2x512xf32, #tpu.memory_space<vmem>>, vector<16xf32>,
      %sub3A_1348 = arith.subf %get3A_1347, %mul3A_1343 : vector<16xf32>
      %swap3A_1349 = arith.constant 1 : i32
      %swap3A_1350 = arith.index_cast %swap3A_1349 : i32 to index
      %swap3A_1351 = arith.constant 368 : index
      %swap3A_1352 = tpu.vector_load %arg14[%swap3A_1350, %swap3A_1351] {strides = array<i32>} : memref<2x1024xf32, #tpu.memory_space<vmem>>, vector<16xf32>,
      tpu.vector_store %arg14[%swap3A_1350, %swap3A_1351], %sub3A_1348 {strides = array<i32>} : memref<2x1024xf32, #tpu.memory_space<vmem>>, vector<16xf32>,
      %swap3A_1353 = arith.constant 1 : i32
      %swap3A_1354 = arith.index_cast %swap3A_1353 : i32 to index
      %swap3A_1355 = arith.constant 880 : index
      %swap3A_1356 = tpu.vector_load %arg14[%swap3A_1354, %swap3A_1355] {strides = array<i32>} : memref<2x1024xf32, #tpu.memory_space<vmem>>, vector<16xf32>,
      tpu.vector_store %arg14[%swap3A_1354, %swap3A_1355], %mul3A_1343 {strides = array<i32>} : memref<2x1024xf32, #tpu.memory_space<vmem>>, vector<16xf32>,
      %get3A_1357 = arith.constant 32 : i32
      %get3A_1358 = arith.index_cast %get3A_1357 : i32 to index
      %get3A_1359 = arith.constant 384 : index
      %get3A_1360 = tpu.vector_load %arg10[%get3A_1358, %get3A_1359] {strides = array<i32>} : memref<64x512xf32, #tpu.memory_space<vmem>>, vector<16xf32>,
      %mul3A_1361 = arith.mulf %get3A_873, %get3A_1360 : vector<16xf32>
      %sub3A_1362 = arith.subf %scan3A_865#24, %mul3A_1361 : vector<16xf32>
      %mul3A_1363 = arith.mulf %sub3A_1362, %get3A_876 : vector<16xf32>
      %get3A_1364 = arith.constant 1 : i32
      %get3A_1365 = arith.index_cast %get3A_1364 : i32 to index
      %get3A_1366 = arith.constant 384 : index
      %get3A_1367 = tpu.vector_load %arg12[%get3A_1365, %get3A_1366] {strides = array<i32>} : memref<2x512xf32, #tpu.memory_space<vmem>>, vector<16xf32>,
      %sub3A_1368 = arith.subf %get3A_1367, %mul3A_1363 : vector<16xf32>
      %swap3A_1369 = arith.constant 1 : i32
      %swap3A_1370 = arith.index_cast %swap3A_1369 : i32 to index
      %swap3A_1371 = arith.constant 384 : index
      %swap3A_1372 = tpu.vector_load %arg14[%swap3A_1370, %swap3A_1371] {strides = array<i32>} : memref<2x1024xf32, #tpu.memory_space<vmem>>, vector<16xf32>,
      tpu.vector_store %arg14[%swap3A_1370, %swap3A_1371], %sub3A_1368 {strides = array<i32>} : memref<2x1024xf32, #tpu.memory_space<vmem>>, vector<16xf32>,
      %swap3A_1373 = arith.constant 1 : i32
      %swap3A_1374 = arith.index_cast %swap3A_1373 : i32 to index
      %swap3A_1375 = arith.constant 896 : index
      %swap3A_1376 = tpu.vector_load %arg14[%swap3A_1374, %swap3A_1375] {strides = array<i32>} : memref<2x1024xf32, #tpu.memory_space<vmem>>, vector<16xf32>,
      tpu.vector_store %arg14[%swap3A_1374, %swap3A_1375], %mul3A_1363 {strides = array<i32>} : memref<2x1024xf32, #tpu.memory_space<vmem>>, vector<16xf32>,
      %get3A_1377 = arith.constant 32 : i32
      %get3A_1378 = arith.index_cast %get3A_1377 : i32 to index
      %get3A_1379 = arith.constant 400 : index
      %get3A_1380 = tpu.vector_load %arg10[%get3A_1378, %get3A_1379] {strides = array<i32>} : memref<64x512xf32, #tpu.memory_space<vmem>>, vector<16xf32>,
      %mul3A_1381 = arith.mulf %get3A_873, %get3A_1380 : vector<16xf32>
      %sub3A_1382 = arith.subf %scan3A_865#25, %mul3A_1381 : vector<16xf32>
      %mul3A_1383 = arith.mulf %sub3A_1382, %get3A_876 : vector<16xf32>
      %get3A_1384 = arith.constant 1 : i32
      %get3A_1385 = arith.index_cast %get3A_1384 : i32 to index
      %get3A_1386 = arith.constant 400 : index
      %get3A_1387 = tpu.vector_load %arg12[%get3A_1385, %get3A_1386] {strides = array<i32>} : memref<2x512xf32, #tpu.memory_space<vmem>>, vector<16xf32>,
      %sub3A_1388 = arith.subf %get3A_1387, %mul3A_1383 : vector<16xf32>
      %swap3A_1389 = arith.constant 1 : i32
      %swap3A_1390 = arith.index_cast %swap3A_1389 : i32 to index
      %swap3A_1391 = arith.constant 400 : index
      %swap3A_1392 = tpu.vector_load %arg14[%swap3A_1390, %swap3A_1391] {strides = array<i32>} : memref<2x1024xf32, #tpu.memory_space<vmem>>, vector<16xf32>,
      tpu.vector_store %arg14[%swap3A_1390, %swap3A_1391], %sub3A_1388 {strides = array<i32>} : memref<2x1024xf32, #tpu.memory_space<vmem>>, vector<16xf32>,
      %swap3A_1393 = arith.constant 1 : i32
      %swap3A_1394 = arith.index_cast %swap3A_1393 : i32 to index
      %swap3A_1395 = arith.constant 912 : index
      %swap3A_1396 = tpu.vector_load %arg14[%swap3A_1394, %swap3A_1395] {strides = array<i32>} : memref<2x1024xf32, #tpu.memory_space<vmem>>, vector<16xf32>,
      tpu.vector_store %arg14[%swap3A_1394, %swap3A_1395], %mul3A_1383 {strides = array<i32>} : memref<2x1024xf32, #tpu.memory_space<vmem>>, vector<16xf32>,
      %get3A_1397 = arith.constant 32 : i32
      %get3A_1398 = arith.index_cast %get3A_1397 : i32 to index
      %get3A_1399 = arith.constant 416 : index
      %get3A_1400 = tpu.vector_load %arg10[%get3A_1398, %get3A_1399] {strides = array<i32>} : memref<64x512xf32, #tpu.memory_space<vmem>>, vector<16xf32>,
      %mul3A_1401 = arith.mulf %get3A_873, %get3A_1400 : vector<16xf32>
      %sub3A_1402 = arith.subf %scan3A_865#26, %mul3A_1401 : vector<16xf32>
      %mul3A_1403 = arith.mulf %sub3A_1402, %get3A_876 : vector<16xf32>
      %get3A_1404 = arith.constant 1 : i32
      %get3A_1405 = arith.index_cast %get3A_1404 : i32 to index
      %get3A_1406 = arith.constant 416 : index
      %get3A_1407 = tpu.vector_load %arg12[%get3A_1405, %get3A_1406] {strides = array<i32>} : memref<2x512xf32, #tpu.memory_space<vmem>>, vector<16xf32>,
      %sub3A_1408 = arith.subf %get3A_1407, %mul3A_1403 : vector<16xf32>
      %swap3A_1409 = arith.constant 1 : i32
      %swap3A_1410 = arith.index_cast %swap3A_1409 : i32 to index
      %swap3A_1411 = arith.constant 416 : index
      %swap3A_1412 = tpu.vector_load %arg14[%swap3A_1410, %swap3A_1411] {strides = array<i32>} : memref<2x1024xf32, #tpu.memory_space<vmem>>, vector<16xf32>,
      tpu.vector_store %arg14[%swap3A_1410, %swap3A_1411], %sub3A_1408 {strides = array<i32>} : memref<2x1024xf32, #tpu.memory_space<vmem>>, vector<16xf32>,
      %swap3A_1413 = arith.constant 1 : i32
      %swap3A_1414 = arith.index_cast %swap3A_1413 : i32 to index
      %swap3A_1415 = arith.constant 928 : index
      %swap3A_1416 = tpu.vector_load %arg14[%swap3A_1414, %swap3A_1415] {strides = array<i32>} : memref<2x1024xf32, #tpu.memory_space<vmem>>, vector<16xf32>,
      tpu.vector_store %arg14[%swap3A_1414, %swap3A_1415], %mul3A_1403 {strides = array<i32>} : memref<2x1024xf32, #tpu.memory_space<vmem>>, vector<16xf32>,
      %get3A_1417 = arith.constant 32 : i32
      %get3A_1418 = arith.index_cast %get3A_1417 : i32 to index
      %get3A_1419 = arith.constant 432 : index
      %get3A_1420 = tpu.vector_load %arg10[%get3A_1418, %get3A_1419] {strides = array<i32>} : memref<64x512xf32, #tpu.memory_space<vmem>>, vector<16xf32>,
      %mul3A_1421 = arith.mulf %get3A_873, %get3A_1420 : vector<16xf32>
      %sub3A_1422 = arith.subf %scan3A_865#27, %mul3A_1421 : vector<16xf32>
      %mul3A_1423 = arith.mulf %sub3A_1422, %get3A_876 : vector<16xf32>
      %get3A_1424 = arith.constant 1 : i32
      %get3A_1425 = arith.index_cast %get3A_1424 : i32 to index
      %get3A_1426 = arith.constant 432 : index
      %get3A_1427 = tpu.vector_load %arg12[%get3A_1425, %get3A_1426] {strides = array<i32>} : memref<2x512xf32, #tpu.memory_space<vmem>>, vector<16xf32>,
      %sub3A_1428 = arith.subf %get3A_1427, %mul3A_1423 : vector<16xf32>
      %swap3A_1429 = arith.constant 1 : i32
      %swap3A_1430 = arith.index_cast %swap3A_1429 : i32 to index
      %swap3A_1431 = arith.constant 432 : index
      %swap3A_1432 = tpu.vector_load %arg14[%swap3A_1430, %swap3A_1431] {strides = array<i32>} : memref<2x1024xf32, #tpu.memory_space<vmem>>, vector<16xf32>,
      tpu.vector_store %arg14[%swap3A_1430, %swap3A_1431], %sub3A_1428 {strides = array<i32>} : memref<2x1024xf32, #tpu.memory_space<vmem>>, vector<16xf32>,
      %swap3A_1433 = arith.constant 1 : i32
      %swap3A_1434 = arith.index_cast %swap3A_1433 : i32 to index
      %swap3A_1435 = arith.constant 944 : index
      %swap3A_1436 = tpu.vector_load %arg14[%swap3A_1434, %swap3A_1435] {strides = array<i32>} : memref<2x1024xf32, #tpu.memory_space<vmem>>, vector<16xf32>,
      tpu.vector_store %arg14[%swap3A_1434, %swap3A_1435], %mul3A_1423 {strides = array<i32>} : memref<2x1024xf32, #tpu.memory_space<vmem>>, vector<16xf32>,
      %get3A_1437 = arith.constant 32 : i32
      %get3A_1438 = arith.index_cast %get3A_1437 : i32 to index
      %get3A_1439 = arith.constant 448 : index
      %get3A_1440 = tpu.vector_load %arg10[%get3A_1438, %get3A_1439] {strides = array<i32>} : memref<64x512xf32, #tpu.memory_space<vmem>>, vector<16xf32>,
      %mul3A_1441 = arith.mulf %get3A_873, %get3A_1440 : vector<16xf32>
      %sub3A_1442 = arith.subf %scan3A_865#28, %mul3A_1441 : vector<16xf32>
      %mul3A_1443 = arith.mulf %sub3A_1442, %get3A_876 : vector<16xf32>
      %get3A_1444 = arith.constant 1 : i32
      %get3A_1445 = arith.index_cast %get3A_1444 : i32 to index
      %get3A_1446 = arith.constant 448 : index
      %get3A_1447 = tpu.vector_load %arg12[%get3A_1445, %get3A_1446] {strides = array<i32>} : memref<2x512xf32, #tpu.memory_space<vmem>>, vector<16xf32>,
      %sub3A_1448 = arith.subf %get3A_1447, %mul3A_1443 : vector<16xf32>
      %swap3A_1449 = arith.constant 1 : i32
      %swap3A_1450 = arith.index_cast %swap3A_1449 : i32 to index
      %swap3A_1451 = arith.constant 448 : index
      %swap3A_1452 = tpu.vector_load %arg14[%swap3A_1450, %swap3A_1451] {strides = array<i32>} : memref<2x1024xf32, #tpu.memory_space<vmem>>, vector<16xf32>,
      tpu.vector_store %arg14[%swap3A_1450, %swap3A_1451], %sub3A_1448 {strides = array<i32>} : memref<2x1024xf32, #tpu.memory_space<vmem>>, vector<16xf32>,
      %swap3A_1453 = arith.constant 1 : i32
      %swap3A_1454 = arith.index_cast %swap3A_1453 : i32 to index
      %swap3A_1455 = arith.constant 960 : index
      %swap3A_1456 = tpu.vector_load %arg14[%swap3A_1454, %swap3A_1455] {strides = array<i32>} : memref<2x1024xf32, #tpu.memory_space<vmem>>, vector<16xf32>,
      tpu.vector_store %arg14[%swap3A_1454, %swap3A_1455], %mul3A_1443 {strides = array<i32>} : memref<2x1024xf32, #tpu.memory_space<vmem>>, vector<16xf32>,
      %get3A_1457 = arith.constant 32 : i32
      %get3A_1458 = arith.index_cast %get3A_1457 : i32 to index
      %get3A_1459 = arith.constant 464 : index
      %get3A_1460 = tpu.vector_load %arg10[%get3A_1458, %get3A_1459] {strides = array<i32>} : memref<64x512xf32, #tpu.memory_space<vmem>>, vector<16xf32>,
      %mul3A_1461 = arith.mulf %get3A_873, %get3A_1460 : vector<16xf32>
      %sub3A_1462 = arith.subf %scan3A_865#29, %mul3A_1461 : vector<16xf32>
      %mul3A_1463 = arith.mulf %sub3A_1462, %get3A_876 : vector<16xf32>
      %get3A_1464 = arith.constant 1 : i32
      %get3A_1465 = arith.index_cast %get3A_1464 : i32 to index
      %get3A_1466 = arith.constant 464 : index
      %get3A_1467 = tpu.vector_load %arg12[%get3A_1465, %get3A_1466] {strides = array<i32>} : memref<2x512xf32, #tpu.memory_space<vmem>>, vector<16xf32>,
      %sub3A_1468 = arith.subf %get3A_1467, %mul3A_1463 : vector<16xf32>
      %swap3A_1469 = arith.constant 1 : i32
      %swap3A_1470 = arith.index_cast %swap3A_1469 : i32 to index
      %swap3A_1471 = arith.constant 464 : index
      %swap3A_1472 = tpu.vector_load %arg14[%swap3A_1470, %swap3A_1471] {strides = array<i32>} : memref<2x1024xf32, #tpu.memory_space<vmem>>, vector<16xf32>,
      tpu.vector_store %arg14[%swap3A_1470, %swap3A_1471], %sub3A_1468 {strides = array<i32>} : memref<2x1024xf32, #tpu.memory_space<vmem>>, vector<16xf32>,
      %swap3A_1473 = arith.constant 1 : i32
      %swap3A_1474 = arith.index_cast %swap3A_1473 : i32 to index
      %swap3A_1475 = arith.constant 976 : index
      %swap3A_1476 = tpu.vector_load %arg14[%swap3A_1474, %swap3A_1475] {strides = array<i32>} : memref<2x1024xf32, #tpu.memory_space<vmem>>, vector<16xf32>,
      tpu.vector_store %arg14[%swap3A_1474, %swap3A_1475], %mul3A_1463 {strides = array<i32>} : memref<2x1024xf32, #tpu.memory_space<vmem>>, vector<16xf32>,
      %get3A_1477 = arith.constant 32 : i32
      %get3A_1478 = arith.index_cast %get3A_1477 : i32 to index
      %get3A_1479 = arith.constant 480 : index
      %get3A_1480 = tpu.vector_load %arg10[%get3A_1478, %get3A_1479] {strides = array<i32>} : memref<64x512xf32, #tpu.memory_space<vmem>>, vector<16xf32>,
      %mul3A_1481 = arith.mulf %get3A_873, %get3A_1480 : vector<16xf32>
      %sub3A_1482 = arith.subf %scan3A_865#30, %mul3A_1481 : vector<16xf32>
      %mul3A_1483 = arith.mulf %sub3A_1482, %get3A_876 : vector<16xf32>
      %get3A_1484 = arith.constant 1 : i32
      %get3A_1485 = arith.index_cast %get3A_1484 : i32 to index
      %get3A_1486 = arith.constant 480 : index
      %get3A_1487 = tpu.vector_load %arg12[%get3A_1485, %get3A_1486] {strides = array<i32>} : memref<2x512xf32, #tpu.memory_space<vmem>>, vector<16xf32>,
      %sub3A_1488 = arith.subf %get3A_1487, %mul3A_1483 : vector<16xf32>
      %swap3A_1489 = arith.constant 1 : i32
      %swap3A_1490 = arith.index_cast %swap3A_1489 : i32 to index
      %swap3A_1491 = arith.constant 480 : index
      %swap3A_1492 = tpu.vector_load %arg14[%swap3A_1490, %swap3A_1491] {strides = array<i32>} : memref<2x1024xf32, #tpu.memory_space<vmem>>, vector<16xf32>,
      tpu.vector_store %arg14[%swap3A_1490, %swap3A_1491], %sub3A_1488 {strides = array<i32>} : memref<2x1024xf32, #tpu.memory_space<vmem>>, vector<16xf32>,
      %swap3A_1493 = arith.constant 1 : i32
      %swap3A_1494 = arith.index_cast %swap3A_1493 : i32 to index
      %swap3A_1495 = arith.constant 992 : index
      %swap3A_1496 = tpu.vector_load %arg14[%swap3A_1494, %swap3A_1495] {strides = array<i32>} : memref<2x1024xf32, #tpu.memory_space<vmem>>, vector<16xf32>,
      tpu.vector_store %arg14[%swap3A_1494, %swap3A_1495], %mul3A_1483 {strides = array<i32>} : memref<2x1024xf32, #tpu.memory_space<vmem>>, vector<16xf32>,
      %get3A_1497 = arith.constant 32 : i32
      %get3A_1498 = arith.index_cast %get3A_1497 : i32 to index
      %get3A_1499 = arith.constant 496 : index
      %get3A_1500 = tpu.vector_load %arg10[%get3A_1498, %get3A_1499] {strides = array<i32>} : memref<64x512xf32, #tpu.memory_space<vmem>>, vector<16xf32>,
      %mul3A_1501 = arith.mulf %get3A_873, %get3A_1500 : vector<16xf32>
      %sub3A_1502 = arith.subf %scan3A_865#31, %mul3A_1501 : vector<16xf32>
      %mul3A_1503 = arith.mulf %sub3A_1502, %get3A_876 : vector<16xf32>
      %get3A_1504 = arith.constant 1 : i32
      %get3A_1505 = arith.index_cast %get3A_1504 : i32 to index
      %get3A_1506 = arith.constant 496 : index
      %get3A_1507 = tpu.vector_load %arg12[%get3A_1505, %get3A_1506] {strides = array<i32>} : memref<2x512xf32, #tpu.memory_space<vmem>>, vector<16xf32>,
      %sub3A_1508 = arith.subf %get3A_1507, %mul3A_1503 : vector<16xf32>
      %swap3A_1509 = arith.constant 1 : i32
      %swap3A_1510 = arith.index_cast %swap3A_1509 : i32 to index
      %swap3A_1511 = arith.constant 496 : index
      %swap3A_1512 = tpu.vector_load %arg14[%swap3A_1510, %swap3A_1511] {strides = array<i32>} : memref<2x1024xf32, #tpu.memory_space<vmem>>, vector<16xf32>,
      tpu.vector_store %arg14[%swap3A_1510, %swap3A_1511], %sub3A_1508 {strides = array<i32>} : memref<2x1024xf32, #tpu.memory_space<vmem>>, vector<16xf32>,
      %swap3A_1513 = arith.constant 1 : i32
      %swap3A_1514 = arith.index_cast %swap3A_1513 : i32 to index
      %swap3A_1515 = arith.constant 1008 : index
      %swap3A_1516 = tpu.vector_load %arg14[%swap3A_1514, %swap3A_1515] {strides = array<i32>} : memref<2x1024xf32, #tpu.memory_space<vmem>>, vector<16xf32>,
      tpu.vector_store %arg14[%swap3A_1514, %swap3A_1515], %mul3A_1503 {strides = array<i32>} : memref<2x1024xf32, #tpu.memory_space<vmem>>, vector<16xf32>,
      %mul3A_1517 = arith.constant 2 : i32
      %mul3A_1518 = arith.muli %mul3A_45, %mul3A_1517 : i32
      %add3A_1519 = arith.addi %mul3A_2, %mul3A_1518 : i32
      %dma_start3A_1520 = arith.constant 0 : i32
      %dma_start3A_1521 = tpu.memref_slice %arg5[%add3A_1519, %dma_start3A_1520] : memref<2048x1024xf32, #tpu.memory_space<hbm>> -> memref<2x1024xf32, #tpu.memory_space<hbm>>
      %dma_start3A_1522 = arith.constant 0 : i32
      %dma_start3A_1523 = tpu.memref_slice %arg5[%add3A_1519, %dma_start3A_1522] : memref<2048x1024xf32, #tpu.memory_space<hbm>> -> memref<2x1024xf32, #tpu.memory_space<hbm>>
      tpu.enqueue_dma source(%arg14 : memref<2x1024xf32, #tpu.memory_space<vmem>>) target(%dma_start3A_1523 : memref<2x1024xf32, #tpu.memory_space<hbm>>) target_semaphore(%arg20 : memref<!tpu.dma_semaphore, #tpu.memory_space<semaphore_mem>>)
      %lt3A = arith.constant 15 : i32
      %lt3A_1524 = arith.cmpi slt, %scan3A_43, %lt3A : i32
      %convert_element_type3A_1525 = arith.extui %lt3A_1524 : i1 to i32
      %cond3A_1526 = arith.constant 0 : i32
      %cond3A_1527 = arith.cmpi ne, %convert_element_type3A_1525, %cond3A_1526 : i32
      scf.if %cond3A_1527 {
        %add3A_2995 = arith.constant 2 : i32
        %add3A_2996 = arith.addi %mul3A_45, %add3A_2995 : i32
        %mul3A_2997 = arith.constant 2 : i32
        %mul3A_2998 = arith.muli %add3A_2996, %mul3A_2997 : i32
        %mul3A_2999 = arith.constant 32 : i32
        %mul3A_3000 = arith.muli %mul3A_2998, %mul3A_2999 : i32
        %dma_start3A_3001 = tpu.memref_slice %arg6[%mul3A_3000] : memref<2048xi32, #tpu.memory_space<vmem>> -> memref<64xi32, #tpu.memory_space<vmem>>
        %dma_start3A_3002 = arith.constant 0 : i32
        %dma_start3A_3003 = arith.constant 0 : i32
        %dma_start3A_3004 = tpu.memref_slice %arg2[%dma_start3A_3002, %dma_start3A_3003] : memref<10000x512xf32, #tpu.memory_space<hbm>> -> memref<10000x512xf32, #tpu.memory_space<hbm>>
        tpu.enqueue_indirect_dma source(%dma_start3A_3004 : memref<10000x512xf32, #tpu.memory_space<hbm>>) target(%arg10 : memref<64x512xf32, #tpu.memory_space<vmem>>) offsets(%dma_start3A_3001 : memref<64xi32, #tpu.memory_space<vmem>>) semaphore(%arg16 : memref<!tpu.dma_semaphore, #tpu.memory_space<semaphore_mem>>)
        %add3A_3005 = arith.constant 2 : i32
        %add3A_3006 = arith.addi %mul3A_45, %add3A_3005 : i32
        %mul3A_3007 = arith.constant 2 : i32
        %mul3A_3008 = arith.muli %add3A_3006, %mul3A_3007 : i32
        %add3A_3009 = arith.addi %mul3A_2, %mul3A_3008 : i32
        %dma_start3A_3010 = arith.constant 0 : i32
        %dma_start3A_3011 = tpu.memref_slice %arg4[%add3A_3009, %dma_start3A_3010] : memref<2048x512xf32, #tpu.memory_space<hbm>> -> memref<2x512xf32, #tpu.memory_space<hbm>>
        %dma_start3A_3012 = arith.constant 0 : i32
        %dma_start3A_3013 = tpu.memref_slice %arg4[%add3A_3009, %dma_start3A_3012] : memref<2048x512xf32, #tpu.memory_space<hbm>> -> memref<2x512xf32, #tpu.memory_space<hbm>>
        tpu.enqueue_dma source(%dma_start3A_3013 : memref<2x512xf32, #tpu.memory_space<hbm>>) target(%arg12 : memref<2x512xf32, #tpu.memory_space<vmem>>) target_semaphore(%arg18 : memref<!tpu.dma_semaphore, #tpu.memory_space<semaphore_mem>>)
      } else {
      }
      %mul3A_1528 = arith.constant 2 : i32
      %mul3A_1529 = arith.muli %add3A_47, %mul3A_1528 : i32
      %mul3A_1530 = arith.constant 32 : i32
      %mul3A_1531 = arith.muli %mul3A_1529, %mul3A_1530 : i32
      %dma_wait3A_1532 = tpu.memref_slice %arg6[%mul3A_1531] : memref<2048xi32, #tpu.memory_space<vmem>> -> memref<64xi32, #tpu.memory_space<vmem>>
      %dma_wait3A_1533 = arith.constant 0 : i32
      %dma_wait3A_1534 = arith.constant 0 : i32
      %dma_wait3A_1535 = tpu.memref_slice %arg2[%dma_wait3A_1533, %dma_wait3A_1534] : memref<10000x512xf32, #tpu.memory_space<hbm>> -> memref<10000x512xf32, #tpu.memory_space<hbm>>
      tpu.wait_indirect_dma semaphore(%arg17 : memref<!tpu.dma_semaphore, #tpu.memory_space<semaphore_mem>>) src(%dma_wait3A_1535 : memref<10000x512xf32, #tpu.memory_space<hbm>>) dst(%arg11 : memref<64x512xf32, #tpu.memory_space<vmem>>)
      %mul3A_1536 = arith.constant 2 : i32
      %mul3A_1537 = arith.muli %add3A_47, %mul3A_1536 : i32
      %add3A_1538 = arith.addi %mul3A_2, %mul3A_1537 : i32
      %dma_wait3A_1539 = arith.constant 0 : i32
      %dma_wait3A_1540 = tpu.memref_slice %arg4[%add3A_1538, %dma_wait3A_1539] : memref<2048x512xf32, #tpu.memory_space<hbm>> -> memref<2x512xf32, #tpu.memory_space<hbm>>
      %dma_wait3A_1541 = arith.constant 0 : i32
      %dma_wait3A_1542 = tpu.memref_slice %arg4[%add3A_1538, %dma_wait3A_1541] : memref<2048x512xf32, #tpu.memory_space<hbm>> -> memref<2x512xf32, #tpu.memory_space<hbm>>
      tpu.wait_dma2 semaphore(%arg19 : memref<!tpu.dma_semaphore, #tpu.memory_space<semaphore_mem>>) src(%dma_wait3A_1542 : memref<2x512xf32, #tpu.memory_space<hbm>>) dst(%arg13 : memref<2x512xf32, #tpu.memory_space<vmem>>)
      %gt3A_1543 = arith.constant 0 : i32
      %gt3A_1544 = arith.cmpi sgt, %scan3A_43, %gt3A_1543 : i32
      %convert_element_type3A_1545 = arith.extui %gt3A_1544 : i1 to i32
      %cond3A_1546 = arith.constant 0 : i32
      %cond3A_1547 = arith.cmpi ne, %convert_element_type3A_1545, %cond3A_1546 : i32
      scf.if %cond3A_1547 {
        %sub3A_2995 = arith.constant 2 : i32
        %sub3A_2996 = arith.subi %add3A_47, %sub3A_2995 : i32
        %mul3A_2997 = arith.constant 2 : i32
        %mul3A_2998 = arith.muli %sub3A_2996, %mul3A_2997 : i32
        %add3A_2999 = arith.addi %mul3A_2, %mul3A_2998 : i32
        %dma_wait3A_3000 = arith.constant 0 : i32
        %dma_wait3A_3001 = tpu.memref_slice %arg5[%add3A_2999, %dma_wait3A_3000] : memref<2048x1024xf32, #tpu.memory_space<hbm>> -> memref<2x1024xf32, #tpu.memory_space<hbm>>
        %dma_wait3A_3002 = arith.constant 0 : i32
        %dma_wait3A_3003 = tpu.memref_slice %arg5[%add3A_2999, %dma_wait3A_3002] : memref<2048x1024xf32, #tpu.memory_space<hbm>> -> memref<2x1024xf32, #tpu.memory_space<hbm>>
        tpu.wait_dma2 semaphore(%arg21 : memref<!tpu.dma_semaphore, #tpu.memory_space<semaphore_mem>>) src(%arg15 : memref<2x1024xf32, #tpu.memory_space<vmem>>) dst(%dma_wait3A_3003 : memref<2x1024xf32, #tpu.memory_space<hbm>>)
      } else {
      }
      %broadcast_in_dim3A_1548 = arith.constant 0.000000e+00 : f32
      %broadcast_in_dim3A_1549 = vector.broadcast %broadcast_in_dim3A_1548 : f32 to vector<16xf32>
      %broadcast_in_dim3A_1550 = arith.constant 0.000000e+00 : f32
      %broadcast_in_dim3A_1551 = vector.broadcast %broadcast_in_dim3A_1550 : f32 to vector<16xf32>
      %broadcast_in_dim3A_1552 = arith.constant 0.000000e+00 : f32
      %broadcast_in_dim3A_1553 = vector.broadcast %broadcast_in_dim3A_1552 : f32 to vector<16xf32>
      %broadcast_in_dim3A_1554 = arith.constant 0.000000e+00 : f32
      %broadcast_in_dim3A_1555 = vector.broadcast %broadcast_in_dim3A_1554 : f32 to vector<16xf32>
      %broadcast_in_dim3A_1556 = arith.constant 0.000000e+00 : f32
      %broadcast_in_dim3A_1557 = vector.broadcast %broadcast_in_dim3A_1556 : f32 to vector<16xf32>
      %broadcast_in_dim3A_1558 = arith.constant 0.000000e+00 : f32
      %broadcast_in_dim3A_1559 = vector.broadcast %broadcast_in_dim3A_1558 : f32 to vector<16xf32>
      %broadcast_in_dim3A_1560 = arith.constant 0.000000e+00 : f32
      %broadcast_in_dim3A_1561 = vector.broadcast %broadcast_in_dim3A_1560 : f32 to vector<16xf32>
      %broadcast_in_dim3A_1562 = arith.constant 0.000000e+00 : f32
      %broadcast_in_dim3A_1563 = vector.broadcast %broadcast_in_dim3A_1562 : f32 to vector<16xf32>
      %broadcast_in_dim3A_1564 = arith.constant 0.000000e+00 : f32
      %broadcast_in_dim3A_1565 = vector.broadcast %broadcast_in_dim3A_1564 : f32 to vector<16xf32>
      %broadcast_in_dim3A_1566 = arith.constant 0.000000e+00 : f32
      %broadcast_in_dim3A_1567 = vector.broadcast %broadcast_in_dim3A_1566 : f32 to vector<16xf32>
      %broadcast_in_dim3A_1568 = arith.constant 0.000000e+00 : f32
      %broadcast_in_dim3A_1569 = vector.broadcast %broadcast_in_dim3A_1568 : f32 to vector<16xf32>
      %broadcast_in_dim3A_1570 = arith.constant 0.000000e+00 : f32
      %broadcast_in_dim3A_1571 = vector.broadcast %broadcast_in_dim3A_1570 : f32 to vector<16xf32>
      %broadcast_in_dim3A_1572 = arith.constant 0.000000e+00 : f32
      %broadcast_in_dim3A_1573 = vector.broadcast %broadcast_in_dim3A_1572 : f32 to vector<16xf32>
      %broadcast_in_dim3A_1574 = arith.constant 0.000000e+00 : f32
      %broadcast_in_dim3A_1575 = vector.broadcast %broadcast_in_dim3A_1574 : f32 to vector<16xf32>
      %broadcast_in_dim3A_1576 = arith.constant 0.000000e+00 : f32
      %broadcast_in_dim3A_1577 = vector.broadcast %broadcast_in_dim3A_1576 : f32 to vector<16xf32>
      %broadcast_in_dim3A_1578 = arith.constant 0.000000e+00 : f32
      %broadcast_in_dim3A_1579 = vector.broadcast %broadcast_in_dim3A_1578 : f32 to vector<16xf32>
      %broadcast_in_dim3A_1580 = arith.constant 0.000000e+00 : f32
      %broadcast_in_dim3A_1581 = vector.broadcast %broadcast_in_dim3A_1580 : f32 to vector<16xf32>
      %broadcast_in_dim3A_1582 = arith.constant 0.000000e+00 : f32
      %broadcast_in_dim3A_1583 = vector.broadcast %broadcast_in_dim3A_1582 : f32 to vector<16xf32>
      %broadcast_in_dim3A_1584 = arith.constant 0.000000e+00 : f32
      %broadcast_in_dim3A_1585 = vector.broadcast %broadcast_in_dim3A_1584 : f32 to vector<16xf32>
      %broadcast_in_dim3A_1586 = arith.constant 0.000000e+00 : f32
      %broadcast_in_dim3A_1587 = vector.broadcast %broadcast_in_dim3A_1586 : f32 to vector<16xf32>
      %broadcast_in_dim3A_1588 = arith.constant 0.000000e+00 : f32
      %broadcast_in_dim3A_1589 = vector.broadcast %broadcast_in_dim3A_1588 : f32 to vector<16xf32>
      %broadcast_in_dim3A_1590 = arith.constant 0.000000e+00 : f32
      %broadcast_in_dim3A_1591 = vector.broadcast %broadcast_in_dim3A_1590 : f32 to vector<16xf32>
      %broadcast_in_dim3A_1592 = arith.constant 0.000000e+00 : f32
      %broadcast_in_dim3A_1593 = vector.broadcast %broadcast_in_dim3A_1592 : f32 to vector<16xf32>
      %broadcast_in_dim3A_1594 = arith.constant 0.000000e+00 : f32
      %broadcast_in_dim3A_1595 = vector.broadcast %broadcast_in_dim3A_1594 : f32 to vector<16xf32>
      %broadcast_in_dim3A_1596 = arith.constant 0.000000e+00 : f32
      %broadcast_in_dim3A_1597 = vector.broadcast %broadcast_in_dim3A_1596 : f32 to vector<16xf32>
      %broadcast_in_dim3A_1598 = arith.constant 0.000000e+00 : f32
      %broadcast_in_dim3A_1599 = vector.broadcast %broadcast_in_dim3A_1598 : f32 to vector<16xf32>
      %broadcast_in_dim3A_1600 = arith.constant 0.000000e+00 : f32
      %broadcast_in_dim3A_1601 = vector.broadcast %broadcast_in_dim3A_1600 : f32 to vector<16xf32>
      %broadcast_in_dim3A_1602 = arith.constant 0.000000e+00 : f32
      %broadcast_in_dim3A_1603 = vector.broadcast %broadcast_in_dim3A_1602 : f32 to vector<16xf32>
      %broadcast_in_dim3A_1604 = arith.constant 0.000000e+00 : f32
      %broadcast_in_dim3A_1605 = vector.broadcast %broadcast_in_dim3A_1604 : f32 to vector<16xf32>
      %broadcast_in_dim3A_1606 = arith.constant 0.000000e+00 : f32
      %broadcast_in_dim3A_1607 = vector.broadcast %broadcast_in_dim3A_1606 : f32 to vector<16xf32>
      %broadcast_in_dim3A_1608 = arith.constant 0.000000e+00 : f32
      %broadcast_in_dim3A_1609 = vector.broadcast %broadcast_in_dim3A_1608 : f32 to vector<16xf32>
      %broadcast_in_dim3A_1610 = arith.constant 0.000000e+00 : f32
      %broadcast_in_dim3A_1611 = vector.broadcast %broadcast_in_dim3A_1610 : f32 to vector<16xf32>
      %scan3A_1612 = arith.constant 0 : i32
      %scan3A_1613 = arith.constant 32 : i32
      %scan3A_1614 = arith.addi %scan3A_1612, %scan3A_1613 : i32
      %scan3A_1615 = arith.constant 1 : i32
      %scan3A_1616:32 = scf.for %scan3A_2995 = %scan3A_1612 to %scan3A_1614 step %scan3A_1615 iter_args(%scan3A_2996 = %broadcast_in_dim3A_1549, %scan3A_2997 = %broadcast_in_dim3A_1551, %scan3A_2998 = %broadcast_in_dim3A_1553, %scan3A_2999 = %broadcast_in_dim3A_1555, %scan3A_3000 = %broadcast_in_dim3A_1557, %scan3A_3001 = %broadcast_in_dim3A_1559, %scan3A_3002 = %broadcast_in_dim3A_1561, %scan3A_3003 = %broadcast_in_dim3A_1563, %scan3A_3004 = %broadcast_in_dim3A_1565, %scan3A_3005 = %broadcast_in_dim3A_1567, %scan3A_3006 = %broadcast_in_dim3A_1569, %scan3A_3007 = %broadcast_in_dim3A_1571, %scan3A_3008 = %broadcast_in_dim3A_1573, %scan3A_3009 = %broadcast_in_dim3A_1575, %scan3A_3010 = %broadcast_in_dim3A_1577, %scan3A_3011 = %broadcast_in_dim3A_1579, %scan3A_3012 = %broadcast_in_dim3A_1581, %scan3A_3013 = %broadcast_in_dim3A_1583, %scan3A_3014 = %broadcast_in_dim3A_1585, %scan3A_3015 = %broadcast_in_dim3A_1587, %scan3A_3016 = %broadcast_in_dim3A_1589, %scan3A_3017 = %broadcast_in_dim3A_1591, %scan3A_3018 = %broadcast_in_dim3A_1593, %scan3A_3019 = %broadcast_in_dim3A_1595, %scan3A_3020 = %broadcast_in_dim3A_1597, %scan3A_3021 = %broadcast_in_dim3A_1599, %scan3A_3022 = %broadcast_in_dim3A_1601, %scan3A_3023 = %broadcast_in_dim3A_1603, %scan3A_3024 = %broadcast_in_dim3A_1605, %scan3A_3025 = %broadcast_in_dim3A_1607, %scan3A_3026 = %broadcast_in_dim3A_1609, %scan3A_3027 = %broadcast_in_dim3A_1611) -> (vector<16xf32>, vector<16xf32>, vector<16xf32>, vector<16xf32>, vector<16xf32>, vector<16xf32>, vector<16xf32>, vector<16xf32>, vector<16xf32>, vector<16xf32>, vector<16xf32>, vector<16xf32>, vector<16xf32>, vector<16xf32>, vector<16xf32>, vector<16xf32>, vector<16xf32>, vector<16xf32>, vector<16xf32>, vector<16xf32>, vector<16xf32>, vector<16xf32>, vector<16xf32>, vector<16xf32>, vector<16xf32>, vector<16xf32>, vector<16xf32>, vector<16xf32>, vector<16xf32>, vector<16xf32>, vector<16xf32>, vector<16xf32>)  : i32 {
        %mul3A_3028 = arith.constant 1 : i32
        %mul3A_3029 = arith.muli %scan3A_2995, %mul3A_3028 : i32
        %add3A_3030 = arith.constant 0 : i32
        %add3A_3031 = arith.addi %add3A_3030, %mul3A_3029 : i32
        %add3A_3032 = arith.constant 0 : i32
        %add3A_3033 = arith.addi %add3A_3031, %add3A_3032 : i32
        %get3A_3034 = arith.index_cast %add3A_3033 : i32 to index
        %get3A_3035 = arith.constant 0 : index
        %get3A_3036 = tpu.vector_load %arg11[%get3A_3034, %get3A_3035] {strides = array<i32>} : memref<64x512xf32, #tpu.memory_space<vmem>>, vector<16xf32>,
        %add3A_3037 = arith.addf %scan3A_2996, %get3A_3036 : vector<16xf32>
        %get3A_3038 = arith.index_cast %add3A_3033 : i32 to index
        %get3A_3039 = arith.constant 16 : index
        %get3A_3040 = tpu.vector_load %arg11[%get3A_3038, %get3A_3039] {strides = array<i32>} : memref<64x512xf32, #tpu.memory_space<vmem>>, vector<16xf32>,
        %add3A_3041 = arith.addf %scan3A_2997, %get3A_3040 : vector<16xf32>
        %get3A_3042 = arith.index_cast %add3A_3033 : i32 to index
        %get3A_3043 = arith.constant 32 : index
        %get3A_3044 = tpu.vector_load %arg11[%get3A_3042, %get3A_3043] {strides = array<i32>} : memref<64x512xf32, #tpu.memory_space<vmem>>, vector<16xf32>,
        %add3A_3045 = arith.addf %scan3A_2998, %get3A_3044 : vector<16xf32>
        %get3A_3046 = arith.index_cast %add3A_3033 : i32 to index
        %get3A_3047 = arith.constant 48 : index
        %get3A_3048 = tpu.vector_load %arg11[%get3A_3046, %get3A_3047] {strides = array<i32>} : memref<64x512xf32, #tpu.memory_space<vmem>>, vector<16xf32>,
        %add3A_3049 = arith.addf %scan3A_2999, %get3A_3048 : vector<16xf32>
        %get3A_3050 = arith.index_cast %add3A_3033 : i32 to index
        %get3A_3051 = arith.constant 64 : index
        %get3A_3052 = tpu.vector_load %arg11[%get3A_3050, %get3A_3051] {strides = array<i32>} : memref<64x512xf32, #tpu.memory_space<vmem>>, vector<16xf32>,
        %add3A_3053 = arith.addf %scan3A_3000, %get3A_3052 : vector<16xf32>
        %get3A_3054 = arith.index_cast %add3A_3033 : i32 to index
        %get3A_3055 = arith.constant 80 : index
        %get3A_3056 = tpu.vector_load %arg11[%get3A_3054, %get3A_3055] {strides = array<i32>} : memref<64x512xf32, #tpu.memory_space<vmem>>, vector<16xf32>,
        %add3A_3057 = arith.addf %scan3A_3001, %get3A_3056 : vector<16xf32>
        %get3A_3058 = arith.index_cast %add3A_3033 : i32 to index
        %get3A_3059 = arith.constant 96 : index
        %get3A_3060 = tpu.vector_load %arg11[%get3A_3058, %get3A_3059] {strides = array<i32>} : memref<64x512xf32, #tpu.memory_space<vmem>>, vector<16xf32>,
        %add3A_3061 = arith.addf %scan3A_3002, %get3A_3060 : vector<16xf32>
        %get3A_3062 = arith.index_cast %add3A_3033 : i32 to index
        %get3A_3063 = arith.constant 112 : index
        %get3A_3064 = tpu.vector_load %arg11[%get3A_3062, %get3A_3063] {strides = array<i32>} : memref<64x512xf32, #tpu.memory_space<vmem>>, vector<16xf32>,
        %add3A_3065 = arith.addf %scan3A_3003, %get3A_3064 : vector<16xf32>
        %get3A_3066 = arith.index_cast %add3A_3033 : i32 to index
        %get3A_3067 = arith.constant 128 : index
        %get3A_3068 = tpu.vector_load %arg11[%get3A_3066, %get3A_3067] {strides = array<i32>} : memref<64x512xf32, #tpu.memory_space<vmem>>, vector<16xf32>,
        %add3A_3069 = arith.addf %scan3A_3004, %get3A_3068 : vector<16xf32>
        %get3A_3070 = arith.index_cast %add3A_3033 : i32 to index
        %get3A_3071 = arith.constant 144 : index
        %get3A_3072 = tpu.vector_load %arg11[%get3A_3070, %get3A_3071] {strides = array<i32>} : memref<64x512xf32, #tpu.memory_space<vmem>>, vector<16xf32>,
        %add3A_3073 = arith.addf %scan3A_3005, %get3A_3072 : vector<16xf32>
        %get3A_3074 = arith.index_cast %add3A_3033 : i32 to index
        %get3A_3075 = arith.constant 160 : index
        %get3A_3076 = tpu.vector_load %arg11[%get3A_3074, %get3A_3075] {strides = array<i32>} : memref<64x512xf32, #tpu.memory_space<vmem>>, vector<16xf32>,
        %add3A_3077 = arith.addf %scan3A_3006, %get3A_3076 : vector<16xf32>
        %get3A_3078 = arith.index_cast %add3A_3033 : i32 to index
        %get3A_3079 = arith.constant 176 : index
        %get3A_3080 = tpu.vector_load %arg11[%get3A_3078, %get3A_3079] {strides = array<i32>} : memref<64x512xf32, #tpu.memory_space<vmem>>, vector<16xf32>,
        %add3A_3081 = arith.addf %scan3A_3007, %get3A_3080 : vector<16xf32>
        %get3A_3082 = arith.index_cast %add3A_3033 : i32 to index
        %get3A_3083 = arith.constant 192 : index
        %get3A_3084 = tpu.vector_load %arg11[%get3A_3082, %get3A_3083] {strides = array<i32>} : memref<64x512xf32, #tpu.memory_space<vmem>>, vector<16xf32>,
        %add3A_3085 = arith.addf %scan3A_3008, %get3A_3084 : vector<16xf32>
        %get3A_3086 = arith.index_cast %add3A_3033 : i32 to index
        %get3A_3087 = arith.constant 208 : index
        %get3A_3088 = tpu.vector_load %arg11[%get3A_3086, %get3A_3087] {strides = array<i32>} : memref<64x512xf32, #tpu.memory_space<vmem>>, vector<16xf32>,
        %add3A_3089 = arith.addf %scan3A_3009, %get3A_3088 : vector<16xf32>
        %get3A_3090 = arith.index_cast %add3A_3033 : i32 to index
        %get3A_3091 = arith.constant 224 : index
        %get3A_3092 = tpu.vector_load %arg11[%get3A_3090, %get3A_3091] {strides = array<i32>} : memref<64x512xf32, #tpu.memory_space<vmem>>, vector<16xf32>,
        %add3A_3093 = arith.addf %scan3A_3010, %get3A_3092 : vector<16xf32>
        %get3A_3094 = arith.index_cast %add3A_3033 : i32 to index
        %get3A_3095 = arith.constant 240 : index
        %get3A_3096 = tpu.vector_load %arg11[%get3A_3094, %get3A_3095] {strides = array<i32>} : memref<64x512xf32, #tpu.memory_space<vmem>>, vector<16xf32>,
        %add3A_3097 = arith.addf %scan3A_3011, %get3A_3096 : vector<16xf32>
        %get3A_3098 = arith.index_cast %add3A_3033 : i32 to index
        %get3A_3099 = arith.constant 256 : index
        %get3A_3100 = tpu.vector_load %arg11[%get3A_3098, %get3A_3099] {strides = array<i32>} : memref<64x512xf32, #tpu.memory_space<vmem>>, vector<16xf32>,
        %add3A_3101 = arith.addf %scan3A_3012, %get3A_3100 : vector<16xf32>
        %get3A_3102 = arith.index_cast %add3A_3033 : i32 to index
        %get3A_3103 = arith.constant 272 : index
        %get3A_3104 = tpu.vector_load %arg11[%get3A_3102, %get3A_3103] {strides = array<i32>} : memref<64x512xf32, #tpu.memory_space<vmem>>, vector<16xf32>,
        %add3A_3105 = arith.addf %scan3A_3013, %get3A_3104 : vector<16xf32>
        %get3A_3106 = arith.index_cast %add3A_3033 : i32 to index
        %get3A_3107 = arith.constant 288 : index
        %get3A_3108 = tpu.vector_load %arg11[%get3A_3106, %get3A_3107] {strides = array<i32>} : memref<64x512xf32, #tpu.memory_space<vmem>>, vector<16xf32>,
        %add3A_3109 = arith.addf %scan3A_3014, %get3A_3108 : vector<16xf32>
        %get3A_3110 = arith.index_cast %add3A_3033 : i32 to index
        %get3A_3111 = arith.constant 304 : index
        %get3A_3112 = tpu.vector_load %arg11[%get3A_3110, %get3A_3111] {strides = array<i32>} : memref<64x512xf32, #tpu.memory_space<vmem>>, vector<16xf32>,
        %add3A_3113 = arith.addf %scan3A_3015, %get3A_3112 : vector<16xf32>
        %get3A_3114 = arith.index_cast %add3A_3033 : i32 to index
        %get3A_3115 = arith.constant 320 : index
        %get3A_3116 = tpu.vector_load %arg11[%get3A_3114, %get3A_3115] {strides = array<i32>} : memref<64x512xf32, #tpu.memory_space<vmem>>, vector<16xf32>,
        %add3A_3117 = arith.addf %scan3A_3016, %get3A_3116 : vector<16xf32>
        %get3A_3118 = arith.index_cast %add3A_3033 : i32 to index
        %get3A_3119 = arith.constant 336 : index
        %get3A_3120 = tpu.vector_load %arg11[%get3A_3118, %get3A_3119] {strides = array<i32>} : memref<64x512xf32, #tpu.memory_space<vmem>>, vector<16xf32>,
        %add3A_3121 = arith.addf %scan3A_3017, %get3A_3120 : vector<16xf32>
        %get3A_3122 = arith.index_cast %add3A_3033 : i32 to index
        %get3A_3123 = arith.constant 352 : index
        %get3A_3124 = tpu.vector_load %arg11[%get3A_3122, %get3A_3123] {strides = array<i32>} : memref<64x512xf32, #tpu.memory_space<vmem>>, vector<16xf32>,
        %add3A_3125 = arith.addf %scan3A_3018, %get3A_3124 : vector<16xf32>
        %get3A_3126 = arith.index_cast %add3A_3033 : i32 to index
        %get3A_3127 = arith.constant 368 : index
        %get3A_3128 = tpu.vector_load %arg11[%get3A_3126, %get3A_3127] {strides = array<i32>} : memref<64x512xf32, #tpu.memory_space<vmem>>, vector<16xf32>,
        %add3A_3129 = arith.addf %scan3A_3019, %get3A_3128 : vector<16xf32>
        %get3A_3130 = arith.index_cast %add3A_3033 : i32 to index
        %get3A_3131 = arith.constant 384 : index
        %get3A_3132 = tpu.vector_load %arg11[%get3A_3130, %get3A_3131] {strides = array<i32>} : memref<64x512xf32, #tpu.memory_space<vmem>>, vector<16xf32>,
        %add3A_3133 = arith.addf %scan3A_3020, %get3A_3132 : vector<16xf32>
        %get3A_3134 = arith.index_cast %add3A_3033 : i32 to index
        %get3A_3135 = arith.constant 400 : index
        %get3A_3136 = tpu.vector_load %arg11[%get3A_3134, %get3A_3135] {strides = array<i32>} : memref<64x512xf32, #tpu.memory_space<vmem>>, vector<16xf32>,
        %add3A_3137 = arith.addf %scan3A_3021, %get3A_3136 : vector<16xf32>
        %get3A_3138 = arith.index_cast %add3A_3033 : i32 to index
        %get3A_3139 = arith.constant 416 : index
        %get3A_3140 = tpu.vector_load %arg11[%get3A_3138, %get3A_3139] {strides = array<i32>} : memref<64x512xf32, #tpu.memory_space<vmem>>, vector<16xf32>,
        %add3A_3141 = arith.addf %scan3A_3022, %get3A_3140 : vector<16xf32>
        %get3A_3142 = arith.index_cast %add3A_3033 : i32 to index
        %get3A_3143 = arith.constant 432 : index
        %get3A_3144 = tpu.vector_load %arg11[%get3A_3142, %get3A_3143] {strides = array<i32>} : memref<64x512xf32, #tpu.memory_space<vmem>>, vector<16xf32>,
        %add3A_3145 = arith.addf %scan3A_3023, %get3A_3144 : vector<16xf32>
        %get3A_3146 = arith.index_cast %add3A_3033 : i32 to index
        %get3A_3147 = arith.constant 448 : index
        %get3A_3148 = tpu.vector_load %arg11[%get3A_3146, %get3A_3147] {strides = array<i32>} : memref<64x512xf32, #tpu.memory_space<vmem>>, vector<16xf32>,
        %add3A_3149 = arith.addf %scan3A_3024, %get3A_3148 : vector<16xf32>
        %get3A_3150 = arith.index_cast %add3A_3033 : i32 to index
        %get3A_3151 = arith.constant 464 : index
        %get3A_3152 = tpu.vector_load %arg11[%get3A_3150, %get3A_3151] {strides = array<i32>} : memref<64x512xf32, #tpu.memory_space<vmem>>, vector<16xf32>,
        %add3A_3153 = arith.addf %scan3A_3025, %get3A_3152 : vector<16xf32>
        %get3A_3154 = arith.index_cast %add3A_3033 : i32 to index
        %get3A_3155 = arith.constant 480 : index
        %get3A_3156 = tpu.vector_load %arg11[%get3A_3154, %get3A_3155] {strides = array<i32>} : memref<64x512xf32, #tpu.memory_space<vmem>>, vector<16xf32>,
        %add3A_3157 = arith.addf %scan3A_3026, %get3A_3156 : vector<16xf32>
        %get3A_3158 = arith.index_cast %add3A_3033 : i32 to index
        %get3A_3159 = arith.constant 496 : index
        %get3A_3160 = tpu.vector_load %arg11[%get3A_3158, %get3A_3159] {strides = array<i32>} : memref<64x512xf32, #tpu.memory_space<vmem>>, vector<16xf32>,
        %add3A_3161 = arith.addf %scan3A_3027, %get3A_3160 : vector<16xf32>
        scf.yield %add3A_3037, %add3A_3041, %add3A_3045, %add3A_3049, %add3A_3053, %add3A_3057, %add3A_3061, %add3A_3065, %add3A_3069, %add3A_3073, %add3A_3077, %add3A_3081, %add3A_3085, %add3A_3089, %add3A_3093, %add3A_3097, %add3A_3101, %add3A_3105, %add3A_3109, %add3A_3113, %add3A_3117, %add3A_3121, %add3A_3125, %add3A_3129, %add3A_3133, %add3A_3137, %add3A_3141, %add3A_3145, %add3A_3149, %add3A_3153, %add3A_3157, %add3A_3161 : vector<16xf32>, vector<16xf32>, vector<16xf32>, vector<16xf32>, vector<16xf32>, vector<16xf32>, vector<16xf32>, vector<16xf32>, vector<16xf32>, vector<16xf32>, vector<16xf32>, vector<16xf32>, vector<16xf32>, vector<16xf32>, vector<16xf32>, vector<16xf32>, vector<16xf32>, vector<16xf32>, vector<16xf32>, vector<16xf32>, vector<16xf32>, vector<16xf32>, vector<16xf32>, vector<16xf32>, vector<16xf32>, vector<16xf32>, vector<16xf32>, vector<16xf32>, vector<16xf32>, vector<16xf32>, vector<16xf32>, vector<16xf32>
      }
      %scan3A_1617 = arith.constant 32 : i32
      %mul3A_1618 = arith.constant 2 : i32
      %mul3A_1619 = arith.muli %add3A_47, %mul3A_1618 : i32
      %add3A_1620 = arith.constant 0 : i32
      %add3A_1621 = arith.addi %mul3A_1619, %add3A_1620 : i32
      %get3A_1622 = arith.index_cast %add3A_1621 : i32 to index
      %get3A_1623 = arith.constant 0 : index
      %get3A_1624 = tpu.vector_load %arg8[%get3A_1622, %get3A_1623] {strides = array<i32>} : memref<64x16xf32, #tpu.memory_space<vmem>>, vector<16xf32>,
      %get3A_1625 = arith.index_cast %add3A_1621 : i32 to index
      %get3A_1626 = arith.constant 0 : index
      %get3A_1627 = tpu.vector_load %arg9[%get3A_1625, %get3A_1626] {strides = array<i32>} : memref<64x16xf32, #tpu.memory_space<vmem>>, vector<16xf32>,
      %get3A_1628 = arith.constant 0 : i32
      %get3A_1629 = arith.index_cast %get3A_1628 : i32 to index
      %get3A_1630 = arith.constant 0 : index
      %get3A_1631 = tpu.vector_load %arg11[%get3A_1629, %get3A_1630] {strides = array<i32>} : memref<64x512xf32, #tpu.memory_space<vmem>>, vector<16xf32>,
      %mul3A_1632 = arith.mulf %get3A_1624, %get3A_1631 : vector<16xf32>
      %sub3A_1633 = arith.subf %scan3A_1616#0, %mul3A_1632 : vector<16xf32>
      %mul3A_1634 = arith.mulf %sub3A_1633, %get3A_1627 : vector<16xf32>
      %get3A_1635 = arith.constant 0 : i32
      %get3A_1636 = arith.index_cast %get3A_1635 : i32 to index
      %get3A_1637 = arith.constant 0 : index
      %get3A_1638 = tpu.vector_load %arg13[%get3A_1636, %get3A_1637] {strides = array<i32>} : memref<2x512xf32, #tpu.memory_space<vmem>>, vector<16xf32>,
      %sub3A_1639 = arith.subf %get3A_1638, %mul3A_1634 : vector<16xf32>
      %swap3A_1640 = arith.constant 0 : i32
      %swap3A_1641 = arith.index_cast %swap3A_1640 : i32 to index
      %swap3A_1642 = arith.constant 0 : index
      %swap3A_1643 = tpu.vector_load %arg15[%swap3A_1641, %swap3A_1642] {strides = array<i32>} : memref<2x1024xf32, #tpu.memory_space<vmem>>, vector<16xf32>,
      tpu.vector_store %arg15[%swap3A_1641, %swap3A_1642], %sub3A_1639 {strides = array<i32>} : memref<2x1024xf32, #tpu.memory_space<vmem>>, vector<16xf32>,
      %swap3A_1644 = arith.constant 0 : i32
      %swap3A_1645 = arith.index_cast %swap3A_1644 : i32 to index
      %swap3A_1646 = arith.constant 512 : index
      %swap3A_1647 = tpu.vector_load %arg15[%swap3A_1645, %swap3A_1646] {strides = array<i32>} : memref<2x1024xf32, #tpu.memory_space<vmem>>, vector<16xf32>,
      tpu.vector_store %arg15[%swap3A_1645, %swap3A_1646], %mul3A_1634 {strides = array<i32>} : memref<2x1024xf32, #tpu.memory_space<vmem>>, vector<16xf32>,
      %get3A_1648 = arith.constant 0 : i32
      %get3A_1649 = arith.index_cast %get3A_1648 : i32 to index
      %get3A_1650 = arith.constant 16 : index
      %get3A_1651 = tpu.vector_load %arg11[%get3A_1649, %get3A_1650] {strides = array<i32>} : memref<64x512xf32, #tpu.memory_space<vmem>>, vector<16xf32>,
      %mul3A_1652 = arith.mulf %get3A_1624, %get3A_1651 : vector<16xf32>
      %sub3A_1653 = arith.subf %scan3A_1616#1, %mul3A_1652 : vector<16xf32>
      %mul3A_1654 = arith.mulf %sub3A_1653, %get3A_1627 : vector<16xf32>
      %get3A_1655 = arith.constant 0 : i32
      %get3A_1656 = arith.index_cast %get3A_1655 : i32 to index
      %get3A_1657 = arith.constant 16 : index
      %get3A_1658 = tpu.vector_load %arg13[%get3A_1656, %get3A_1657] {strides = array<i32>} : memref<2x512xf32, #tpu.memory_space<vmem>>, vector<16xf32>,
      %sub3A_1659 = arith.subf %get3A_1658, %mul3A_1654 : vector<16xf32>
      %swap3A_1660 = arith.constant 0 : i32
      %swap3A_1661 = arith.index_cast %swap3A_1660 : i32 to index
      %swap3A_1662 = arith.constant 16 : index
      %swap3A_1663 = tpu.vector_load %arg15[%swap3A_1661, %swap3A_1662] {strides = array<i32>} : memref<2x1024xf32, #tpu.memory_space<vmem>>, vector<16xf32>,
      tpu.vector_store %arg15[%swap3A_1661, %swap3A_1662], %sub3A_1659 {strides = array<i32>} : memref<2x1024xf32, #tpu.memory_space<vmem>>, vector<16xf32>,
      %swap3A_1664 = arith.constant 0 : i32
      %swap3A_1665 = arith.index_cast %swap3A_1664 : i32 to index
      %swap3A_1666 = arith.constant 528 : index
      %swap3A_1667 = tpu.vector_load %arg15[%swap3A_1665, %swap3A_1666] {strides = array<i32>} : memref<2x1024xf32, #tpu.memory_space<vmem>>, vector<16xf32>,
      tpu.vector_store %arg15[%swap3A_1665, %swap3A_1666], %mul3A_1654 {strides = array<i32>} : memref<2x1024xf32, #tpu.memory_space<vmem>>, vector<16xf32>,
      %get3A_1668 = arith.constant 0 : i32
      %get3A_1669 = arith.index_cast %get3A_1668 : i32 to index
      %get3A_1670 = arith.constant 32 : index
      %get3A_1671 = tpu.vector_load %arg11[%get3A_1669, %get3A_1670] {strides = array<i32>} : memref<64x512xf32, #tpu.memory_space<vmem>>, vector<16xf32>,
      %mul3A_1672 = arith.mulf %get3A_1624, %get3A_1671 : vector<16xf32>
      %sub3A_1673 = arith.subf %scan3A_1616#2, %mul3A_1672 : vector<16xf32>
      %mul3A_1674 = arith.mulf %sub3A_1673, %get3A_1627 : vector<16xf32>
      %get3A_1675 = arith.constant 0 : i32
      %get3A_1676 = arith.index_cast %get3A_1675 : i32 to index
      %get3A_1677 = arith.constant 32 : index
      %get3A_1678 = tpu.vector_load %arg13[%get3A_1676, %get3A_1677] {strides = array<i32>} : memref<2x512xf32, #tpu.memory_space<vmem>>, vector<16xf32>,
      %sub3A_1679 = arith.subf %get3A_1678, %mul3A_1674 : vector<16xf32>
      %swap3A_1680 = arith.constant 0 : i32
      %swap3A_1681 = arith.index_cast %swap3A_1680 : i32 to index
      %swap3A_1682 = arith.constant 32 : index
      %swap3A_1683 = tpu.vector_load %arg15[%swap3A_1681, %swap3A_1682] {strides = array<i32>} : memref<2x1024xf32, #tpu.memory_space<vmem>>, vector<16xf32>,
      tpu.vector_store %arg15[%swap3A_1681, %swap3A_1682], %sub3A_1679 {strides = array<i32>} : memref<2x1024xf32, #tpu.memory_space<vmem>>, vector<16xf32>,
      %swap3A_1684 = arith.constant 0 : i32
      %swap3A_1685 = arith.index_cast %swap3A_1684 : i32 to index
      %swap3A_1686 = arith.constant 544 : index
      %swap3A_1687 = tpu.vector_load %arg15[%swap3A_1685, %swap3A_1686] {strides = array<i32>} : memref<2x1024xf32, #tpu.memory_space<vmem>>, vector<16xf32>,
      tpu.vector_store %arg15[%swap3A_1685, %swap3A_1686], %mul3A_1674 {strides = array<i32>} : memref<2x1024xf32, #tpu.memory_space<vmem>>, vector<16xf32>,
      %get3A_1688 = arith.constant 0 : i32
      %get3A_1689 = arith.index_cast %get3A_1688 : i32 to index
      %get3A_1690 = arith.constant 48 : index
      %get3A_1691 = tpu.vector_load %arg11[%get3A_1689, %get3A_1690] {strides = array<i32>} : memref<64x512xf32, #tpu.memory_space<vmem>>, vector<16xf32>,
      %mul3A_1692 = arith.mulf %get3A_1624, %get3A_1691 : vector<16xf32>
      %sub3A_1693 = arith.subf %scan3A_1616#3, %mul3A_1692 : vector<16xf32>
      %mul3A_1694 = arith.mulf %sub3A_1693, %get3A_1627 : vector<16xf32>
      %get3A_1695 = arith.constant 0 : i32
      %get3A_1696 = arith.index_cast %get3A_1695 : i32 to index
      %get3A_1697 = arith.constant 48 : index
      %get3A_1698 = tpu.vector_load %arg13[%get3A_1696, %get3A_1697] {strides = array<i32>} : memref<2x512xf32, #tpu.memory_space<vmem>>, vector<16xf32>,
      %sub3A_1699 = arith.subf %get3A_1698, %mul3A_1694 : vector<16xf32>
      %swap3A_1700 = arith.constant 0 : i32
      %swap3A_1701 = arith.index_cast %swap3A_1700 : i32 to index
      %swap3A_1702 = arith.constant 48 : index
      %swap3A_1703 = tpu.vector_load %arg15[%swap3A_1701, %swap3A_1702] {strides = array<i32>} : memref<2x1024xf32, #tpu.memory_space<vmem>>, vector<16xf32>,
      tpu.vector_store %arg15[%swap3A_1701, %swap3A_1702], %sub3A_1699 {strides = array<i32>} : memref<2x1024xf32, #tpu.memory_space<vmem>>, vector<16xf32>,
      %swap3A_1704 = arith.constant 0 : i32
      %swap3A_1705 = arith.index_cast %swap3A_1704 : i32 to index
      %swap3A_1706 = arith.constant 560 : index
      %swap3A_1707 = tpu.vector_load %arg15[%swap3A_1705, %swap3A_1706] {strides = array<i32>} : memref<2x1024xf32, #tpu.memory_space<vmem>>, vector<16xf32>,
      tpu.vector_store %arg15[%swap3A_1705, %swap3A_1706], %mul3A_1694 {strides = array<i32>} : memref<2x1024xf32, #tpu.memory_space<vmem>>, vector<16xf32>,
      %get3A_1708 = arith.constant 0 : i32
      %get3A_1709 = arith.index_cast %get3A_1708 : i32 to index
      %get3A_1710 = arith.constant 64 : index
      %get3A_1711 = tpu.vector_load %arg11[%get3A_1709, %get3A_1710] {strides = array<i32>} : memref<64x512xf32, #tpu.memory_space<vmem>>, vector<16xf32>,
      %mul3A_1712 = arith.mulf %get3A_1624, %get3A_1711 : vector<16xf32>
      %sub3A_1713 = arith.subf %scan3A_1616#4, %mul3A_1712 : vector<16xf32>
      %mul3A_1714 = arith.mulf %sub3A_1713, %get3A_1627 : vector<16xf32>
      %get3A_1715 = arith.constant 0 : i32
      %get3A_1716 = arith.index_cast %get3A_1715 : i32 to index
      %get3A_1717 = arith.constant 64 : index
      %get3A_1718 = tpu.vector_load %arg13[%get3A_1716, %get3A_1717] {strides = array<i32>} : memref<2x512xf32, #tpu.memory_space<vmem>>, vector<16xf32>,
      %sub3A_1719 = arith.subf %get3A_1718, %mul3A_1714 : vector<16xf32>
      %swap3A_1720 = arith.constant 0 : i32
      %swap3A_1721 = arith.index_cast %swap3A_1720 : i32 to index
      %swap3A_1722 = arith.constant 64 : index
      %swap3A_1723 = tpu.vector_load %arg15[%swap3A_1721, %swap3A_1722] {strides = array<i32>} : memref<2x1024xf32, #tpu.memory_space<vmem>>, vector<16xf32>,
      tpu.vector_store %arg15[%swap3A_1721, %swap3A_1722], %sub3A_1719 {strides = array<i32>} : memref<2x1024xf32, #tpu.memory_space<vmem>>, vector<16xf32>,
      %swap3A_1724 = arith.constant 0 : i32
      %swap3A_1725 = arith.index_cast %swap3A_1724 : i32 to index
      %swap3A_1726 = arith.constant 576 : index
      %swap3A_1727 = tpu.vector_load %arg15[%swap3A_1725, %swap3A_1726] {strides = array<i32>} : memref<2x1024xf32, #tpu.memory_space<vmem>>, vector<16xf32>,
      tpu.vector_store %arg15[%swap3A_1725, %swap3A_1726], %mul3A_1714 {strides = array<i32>} : memref<2x1024xf32, #tpu.memory_space<vmem>>, vector<16xf32>,
      %get3A_1728 = arith.constant 0 : i32
      %get3A_1729 = arith.index_cast %get3A_1728 : i32 to index
      %get3A_1730 = arith.constant 80 : index
      %get3A_1731 = tpu.vector_load %arg11[%get3A_1729, %get3A_1730] {strides = array<i32>} : memref<64x512xf32, #tpu.memory_space<vmem>>, vector<16xf32>,
      %mul3A_1732 = arith.mulf %get3A_1624, %get3A_1731 : vector<16xf32>
      %sub3A_1733 = arith.subf %scan3A_1616#5, %mul3A_1732 : vector<16xf32>
      %mul3A_1734 = arith.mulf %sub3A_1733, %get3A_1627 : vector<16xf32>
      %get3A_1735 = arith.constant 0 : i32
      %get3A_1736 = arith.index_cast %get3A_1735 : i32 to index
      %get3A_1737 = arith.constant 80 : index
      %get3A_1738 = tpu.vector_load %arg13[%get3A_1736, %get3A_1737] {strides = array<i32>} : memref<2x512xf32, #tpu.memory_space<vmem>>, vector<16xf32>,
      %sub3A_1739 = arith.subf %get3A_1738, %mul3A_1734 : vector<16xf32>
      %swap3A_1740 = arith.constant 0 : i32
      %swap3A_1741 = arith.index_cast %swap3A_1740 : i32 to index
      %swap3A_1742 = arith.constant 80 : index
      %swap3A_1743 = tpu.vector_load %arg15[%swap3A_1741, %swap3A_1742] {strides = array<i32>} : memref<2x1024xf32, #tpu.memory_space<vmem>>, vector<16xf32>,
      tpu.vector_store %arg15[%swap3A_1741, %swap3A_1742], %sub3A_1739 {strides = array<i32>} : memref<2x1024xf32, #tpu.memory_space<vmem>>, vector<16xf32>,
      %swap3A_1744 = arith.constant 0 : i32
      %swap3A_1745 = arith.index_cast %swap3A_1744 : i32 to index
      %swap3A_1746 = arith.constant 592 : index
      %swap3A_1747 = tpu.vector_load %arg15[%swap3A_1745, %swap3A_1746] {strides = array<i32>} : memref<2x1024xf32, #tpu.memory_space<vmem>>, vector<16xf32>,
      tpu.vector_store %arg15[%swap3A_1745, %swap3A_1746], %mul3A_1734 {strides = array<i32>} : memref<2x1024xf32, #tpu.memory_space<vmem>>, vector<16xf32>,
      %get3A_1748 = arith.constant 0 : i32
      %get3A_1749 = arith.index_cast %get3A_1748 : i32 to index
      %get3A_1750 = arith.constant 96 : index
      %get3A_1751 = tpu.vector_load %arg11[%get3A_1749, %get3A_1750] {strides = array<i32>} : memref<64x512xf32, #tpu.memory_space<vmem>>, vector<16xf32>,
      %mul3A_1752 = arith.mulf %get3A_1624, %get3A_1751 : vector<16xf32>
      %sub3A_1753 = arith.subf %scan3A_1616#6, %mul3A_1752 : vector<16xf32>
      %mul3A_1754 = arith.mulf %sub3A_1753, %get3A_1627 : vector<16xf32>
      %get3A_1755 = arith.constant 0 : i32
      %get3A_1756 = arith.index_cast %get3A_1755 : i32 to index
      %get3A_1757 = arith.constant 96 : index
      %get3A_1758 = tpu.vector_load %arg13[%get3A_1756, %get3A_1757] {strides = array<i32>} : memref<2x512xf32, #tpu.memory_space<vmem>>, vector<16xf32>,
      %sub3A_1759 = arith.subf %get3A_1758, %mul3A_1754 : vector<16xf32>
      %swap3A_1760 = arith.constant 0 : i32
      %swap3A_1761 = arith.index_cast %swap3A_1760 : i32 to index
      %swap3A_1762 = arith.constant 96 : index
      %swap3A_1763 = tpu.vector_load %arg15[%swap3A_1761, %swap3A_1762] {strides = array<i32>} : memref<2x1024xf32, #tpu.memory_space<vmem>>, vector<16xf32>,
      tpu.vector_store %arg15[%swap3A_1761, %swap3A_1762], %sub3A_1759 {strides = array<i32>} : memref<2x1024xf32, #tpu.memory_space<vmem>>, vector<16xf32>,
      %swap3A_1764 = arith.constant 0 : i32
      %swap3A_1765 = arith.index_cast %swap3A_1764 : i32 to index
      %swap3A_1766 = arith.constant 608 : index
      %swap3A_1767 = tpu.vector_load %arg15[%swap3A_1765, %swap3A_1766] {strides = array<i32>} : memref<2x1024xf32, #tpu.memory_space<vmem>>, vector<16xf32>,
      tpu.vector_store %arg15[%swap3A_1765, %swap3A_1766], %mul3A_1754 {strides = array<i32>} : memref<2x1024xf32, #tpu.memory_space<vmem>>, vector<16xf32>,
      %get3A_1768 = arith.constant 0 : i32
      %get3A_1769 = arith.index_cast %get3A_1768 : i32 to index
      %get3A_1770 = arith.constant 112 : index
      %get3A_1771 = tpu.vector_load %arg11[%get3A_1769, %get3A_1770] {strides = array<i32>} : memref<64x512xf32, #tpu.memory_space<vmem>>, vector<16xf32>,
      %mul3A_1772 = arith.mulf %get3A_1624, %get3A_1771 : vector<16xf32>
      %sub3A_1773 = arith.subf %scan3A_1616#7, %mul3A_1772 : vector<16xf32>
      %mul3A_1774 = arith.mulf %sub3A_1773, %get3A_1627 : vector<16xf32>
      %get3A_1775 = arith.constant 0 : i32
      %get3A_1776 = arith.index_cast %get3A_1775 : i32 to index
      %get3A_1777 = arith.constant 112 : index
      %get3A_1778 = tpu.vector_load %arg13[%get3A_1776, %get3A_1777] {strides = array<i32>} : memref<2x512xf32, #tpu.memory_space<vmem>>, vector<16xf32>,
      %sub3A_1779 = arith.subf %get3A_1778, %mul3A_1774 : vector<16xf32>
      %swap3A_1780 = arith.constant 0 : i32
      %swap3A_1781 = arith.index_cast %swap3A_1780 : i32 to index
      %swap3A_1782 = arith.constant 112 : index
      %swap3A_1783 = tpu.vector_load %arg15[%swap3A_1781, %swap3A_1782] {strides = array<i32>} : memref<2x1024xf32, #tpu.memory_space<vmem>>, vector<16xf32>,
      tpu.vector_store %arg15[%swap3A_1781, %swap3A_1782], %sub3A_1779 {strides = array<i32>} : memref<2x1024xf32, #tpu.memory_space<vmem>>, vector<16xf32>,
      %swap3A_1784 = arith.constant 0 : i32
      %swap3A_1785 = arith.index_cast %swap3A_1784 : i32 to index
      %swap3A_1786 = arith.constant 624 : index
      %swap3A_1787 = tpu.vector_load %arg15[%swap3A_1785, %swap3A_1786] {strides = array<i32>} : memref<2x1024xf32, #tpu.memory_space<vmem>>, vector<16xf32>,
      tpu.vector_store %arg15[%swap3A_1785, %swap3A_1786], %mul3A_1774 {strides = array<i32>} : memref<2x1024xf32, #tpu.memory_space<vmem>>, vector<16xf32>,
      %get3A_1788 = arith.constant 0 : i32
      %get3A_1789 = arith.index_cast %get3A_1788 : i32 to index
      %get3A_1790 = arith.constant 128 : index
      %get3A_1791 = tpu.vector_load %arg11[%get3A_1789, %get3A_1790] {strides = array<i32>} : memref<64x512xf32, #tpu.memory_space<vmem>>, vector<16xf32>,
      %mul3A_1792 = arith.mulf %get3A_1624, %get3A_1791 : vector<16xf32>
      %sub3A_1793 = arith.subf %scan3A_1616#8, %mul3A_1792 : vector<16xf32>
      %mul3A_1794 = arith.mulf %sub3A_1793, %get3A_1627 : vector<16xf32>
      %get3A_1795 = arith.constant 0 : i32
      %get3A_1796 = arith.index_cast %get3A_1795 : i32 to index
      %get3A_1797 = arith.constant 128 : index
      %get3A_1798 = tpu.vector_load %arg13[%get3A_1796, %get3A_1797] {strides = array<i32>} : memref<2x512xf32, #tpu.memory_space<vmem>>, vector<16xf32>,
      %sub3A_1799 = arith.subf %get3A_1798, %mul3A_1794 : vector<16xf32>
      %swap3A_1800 = arith.constant 0 : i32
      %swap3A_1801 = arith.index_cast %swap3A_1800 : i32 to index
      %swap3A_1802 = arith.constant 128 : index
      %swap3A_1803 = tpu.vector_load %arg15[%swap3A_1801, %swap3A_1802] {strides = array<i32>} : memref<2x1024xf32, #tpu.memory_space<vmem>>, vector<16xf32>,
      tpu.vector_store %arg15[%swap3A_1801, %swap3A_1802], %sub3A_1799 {strides = array<i32>} : memref<2x1024xf32, #tpu.memory_space<vmem>>, vector<16xf32>,
      %swap3A_1804 = arith.constant 0 : i32
      %swap3A_1805 = arith.index_cast %swap3A_1804 : i32 to index
      %swap3A_1806 = arith.constant 640 : index
      %swap3A_1807 = tpu.vector_load %arg15[%swap3A_1805, %swap3A_1806] {strides = array<i32>} : memref<2x1024xf32, #tpu.memory_space<vmem>>, vector<16xf32>,
      tpu.vector_store %arg15[%swap3A_1805, %swap3A_1806], %mul3A_1794 {strides = array<i32>} : memref<2x1024xf32, #tpu.memory_space<vmem>>, vector<16xf32>,
      %get3A_1808 = arith.constant 0 : i32
      %get3A_1809 = arith.index_cast %get3A_1808 : i32 to index
      %get3A_1810 = arith.constant 144 : index
      %get3A_1811 = tpu.vector_load %arg11[%get3A_1809, %get3A_1810] {strides = array<i32>} : memref<64x512xf32, #tpu.memory_space<vmem>>, vector<16xf32>,
      %mul3A_1812 = arith.mulf %get3A_1624, %get3A_1811 : vector<16xf32>
      %sub3A_1813 = arith.subf %scan3A_1616#9, %mul3A_1812 : vector<16xf32>
      %mul3A_1814 = arith.mulf %sub3A_1813, %get3A_1627 : vector<16xf32>
      %get3A_1815 = arith.constant 0 : i32
      %get3A_1816 = arith.index_cast %get3A_1815 : i32 to index
      %get3A_1817 = arith.constant 144 : index
      %get3A_1818 = tpu.vector_load %arg13[%get3A_1816, %get3A_1817] {strides = array<i32>} : memref<2x512xf32, #tpu.memory_space<vmem>>, vector<16xf32>,
      %sub3A_1819 = arith.subf %get3A_1818, %mul3A_1814 : vector<16xf32>
      %swap3A_1820 = arith.constant 0 : i32
      %swap3A_1821 = arith.index_cast %swap3A_1820 : i32 to index
      %swap3A_1822 = arith.constant 144 : index
      %swap3A_1823 = tpu.vector_load %arg15[%swap3A_1821, %swap3A_1822] {strides = array<i32>} : memref<2x1024xf32, #tpu.memory_space<vmem>>, vector<16xf32>,
      tpu.vector_store %arg15[%swap3A_1821, %swap3A_1822], %sub3A_1819 {strides = array<i32>} : memref<2x1024xf32, #tpu.memory_space<vmem>>, vector<16xf32>,
      %swap3A_1824 = arith.constant 0 : i32
      %swap3A_1825 = arith.index_cast %swap3A_1824 : i32 to index
      %swap3A_1826 = arith.constant 656 : index
      %swap3A_1827 = tpu.vector_load %arg15[%swap3A_1825, %swap3A_1826] {strides = array<i32>} : memref<2x1024xf32, #tpu.memory_space<vmem>>, vector<16xf32>,
      tpu.vector_store %arg15[%swap3A_1825, %swap3A_1826], %mul3A_1814 {strides = array<i32>} : memref<2x1024xf32, #tpu.memory_space<vmem>>, vector<16xf32>,
      %get3A_1828 = arith.constant 0 : i32
      %get3A_1829 = arith.index_cast %get3A_1828 : i32 to index
      %get3A_1830 = arith.constant 160 : index
      %get3A_1831 = tpu.vector_load %arg11[%get3A_1829, %get3A_1830] {strides = array<i32>} : memref<64x512xf32, #tpu.memory_space<vmem>>, vector<16xf32>,
      %mul3A_1832 = arith.mulf %get3A_1624, %get3A_1831 : vector<16xf32>
      %sub3A_1833 = arith.subf %scan3A_1616#10, %mul3A_1832 : vector<16xf32>
      %mul3A_1834 = arith.mulf %sub3A_1833, %get3A_1627 : vector<16xf32>
      %get3A_1835 = arith.constant 0 : i32
      %get3A_1836 = arith.index_cast %get3A_1835 : i32 to index
      %get3A_1837 = arith.constant 160 : index
      %get3A_1838 = tpu.vector_load %arg13[%get3A_1836, %get3A_1837] {strides = array<i32>} : memref<2x512xf32, #tpu.memory_space<vmem>>, vector<16xf32>,
      %sub3A_1839 = arith.subf %get3A_1838, %mul3A_1834 : vector<16xf32>
      %swap3A_1840 = arith.constant 0 : i32
      %swap3A_1841 = arith.index_cast %swap3A_1840 : i32 to index
      %swap3A_1842 = arith.constant 160 : index
      %swap3A_1843 = tpu.vector_load %arg15[%swap3A_1841, %swap3A_1842] {strides = array<i32>} : memref<2x1024xf32, #tpu.memory_space<vmem>>, vector<16xf32>,
      tpu.vector_store %arg15[%swap3A_1841, %swap3A_1842], %sub3A_1839 {strides = array<i32>} : memref<2x1024xf32, #tpu.memory_space<vmem>>, vector<16xf32>,
      %swap3A_1844 = arith.constant 0 : i32
      %swap3A_1845 = arith.index_cast %swap3A_1844 : i32 to index
      %swap3A_1846 = arith.constant 672 : index
      %swap3A_1847 = tpu.vector_load %arg15[%swap3A_1845, %swap3A_1846] {strides = array<i32>} : memref<2x1024xf32, #tpu.memory_space<vmem>>, vector<16xf32>,
      tpu.vector_store %arg15[%swap3A_1845, %swap3A_1846], %mul3A_1834 {strides = array<i32>} : memref<2x1024xf32, #tpu.memory_space<vmem>>, vector<16xf32>,
      %get3A_1848 = arith.constant 0 : i32
      %get3A_1849 = arith.index_cast %get3A_1848 : i32 to index
      %get3A_1850 = arith.constant 176 : index
      %get3A_1851 = tpu.vector_load %arg11[%get3A_1849, %get3A_1850] {strides = array<i32>} : memref<64x512xf32, #tpu.memory_space<vmem>>, vector<16xf32>,
      %mul3A_1852 = arith.mulf %get3A_1624, %get3A_1851 : vector<16xf32>
      %sub3A_1853 = arith.subf %scan3A_1616#11, %mul3A_1852 : vector<16xf32>
      %mul3A_1854 = arith.mulf %sub3A_1853, %get3A_1627 : vector<16xf32>
      %get3A_1855 = arith.constant 0 : i32
      %get3A_1856 = arith.index_cast %get3A_1855 : i32 to index
      %get3A_1857 = arith.constant 176 : index
      %get3A_1858 = tpu.vector_load %arg13[%get3A_1856, %get3A_1857] {strides = array<i32>} : memref<2x512xf32, #tpu.memory_space<vmem>>, vector<16xf32>,
      %sub3A_1859 = arith.subf %get3A_1858, %mul3A_1854 : vector<16xf32>
      %swap3A_1860 = arith.constant 0 : i32
      %swap3A_1861 = arith.index_cast %swap3A_1860 : i32 to index
      %swap3A_1862 = arith.constant 176 : index
      %swap3A_1863 = tpu.vector_load %arg15[%swap3A_1861, %swap3A_1862] {strides = array<i32>} : memref<2x1024xf32, #tpu.memory_space<vmem>>, vector<16xf32>,
      tpu.vector_store %arg15[%swap3A_1861, %swap3A_1862], %sub3A_1859 {strides = array<i32>} : memref<2x1024xf32, #tpu.memory_space<vmem>>, vector<16xf32>,
      %swap3A_1864 = arith.constant 0 : i32
      %swap3A_1865 = arith.index_cast %swap3A_1864 : i32 to index
      %swap3A_1866 = arith.constant 688 : index
      %swap3A_1867 = tpu.vector_load %arg15[%swap3A_1865, %swap3A_1866] {strides = array<i32>} : memref<2x1024xf32, #tpu.memory_space<vmem>>, vector<16xf32>,
      tpu.vector_store %arg15[%swap3A_1865, %swap3A_1866], %mul3A_1854 {strides = array<i32>} : memref<2x1024xf32, #tpu.memory_space<vmem>>, vector<16xf32>,
      %get3A_1868 = arith.constant 0 : i32
      %get3A_1869 = arith.index_cast %get3A_1868 : i32 to index
      %get3A_1870 = arith.constant 192 : index
      %get3A_1871 = tpu.vector_load %arg11[%get3A_1869, %get3A_1870] {strides = array<i32>} : memref<64x512xf32, #tpu.memory_space<vmem>>, vector<16xf32>,
      %mul3A_1872 = arith.mulf %get3A_1624, %get3A_1871 : vector<16xf32>
      %sub3A_1873 = arith.subf %scan3A_1616#12, %mul3A_1872 : vector<16xf32>
      %mul3A_1874 = arith.mulf %sub3A_1873, %get3A_1627 : vector<16xf32>
      %get3A_1875 = arith.constant 0 : i32
      %get3A_1876 = arith.index_cast %get3A_1875 : i32 to index
      %get3A_1877 = arith.constant 192 : index
      %get3A_1878 = tpu.vector_load %arg13[%get3A_1876, %get3A_1877] {strides = array<i32>} : memref<2x512xf32, #tpu.memory_space<vmem>>, vector<16xf32>,
      %sub3A_1879 = arith.subf %get3A_1878, %mul3A_1874 : vector<16xf32>
      %swap3A_1880 = arith.constant 0 : i32
      %swap3A_1881 = arith.index_cast %swap3A_1880 : i32 to index
      %swap3A_1882 = arith.constant 192 : index
      %swap3A_1883 = tpu.vector_load %arg15[%swap3A_1881, %swap3A_1882] {strides = array<i32>} : memref<2x1024xf32, #tpu.memory_space<vmem>>, vector<16xf32>,
      tpu.vector_store %arg15[%swap3A_1881, %swap3A_1882], %sub3A_1879 {strides = array<i32>} : memref<2x1024xf32, #tpu.memory_space<vmem>>, vector<16xf32>,
      %swap3A_1884 = arith.constant 0 : i32
      %swap3A_1885 = arith.index_cast %swap3A_1884 : i32 to index
      %swap3A_1886 = arith.constant 704 : index
      %swap3A_1887 = tpu.vector_load %arg15[%swap3A_1885, %swap3A_1886] {strides = array<i32>} : memref<2x1024xf32, #tpu.memory_space<vmem>>, vector<16xf32>,
      tpu.vector_store %arg15[%swap3A_1885, %swap3A_1886], %mul3A_1874 {strides = array<i32>} : memref<2x1024xf32, #tpu.memory_space<vmem>>, vector<16xf32>,
      %get3A_1888 = arith.constant 0 : i32
      %get3A_1889 = arith.index_cast %get3A_1888 : i32 to index
      %get3A_1890 = arith.constant 208 : index
      %get3A_1891 = tpu.vector_load %arg11[%get3A_1889, %get3A_1890] {strides = array<i32>} : memref<64x512xf32, #tpu.memory_space<vmem>>, vector<16xf32>,
      %mul3A_1892 = arith.mulf %get3A_1624, %get3A_1891 : vector<16xf32>
      %sub3A_1893 = arith.subf %scan3A_1616#13, %mul3A_1892 : vector<16xf32>
      %mul3A_1894 = arith.mulf %sub3A_1893, %get3A_1627 : vector<16xf32>
      %get3A_1895 = arith.constant 0 : i32
      %get3A_1896 = arith.index_cast %get3A_1895 : i32 to index
      %get3A_1897 = arith.constant 208 : index
      %get3A_1898 = tpu.vector_load %arg13[%get3A_1896, %get3A_1897] {strides = array<i32>} : memref<2x512xf32, #tpu.memory_space<vmem>>, vector<16xf32>,
      %sub3A_1899 = arith.subf %get3A_1898, %mul3A_1894 : vector<16xf32>
      %swap3A_1900 = arith.constant 0 : i32
      %swap3A_1901 = arith.index_cast %swap3A_1900 : i32 to index
      %swap3A_1902 = arith.constant 208 : index
      %swap3A_1903 = tpu.vector_load %arg15[%swap3A_1901, %swap3A_1902] {strides = array<i32>} : memref<2x1024xf32, #tpu.memory_space<vmem>>, vector<16xf32>,
      tpu.vector_store %arg15[%swap3A_1901, %swap3A_1902], %sub3A_1899 {strides = array<i32>} : memref<2x1024xf32, #tpu.memory_space<vmem>>, vector<16xf32>,
      %swap3A_1904 = arith.constant 0 : i32
      %swap3A_1905 = arith.index_cast %swap3A_1904 : i32 to index
      %swap3A_1906 = arith.constant 720 : index
      %swap3A_1907 = tpu.vector_load %arg15[%swap3A_1905, %swap3A_1906] {strides = array<i32>} : memref<2x1024xf32, #tpu.memory_space<vmem>>, vector<16xf32>,
      tpu.vector_store %arg15[%swap3A_1905, %swap3A_1906], %mul3A_1894 {strides = array<i32>} : memref<2x1024xf32, #tpu.memory_space<vmem>>, vector<16xf32>,
      %get3A_1908 = arith.constant 0 : i32
      %get3A_1909 = arith.index_cast %get3A_1908 : i32 to index
      %get3A_1910 = arith.constant 224 : index
      %get3A_1911 = tpu.vector_load %arg11[%get3A_1909, %get3A_1910] {strides = array<i32>} : memref<64x512xf32, #tpu.memory_space<vmem>>, vector<16xf32>,
      %mul3A_1912 = arith.mulf %get3A_1624, %get3A_1911 : vector<16xf32>
      %sub3A_1913 = arith.subf %scan3A_1616#14, %mul3A_1912 : vector<16xf32>
      %mul3A_1914 = arith.mulf %sub3A_1913, %get3A_1627 : vector<16xf32>
      %get3A_1915 = arith.constant 0 : i32
      %get3A_1916 = arith.index_cast %get3A_1915 : i32 to index
      %get3A_1917 = arith.constant 224 : index
      %get3A_1918 = tpu.vector_load %arg13[%get3A_1916, %get3A_1917] {strides = array<i32>} : memref<2x512xf32, #tpu.memory_space<vmem>>, vector<16xf32>,
      %sub3A_1919 = arith.subf %get3A_1918, %mul3A_1914 : vector<16xf32>
      %swap3A_1920 = arith.constant 0 : i32
      %swap3A_1921 = arith.index_cast %swap3A_1920 : i32 to index
      %swap3A_1922 = arith.constant 224 : index
      %swap3A_1923 = tpu.vector_load %arg15[%swap3A_1921, %swap3A_1922] {strides = array<i32>} : memref<2x1024xf32, #tpu.memory_space<vmem>>, vector<16xf32>,
      tpu.vector_store %arg15[%swap3A_1921, %swap3A_1922], %sub3A_1919 {strides = array<i32>} : memref<2x1024xf32, #tpu.memory_space<vmem>>, vector<16xf32>,
      %swap3A_1924 = arith.constant 0 : i32
      %swap3A_1925 = arith.index_cast %swap3A_1924 : i32 to index
      %swap3A_1926 = arith.constant 736 : index
      %swap3A_1927 = tpu.vector_load %arg15[%swap3A_1925, %swap3A_1926] {strides = array<i32>} : memref<2x1024xf32, #tpu.memory_space<vmem>>, vector<16xf32>,
      tpu.vector_store %arg15[%swap3A_1925, %swap3A_1926], %mul3A_1914 {strides = array<i32>} : memref<2x1024xf32, #tpu.memory_space<vmem>>, vector<16xf32>,
      %get3A_1928 = arith.constant 0 : i32
      %get3A_1929 = arith.index_cast %get3A_1928 : i32 to index
      %get3A_1930 = arith.constant 240 : index
      %get3A_1931 = tpu.vector_load %arg11[%get3A_1929, %get3A_1930] {strides = array<i32>} : memref<64x512xf32, #tpu.memory_space<vmem>>, vector<16xf32>,
      %mul3A_1932 = arith.mulf %get3A_1624, %get3A_1931 : vector<16xf32>
      %sub3A_1933 = arith.subf %scan3A_1616#15, %mul3A_1932 : vector<16xf32>
      %mul3A_1934 = arith.mulf %sub3A_1933, %get3A_1627 : vector<16xf32>
      %get3A_1935 = arith.constant 0 : i32
      %get3A_1936 = arith.index_cast %get3A_1935 : i32 to index
      %get3A_1937 = arith.constant 240 : index
      %get3A_1938 = tpu.vector_load %arg13[%get3A_1936, %get3A_1937] {strides = array<i32>} : memref<2x512xf32, #tpu.memory_space<vmem>>, vector<16xf32>,
      %sub3A_1939 = arith.subf %get3A_1938, %mul3A_1934 : vector<16xf32>
      %swap3A_1940 = arith.constant 0 : i32
      %swap3A_1941 = arith.index_cast %swap3A_1940 : i32 to index
      %swap3A_1942 = arith.constant 240 : index
      %swap3A_1943 = tpu.vector_load %arg15[%swap3A_1941, %swap3A_1942] {strides = array<i32>} : memref<2x1024xf32, #tpu.memory_space<vmem>>, vector<16xf32>,
      tpu.vector_store %arg15[%swap3A_1941, %swap3A_1942], %sub3A_1939 {strides = array<i32>} : memref<2x1024xf32, #tpu.memory_space<vmem>>, vector<16xf32>,
      %swap3A_1944 = arith.constant 0 : i32
      %swap3A_1945 = arith.index_cast %swap3A_1944 : i32 to index
      %swap3A_1946 = arith.constant 752 : index
      %swap3A_1947 = tpu.vector_load %arg15[%swap3A_1945, %swap3A_1946] {strides = array<i32>} : memref<2x1024xf32, #tpu.memory_space<vmem>>, vector<16xf32>,
      tpu.vector_store %arg15[%swap3A_1945, %swap3A_1946], %mul3A_1934 {strides = array<i32>} : memref<2x1024xf32, #tpu.memory_space<vmem>>, vector<16xf32>,
      %get3A_1948 = arith.constant 0 : i32
      %get3A_1949 = arith.index_cast %get3A_1948 : i32 to index
      %get3A_1950 = arith.constant 256 : index
      %get3A_1951 = tpu.vector_load %arg11[%get3A_1949, %get3A_1950] {strides = array<i32>} : memref<64x512xf32, #tpu.memory_space<vmem>>, vector<16xf32>,
      %mul3A_1952 = arith.mulf %get3A_1624, %get3A_1951 : vector<16xf32>
      %sub3A_1953 = arith.subf %scan3A_1616#16, %mul3A_1952 : vector<16xf32>
      %mul3A_1954 = arith.mulf %sub3A_1953, %get3A_1627 : vector<16xf32>
      %get3A_1955 = arith.constant 0 : i32
      %get3A_1956 = arith.index_cast %get3A_1955 : i32 to index
      %get3A_1957 = arith.constant 256 : index
      %get3A_1958 = tpu.vector_load %arg13[%get3A_1956, %get3A_1957] {strides = array<i32>} : memref<2x512xf32, #tpu.memory_space<vmem>>, vector<16xf32>,
      %sub3A_1959 = arith.subf %get3A_1958, %mul3A_1954 : vector<16xf32>
      %swap3A_1960 = arith.constant 0 : i32
      %swap3A_1961 = arith.index_cast %swap3A_1960 : i32 to index
      %swap3A_1962 = arith.constant 256 : index
      %swap3A_1963 = tpu.vector_load %arg15[%swap3A_1961, %swap3A_1962] {strides = array<i32>} : memref<2x1024xf32, #tpu.memory_space<vmem>>, vector<16xf32>,
      tpu.vector_store %arg15[%swap3A_1961, %swap3A_1962], %sub3A_1959 {strides = array<i32>} : memref<2x1024xf32, #tpu.memory_space<vmem>>, vector<16xf32>,
      %swap3A_1964 = arith.constant 0 : i32
      %swap3A_1965 = arith.index_cast %swap3A_1964 : i32 to index
      %swap3A_1966 = arith.constant 768 : index
      %swap3A_1967 = tpu.vector_load %arg15[%swap3A_1965, %swap3A_1966] {strides = array<i32>} : memref<2x1024xf32, #tpu.memory_space<vmem>>, vector<16xf32>,
      tpu.vector_store %arg15[%swap3A_1965, %swap3A_1966], %mul3A_1954 {strides = array<i32>} : memref<2x1024xf32, #tpu.memory_space<vmem>>, vector<16xf32>,
      %get3A_1968 = arith.constant 0 : i32
      %get3A_1969 = arith.index_cast %get3A_1968 : i32 to index
      %get3A_1970 = arith.constant 272 : index
      %get3A_1971 = tpu.vector_load %arg11[%get3A_1969, %get3A_1970] {strides = array<i32>} : memref<64x512xf32, #tpu.memory_space<vmem>>, vector<16xf32>,
      %mul3A_1972 = arith.mulf %get3A_1624, %get3A_1971 : vector<16xf32>
      %sub3A_1973 = arith.subf %scan3A_1616#17, %mul3A_1972 : vector<16xf32>
      %mul3A_1974 = arith.mulf %sub3A_1973, %get3A_1627 : vector<16xf32>
      %get3A_1975 = arith.constant 0 : i32
      %get3A_1976 = arith.index_cast %get3A_1975 : i32 to index
      %get3A_1977 = arith.constant 272 : index
      %get3A_1978 = tpu.vector_load %arg13[%get3A_1976, %get3A_1977] {strides = array<i32>} : memref<2x512xf32, #tpu.memory_space<vmem>>, vector<16xf32>,
      %sub3A_1979 = arith.subf %get3A_1978, %mul3A_1974 : vector<16xf32>
      %swap3A_1980 = arith.constant 0 : i32
      %swap3A_1981 = arith.index_cast %swap3A_1980 : i32 to index
      %swap3A_1982 = arith.constant 272 : index
      %swap3A_1983 = tpu.vector_load %arg15[%swap3A_1981, %swap3A_1982] {strides = array<i32>} : memref<2x1024xf32, #tpu.memory_space<vmem>>, vector<16xf32>,
      tpu.vector_store %arg15[%swap3A_1981, %swap3A_1982], %sub3A_1979 {strides = array<i32>} : memref<2x1024xf32, #tpu.memory_space<vmem>>, vector<16xf32>,
      %swap3A_1984 = arith.constant 0 : i32
      %swap3A_1985 = arith.index_cast %swap3A_1984 : i32 to index
      %swap3A_1986 = arith.constant 784 : index
      %swap3A_1987 = tpu.vector_load %arg15[%swap3A_1985, %swap3A_1986] {strides = array<i32>} : memref<2x1024xf32, #tpu.memory_space<vmem>>, vector<16xf32>,
      tpu.vector_store %arg15[%swap3A_1985, %swap3A_1986], %mul3A_1974 {strides = array<i32>} : memref<2x1024xf32, #tpu.memory_space<vmem>>, vector<16xf32>,
      %get3A_1988 = arith.constant 0 : i32
      %get3A_1989 = arith.index_cast %get3A_1988 : i32 to index
      %get3A_1990 = arith.constant 288 : index
      %get3A_1991 = tpu.vector_load %arg11[%get3A_1989, %get3A_1990] {strides = array<i32>} : memref<64x512xf32, #tpu.memory_space<vmem>>, vector<16xf32>,
      %mul3A_1992 = arith.mulf %get3A_1624, %get3A_1991 : vector<16xf32>
      %sub3A_1993 = arith.subf %scan3A_1616#18, %mul3A_1992 : vector<16xf32>
      %mul3A_1994 = arith.mulf %sub3A_1993, %get3A_1627 : vector<16xf32>
      %get3A_1995 = arith.constant 0 : i32
      %get3A_1996 = arith.index_cast %get3A_1995 : i32 to index
      %get3A_1997 = arith.constant 288 : index
      %get3A_1998 = tpu.vector_load %arg13[%get3A_1996, %get3A_1997] {strides = array<i32>} : memref<2x512xf32, #tpu.memory_space<vmem>>, vector<16xf32>,
      %sub3A_1999 = arith.subf %get3A_1998, %mul3A_1994 : vector<16xf32>
      %swap3A_2000 = arith.constant 0 : i32
      %swap3A_2001 = arith.index_cast %swap3A_2000 : i32 to index
      %swap3A_2002 = arith.constant 288 : index
      %swap3A_2003 = tpu.vector_load %arg15[%swap3A_2001, %swap3A_2002] {strides = array<i32>} : memref<2x1024xf32, #tpu.memory_space<vmem>>, vector<16xf32>,
      tpu.vector_store %arg15[%swap3A_2001, %swap3A_2002], %sub3A_1999 {strides = array<i32>} : memref<2x1024xf32, #tpu.memory_space<vmem>>, vector<16xf32>,
      %swap3A_2004 = arith.constant 0 : i32
      %swap3A_2005 = arith.index_cast %swap3A_2004 : i32 to index
      %swap3A_2006 = arith.constant 800 : index
      %swap3A_2007 = tpu.vector_load %arg15[%swap3A_2005, %swap3A_2006] {strides = array<i32>} : memref<2x1024xf32, #tpu.memory_space<vmem>>, vector<16xf32>,
      tpu.vector_store %arg15[%swap3A_2005, %swap3A_2006], %mul3A_1994 {strides = array<i32>} : memref<2x1024xf32, #tpu.memory_space<vmem>>, vector<16xf32>,
      %get3A_2008 = arith.constant 0 : i32
      %get3A_2009 = arith.index_cast %get3A_2008 : i32 to index
      %get3A_2010 = arith.constant 304 : index
      %get3A_2011 = tpu.vector_load %arg11[%get3A_2009, %get3A_2010] {strides = array<i32>} : memref<64x512xf32, #tpu.memory_space<vmem>>, vector<16xf32>,
      %mul3A_2012 = arith.mulf %get3A_1624, %get3A_2011 : vector<16xf32>
      %sub3A_2013 = arith.subf %scan3A_1616#19, %mul3A_2012 : vector<16xf32>
      %mul3A_2014 = arith.mulf %sub3A_2013, %get3A_1627 : vector<16xf32>
      %get3A_2015 = arith.constant 0 : i32
      %get3A_2016 = arith.index_cast %get3A_2015 : i32 to index
      %get3A_2017 = arith.constant 304 : index
      %get3A_2018 = tpu.vector_load %arg13[%get3A_2016, %get3A_2017] {strides = array<i32>} : memref<2x512xf32, #tpu.memory_space<vmem>>, vector<16xf32>,
      %sub3A_2019 = arith.subf %get3A_2018, %mul3A_2014 : vector<16xf32>
      %swap3A_2020 = arith.constant 0 : i32
      %swap3A_2021 = arith.index_cast %swap3A_2020 : i32 to index
      %swap3A_2022 = arith.constant 304 : index
      %swap3A_2023 = tpu.vector_load %arg15[%swap3A_2021, %swap3A_2022] {strides = array<i32>} : memref<2x1024xf32, #tpu.memory_space<vmem>>, vector<16xf32>,
      tpu.vector_store %arg15[%swap3A_2021, %swap3A_2022], %sub3A_2019 {strides = array<i32>} : memref<2x1024xf32, #tpu.memory_space<vmem>>, vector<16xf32>,
      %swap3A_2024 = arith.constant 0 : i32
      %swap3A_2025 = arith.index_cast %swap3A_2024 : i32 to index
      %swap3A_2026 = arith.constant 816 : index
      %swap3A_2027 = tpu.vector_load %arg15[%swap3A_2025, %swap3A_2026] {strides = array<i32>} : memref<2x1024xf32, #tpu.memory_space<vmem>>, vector<16xf32>,
      tpu.vector_store %arg15[%swap3A_2025, %swap3A_2026], %mul3A_2014 {strides = array<i32>} : memref<2x1024xf32, #tpu.memory_space<vmem>>, vector<16xf32>,
      %get3A_2028 = arith.constant 0 : i32
      %get3A_2029 = arith.index_cast %get3A_2028 : i32 to index
      %get3A_2030 = arith.constant 320 : index
      %get3A_2031 = tpu.vector_load %arg11[%get3A_2029, %get3A_2030] {strides = array<i32>} : memref<64x512xf32, #tpu.memory_space<vmem>>, vector<16xf32>,
      %mul3A_2032 = arith.mulf %get3A_1624, %get3A_2031 : vector<16xf32>
      %sub3A_2033 = arith.subf %scan3A_1616#20, %mul3A_2032 : vector<16xf32>
      %mul3A_2034 = arith.mulf %sub3A_2033, %get3A_1627 : vector<16xf32>
      %get3A_2035 = arith.constant 0 : i32
      %get3A_2036 = arith.index_cast %get3A_2035 : i32 to index
      %get3A_2037 = arith.constant 320 : index
      %get3A_2038 = tpu.vector_load %arg13[%get3A_2036, %get3A_2037] {strides = array<i32>} : memref<2x512xf32, #tpu.memory_space<vmem>>, vector<16xf32>,
      %sub3A_2039 = arith.subf %get3A_2038, %mul3A_2034 : vector<16xf32>
      %swap3A_2040 = arith.constant 0 : i32
      %swap3A_2041 = arith.index_cast %swap3A_2040 : i32 to index
      %swap3A_2042 = arith.constant 320 : index
      %swap3A_2043 = tpu.vector_load %arg15[%swap3A_2041, %swap3A_2042] {strides = array<i32>} : memref<2x1024xf32, #tpu.memory_space<vmem>>, vector<16xf32>,
      tpu.vector_store %arg15[%swap3A_2041, %swap3A_2042], %sub3A_2039 {strides = array<i32>} : memref<2x1024xf32, #tpu.memory_space<vmem>>, vector<16xf32>,
      %swap3A_2044 = arith.constant 0 : i32
      %swap3A_2045 = arith.index_cast %swap3A_2044 : i32 to index
      %swap3A_2046 = arith.constant 832 : index
      %swap3A_2047 = tpu.vector_load %arg15[%swap3A_2045, %swap3A_2046] {strides = array<i32>} : memref<2x1024xf32, #tpu.memory_space<vmem>>, vector<16xf32>,
      tpu.vector_store %arg15[%swap3A_2045, %swap3A_2046], %mul3A_2034 {strides = array<i32>} : memref<2x1024xf32, #tpu.memory_space<vmem>>, vector<16xf32>,
      %get3A_2048 = arith.constant 0 : i32
      %get3A_2049 = arith.index_cast %get3A_2048 : i32 to index
      %get3A_2050 = arith.constant 336 : index
      %get3A_2051 = tpu.vector_load %arg11[%get3A_2049, %get3A_2050] {strides = array<i32>} : memref<64x512xf32, #tpu.memory_space<vmem>>, vector<16xf32>,
      %mul3A_2052 = arith.mulf %get3A_1624, %get3A_2051 : vector<16xf32>
      %sub3A_2053 = arith.subf %scan3A_1616#21, %mul3A_2052 : vector<16xf32>
      %mul3A_2054 = arith.mulf %sub3A_2053, %get3A_1627 : vector<16xf32>
      %get3A_2055 = arith.constant 0 : i32
      %get3A_2056 = arith.index_cast %get3A_2055 : i32 to index
      %get3A_2057 = arith.constant 336 : index
      %get3A_2058 = tpu.vector_load %arg13[%get3A_2056, %get3A_2057] {strides = array<i32>} : memref<2x512xf32, #tpu.memory_space<vmem>>, vector<16xf32>,
      %sub3A_2059 = arith.subf %get3A_2058, %mul3A_2054 : vector<16xf32>
      %swap3A_2060 = arith.constant 0 : i32
      %swap3A_2061 = arith.index_cast %swap3A_2060 : i32 to index
      %swap3A_2062 = arith.constant 336 : index
      %swap3A_2063 = tpu.vector_load %arg15[%swap3A_2061, %swap3A_2062] {strides = array<i32>} : memref<2x1024xf32, #tpu.memory_space<vmem>>, vector<16xf32>,
      tpu.vector_store %arg15[%swap3A_2061, %swap3A_2062], %sub3A_2059 {strides = array<i32>} : memref<2x1024xf32, #tpu.memory_space<vmem>>, vector<16xf32>,
      %swap3A_2064 = arith.constant 0 : i32
      %swap3A_2065 = arith.index_cast %swap3A_2064 : i32 to index
      %swap3A_2066 = arith.constant 848 : index
      %swap3A_2067 = tpu.vector_load %arg15[%swap3A_2065, %swap3A_2066] {strides = array<i32>} : memref<2x1024xf32, #tpu.memory_space<vmem>>, vector<16xf32>,
      tpu.vector_store %arg15[%swap3A_2065, %swap3A_2066], %mul3A_2054 {strides = array<i32>} : memref<2x1024xf32, #tpu.memory_space<vmem>>, vector<16xf32>,
      %get3A_2068 = arith.constant 0 : i32
      %get3A_2069 = arith.index_cast %get3A_2068 : i32 to index
      %get3A_2070 = arith.constant 352 : index
      %get3A_2071 = tpu.vector_load %arg11[%get3A_2069, %get3A_2070] {strides = array<i32>} : memref<64x512xf32, #tpu.memory_space<vmem>>, vector<16xf32>,
      %mul3A_2072 = arith.mulf %get3A_1624, %get3A_2071 : vector<16xf32>
      %sub3A_2073 = arith.subf %scan3A_1616#22, %mul3A_2072 : vector<16xf32>
      %mul3A_2074 = arith.mulf %sub3A_2073, %get3A_1627 : vector<16xf32>
      %get3A_2075 = arith.constant 0 : i32
      %get3A_2076 = arith.index_cast %get3A_2075 : i32 to index
      %get3A_2077 = arith.constant 352 : index
      %get3A_2078 = tpu.vector_load %arg13[%get3A_2076, %get3A_2077] {strides = array<i32>} : memref<2x512xf32, #tpu.memory_space<vmem>>, vector<16xf32>,
      %sub3A_2079 = arith.subf %get3A_2078, %mul3A_2074 : vector<16xf32>
      %swap3A_2080 = arith.constant 0 : i32
      %swap3A_2081 = arith.index_cast %swap3A_2080 : i32 to index
      %swap3A_2082 = arith.constant 352 : index
      %swap3A_2083 = tpu.vector_load %arg15[%swap3A_2081, %swap3A_2082] {strides = array<i32>} : memref<2x1024xf32, #tpu.memory_space<vmem>>, vector<16xf32>,
      tpu.vector_store %arg15[%swap3A_2081, %swap3A_2082], %sub3A_2079 {strides = array<i32>} : memref<2x1024xf32, #tpu.memory_space<vmem>>, vector<16xf32>,
      %swap3A_2084 = arith.constant 0 : i32
      %swap3A_2085 = arith.index_cast %swap3A_2084 : i32 to index
      %swap3A_2086 = arith.constant 864 : index
      %swap3A_2087 = tpu.vector_load %arg15[%swap3A_2085, %swap3A_2086] {strides = array<i32>} : memref<2x1024xf32, #tpu.memory_space<vmem>>, vector<16xf32>,
      tpu.vector_store %arg15[%swap3A_2085, %swap3A_2086], %mul3A_2074 {strides = array<i32>} : memref<2x1024xf32, #tpu.memory_space<vmem>>, vector<16xf32>,
      %get3A_2088 = arith.constant 0 : i32
      %get3A_2089 = arith.index_cast %get3A_2088 : i32 to index
      %get3A_2090 = arith.constant 368 : index
      %get3A_2091 = tpu.vector_load %arg11[%get3A_2089, %get3A_2090] {strides = array<i32>} : memref<64x512xf32, #tpu.memory_space<vmem>>, vector<16xf32>,
      %mul3A_2092 = arith.mulf %get3A_1624, %get3A_2091 : vector<16xf32>
      %sub3A_2093 = arith.subf %scan3A_1616#23, %mul3A_2092 : vector<16xf32>
      %mul3A_2094 = arith.mulf %sub3A_2093, %get3A_1627 : vector<16xf32>
      %get3A_2095 = arith.constant 0 : i32
      %get3A_2096 = arith.index_cast %get3A_2095 : i32 to index
      %get3A_2097 = arith.constant 368 : index
      %get3A_2098 = tpu.vector_load %arg13[%get3A_2096, %get3A_2097] {strides = array<i32>} : memref<2x512xf32, #tpu.memory_space<vmem>>, vector<16xf32>,
      %sub3A_2099 = arith.subf %get3A_2098, %mul3A_2094 : vector<16xf32>
      %swap3A_2100 = arith.constant 0 : i32
      %swap3A_2101 = arith.index_cast %swap3A_2100 : i32 to index
      %swap3A_2102 = arith.constant 368 : index
      %swap3A_2103 = tpu.vector_load %arg15[%swap3A_2101, %swap3A_2102] {strides = array<i32>} : memref<2x1024xf32, #tpu.memory_space<vmem>>, vector<16xf32>,
      tpu.vector_store %arg15[%swap3A_2101, %swap3A_2102], %sub3A_2099 {strides = array<i32>} : memref<2x1024xf32, #tpu.memory_space<vmem>>, vector<16xf32>,
      %swap3A_2104 = arith.constant 0 : i32
      %swap3A_2105 = arith.index_cast %swap3A_2104 : i32 to index
      %swap3A_2106 = arith.constant 880 : index
      %swap3A_2107 = tpu.vector_load %arg15[%swap3A_2105, %swap3A_2106] {strides = array<i32>} : memref<2x1024xf32, #tpu.memory_space<vmem>>, vector<16xf32>,
      tpu.vector_store %arg15[%swap3A_2105, %swap3A_2106], %mul3A_2094 {strides = array<i32>} : memref<2x1024xf32, #tpu.memory_space<vmem>>, vector<16xf32>,
      %get3A_2108 = arith.constant 0 : i32
      %get3A_2109 = arith.index_cast %get3A_2108 : i32 to index
      %get3A_2110 = arith.constant 384 : index
      %get3A_2111 = tpu.vector_load %arg11[%get3A_2109, %get3A_2110] {strides = array<i32>} : memref<64x512xf32, #tpu.memory_space<vmem>>, vector<16xf32>,
      %mul3A_2112 = arith.mulf %get3A_1624, %get3A_2111 : vector<16xf32>
      %sub3A_2113 = arith.subf %scan3A_1616#24, %mul3A_2112 : vector<16xf32>
      %mul3A_2114 = arith.mulf %sub3A_2113, %get3A_1627 : vector<16xf32>
      %get3A_2115 = arith.constant 0 : i32
      %get3A_2116 = arith.index_cast %get3A_2115 : i32 to index
      %get3A_2117 = arith.constant 384 : index
      %get3A_2118 = tpu.vector_load %arg13[%get3A_2116, %get3A_2117] {strides = array<i32>} : memref<2x512xf32, #tpu.memory_space<vmem>>, vector<16xf32>,
      %sub3A_2119 = arith.subf %get3A_2118, %mul3A_2114 : vector<16xf32>
      %swap3A_2120 = arith.constant 0 : i32
      %swap3A_2121 = arith.index_cast %swap3A_2120 : i32 to index
      %swap3A_2122 = arith.constant 384 : index
      %swap3A_2123 = tpu.vector_load %arg15[%swap3A_2121, %swap3A_2122] {strides = array<i32>} : memref<2x1024xf32, #tpu.memory_space<vmem>>, vector<16xf32>,
      tpu.vector_store %arg15[%swap3A_2121, %swap3A_2122], %sub3A_2119 {strides = array<i32>} : memref<2x1024xf32, #tpu.memory_space<vmem>>, vector<16xf32>,
      %swap3A_2124 = arith.constant 0 : i32
      %swap3A_2125 = arith.index_cast %swap3A_2124 : i32 to index
      %swap3A_2126 = arith.constant 896 : index
      %swap3A_2127 = tpu.vector_load %arg15[%swap3A_2125, %swap3A_2126] {strides = array<i32>} : memref<2x1024xf32, #tpu.memory_space<vmem>>, vector<16xf32>,
      tpu.vector_store %arg15[%swap3A_2125, %swap3A_2126], %mul3A_2114 {strides = array<i32>} : memref<2x1024xf32, #tpu.memory_space<vmem>>, vector<16xf32>,
      %get3A_2128 = arith.constant 0 : i32
      %get3A_2129 = arith.index_cast %get3A_2128 : i32 to index
      %get3A_2130 = arith.constant 400 : index
      %get3A_2131 = tpu.vector_load %arg11[%get3A_2129, %get3A_2130] {strides = array<i32>} : memref<64x512xf32, #tpu.memory_space<vmem>>, vector<16xf32>,
      %mul3A_2132 = arith.mulf %get3A_1624, %get3A_2131 : vector<16xf32>
      %sub3A_2133 = arith.subf %scan3A_1616#25, %mul3A_2132 : vector<16xf32>
      %mul3A_2134 = arith.mulf %sub3A_2133, %get3A_1627 : vector<16xf32>
      %get3A_2135 = arith.constant 0 : i32
      %get3A_2136 = arith.index_cast %get3A_2135 : i32 to index
      %get3A_2137 = arith.constant 400 : index
      %get3A_2138 = tpu.vector_load %arg13[%get3A_2136, %get3A_2137] {strides = array<i32>} : memref<2x512xf32, #tpu.memory_space<vmem>>, vector<16xf32>,
      %sub3A_2139 = arith.subf %get3A_2138, %mul3A_2134 : vector<16xf32>
      %swap3A_2140 = arith.constant 0 : i32
      %swap3A_2141 = arith.index_cast %swap3A_2140 : i32 to index
      %swap3A_2142 = arith.constant 400 : index
      %swap3A_2143 = tpu.vector_load %arg15[%swap3A_2141, %swap3A_2142] {strides = array<i32>} : memref<2x1024xf32, #tpu.memory_space<vmem>>, vector<16xf32>,
      tpu.vector_store %arg15[%swap3A_2141, %swap3A_2142], %sub3A_2139 {strides = array<i32>} : memref<2x1024xf32, #tpu.memory_space<vmem>>, vector<16xf32>,
      %swap3A_2144 = arith.constant 0 : i32
      %swap3A_2145 = arith.index_cast %swap3A_2144 : i32 to index
      %swap3A_2146 = arith.constant 912 : index
      %swap3A_2147 = tpu.vector_load %arg15[%swap3A_2145, %swap3A_2146] {strides = array<i32>} : memref<2x1024xf32, #tpu.memory_space<vmem>>, vector<16xf32>,
      tpu.vector_store %arg15[%swap3A_2145, %swap3A_2146], %mul3A_2134 {strides = array<i32>} : memref<2x1024xf32, #tpu.memory_space<vmem>>, vector<16xf32>,
      %get3A_2148 = arith.constant 0 : i32
      %get3A_2149 = arith.index_cast %get3A_2148 : i32 to index
      %get3A_2150 = arith.constant 416 : index
      %get3A_2151 = tpu.vector_load %arg11[%get3A_2149, %get3A_2150] {strides = array<i32>} : memref<64x512xf32, #tpu.memory_space<vmem>>, vector<16xf32>,
      %mul3A_2152 = arith.mulf %get3A_1624, %get3A_2151 : vector<16xf32>
      %sub3A_2153 = arith.subf %scan3A_1616#26, %mul3A_2152 : vector<16xf32>
      %mul3A_2154 = arith.mulf %sub3A_2153, %get3A_1627 : vector<16xf32>
      %get3A_2155 = arith.constant 0 : i32
      %get3A_2156 = arith.index_cast %get3A_2155 : i32 to index
      %get3A_2157 = arith.constant 416 : index
      %get3A_2158 = tpu.vector_load %arg13[%get3A_2156, %get3A_2157] {strides = array<i32>} : memref<2x512xf32, #tpu.memory_space<vmem>>, vector<16xf32>,
      %sub3A_2159 = arith.subf %get3A_2158, %mul3A_2154 : vector<16xf32>
      %swap3A_2160 = arith.constant 0 : i32
      %swap3A_2161 = arith.index_cast %swap3A_2160 : i32 to index
      %swap3A_2162 = arith.constant 416 : index
      %swap3A_2163 = tpu.vector_load %arg15[%swap3A_2161, %swap3A_2162] {strides = array<i32>} : memref<2x1024xf32, #tpu.memory_space<vmem>>, vector<16xf32>,
      tpu.vector_store %arg15[%swap3A_2161, %swap3A_2162], %sub3A_2159 {strides = array<i32>} : memref<2x1024xf32, #tpu.memory_space<vmem>>, vector<16xf32>,
      %swap3A_2164 = arith.constant 0 : i32
      %swap3A_2165 = arith.index_cast %swap3A_2164 : i32 to index
      %swap3A_2166 = arith.constant 928 : index
      %swap3A_2167 = tpu.vector_load %arg15[%swap3A_2165, %swap3A_2166] {strides = array<i32>} : memref<2x1024xf32, #tpu.memory_space<vmem>>, vector<16xf32>,
      tpu.vector_store %arg15[%swap3A_2165, %swap3A_2166], %mul3A_2154 {strides = array<i32>} : memref<2x1024xf32, #tpu.memory_space<vmem>>, vector<16xf32>,
      %get3A_2168 = arith.constant 0 : i32
      %get3A_2169 = arith.index_cast %get3A_2168 : i32 to index
      %get3A_2170 = arith.constant 432 : index
      %get3A_2171 = tpu.vector_load %arg11[%get3A_2169, %get3A_2170] {strides = array<i32>} : memref<64x512xf32, #tpu.memory_space<vmem>>, vector<16xf32>,
      %mul3A_2172 = arith.mulf %get3A_1624, %get3A_2171 : vector<16xf32>
      %sub3A_2173 = arith.subf %scan3A_1616#27, %mul3A_2172 : vector<16xf32>
      %mul3A_2174 = arith.mulf %sub3A_2173, %get3A_1627 : vector<16xf32>
      %get3A_2175 = arith.constant 0 : i32
      %get3A_2176 = arith.index_cast %get3A_2175 : i32 to index
      %get3A_2177 = arith.constant 432 : index
      %get3A_2178 = tpu.vector_load %arg13[%get3A_2176, %get3A_2177] {strides = array<i32>} : memref<2x512xf32, #tpu.memory_space<vmem>>, vector<16xf32>,
      %sub3A_2179 = arith.subf %get3A_2178, %mul3A_2174 : vector<16xf32>
      %swap3A_2180 = arith.constant 0 : i32
      %swap3A_2181 = arith.index_cast %swap3A_2180 : i32 to index
      %swap3A_2182 = arith.constant 432 : index
      %swap3A_2183 = tpu.vector_load %arg15[%swap3A_2181, %swap3A_2182] {strides = array<i32>} : memref<2x1024xf32, #tpu.memory_space<vmem>>, vector<16xf32>,
      tpu.vector_store %arg15[%swap3A_2181, %swap3A_2182], %sub3A_2179 {strides = array<i32>} : memref<2x1024xf32, #tpu.memory_space<vmem>>, vector<16xf32>,
      %swap3A_2184 = arith.constant 0 : i32
      %swap3A_2185 = arith.index_cast %swap3A_2184 : i32 to index
      %swap3A_2186 = arith.constant 944 : index
      %swap3A_2187 = tpu.vector_load %arg15[%swap3A_2185, %swap3A_2186] {strides = array<i32>} : memref<2x1024xf32, #tpu.memory_space<vmem>>, vector<16xf32>,
      tpu.vector_store %arg15[%swap3A_2185, %swap3A_2186], %mul3A_2174 {strides = array<i32>} : memref<2x1024xf32, #tpu.memory_space<vmem>>, vector<16xf32>,
      %get3A_2188 = arith.constant 0 : i32
      %get3A_2189 = arith.index_cast %get3A_2188 : i32 to index
      %get3A_2190 = arith.constant 448 : index
      %get3A_2191 = tpu.vector_load %arg11[%get3A_2189, %get3A_2190] {strides = array<i32>} : memref<64x512xf32, #tpu.memory_space<vmem>>, vector<16xf32>,
      %mul3A_2192 = arith.mulf %get3A_1624, %get3A_2191 : vector<16xf32>
      %sub3A_2193 = arith.subf %scan3A_1616#28, %mul3A_2192 : vector<16xf32>
      %mul3A_2194 = arith.mulf %sub3A_2193, %get3A_1627 : vector<16xf32>
      %get3A_2195 = arith.constant 0 : i32
      %get3A_2196 = arith.index_cast %get3A_2195 : i32 to index
      %get3A_2197 = arith.constant 448 : index
      %get3A_2198 = tpu.vector_load %arg13[%get3A_2196, %get3A_2197] {strides = array<i32>} : memref<2x512xf32, #tpu.memory_space<vmem>>, vector<16xf32>,
      %sub3A_2199 = arith.subf %get3A_2198, %mul3A_2194 : vector<16xf32>
      %swap3A_2200 = arith.constant 0 : i32
      %swap3A_2201 = arith.index_cast %swap3A_2200 : i32 to index
      %swap3A_2202 = arith.constant 448 : index
      %swap3A_2203 = tpu.vector_load %arg15[%swap3A_2201, %swap3A_2202] {strides = array<i32>} : memref<2x1024xf32, #tpu.memory_space<vmem>>, vector<16xf32>,
      tpu.vector_store %arg15[%swap3A_2201, %swap3A_2202], %sub3A_2199 {strides = array<i32>} : memref<2x1024xf32, #tpu.memory_space<vmem>>, vector<16xf32>,
      %swap3A_2204 = arith.constant 0 : i32
      %swap3A_2205 = arith.index_cast %swap3A_2204 : i32 to index
      %swap3A_2206 = arith.constant 960 : index
      %swap3A_2207 = tpu.vector_load %arg15[%swap3A_2205, %swap3A_2206] {strides = array<i32>} : memref<2x1024xf32, #tpu.memory_space<vmem>>, vector<16xf32>,
      tpu.vector_store %arg15[%swap3A_2205, %swap3A_2206], %mul3A_2194 {strides = array<i32>} : memref<2x1024xf32, #tpu.memory_space<vmem>>, vector<16xf32>,
      %get3A_2208 = arith.constant 0 : i32
      %get3A_2209 = arith.index_cast %get3A_2208 : i32 to index
      %get3A_2210 = arith.constant 464 : index
      %get3A_2211 = tpu.vector_load %arg11[%get3A_2209, %get3A_2210] {strides = array<i32>} : memref<64x512xf32, #tpu.memory_space<vmem>>, vector<16xf32>,
      %mul3A_2212 = arith.mulf %get3A_1624, %get3A_2211 : vector<16xf32>
      %sub3A_2213 = arith.subf %scan3A_1616#29, %mul3A_2212 : vector<16xf32>
      %mul3A_2214 = arith.mulf %sub3A_2213, %get3A_1627 : vector<16xf32>
      %get3A_2215 = arith.constant 0 : i32
      %get3A_2216 = arith.index_cast %get3A_2215 : i32 to index
      %get3A_2217 = arith.constant 464 : index
      %get3A_2218 = tpu.vector_load %arg13[%get3A_2216, %get3A_2217] {strides = array<i32>} : memref<2x512xf32, #tpu.memory_space<vmem>>, vector<16xf32>,
      %sub3A_2219 = arith.subf %get3A_2218, %mul3A_2214 : vector<16xf32>
      %swap3A_2220 = arith.constant 0 : i32
      %swap3A_2221 = arith.index_cast %swap3A_2220 : i32 to index
      %swap3A_2222 = arith.constant 464 : index
      %swap3A_2223 = tpu.vector_load %arg15[%swap3A_2221, %swap3A_2222] {strides = array<i32>} : memref<2x1024xf32, #tpu.memory_space<vmem>>, vector<16xf32>,
      tpu.vector_store %arg15[%swap3A_2221, %swap3A_2222], %sub3A_2219 {strides = array<i32>} : memref<2x1024xf32, #tpu.memory_space<vmem>>, vector<16xf32>,
      %swap3A_2224 = arith.constant 0 : i32
      %swap3A_2225 = arith.index_cast %swap3A_2224 : i32 to index
      %swap3A_2226 = arith.constant 976 : index
      %swap3A_2227 = tpu.vector_load %arg15[%swap3A_2225, %swap3A_2226] {strides = array<i32>} : memref<2x1024xf32, #tpu.memory_space<vmem>>, vector<16xf32>,
      tpu.vector_store %arg15[%swap3A_2225, %swap3A_2226], %mul3A_2214 {strides = array<i32>} : memref<2x1024xf32, #tpu.memory_space<vmem>>, vector<16xf32>,
      %get3A_2228 = arith.constant 0 : i32
      %get3A_2229 = arith.index_cast %get3A_2228 : i32 to index
      %get3A_2230 = arith.constant 480 : index
      %get3A_2231 = tpu.vector_load %arg11[%get3A_2229, %get3A_2230] {strides = array<i32>} : memref<64x512xf32, #tpu.memory_space<vmem>>, vector<16xf32>,
      %mul3A_2232 = arith.mulf %get3A_1624, %get3A_2231 : vector<16xf32>
      %sub3A_2233 = arith.subf %scan3A_1616#30, %mul3A_2232 : vector<16xf32>
      %mul3A_2234 = arith.mulf %sub3A_2233, %get3A_1627 : vector<16xf32>
      %get3A_2235 = arith.constant 0 : i32
      %get3A_2236 = arith.index_cast %get3A_2235 : i32 to index
      %get3A_2237 = arith.constant 480 : index
      %get3A_2238 = tpu.vector_load %arg13[%get3A_2236, %get3A_2237] {strides = array<i32>} : memref<2x512xf32, #tpu.memory_space<vmem>>, vector<16xf32>,
      %sub3A_2239 = arith.subf %get3A_2238, %mul3A_2234 : vector<16xf32>
      %swap3A_2240 = arith.constant 0 : i32
      %swap3A_2241 = arith.index_cast %swap3A_2240 : i32 to index
      %swap3A_2242 = arith.constant 480 : index
      %swap3A_2243 = tpu.vector_load %arg15[%swap3A_2241, %swap3A_2242] {strides = array<i32>} : memref<2x1024xf32, #tpu.memory_space<vmem>>, vector<16xf32>,
      tpu.vector_store %arg15[%swap3A_2241, %swap3A_2242], %sub3A_2239 {strides = array<i32>} : memref<2x1024xf32, #tpu.memory_space<vmem>>, vector<16xf32>,
      %swap3A_2244 = arith.constant 0 : i32
      %swap3A_2245 = arith.index_cast %swap3A_2244 : i32 to index
      %swap3A_2246 = arith.constant 992 : index
      %swap3A_2247 = tpu.vector_load %arg15[%swap3A_2245, %swap3A_2246] {strides = array<i32>} : memref<2x1024xf32, #tpu.memory_space<vmem>>, vector<16xf32>,
      tpu.vector_store %arg15[%swap3A_2245, %swap3A_2246], %mul3A_2234 {strides = array<i32>} : memref<2x1024xf32, #tpu.memory_space<vmem>>, vector<16xf32>,
      %get3A_2248 = arith.constant 0 : i32
      %get3A_2249 = arith.index_cast %get3A_2248 : i32 to index
      %get3A_2250 = arith.constant 496 : index
      %get3A_2251 = tpu.vector_load %arg11[%get3A_2249, %get3A_2250] {strides = array<i32>} : memref<64x512xf32, #tpu.memory_space<vmem>>, vector<16xf32>,
      %mul3A_2252 = arith.mulf %get3A_1624, %get3A_2251 : vector<16xf32>
      %sub3A_2253 = arith.subf %scan3A_1616#31, %mul3A_2252 : vector<16xf32>
      %mul3A_2254 = arith.mulf %sub3A_2253, %get3A_1627 : vector<16xf32>
      %get3A_2255 = arith.constant 0 : i32
      %get3A_2256 = arith.index_cast %get3A_2255 : i32 to index
      %get3A_2257 = arith.constant 496 : index
      %get3A_2258 = tpu.vector_load %arg13[%get3A_2256, %get3A_2257] {strides = array<i32>} : memref<2x512xf32, #tpu.memory_space<vmem>>, vector<16xf32>,
      %sub3A_2259 = arith.subf %get3A_2258, %mul3A_2254 : vector<16xf32>
      %swap3A_2260 = arith.constant 0 : i32
      %swap3A_2261 = arith.index_cast %swap3A_2260 : i32 to index
      %swap3A_2262 = arith.constant 496 : index
      %swap3A_2263 = tpu.vector_load %arg15[%swap3A_2261, %swap3A_2262] {strides = array<i32>} : memref<2x1024xf32, #tpu.memory_space<vmem>>, vector<16xf32>,
      tpu.vector_store %arg15[%swap3A_2261, %swap3A_2262], %sub3A_2259 {strides = array<i32>} : memref<2x1024xf32, #tpu.memory_space<vmem>>, vector<16xf32>,
      %swap3A_2264 = arith.constant 0 : i32
      %swap3A_2265 = arith.index_cast %swap3A_2264 : i32 to index
      %swap3A_2266 = arith.constant 1008 : index
      %swap3A_2267 = tpu.vector_load %arg15[%swap3A_2265, %swap3A_2266] {strides = array<i32>} : memref<2x1024xf32, #tpu.memory_space<vmem>>, vector<16xf32>,
      tpu.vector_store %arg15[%swap3A_2265, %swap3A_2266], %mul3A_2254 {strides = array<i32>} : memref<2x1024xf32, #tpu.memory_space<vmem>>, vector<16xf32>,
      %broadcast_in_dim3A_2268 = arith.constant 0.000000e+00 : f32
      %broadcast_in_dim3A_2269 = vector.broadcast %broadcast_in_dim3A_2268 : f32 to vector<16xf32>
      %broadcast_in_dim3A_2270 = arith.constant 0.000000e+00 : f32
      %broadcast_in_dim3A_2271 = vector.broadcast %broadcast_in_dim3A_2270 : f32 to vector<16xf32>
      %broadcast_in_dim3A_2272 = arith.constant 0.000000e+00 : f32
      %broadcast_in_dim3A_2273 = vector.broadcast %broadcast_in_dim3A_2272 : f32 to vector<16xf32>
      %broadcast_in_dim3A_2274 = arith.constant 0.000000e+00 : f32
      %broadcast_in_dim3A_2275 = vector.broadcast %broadcast_in_dim3A_2274 : f32 to vector<16xf32>
      %broadcast_in_dim3A_2276 = arith.constant 0.000000e+00 : f32
      %broadcast_in_dim3A_2277 = vector.broadcast %broadcast_in_dim3A_2276 : f32 to vector<16xf32>
      %broadcast_in_dim3A_2278 = arith.constant 0.000000e+00 : f32
      %broadcast_in_dim3A_2279 = vector.broadcast %broadcast_in_dim3A_2278 : f32 to vector<16xf32>
      %broadcast_in_dim3A_2280 = arith.constant 0.000000e+00 : f32
      %broadcast_in_dim3A_2281 = vector.broadcast %broadcast_in_dim3A_2280 : f32 to vector<16xf32>
      %broadcast_in_dim3A_2282 = arith.constant 0.000000e+00 : f32
      %broadcast_in_dim3A_2283 = vector.broadcast %broadcast_in_dim3A_2282 : f32 to vector<16xf32>
      %broadcast_in_dim3A_2284 = arith.constant 0.000000e+00 : f32
      %broadcast_in_dim3A_2285 = vector.broadcast %broadcast_in_dim3A_2284 : f32 to vector<16xf32>
      %broadcast_in_dim3A_2286 = arith.constant 0.000000e+00 : f32
      %broadcast_in_dim3A_2287 = vector.broadcast %broadcast_in_dim3A_2286 : f32 to vector<16xf32>
      %broadcast_in_dim3A_2288 = arith.constant 0.000000e+00 : f32
      %broadcast_in_dim3A_2289 = vector.broadcast %broadcast_in_dim3A_2288 : f32 to vector<16xf32>
      %broadcast_in_dim3A_2290 = arith.constant 0.000000e+00 : f32
      %broadcast_in_dim3A_2291 = vector.broadcast %broadcast_in_dim3A_2290 : f32 to vector<16xf32>
      %broadcast_in_dim3A_2292 = arith.constant 0.000000e+00 : f32
      %broadcast_in_dim3A_2293 = vector.broadcast %broadcast_in_dim3A_2292 : f32 to vector<16xf32>
      %broadcast_in_dim3A_2294 = arith.constant 0.000000e+00 : f32
      %broadcast_in_dim3A_2295 = vector.broadcast %broadcast_in_dim3A_2294 : f32 to vector<16xf32>
      %broadcast_in_dim3A_2296 = arith.constant 0.000000e+00 : f32
      %broadcast_in_dim3A_2297 = vector.broadcast %broadcast_in_dim3A_2296 : f32 to vector<16xf32>
      %broadcast_in_dim3A_2298 = arith.constant 0.000000e+00 : f32
      %broadcast_in_dim3A_2299 = vector.broadcast %broadcast_in_dim3A_2298 : f32 to vector<16xf32>
      %broadcast_in_dim3A_2300 = arith.constant 0.000000e+00 : f32
      %broadcast_in_dim3A_2301 = vector.broadcast %broadcast_in_dim3A_2300 : f32 to vector<16xf32>
      %broadcast_in_dim3A_2302 = arith.constant 0.000000e+00 : f32
      %broadcast_in_dim3A_2303 = vector.broadcast %broadcast_in_dim3A_2302 : f32 to vector<16xf32>
      %broadcast_in_dim3A_2304 = arith.constant 0.000000e+00 : f32
      %broadcast_in_dim3A_2305 = vector.broadcast %broadcast_in_dim3A_2304 : f32 to vector<16xf32>
      %broadcast_in_dim3A_2306 = arith.constant 0.000000e+00 : f32
      %broadcast_in_dim3A_2307 = vector.broadcast %broadcast_in_dim3A_2306 : f32 to vector<16xf32>
      %broadcast_in_dim3A_2308 = arith.constant 0.000000e+00 : f32
      %broadcast_in_dim3A_2309 = vector.broadcast %broadcast_in_dim3A_2308 : f32 to vector<16xf32>
      %broadcast_in_dim3A_2310 = arith.constant 0.000000e+00 : f32
      %broadcast_in_dim3A_2311 = vector.broadcast %broadcast_in_dim3A_2310 : f32 to vector<16xf32>
      %broadcast_in_dim3A_2312 = arith.constant 0.000000e+00 : f32
      %broadcast_in_dim3A_2313 = vector.broadcast %broadcast_in_dim3A_2312 : f32 to vector<16xf32>
      %broadcast_in_dim3A_2314 = arith.constant 0.000000e+00 : f32
      %broadcast_in_dim3A_2315 = vector.broadcast %broadcast_in_dim3A_2314 : f32 to vector<16xf32>
      %broadcast_in_dim3A_2316 = arith.constant 0.000000e+00 : f32
      %broadcast_in_dim3A_2317 = vector.broadcast %broadcast_in_dim3A_2316 : f32 to vector<16xf32>
      %broadcast_in_dim3A_2318 = arith.constant 0.000000e+00 : f32
      %broadcast_in_dim3A_2319 = vector.broadcast %broadcast_in_dim3A_2318 : f32 to vector<16xf32>
      %broadcast_in_dim3A_2320 = arith.constant 0.000000e+00 : f32
      %broadcast_in_dim3A_2321 = vector.broadcast %broadcast_in_dim3A_2320 : f32 to vector<16xf32>
      %broadcast_in_dim3A_2322 = arith.constant 0.000000e+00 : f32
      %broadcast_in_dim3A_2323 = vector.broadcast %broadcast_in_dim3A_2322 : f32 to vector<16xf32>
      %broadcast_in_dim3A_2324 = arith.constant 0.000000e+00 : f32
      %broadcast_in_dim3A_2325 = vector.broadcast %broadcast_in_dim3A_2324 : f32 to vector<16xf32>
      %broadcast_in_dim3A_2326 = arith.constant 0.000000e+00 : f32
      %broadcast_in_dim3A_2327 = vector.broadcast %broadcast_in_dim3A_2326 : f32 to vector<16xf32>
      %broadcast_in_dim3A_2328 = arith.constant 0.000000e+00 : f32
      %broadcast_in_dim3A_2329 = vector.broadcast %broadcast_in_dim3A_2328 : f32 to vector<16xf32>
      %broadcast_in_dim3A_2330 = arith.constant 0.000000e+00 : f32
      %broadcast_in_dim3A_2331 = vector.broadcast %broadcast_in_dim3A_2330 : f32 to vector<16xf32>
      %scan3A_2332 = arith.constant 0 : i32
      %scan3A_2333 = arith.constant 32 : i32
      %scan3A_2334 = arith.addi %scan3A_2332, %scan3A_2333 : i32
      %scan3A_2335 = arith.constant 1 : i32
      %scan3A_2336:32 = scf.for %scan3A_2995 = %scan3A_2332 to %scan3A_2334 step %scan3A_2335 iter_args(%scan3A_2996 = %broadcast_in_dim3A_2269, %scan3A_2997 = %broadcast_in_dim3A_2271, %scan3A_2998 = %broadcast_in_dim3A_2273, %scan3A_2999 = %broadcast_in_dim3A_2275, %scan3A_3000 = %broadcast_in_dim3A_2277, %scan3A_3001 = %broadcast_in_dim3A_2279, %scan3A_3002 = %broadcast_in_dim3A_2281, %scan3A_3003 = %broadcast_in_dim3A_2283, %scan3A_3004 = %broadcast_in_dim3A_2285, %scan3A_3005 = %broadcast_in_dim3A_2287, %scan3A_3006 = %broadcast_in_dim3A_2289, %scan3A_3007 = %broadcast_in_dim3A_2291, %scan3A_3008 = %broadcast_in_dim3A_2293, %scan3A_3009 = %broadcast_in_dim3A_2295, %scan3A_3010 = %broadcast_in_dim3A_2297, %scan3A_3011 = %broadcast_in_dim3A_2299, %scan3A_3012 = %broadcast_in_dim3A_2301, %scan3A_3013 = %broadcast_in_dim3A_2303, %scan3A_3014 = %broadcast_in_dim3A_2305, %scan3A_3015 = %broadcast_in_dim3A_2307, %scan3A_3016 = %broadcast_in_dim3A_2309, %scan3A_3017 = %broadcast_in_dim3A_2311, %scan3A_3018 = %broadcast_in_dim3A_2313, %scan3A_3019 = %broadcast_in_dim3A_2315, %scan3A_3020 = %broadcast_in_dim3A_2317, %scan3A_3021 = %broadcast_in_dim3A_2319, %scan3A_3022 = %broadcast_in_dim3A_2321, %scan3A_3023 = %broadcast_in_dim3A_2323, %scan3A_3024 = %broadcast_in_dim3A_2325, %scan3A_3025 = %broadcast_in_dim3A_2327, %scan3A_3026 = %broadcast_in_dim3A_2329, %scan3A_3027 = %broadcast_in_dim3A_2331) -> (vector<16xf32>, vector<16xf32>, vector<16xf32>, vector<16xf32>, vector<16xf32>, vector<16xf32>, vector<16xf32>, vector<16xf32>, vector<16xf32>, vector<16xf32>, vector<16xf32>, vector<16xf32>, vector<16xf32>, vector<16xf32>, vector<16xf32>, vector<16xf32>, vector<16xf32>, vector<16xf32>, vector<16xf32>, vector<16xf32>, vector<16xf32>, vector<16xf32>, vector<16xf32>, vector<16xf32>, vector<16xf32>, vector<16xf32>, vector<16xf32>, vector<16xf32>, vector<16xf32>, vector<16xf32>, vector<16xf32>, vector<16xf32>)  : i32 {
        %mul3A_3028 = arith.constant 1 : i32
        %mul3A_3029 = arith.muli %scan3A_2995, %mul3A_3028 : i32
        %add3A_3030 = arith.constant 32 : i32
        %add3A_3031 = arith.addi %add3A_3030, %mul3A_3029 : i32
        %add3A_3032 = arith.constant 0 : i32
        %add3A_3033 = arith.addi %add3A_3031, %add3A_3032 : i32
        %get3A_3034 = arith.index_cast %add3A_3033 : i32 to index
        %get3A_3035 = arith.constant 0 : index
        %get3A_3036 = tpu.vector_load %arg11[%get3A_3034, %get3A_3035] {strides = array<i32>} : memref<64x512xf32, #tpu.memory_space<vmem>>, vector<16xf32>,
        %add3A_3037 = arith.addf %scan3A_2996, %get3A_3036 : vector<16xf32>
        %get3A_3038 = arith.index_cast %add3A_3033 : i32 to index
        %get3A_3039 = arith.constant 16 : index
        %get3A_3040 = tpu.vector_load %arg11[%get3A_3038, %get3A_3039] {strides = array<i32>} : memref<64x512xf32, #tpu.memory_space<vmem>>, vector<16xf32>,
        %add3A_3041 = arith.addf %scan3A_2997, %get3A_3040 : vector<16xf32>
        %get3A_3042 = arith.index_cast %add3A_3033 : i32 to index
        %get3A_3043 = arith.constant 32 : index
        %get3A_3044 = tpu.vector_load %arg11[%get3A_3042, %get3A_3043] {strides = array<i32>} : memref<64x512xf32, #tpu.memory_space<vmem>>, vector<16xf32>,
        %add3A_3045 = arith.addf %scan3A_2998, %get3A_3044 : vector<16xf32>
        %get3A_3046 = arith.index_cast %add3A_3033 : i32 to index
        %get3A_3047 = arith.constant 48 : index
        %get3A_3048 = tpu.vector_load %arg11[%get3A_3046, %get3A_3047] {strides = array<i32>} : memref<64x512xf32, #tpu.memory_space<vmem>>, vector<16xf32>,
        %add3A_3049 = arith.addf %scan3A_2999, %get3A_3048 : vector<16xf32>
        %get3A_3050 = arith.index_cast %add3A_3033 : i32 to index
        %get3A_3051 = arith.constant 64 : index
        %get3A_3052 = tpu.vector_load %arg11[%get3A_3050, %get3A_3051] {strides = array<i32>} : memref<64x512xf32, #tpu.memory_space<vmem>>, vector<16xf32>,
        %add3A_3053 = arith.addf %scan3A_3000, %get3A_3052 : vector<16xf32>
        %get3A_3054 = arith.index_cast %add3A_3033 : i32 to index
        %get3A_3055 = arith.constant 80 : index
        %get3A_3056 = tpu.vector_load %arg11[%get3A_3054, %get3A_3055] {strides = array<i32>} : memref<64x512xf32, #tpu.memory_space<vmem>>, vector<16xf32>,
        %add3A_3057 = arith.addf %scan3A_3001, %get3A_3056 : vector<16xf32>
        %get3A_3058 = arith.index_cast %add3A_3033 : i32 to index
        %get3A_3059 = arith.constant 96 : index
        %get3A_3060 = tpu.vector_load %arg11[%get3A_3058, %get3A_3059] {strides = array<i32>} : memref<64x512xf32, #tpu.memory_space<vmem>>, vector<16xf32>,
        %add3A_3061 = arith.addf %scan3A_3002, %get3A_3060 : vector<16xf32>
        %get3A_3062 = arith.index_cast %add3A_3033 : i32 to index
        %get3A_3063 = arith.constant 112 : index
        %get3A_3064 = tpu.vector_load %arg11[%get3A_3062, %get3A_3063] {strides = array<i32>} : memref<64x512xf32, #tpu.memory_space<vmem>>, vector<16xf32>,
        %add3A_3065 = arith.addf %scan3A_3003, %get3A_3064 : vector<16xf32>
        %get3A_3066 = arith.index_cast %add3A_3033 : i32 to index
        %get3A_3067 = arith.constant 128 : index
        %get3A_3068 = tpu.vector_load %arg11[%get3A_3066, %get3A_3067] {strides = array<i32>} : memref<64x512xf32, #tpu.memory_space<vmem>>, vector<16xf32>,
        %add3A_3069 = arith.addf %scan3A_3004, %get3A_3068 : vector<16xf32>
        %get3A_3070 = arith.index_cast %add3A_3033 : i32 to index
        %get3A_3071 = arith.constant 144 : index
        %get3A_3072 = tpu.vector_load %arg11[%get3A_3070, %get3A_3071] {strides = array<i32>} : memref<64x512xf32, #tpu.memory_space<vmem>>, vector<16xf32>,
        %add3A_3073 = arith.addf %scan3A_3005, %get3A_3072 : vector<16xf32>
        %get3A_3074 = arith.index_cast %add3A_3033 : i32 to index
        %get3A_3075 = arith.constant 160 : index
        %get3A_3076 = tpu.vector_load %arg11[%get3A_3074, %get3A_3075] {strides = array<i32>} : memref<64x512xf32, #tpu.memory_space<vmem>>, vector<16xf32>,
        %add3A_3077 = arith.addf %scan3A_3006, %get3A_3076 : vector<16xf32>
        %get3A_3078 = arith.index_cast %add3A_3033 : i32 to index
        %get3A_3079 = arith.constant 176 : index
        %get3A_3080 = tpu.vector_load %arg11[%get3A_3078, %get3A_3079] {strides = array<i32>} : memref<64x512xf32, #tpu.memory_space<vmem>>, vector<16xf32>,
        %add3A_3081 = arith.addf %scan3A_3007, %get3A_3080 : vector<16xf32>
        %get3A_3082 = arith.index_cast %add3A_3033 : i32 to index
        %get3A_3083 = arith.constant 192 : index
        %get3A_3084 = tpu.vector_load %arg11[%get3A_3082, %get3A_3083] {strides = array<i32>} : memref<64x512xf32, #tpu.memory_space<vmem>>, vector<16xf32>,
        %add3A_3085 = arith.addf %scan3A_3008, %get3A_3084 : vector<16xf32>
        %get3A_3086 = arith.index_cast %add3A_3033 : i32 to index
        %get3A_3087 = arith.constant 208 : index
        %get3A_3088 = tpu.vector_load %arg11[%get3A_3086, %get3A_3087] {strides = array<i32>} : memref<64x512xf32, #tpu.memory_space<vmem>>, vector<16xf32>,
        %add3A_3089 = arith.addf %scan3A_3009, %get3A_3088 : vector<16xf32>
        %get3A_3090 = arith.index_cast %add3A_3033 : i32 to index
        %get3A_3091 = arith.constant 224 : index
        %get3A_3092 = tpu.vector_load %arg11[%get3A_3090, %get3A_3091] {strides = array<i32>} : memref<64x512xf32, #tpu.memory_space<vmem>>, vector<16xf32>,
        %add3A_3093 = arith.addf %scan3A_3010, %get3A_3092 : vector<16xf32>
        %get3A_3094 = arith.index_cast %add3A_3033 : i32 to index
        %get3A_3095 = arith.constant 240 : index
        %get3A_3096 = tpu.vector_load %arg11[%get3A_3094, %get3A_3095] {strides = array<i32>} : memref<64x512xf32, #tpu.memory_space<vmem>>, vector<16xf32>,
        %add3A_3097 = arith.addf %scan3A_3011, %get3A_3096 : vector<16xf32>
        %get3A_3098 = arith.index_cast %add3A_3033 : i32 to index
        %get3A_3099 = arith.constant 256 : index
        %get3A_3100 = tpu.vector_load %arg11[%get3A_3098, %get3A_3099] {strides = array<i32>} : memref<64x512xf32, #tpu.memory_space<vmem>>, vector<16xf32>,
        %add3A_3101 = arith.addf %scan3A_3012, %get3A_3100 : vector<16xf32>
        %get3A_3102 = arith.index_cast %add3A_3033 : i32 to index
        %get3A_3103 = arith.constant 272 : index
        %get3A_3104 = tpu.vector_load %arg11[%get3A_3102, %get3A_3103] {strides = array<i32>} : memref<64x512xf32, #tpu.memory_space<vmem>>, vector<16xf32>,
        %add3A_3105 = arith.addf %scan3A_3013, %get3A_3104 : vector<16xf32>
        %get3A_3106 = arith.index_cast %add3A_3033 : i32 to index
        %get3A_3107 = arith.constant 288 : index
        %get3A_3108 = tpu.vector_load %arg11[%get3A_3106, %get3A_3107] {strides = array<i32>} : memref<64x512xf32, #tpu.memory_space<vmem>>, vector<16xf32>,
        %add3A_3109 = arith.addf %scan3A_3014, %get3A_3108 : vector<16xf32>
        %get3A_3110 = arith.index_cast %add3A_3033 : i32 to index
        %get3A_3111 = arith.constant 304 : index
        %get3A_3112 = tpu.vector_load %arg11[%get3A_3110, %get3A_3111] {strides = array<i32>} : memref<64x512xf32, #tpu.memory_space<vmem>>, vector<16xf32>,
        %add3A_3113 = arith.addf %scan3A_3015, %get3A_3112 : vector<16xf32>
        %get3A_3114 = arith.index_cast %add3A_3033 : i32 to index
        %get3A_3115 = arith.constant 320 : index
        %get3A_3116 = tpu.vector_load %arg11[%get3A_3114, %get3A_3115] {strides = array<i32>} : memref<64x512xf32, #tpu.memory_space<vmem>>, vector<16xf32>,
        %add3A_3117 = arith.addf %scan3A_3016, %get3A_3116 : vector<16xf32>
        %get3A_3118 = arith.index_cast %add3A_3033 : i32 to index
        %get3A_3119 = arith.constant 336 : index
        %get3A_3120 = tpu.vector_load %arg11[%get3A_3118, %get3A_3119] {strides = array<i32>} : memref<64x512xf32, #tpu.memory_space<vmem>>, vector<16xf32>,
        %add3A_3121 = arith.addf %scan3A_3017, %get3A_3120 : vector<16xf32>
        %get3A_3122 = arith.index_cast %add3A_3033 : i32 to index
        %get3A_3123 = arith.constant 352 : index
        %get3A_3124 = tpu.vector_load %arg11[%get3A_3122, %get3A_3123] {strides = array<i32>} : memref<64x512xf32, #tpu.memory_space<vmem>>, vector<16xf32>,
        %add3A_3125 = arith.addf %scan3A_3018, %get3A_3124 : vector<16xf32>
        %get3A_3126 = arith.index_cast %add3A_3033 : i32 to index
        %get3A_3127 = arith.constant 368 : index
        %get3A_3128 = tpu.vector_load %arg11[%get3A_3126, %get3A_3127] {strides = array<i32>} : memref<64x512xf32, #tpu.memory_space<vmem>>, vector<16xf32>,
        %add3A_3129 = arith.addf %scan3A_3019, %get3A_3128 : vector<16xf32>
        %get3A_3130 = arith.index_cast %add3A_3033 : i32 to index
        %get3A_3131 = arith.constant 384 : index
        %get3A_3132 = tpu.vector_load %arg11[%get3A_3130, %get3A_3131] {strides = array<i32>} : memref<64x512xf32, #tpu.memory_space<vmem>>, vector<16xf32>,
        %add3A_3133 = arith.addf %scan3A_3020, %get3A_3132 : vector<16xf32>
        %get3A_3134 = arith.index_cast %add3A_3033 : i32 to index
        %get3A_3135 = arith.constant 400 : index
        %get3A_3136 = tpu.vector_load %arg11[%get3A_3134, %get3A_3135] {strides = array<i32>} : memref<64x512xf32, #tpu.memory_space<vmem>>, vector<16xf32>,
        %add3A_3137 = arith.addf %scan3A_3021, %get3A_3136 : vector<16xf32>
        %get3A_3138 = arith.index_cast %add3A_3033 : i32 to index
        %get3A_3139 = arith.constant 416 : index
        %get3A_3140 = tpu.vector_load %arg11[%get3A_3138, %get3A_3139] {strides = array<i32>} : memref<64x512xf32, #tpu.memory_space<vmem>>, vector<16xf32>,
        %add3A_3141 = arith.addf %scan3A_3022, %get3A_3140 : vector<16xf32>
        %get3A_3142 = arith.index_cast %add3A_3033 : i32 to index
        %get3A_3143 = arith.constant 432 : index
        %get3A_3144 = tpu.vector_load %arg11[%get3A_3142, %get3A_3143] {strides = array<i32>} : memref<64x512xf32, #tpu.memory_space<vmem>>, vector<16xf32>,
        %add3A_3145 = arith.addf %scan3A_3023, %get3A_3144 : vector<16xf32>
        %get3A_3146 = arith.index_cast %add3A_3033 : i32 to index
        %get3A_3147 = arith.constant 448 : index
        %get3A_3148 = tpu.vector_load %arg11[%get3A_3146, %get3A_3147] {strides = array<i32>} : memref<64x512xf32, #tpu.memory_space<vmem>>, vector<16xf32>,
        %add3A_3149 = arith.addf %scan3A_3024, %get3A_3148 : vector<16xf32>
        %get3A_3150 = arith.index_cast %add3A_3033 : i32 to index
        %get3A_3151 = arith.constant 464 : index
        %get3A_3152 = tpu.vector_load %arg11[%get3A_3150, %get3A_3151] {strides = array<i32>} : memref<64x512xf32, #tpu.memory_space<vmem>>, vector<16xf32>,
        %add3A_3153 = arith.addf %scan3A_3025, %get3A_3152 : vector<16xf32>
        %get3A_3154 = arith.index_cast %add3A_3033 : i32 to index
        %get3A_3155 = arith.constant 480 : index
        %get3A_3156 = tpu.vector_load %arg11[%get3A_3154, %get3A_3155] {strides = array<i32>} : memref<64x512xf32, #tpu.memory_space<vmem>>, vector<16xf32>,
        %add3A_3157 = arith.addf %scan3A_3026, %get3A_3156 : vector<16xf32>
        %get3A_3158 = arith.index_cast %add3A_3033 : i32 to index
        %get3A_3159 = arith.constant 496 : index
        %get3A_3160 = tpu.vector_load %arg11[%get3A_3158, %get3A_3159] {strides = array<i32>} : memref<64x512xf32, #tpu.memory_space<vmem>>, vector<16xf32>,
        %add3A_3161 = arith.addf %scan3A_3027, %get3A_3160 : vector<16xf32>
        scf.yield %add3A_3037, %add3A_3041, %add3A_3045, %add3A_3049, %add3A_3053, %add3A_3057, %add3A_3061, %add3A_3065, %add3A_3069, %add3A_3073, %add3A_3077, %add3A_3081, %add3A_3085, %add3A_3089, %add3A_3093, %add3A_3097, %add3A_3101, %add3A_3105, %add3A_3109, %add3A_3113, %add3A_3117, %add3A_3121, %add3A_3125, %add3A_3129, %add3A_3133, %add3A_3137, %add3A_3141, %add3A_3145, %add3A_3149, %add3A_3153, %add3A_3157, %add3A_3161 : vector<16xf32>, vector<16xf32>, vector<16xf32>, vector<16xf32>, vector<16xf32>, vector<16xf32>, vector<16xf32>, vector<16xf32>, vector<16xf32>, vector<16xf32>, vector<16xf32>, vector<16xf32>, vector<16xf32>, vector<16xf32>, vector<16xf32>, vector<16xf32>, vector<16xf32>, vector<16xf32>, vector<16xf32>, vector<16xf32>, vector<16xf32>, vector<16xf32>, vector<16xf32>, vector<16xf32>, vector<16xf32>, vector<16xf32>, vector<16xf32>, vector<16xf32>, vector<16xf32>, vector<16xf32>, vector<16xf32>, vector<16xf32>
      }
      %scan3A_2337 = arith.constant 32 : i32
      %mul3A_2338 = arith.constant 2 : i32
      %mul3A_2339 = arith.muli %add3A_47, %mul3A_2338 : i32
      %add3A_2340 = arith.constant 1 : i32
      %add3A_2341 = arith.addi %mul3A_2339, %add3A_2340 : i32
      %get3A_2342 = arith.index_cast %add3A_2341 : i32 to index
      %get3A_2343 = arith.constant 0 : index
      %get3A_2344 = tpu.vector_load %arg8[%get3A_2342, %get3A_2343] {strides = array<i32>} : memref<64x16xf32, #tpu.memory_space<vmem>>, vector<16xf32>,
      %get3A_2345 = arith.index_cast %add3A_2341 : i32 to index
      %get3A_2346 = arith.constant 0 : index
      %get3A_2347 = tpu.vector_load %arg9[%get3A_2345, %get3A_2346] {strides = array<i32>} : memref<64x16xf32, #tpu.memory_space<vmem>>, vector<16xf32>,
      %get3A_2348 = arith.constant 32 : i32
      %get3A_2349 = arith.index_cast %get3A_2348 : i32 to index
      %get3A_2350 = arith.constant 0 : index
      %get3A_2351 = tpu.vector_load %arg11[%get3A_2349, %get3A_2350] {strides = array<i32>} : memref<64x512xf32, #tpu.memory_space<vmem>>, vector<16xf32>,
      %mul3A_2352 = arith.mulf %get3A_2344, %get3A_2351 : vector<16xf32>
      %sub3A_2353 = arith.subf %scan3A_2336#0, %mul3A_2352 : vector<16xf32>
      %mul3A_2354 = arith.mulf %sub3A_2353, %get3A_2347 : vector<16xf32>
      %get3A_2355 = arith.constant 1 : i32
      %get3A_2356 = arith.index_cast %get3A_2355 : i32 to index
      %get3A_2357 = arith.constant 0 : index
      %get3A_2358 = tpu.vector_load %arg13[%get3A_2356, %get3A_2357] {strides = array<i32>} : memref<2x512xf32, #tpu.memory_space<vmem>>, vector<16xf32>,
      %sub3A_2359 = arith.subf %get3A_2358, %mul3A_2354 : vector<16xf32>
      %swap3A_2360 = arith.constant 1 : i32
      %swap3A_2361 = arith.index_cast %swap3A_2360 : i32 to index
      %swap3A_2362 = arith.constant 0 : index
      %swap3A_2363 = tpu.vector_load %arg15[%swap3A_2361, %swap3A_2362] {strides = array<i32>} : memref<2x1024xf32, #tpu.memory_space<vmem>>, vector<16xf32>,
      tpu.vector_store %arg15[%swap3A_2361, %swap3A_2362], %sub3A_2359 {strides = array<i32>} : memref<2x1024xf32, #tpu.memory_space<vmem>>, vector<16xf32>,
      %swap3A_2364 = arith.constant 1 : i32
      %swap3A_2365 = arith.index_cast %swap3A_2364 : i32 to index
      %swap3A_2366 = arith.constant 512 : index
      %swap3A_2367 = tpu.vector_load %arg15[%swap3A_2365, %swap3A_2366] {strides = array<i32>} : memref<2x1024xf32, #tpu.memory_space<vmem>>, vector<16xf32>,
      tpu.vector_store %arg15[%swap3A_2365, %swap3A_2366], %mul3A_2354 {strides = array<i32>} : memref<2x1024xf32, #tpu.memory_space<vmem>>, vector<16xf32>,
      %get3A_2368 = arith.constant 32 : i32
      %get3A_2369 = arith.index_cast %get3A_2368 : i32 to index
      %get3A_2370 = arith.constant 16 : index
      %get3A_2371 = tpu.vector_load %arg11[%get3A_2369, %get3A_2370] {strides = array<i32>} : memref<64x512xf32, #tpu.memory_space<vmem>>, vector<16xf32>,
      %mul3A_2372 = arith.mulf %get3A_2344, %get3A_2371 : vector<16xf32>
      %sub3A_2373 = arith.subf %scan3A_2336#1, %mul3A_2372 : vector<16xf32>
      %mul3A_2374 = arith.mulf %sub3A_2373, %get3A_2347 : vector<16xf32>
      %get3A_2375 = arith.constant 1 : i32
      %get3A_2376 = arith.index_cast %get3A_2375 : i32 to index
      %get3A_2377 = arith.constant 16 : index
      %get3A_2378 = tpu.vector_load %arg13[%get3A_2376, %get3A_2377] {strides = array<i32>} : memref<2x512xf32, #tpu.memory_space<vmem>>, vector<16xf32>,
      %sub3A_2379 = arith.subf %get3A_2378, %mul3A_2374 : vector<16xf32>
      %swap3A_2380 = arith.constant 1 : i32
      %swap3A_2381 = arith.index_cast %swap3A_2380 : i32 to index
      %swap3A_2382 = arith.constant 16 : index
      %swap3A_2383 = tpu.vector_load %arg15[%swap3A_2381, %swap3A_2382] {strides = array<i32>} : memref<2x1024xf32, #tpu.memory_space<vmem>>, vector<16xf32>,
      tpu.vector_store %arg15[%swap3A_2381, %swap3A_2382], %sub3A_2379 {strides = array<i32>} : memref<2x1024xf32, #tpu.memory_space<vmem>>, vector<16xf32>,
      %swap3A_2384 = arith.constant 1 : i32
      %swap3A_2385 = arith.index_cast %swap3A_2384 : i32 to index
      %swap3A_2386 = arith.constant 528 : index
      %swap3A_2387 = tpu.vector_load %arg15[%swap3A_2385, %swap3A_2386] {strides = array<i32>} : memref<2x1024xf32, #tpu.memory_space<vmem>>, vector<16xf32>,
      tpu.vector_store %arg15[%swap3A_2385, %swap3A_2386], %mul3A_2374 {strides = array<i32>} : memref<2x1024xf32, #tpu.memory_space<vmem>>, vector<16xf32>,
      %get3A_2388 = arith.constant 32 : i32
      %get3A_2389 = arith.index_cast %get3A_2388 : i32 to index
      %get3A_2390 = arith.constant 32 : index
      %get3A_2391 = tpu.vector_load %arg11[%get3A_2389, %get3A_2390] {strides = array<i32>} : memref<64x512xf32, #tpu.memory_space<vmem>>, vector<16xf32>,
      %mul3A_2392 = arith.mulf %get3A_2344, %get3A_2391 : vector<16xf32>
      %sub3A_2393 = arith.subf %scan3A_2336#2, %mul3A_2392 : vector<16xf32>
      %mul3A_2394 = arith.mulf %sub3A_2393, %get3A_2347 : vector<16xf32>
      %get3A_2395 = arith.constant 1 : i32
      %get3A_2396 = arith.index_cast %get3A_2395 : i32 to index
      %get3A_2397 = arith.constant 32 : index
      %get3A_2398 = tpu.vector_load %arg13[%get3A_2396, %get3A_2397] {strides = array<i32>} : memref<2x512xf32, #tpu.memory_space<vmem>>, vector<16xf32>,
      %sub3A_2399 = arith.subf %get3A_2398, %mul3A_2394 : vector<16xf32>
      %swap3A_2400 = arith.constant 1 : i32
      %swap3A_2401 = arith.index_cast %swap3A_2400 : i32 to index
      %swap3A_2402 = arith.constant 32 : index
      %swap3A_2403 = tpu.vector_load %arg15[%swap3A_2401, %swap3A_2402] {strides = array<i32>} : memref<2x1024xf32, #tpu.memory_space<vmem>>, vector<16xf32>,
      tpu.vector_store %arg15[%swap3A_2401, %swap3A_2402], %sub3A_2399 {strides = array<i32>} : memref<2x1024xf32, #tpu.memory_space<vmem>>, vector<16xf32>,
      %swap3A_2404 = arith.constant 1 : i32
      %swap3A_2405 = arith.index_cast %swap3A_2404 : i32 to index
      %swap3A_2406 = arith.constant 544 : index
      %swap3A_2407 = tpu.vector_load %arg15[%swap3A_2405, %swap3A_2406] {strides = array<i32>} : memref<2x1024xf32, #tpu.memory_space<vmem>>, vector<16xf32>,
      tpu.vector_store %arg15[%swap3A_2405, %swap3A_2406], %mul3A_2394 {strides = array<i32>} : memref<2x1024xf32, #tpu.memory_space<vmem>>, vector<16xf32>,
      %get3A_2408 = arith.constant 32 : i32
      %get3A_2409 = arith.index_cast %get3A_2408 : i32 to index
      %get3A_2410 = arith.constant 48 : index
      %get3A_2411 = tpu.vector_load %arg11[%get3A_2409, %get3A_2410] {strides = array<i32>} : memref<64x512xf32, #tpu.memory_space<vmem>>, vector<16xf32>,
      %mul3A_2412 = arith.mulf %get3A_2344, %get3A_2411 : vector<16xf32>
      %sub3A_2413 = arith.subf %scan3A_2336#3, %mul3A_2412 : vector<16xf32>
      %mul3A_2414 = arith.mulf %sub3A_2413, %get3A_2347 : vector<16xf32>
      %get3A_2415 = arith.constant 1 : i32
      %get3A_2416 = arith.index_cast %get3A_2415 : i32 to index
      %get3A_2417 = arith.constant 48 : index
      %get3A_2418 = tpu.vector_load %arg13[%get3A_2416, %get3A_2417] {strides = array<i32>} : memref<2x512xf32, #tpu.memory_space<vmem>>, vector<16xf32>,
      %sub3A_2419 = arith.subf %get3A_2418, %mul3A_2414 : vector<16xf32>
      %swap3A_2420 = arith.constant 1 : i32
      %swap3A_2421 = arith.index_cast %swap3A_2420 : i32 to index
      %swap3A_2422 = arith.constant 48 : index
      %swap3A_2423 = tpu.vector_load %arg15[%swap3A_2421, %swap3A_2422] {strides = array<i32>} : memref<2x1024xf32, #tpu.memory_space<vmem>>, vector<16xf32>,
      tpu.vector_store %arg15[%swap3A_2421, %swap3A_2422], %sub3A_2419 {strides = array<i32>} : memref<2x1024xf32, #tpu.memory_space<vmem>>, vector<16xf32>,
      %swap3A_2424 = arith.constant 1 : i32
      %swap3A_2425 = arith.index_cast %swap3A_2424 : i32 to index
      %swap3A_2426 = arith.constant 560 : index
      %swap3A_2427 = tpu.vector_load %arg15[%swap3A_2425, %swap3A_2426] {strides = array<i32>} : memref<2x1024xf32, #tpu.memory_space<vmem>>, vector<16xf32>,
      tpu.vector_store %arg15[%swap3A_2425, %swap3A_2426], %mul3A_2414 {strides = array<i32>} : memref<2x1024xf32, #tpu.memory_space<vmem>>, vector<16xf32>,
      %get3A_2428 = arith.constant 32 : i32
      %get3A_2429 = arith.index_cast %get3A_2428 : i32 to index
      %get3A_2430 = arith.constant 64 : index
      %get3A_2431 = tpu.vector_load %arg11[%get3A_2429, %get3A_2430] {strides = array<i32>} : memref<64x512xf32, #tpu.memory_space<vmem>>, vector<16xf32>,
      %mul3A_2432 = arith.mulf %get3A_2344, %get3A_2431 : vector<16xf32>
      %sub3A_2433 = arith.subf %scan3A_2336#4, %mul3A_2432 : vector<16xf32>
      %mul3A_2434 = arith.mulf %sub3A_2433, %get3A_2347 : vector<16xf32>
      %get3A_2435 = arith.constant 1 : i32
      %get3A_2436 = arith.index_cast %get3A_2435 : i32 to index
      %get3A_2437 = arith.constant 64 : index
      %get3A_2438 = tpu.vector_load %arg13[%get3A_2436, %get3A_2437] {strides = array<i32>} : memref<2x512xf32, #tpu.memory_space<vmem>>, vector<16xf32>,
      %sub3A_2439 = arith.subf %get3A_2438, %mul3A_2434 : vector<16xf32>
      %swap3A_2440 = arith.constant 1 : i32
      %swap3A_2441 = arith.index_cast %swap3A_2440 : i32 to index
      %swap3A_2442 = arith.constant 64 : index
      %swap3A_2443 = tpu.vector_load %arg15[%swap3A_2441, %swap3A_2442] {strides = array<i32>} : memref<2x1024xf32, #tpu.memory_space<vmem>>, vector<16xf32>,
      tpu.vector_store %arg15[%swap3A_2441, %swap3A_2442], %sub3A_2439 {strides = array<i32>} : memref<2x1024xf32, #tpu.memory_space<vmem>>, vector<16xf32>,
      %swap3A_2444 = arith.constant 1 : i32
      %swap3A_2445 = arith.index_cast %swap3A_2444 : i32 to index
      %swap3A_2446 = arith.constant 576 : index
      %swap3A_2447 = tpu.vector_load %arg15[%swap3A_2445, %swap3A_2446] {strides = array<i32>} : memref<2x1024xf32, #tpu.memory_space<vmem>>, vector<16xf32>,
      tpu.vector_store %arg15[%swap3A_2445, %swap3A_2446], %mul3A_2434 {strides = array<i32>} : memref<2x1024xf32, #tpu.memory_space<vmem>>, vector<16xf32>,
      %get3A_2448 = arith.constant 32 : i32
      %get3A_2449 = arith.index_cast %get3A_2448 : i32 to index
      %get3A_2450 = arith.constant 80 : index
      %get3A_2451 = tpu.vector_load %arg11[%get3A_2449, %get3A_2450] {strides = array<i32>} : memref<64x512xf32, #tpu.memory_space<vmem>>, vector<16xf32>,
      %mul3A_2452 = arith.mulf %get3A_2344, %get3A_2451 : vector<16xf32>
      %sub3A_2453 = arith.subf %scan3A_2336#5, %mul3A_2452 : vector<16xf32>
      %mul3A_2454 = arith.mulf %sub3A_2453, %get3A_2347 : vector<16xf32>
      %get3A_2455 = arith.constant 1 : i32
      %get3A_2456 = arith.index_cast %get3A_2455 : i32 to index
      %get3A_2457 = arith.constant 80 : index
      %get3A_2458 = tpu.vector_load %arg13[%get3A_2456, %get3A_2457] {strides = array<i32>} : memref<2x512xf32, #tpu.memory_space<vmem>>, vector<16xf32>,
      %sub3A_2459 = arith.subf %get3A_2458, %mul3A_2454 : vector<16xf32>
      %swap3A_2460 = arith.constant 1 : i32
      %swap3A_2461 = arith.index_cast %swap3A_2460 : i32 to index
      %swap3A_2462 = arith.constant 80 : index
      %swap3A_2463 = tpu.vector_load %arg15[%swap3A_2461, %swap3A_2462] {strides = array<i32>} : memref<2x1024xf32, #tpu.memory_space<vmem>>, vector<16xf32>,
      tpu.vector_store %arg15[%swap3A_2461, %swap3A_2462], %sub3A_2459 {strides = array<i32>} : memref<2x1024xf32, #tpu.memory_space<vmem>>, vector<16xf32>,
      %swap3A_2464 = arith.constant 1 : i32
      %swap3A_2465 = arith.index_cast %swap3A_2464 : i32 to index
      %swap3A_2466 = arith.constant 592 : index
      %swap3A_2467 = tpu.vector_load %arg15[%swap3A_2465, %swap3A_2466] {strides = array<i32>} : memref<2x1024xf32, #tpu.memory_space<vmem>>, vector<16xf32>,
      tpu.vector_store %arg15[%swap3A_2465, %swap3A_2466], %mul3A_2454 {strides = array<i32>} : memref<2x1024xf32, #tpu.memory_space<vmem>>, vector<16xf32>,
      %get3A_2468 = arith.constant 32 : i32
      %get3A_2469 = arith.index_cast %get3A_2468 : i32 to index
      %get3A_2470 = arith.constant 96 : index
      %get3A_2471 = tpu.vector_load %arg11[%get3A_2469, %get3A_2470] {strides = array<i32>} : memref<64x512xf32, #tpu.memory_space<vmem>>, vector<16xf32>,
      %mul3A_2472 = arith.mulf %get3A_2344, %get3A_2471 : vector<16xf32>
      %sub3A_2473 = arith.subf %scan3A_2336#6, %mul3A_2472 : vector<16xf32>
      %mul3A_2474 = arith.mulf %sub3A_2473, %get3A_2347 : vector<16xf32>
      %get3A_2475 = arith.constant 1 : i32
      %get3A_2476 = arith.index_cast %get3A_2475 : i32 to index
      %get3A_2477 = arith.constant 96 : index
      %get3A_2478 = tpu.vector_load %arg13[%get3A_2476, %get3A_2477] {strides = array<i32>} : memref<2x512xf32, #tpu.memory_space<vmem>>, vector<16xf32>,
      %sub3A_2479 = arith.subf %get3A_2478, %mul3A_2474 : vector<16xf32>
      %swap3A_2480 = arith.constant 1 : i32
      %swap3A_2481 = arith.index_cast %swap3A_2480 : i32 to index
      %swap3A_2482 = arith.constant 96 : index
      %swap3A_2483 = tpu.vector_load %arg15[%swap3A_2481, %swap3A_2482] {strides = array<i32>} : memref<2x1024xf32, #tpu.memory_space<vmem>>, vector<16xf32>,
      tpu.vector_store %arg15[%swap3A_2481, %swap3A_2482], %sub3A_2479 {strides = array<i32>} : memref<2x1024xf32, #tpu.memory_space<vmem>>, vector<16xf32>,
      %swap3A_2484 = arith.constant 1 : i32
      %swap3A_2485 = arith.index_cast %swap3A_2484 : i32 to index
      %swap3A_2486 = arith.constant 608 : index
      %swap3A_2487 = tpu.vector_load %arg15[%swap3A_2485, %swap3A_2486] {strides = array<i32>} : memref<2x1024xf32, #tpu.memory_space<vmem>>, vector<16xf32>,
      tpu.vector_store %arg15[%swap3A_2485, %swap3A_2486], %mul3A_2474 {strides = array<i32>} : memref<2x1024xf32, #tpu.memory_space<vmem>>, vector<16xf32>,
      %get3A_2488 = arith.constant 32 : i32
      %get3A_2489 = arith.index_cast %get3A_2488 : i32 to index
      %get3A_2490 = arith.constant 112 : index
      %get3A_2491 = tpu.vector_load %arg11[%get3A_2489, %get3A_2490] {strides = array<i32>} : memref<64x512xf32, #tpu.memory_space<vmem>>, vector<16xf32>,
      %mul3A_2492 = arith.mulf %get3A_2344, %get3A_2491 : vector<16xf32>
      %sub3A_2493 = arith.subf %scan3A_2336#7, %mul3A_2492 : vector<16xf32>
      %mul3A_2494 = arith.mulf %sub3A_2493, %get3A_2347 : vector<16xf32>
      %get3A_2495 = arith.constant 1 : i32
      %get3A_2496 = arith.index_cast %get3A_2495 : i32 to index
      %get3A_2497 = arith.constant 112 : index
      %get3A_2498 = tpu.vector_load %arg13[%get3A_2496, %get3A_2497] {strides = array<i32>} : memref<2x512xf32, #tpu.memory_space<vmem>>, vector<16xf32>,
      %sub3A_2499 = arith.subf %get3A_2498, %mul3A_2494 : vector<16xf32>
      %swap3A_2500 = arith.constant 1 : i32
      %swap3A_2501 = arith.index_cast %swap3A_2500 : i32 to index
      %swap3A_2502 = arith.constant 112 : index
      %swap3A_2503 = tpu.vector_load %arg15[%swap3A_2501, %swap3A_2502] {strides = array<i32>} : memref<2x1024xf32, #tpu.memory_space<vmem>>, vector<16xf32>,
      tpu.vector_store %arg15[%swap3A_2501, %swap3A_2502], %sub3A_2499 {strides = array<i32>} : memref<2x1024xf32, #tpu.memory_space<vmem>>, vector<16xf32>,
      %swap3A_2504 = arith.constant 1 : i32
      %swap3A_2505 = arith.index_cast %swap3A_2504 : i32 to index
      %swap3A_2506 = arith.constant 624 : index
      %swap3A_2507 = tpu.vector_load %arg15[%swap3A_2505, %swap3A_2506] {strides = array<i32>} : memref<2x1024xf32, #tpu.memory_space<vmem>>, vector<16xf32>,
      tpu.vector_store %arg15[%swap3A_2505, %swap3A_2506], %mul3A_2494 {strides = array<i32>} : memref<2x1024xf32, #tpu.memory_space<vmem>>, vector<16xf32>,
      %get3A_2508 = arith.constant 32 : i32
      %get3A_2509 = arith.index_cast %get3A_2508 : i32 to index
      %get3A_2510 = arith.constant 128 : index
      %get3A_2511 = tpu.vector_load %arg11[%get3A_2509, %get3A_2510] {strides = array<i32>} : memref<64x512xf32, #tpu.memory_space<vmem>>, vector<16xf32>,
      %mul3A_2512 = arith.mulf %get3A_2344, %get3A_2511 : vector<16xf32>
      %sub3A_2513 = arith.subf %scan3A_2336#8, %mul3A_2512 : vector<16xf32>
      %mul3A_2514 = arith.mulf %sub3A_2513, %get3A_2347 : vector<16xf32>
      %get3A_2515 = arith.constant 1 : i32
      %get3A_2516 = arith.index_cast %get3A_2515 : i32 to index
      %get3A_2517 = arith.constant 128 : index
      %get3A_2518 = tpu.vector_load %arg13[%get3A_2516, %get3A_2517] {strides = array<i32>} : memref<2x512xf32, #tpu.memory_space<vmem>>, vector<16xf32>,
      %sub3A_2519 = arith.subf %get3A_2518, %mul3A_2514 : vector<16xf32>
      %swap3A_2520 = arith.constant 1 : i32
      %swap3A_2521 = arith.index_cast %swap3A_2520 : i32 to index
      %swap3A_2522 = arith.constant 128 : index
      %swap3A_2523 = tpu.vector_load %arg15[%swap3A_2521, %swap3A_2522] {strides = array<i32>} : memref<2x1024xf32, #tpu.memory_space<vmem>>, vector<16xf32>,
      tpu.vector_store %arg15[%swap3A_2521, %swap3A_2522], %sub3A_2519 {strides = array<i32>} : memref<2x1024xf32, #tpu.memory_space<vmem>>, vector<16xf32>,
      %swap3A_2524 = arith.constant 1 : i32
      %swap3A_2525 = arith.index_cast %swap3A_2524 : i32 to index
      %swap3A_2526 = arith.constant 640 : index
      %swap3A_2527 = tpu.vector_load %arg15[%swap3A_2525, %swap3A_2526] {strides = array<i32>} : memref<2x1024xf32, #tpu.memory_space<vmem>>, vector<16xf32>,
      tpu.vector_store %arg15[%swap3A_2525, %swap3A_2526], %mul3A_2514 {strides = array<i32>} : memref<2x1024xf32, #tpu.memory_space<vmem>>, vector<16xf32>,
      %get3A_2528 = arith.constant 32 : i32
      %get3A_2529 = arith.index_cast %get3A_2528 : i32 to index
      %get3A_2530 = arith.constant 144 : index
      %get3A_2531 = tpu.vector_load %arg11[%get3A_2529, %get3A_2530] {strides = array<i32>} : memref<64x512xf32, #tpu.memory_space<vmem>>, vector<16xf32>,
      %mul3A_2532 = arith.mulf %get3A_2344, %get3A_2531 : vector<16xf32>
      %sub3A_2533 = arith.subf %scan3A_2336#9, %mul3A_2532 : vector<16xf32>
      %mul3A_2534 = arith.mulf %sub3A_2533, %get3A_2347 : vector<16xf32>
      %get3A_2535 = arith.constant 1 : i32
      %get3A_2536 = arith.index_cast %get3A_2535 : i32 to index
      %get3A_2537 = arith.constant 144 : index
      %get3A_2538 = tpu.vector_load %arg13[%get3A_2536, %get3A_2537] {strides = array<i32>} : memref<2x512xf32, #tpu.memory_space<vmem>>, vector<16xf32>,
      %sub3A_2539 = arith.subf %get3A_2538, %mul3A_2534 : vector<16xf32>
      %swap3A_2540 = arith.constant 1 : i32
      %swap3A_2541 = arith.index_cast %swap3A_2540 : i32 to index
      %swap3A_2542 = arith.constant 144 : index
      %swap3A_2543 = tpu.vector_load %arg15[%swap3A_2541, %swap3A_2542] {strides = array<i32>} : memref<2x1024xf32, #tpu.memory_space<vmem>>, vector<16xf32>,
      tpu.vector_store %arg15[%swap3A_2541, %swap3A_2542], %sub3A_2539 {strides = array<i32>} : memref<2x1024xf32, #tpu.memory_space<vmem>>, vector<16xf32>,
      %swap3A_2544 = arith.constant 1 : i32
      %swap3A_2545 = arith.index_cast %swap3A_2544 : i32 to index
      %swap3A_2546 = arith.constant 656 : index
      %swap3A_2547 = tpu.vector_load %arg15[%swap3A_2545, %swap3A_2546] {strides = array<i32>} : memref<2x1024xf32, #tpu.memory_space<vmem>>, vector<16xf32>,
      tpu.vector_store %arg15[%swap3A_2545, %swap3A_2546], %mul3A_2534 {strides = array<i32>} : memref<2x1024xf32, #tpu.memory_space<vmem>>, vector<16xf32>,
      %get3A_2548 = arith.constant 32 : i32
      %get3A_2549 = arith.index_cast %get3A_2548 : i32 to index
      %get3A_2550 = arith.constant 160 : index
      %get3A_2551 = tpu.vector_load %arg11[%get3A_2549, %get3A_2550] {strides = array<i32>} : memref<64x512xf32, #tpu.memory_space<vmem>>, vector<16xf32>,
      %mul3A_2552 = arith.mulf %get3A_2344, %get3A_2551 : vector<16xf32>
      %sub3A_2553 = arith.subf %scan3A_2336#10, %mul3A_2552 : vector<16xf32>
      %mul3A_2554 = arith.mulf %sub3A_2553, %get3A_2347 : vector<16xf32>
      %get3A_2555 = arith.constant 1 : i32
      %get3A_2556 = arith.index_cast %get3A_2555 : i32 to index
      %get3A_2557 = arith.constant 160 : index
      %get3A_2558 = tpu.vector_load %arg13[%get3A_2556, %get3A_2557] {strides = array<i32>} : memref<2x512xf32, #tpu.memory_space<vmem>>, vector<16xf32>,
      %sub3A_2559 = arith.subf %get3A_2558, %mul3A_2554 : vector<16xf32>
      %swap3A_2560 = arith.constant 1 : i32
      %swap3A_2561 = arith.index_cast %swap3A_2560 : i32 to index
      %swap3A_2562 = arith.constant 160 : index
      %swap3A_2563 = tpu.vector_load %arg15[%swap3A_2561, %swap3A_2562] {strides = array<i32>} : memref<2x1024xf32, #tpu.memory_space<vmem>>, vector<16xf32>,
      tpu.vector_store %arg15[%swap3A_2561, %swap3A_2562], %sub3A_2559 {strides = array<i32>} : memref<2x1024xf32, #tpu.memory_space<vmem>>, vector<16xf32>,
      %swap3A_2564 = arith.constant 1 : i32
      %swap3A_2565 = arith.index_cast %swap3A_2564 : i32 to index
      %swap3A_2566 = arith.constant 672 : index
      %swap3A_2567 = tpu.vector_load %arg15[%swap3A_2565, %swap3A_2566] {strides = array<i32>} : memref<2x1024xf32, #tpu.memory_space<vmem>>, vector<16xf32>,
      tpu.vector_store %arg15[%swap3A_2565, %swap3A_2566], %mul3A_2554 {strides = array<i32>} : memref<2x1024xf32, #tpu.memory_space<vmem>>, vector<16xf32>,
      %get3A_2568 = arith.constant 32 : i32
      %get3A_2569 = arith.index_cast %get3A_2568 : i32 to index
      %get3A_2570 = arith.constant 176 : index
      %get3A_2571 = tpu.vector_load %arg11[%get3A_2569, %get3A_2570] {strides = array<i32>} : memref<64x512xf32, #tpu.memory_space<vmem>>, vector<16xf32>,
      %mul3A_2572 = arith.mulf %get3A_2344, %get3A_2571 : vector<16xf32>
      %sub3A_2573 = arith.subf %scan3A_2336#11, %mul3A_2572 : vector<16xf32>
      %mul3A_2574 = arith.mulf %sub3A_2573, %get3A_2347 : vector<16xf32>
      %get3A_2575 = arith.constant 1 : i32
      %get3A_2576 = arith.index_cast %get3A_2575 : i32 to index
      %get3A_2577 = arith.constant 176 : index
      %get3A_2578 = tpu.vector_load %arg13[%get3A_2576, %get3A_2577] {strides = array<i32>} : memref<2x512xf32, #tpu.memory_space<vmem>>, vector<16xf32>,
      %sub3A_2579 = arith.subf %get3A_2578, %mul3A_2574 : vector<16xf32>
      %swap3A_2580 = arith.constant 1 : i32
      %swap3A_2581 = arith.index_cast %swap3A_2580 : i32 to index
      %swap3A_2582 = arith.constant 176 : index
      %swap3A_2583 = tpu.vector_load %arg15[%swap3A_2581, %swap3A_2582] {strides = array<i32>} : memref<2x1024xf32, #tpu.memory_space<vmem>>, vector<16xf32>,
      tpu.vector_store %arg15[%swap3A_2581, %swap3A_2582], %sub3A_2579 {strides = array<i32>} : memref<2x1024xf32, #tpu.memory_space<vmem>>, vector<16xf32>,
      %swap3A_2584 = arith.constant 1 : i32
      %swap3A_2585 = arith.index_cast %swap3A_2584 : i32 to index
      %swap3A_2586 = arith.constant 688 : index
      %swap3A_2587 = tpu.vector_load %arg15[%swap3A_2585, %swap3A_2586] {strides = array<i32>} : memref<2x1024xf32, #tpu.memory_space<vmem>>, vector<16xf32>,
      tpu.vector_store %arg15[%swap3A_2585, %swap3A_2586], %mul3A_2574 {strides = array<i32>} : memref<2x1024xf32, #tpu.memory_space<vmem>>, vector<16xf32>,
      %get3A_2588 = arith.constant 32 : i32
      %get3A_2589 = arith.index_cast %get3A_2588 : i32 to index
      %get3A_2590 = arith.constant 192 : index
      %get3A_2591 = tpu.vector_load %arg11[%get3A_2589, %get3A_2590] {strides = array<i32>} : memref<64x512xf32, #tpu.memory_space<vmem>>, vector<16xf32>,
      %mul3A_2592 = arith.mulf %get3A_2344, %get3A_2591 : vector<16xf32>
      %sub3A_2593 = arith.subf %scan3A_2336#12, %mul3A_2592 : vector<16xf32>
      %mul3A_2594 = arith.mulf %sub3A_2593, %get3A_2347 : vector<16xf32>
      %get3A_2595 = arith.constant 1 : i32
      %get3A_2596 = arith.index_cast %get3A_2595 : i32 to index
      %get3A_2597 = arith.constant 192 : index
      %get3A_2598 = tpu.vector_load %arg13[%get3A_2596, %get3A_2597] {strides = array<i32>} : memref<2x512xf32, #tpu.memory_space<vmem>>, vector<16xf32>,
      %sub3A_2599 = arith.subf %get3A_2598, %mul3A_2594 : vector<16xf32>
      %swap3A_2600 = arith.constant 1 : i32
      %swap3A_2601 = arith.index_cast %swap3A_2600 : i32 to index
      %swap3A_2602 = arith.constant 192 : index
      %swap3A_2603 = tpu.vector_load %arg15[%swap3A_2601, %swap3A_2602] {strides = array<i32>} : memref<2x1024xf32, #tpu.memory_space<vmem>>, vector<16xf32>,
      tpu.vector_store %arg15[%swap3A_2601, %swap3A_2602], %sub3A_2599 {strides = array<i32>} : memref<2x1024xf32, #tpu.memory_space<vmem>>, vector<16xf32>,
      %swap3A_2604 = arith.constant 1 : i32
      %swap3A_2605 = arith.index_cast %swap3A_2604 : i32 to index
      %swap3A_2606 = arith.constant 704 : index
      %swap3A_2607 = tpu.vector_load %arg15[%swap3A_2605, %swap3A_2606] {strides = array<i32>} : memref<2x1024xf32, #tpu.memory_space<vmem>>, vector<16xf32>,
      tpu.vector_store %arg15[%swap3A_2605, %swap3A_2606], %mul3A_2594 {strides = array<i32>} : memref<2x1024xf32, #tpu.memory_space<vmem>>, vector<16xf32>,
      %get3A_2608 = arith.constant 32 : i32
      %get3A_2609 = arith.index_cast %get3A_2608 : i32 to index
      %get3A_2610 = arith.constant 208 : index
      %get3A_2611 = tpu.vector_load %arg11[%get3A_2609, %get3A_2610] {strides = array<i32>} : memref<64x512xf32, #tpu.memory_space<vmem>>, vector<16xf32>,
      %mul3A_2612 = arith.mulf %get3A_2344, %get3A_2611 : vector<16xf32>
      %sub3A_2613 = arith.subf %scan3A_2336#13, %mul3A_2612 : vector<16xf32>
      %mul3A_2614 = arith.mulf %sub3A_2613, %get3A_2347 : vector<16xf32>
      %get3A_2615 = arith.constant 1 : i32
      %get3A_2616 = arith.index_cast %get3A_2615 : i32 to index
      %get3A_2617 = arith.constant 208 : index
      %get3A_2618 = tpu.vector_load %arg13[%get3A_2616, %get3A_2617] {strides = array<i32>} : memref<2x512xf32, #tpu.memory_space<vmem>>, vector<16xf32>,
      %sub3A_2619 = arith.subf %get3A_2618, %mul3A_2614 : vector<16xf32>
      %swap3A_2620 = arith.constant 1 : i32
      %swap3A_2621 = arith.index_cast %swap3A_2620 : i32 to index
      %swap3A_2622 = arith.constant 208 : index
      %swap3A_2623 = tpu.vector_load %arg15[%swap3A_2621, %swap3A_2622] {strides = array<i32>} : memref<2x1024xf32, #tpu.memory_space<vmem>>, vector<16xf32>,
      tpu.vector_store %arg15[%swap3A_2621, %swap3A_2622], %sub3A_2619 {strides = array<i32>} : memref<2x1024xf32, #tpu.memory_space<vmem>>, vector<16xf32>,
      %swap3A_2624 = arith.constant 1 : i32
      %swap3A_2625 = arith.index_cast %swap3A_2624 : i32 to index
      %swap3A_2626 = arith.constant 720 : index
      %swap3A_2627 = tpu.vector_load %arg15[%swap3A_2625, %swap3A_2626] {strides = array<i32>} : memref<2x1024xf32, #tpu.memory_space<vmem>>, vector<16xf32>,
      tpu.vector_store %arg15[%swap3A_2625, %swap3A_2626], %mul3A_2614 {strides = array<i32>} : memref<2x1024xf32, #tpu.memory_space<vmem>>, vector<16xf32>,
      %get3A_2628 = arith.constant 32 : i32
      %get3A_2629 = arith.index_cast %get3A_2628 : i32 to index
      %get3A_2630 = arith.constant 224 : index
      %get3A_2631 = tpu.vector_load %arg11[%get3A_2629, %get3A_2630] {strides = array<i32>} : memref<64x512xf32, #tpu.memory_space<vmem>>, vector<16xf32>,
      %mul3A_2632 = arith.mulf %get3A_2344, %get3A_2631 : vector<16xf32>
      %sub3A_2633 = arith.subf %scan3A_2336#14, %mul3A_2632 : vector<16xf32>
      %mul3A_2634 = arith.mulf %sub3A_2633, %get3A_2347 : vector<16xf32>
      %get3A_2635 = arith.constant 1 : i32
      %get3A_2636 = arith.index_cast %get3A_2635 : i32 to index
      %get3A_2637 = arith.constant 224 : index
      %get3A_2638 = tpu.vector_load %arg13[%get3A_2636, %get3A_2637] {strides = array<i32>} : memref<2x512xf32, #tpu.memory_space<vmem>>, vector<16xf32>,
      %sub3A_2639 = arith.subf %get3A_2638, %mul3A_2634 : vector<16xf32>
      %swap3A_2640 = arith.constant 1 : i32
      %swap3A_2641 = arith.index_cast %swap3A_2640 : i32 to index
      %swap3A_2642 = arith.constant 224 : index
      %swap3A_2643 = tpu.vector_load %arg15[%swap3A_2641, %swap3A_2642] {strides = array<i32>} : memref<2x1024xf32, #tpu.memory_space<vmem>>, vector<16xf32>,
      tpu.vector_store %arg15[%swap3A_2641, %swap3A_2642], %sub3A_2639 {strides = array<i32>} : memref<2x1024xf32, #tpu.memory_space<vmem>>, vector<16xf32>,
      %swap3A_2644 = arith.constant 1 : i32
      %swap3A_2645 = arith.index_cast %swap3A_2644 : i32 to index
      %swap3A_2646 = arith.constant 736 : index
      %swap3A_2647 = tpu.vector_load %arg15[%swap3A_2645, %swap3A_2646] {strides = array<i32>} : memref<2x1024xf32, #tpu.memory_space<vmem>>, vector<16xf32>,
      tpu.vector_store %arg15[%swap3A_2645, %swap3A_2646], %mul3A_2634 {strides = array<i32>} : memref<2x1024xf32, #tpu.memory_space<vmem>>, vector<16xf32>,
      %get3A_2648 = arith.constant 32 : i32
      %get3A_2649 = arith.index_cast %get3A_2648 : i32 to index
      %get3A_2650 = arith.constant 240 : index
      %get3A_2651 = tpu.vector_load %arg11[%get3A_2649, %get3A_2650] {strides = array<i32>} : memref<64x512xf32, #tpu.memory_space<vmem>>, vector<16xf32>,
      %mul3A_2652 = arith.mulf %get3A_2344, %get3A_2651 : vector<16xf32>
      %sub3A_2653 = arith.subf %scan3A_2336#15, %mul3A_2652 : vector<16xf32>
      %mul3A_2654 = arith.mulf %sub3A_2653, %get3A_2347 : vector<16xf32>
      %get3A_2655 = arith.constant 1 : i32
      %get3A_2656 = arith.index_cast %get3A_2655 : i32 to index
      %get3A_2657 = arith.constant 240 : index
      %get3A_2658 = tpu.vector_load %arg13[%get3A_2656, %get3A_2657] {strides = array<i32>} : memref<2x512xf32, #tpu.memory_space<vmem>>, vector<16xf32>,
      %sub3A_2659 = arith.subf %get3A_2658, %mul3A_2654 : vector<16xf32>
      %swap3A_2660 = arith.constant 1 : i32
      %swap3A_2661 = arith.index_cast %swap3A_2660 : i32 to index
      %swap3A_2662 = arith.constant 240 : index
      %swap3A_2663 = tpu.vector_load %arg15[%swap3A_2661, %swap3A_2662] {strides = array<i32>} : memref<2x1024xf32, #tpu.memory_space<vmem>>, vector<16xf32>,
      tpu.vector_store %arg15[%swap3A_2661, %swap3A_2662], %sub3A_2659 {strides = array<i32>} : memref<2x1024xf32, #tpu.memory_space<vmem>>, vector<16xf32>,
      %swap3A_2664 = arith.constant 1 : i32
      %swap3A_2665 = arith.index_cast %swap3A_2664 : i32 to index
      %swap3A_2666 = arith.constant 752 : index
      %swap3A_2667 = tpu.vector_load %arg15[%swap3A_2665, %swap3A_2666] {strides = array<i32>} : memref<2x1024xf32, #tpu.memory_space<vmem>>, vector<16xf32>,
      tpu.vector_store %arg15[%swap3A_2665, %swap3A_2666], %mul3A_2654 {strides = array<i32>} : memref<2x1024xf32, #tpu.memory_space<vmem>>, vector<16xf32>,
      %get3A_2668 = arith.constant 32 : i32
      %get3A_2669 = arith.index_cast %get3A_2668 : i32 to index
      %get3A_2670 = arith.constant 256 : index
      %get3A_2671 = tpu.vector_load %arg11[%get3A_2669, %get3A_2670] {strides = array<i32>} : memref<64x512xf32, #tpu.memory_space<vmem>>, vector<16xf32>,
      %mul3A_2672 = arith.mulf %get3A_2344, %get3A_2671 : vector<16xf32>
      %sub3A_2673 = arith.subf %scan3A_2336#16, %mul3A_2672 : vector<16xf32>
      %mul3A_2674 = arith.mulf %sub3A_2673, %get3A_2347 : vector<16xf32>
      %get3A_2675 = arith.constant 1 : i32
      %get3A_2676 = arith.index_cast %get3A_2675 : i32 to index
      %get3A_2677 = arith.constant 256 : index
      %get3A_2678 = tpu.vector_load %arg13[%get3A_2676, %get3A_2677] {strides = array<i32>} : memref<2x512xf32, #tpu.memory_space<vmem>>, vector<16xf32>,
      %sub3A_2679 = arith.subf %get3A_2678, %mul3A_2674 : vector<16xf32>
      %swap3A_2680 = arith.constant 1 : i32
      %swap3A_2681 = arith.index_cast %swap3A_2680 : i32 to index
      %swap3A_2682 = arith.constant 256 : index
      %swap3A_2683 = tpu.vector_load %arg15[%swap3A_2681, %swap3A_2682] {strides = array<i32>} : memref<2x1024xf32, #tpu.memory_space<vmem>>, vector<16xf32>,
      tpu.vector_store %arg15[%swap3A_2681, %swap3A_2682], %sub3A_2679 {strides = array<i32>} : memref<2x1024xf32, #tpu.memory_space<vmem>>, vector<16xf32>,
      %swap3A_2684 = arith.constant 1 : i32
      %swap3A_2685 = arith.index_cast %swap3A_2684 : i32 to index
      %swap3A_2686 = arith.constant 768 : index
      %swap3A_2687 = tpu.vector_load %arg15[%swap3A_2685, %swap3A_2686] {strides = array<i32>} : memref<2x1024xf32, #tpu.memory_space<vmem>>, vector<16xf32>,
      tpu.vector_store %arg15[%swap3A_2685, %swap3A_2686], %mul3A_2674 {strides = array<i32>} : memref<2x1024xf32, #tpu.memory_space<vmem>>, vector<16xf32>,
      %get3A_2688 = arith.constant 32 : i32
      %get3A_2689 = arith.index_cast %get3A_2688 : i32 to index
      %get3A_2690 = arith.constant 272 : index
      %get3A_2691 = tpu.vector_load %arg11[%get3A_2689, %get3A_2690] {strides = array<i32>} : memref<64x512xf32, #tpu.memory_space<vmem>>, vector<16xf32>,
      %mul3A_2692 = arith.mulf %get3A_2344, %get3A_2691 : vector<16xf32>
      %sub3A_2693 = arith.subf %scan3A_2336#17, %mul3A_2692 : vector<16xf32>
      %mul3A_2694 = arith.mulf %sub3A_2693, %get3A_2347 : vector<16xf32>
      %get3A_2695 = arith.constant 1 : i32
      %get3A_2696 = arith.index_cast %get3A_2695 : i32 to index
      %get3A_2697 = arith.constant 272 : index
      %get3A_2698 = tpu.vector_load %arg13[%get3A_2696, %get3A_2697] {strides = array<i32>} : memref<2x512xf32, #tpu.memory_space<vmem>>, vector<16xf32>,
      %sub3A_2699 = arith.subf %get3A_2698, %mul3A_2694 : vector<16xf32>
      %swap3A_2700 = arith.constant 1 : i32
      %swap3A_2701 = arith.index_cast %swap3A_2700 : i32 to index
      %swap3A_2702 = arith.constant 272 : index
      %swap3A_2703 = tpu.vector_load %arg15[%swap3A_2701, %swap3A_2702] {strides = array<i32>} : memref<2x1024xf32, #tpu.memory_space<vmem>>, vector<16xf32>,
      tpu.vector_store %arg15[%swap3A_2701, %swap3A_2702], %sub3A_2699 {strides = array<i32>} : memref<2x1024xf32, #tpu.memory_space<vmem>>, vector<16xf32>,
      %swap3A_2704 = arith.constant 1 : i32
      %swap3A_2705 = arith.index_cast %swap3A_2704 : i32 to index
      %swap3A_2706 = arith.constant 784 : index
      %swap3A_2707 = tpu.vector_load %arg15[%swap3A_2705, %swap3A_2706] {strides = array<i32>} : memref<2x1024xf32, #tpu.memory_space<vmem>>, vector<16xf32>,
      tpu.vector_store %arg15[%swap3A_2705, %swap3A_2706], %mul3A_2694 {strides = array<i32>} : memref<2x1024xf32, #tpu.memory_space<vmem>>, vector<16xf32>,
      %get3A_2708 = arith.constant 32 : i32
      %get3A_2709 = arith.index_cast %get3A_2708 : i32 to index
      %get3A_2710 = arith.constant 288 : index
      %get3A_2711 = tpu.vector_load %arg11[%get3A_2709, %get3A_2710] {strides = array<i32>} : memref<64x512xf32, #tpu.memory_space<vmem>>, vector<16xf32>,
      %mul3A_2712 = arith.mulf %get3A_2344, %get3A_2711 : vector<16xf32>
      %sub3A_2713 = arith.subf %scan3A_2336#18, %mul3A_2712 : vector<16xf32>
      %mul3A_2714 = arith.mulf %sub3A_2713, %get3A_2347 : vector<16xf32>
      %get3A_2715 = arith.constant 1 : i32
      %get3A_2716 = arith.index_cast %get3A_2715 : i32 to index
      %get3A_2717 = arith.constant 288 : index
      %get3A_2718 = tpu.vector_load %arg13[%get3A_2716, %get3A_2717] {strides = array<i32>} : memref<2x512xf32, #tpu.memory_space<vmem>>, vector<16xf32>,
      %sub3A_2719 = arith.subf %get3A_2718, %mul3A_2714 : vector<16xf32>
      %swap3A_2720 = arith.constant 1 : i32
      %swap3A_2721 = arith.index_cast %swap3A_2720 : i32 to index
      %swap3A_2722 = arith.constant 288 : index
      %swap3A_2723 = tpu.vector_load %arg15[%swap3A_2721, %swap3A_2722] {strides = array<i32>} : memref<2x1024xf32, #tpu.memory_space<vmem>>, vector<16xf32>,
      tpu.vector_store %arg15[%swap3A_2721, %swap3A_2722], %sub3A_2719 {strides = array<i32>} : memref<2x1024xf32, #tpu.memory_space<vmem>>, vector<16xf32>,
      %swap3A_2724 = arith.constant 1 : i32
      %swap3A_2725 = arith.index_cast %swap3A_2724 : i32 to index
      %swap3A_2726 = arith.constant 800 : index
      %swap3A_2727 = tpu.vector_load %arg15[%swap3A_2725, %swap3A_2726] {strides = array<i32>} : memref<2x1024xf32, #tpu.memory_space<vmem>>, vector<16xf32>,
      tpu.vector_store %arg15[%swap3A_2725, %swap3A_2726], %mul3A_2714 {strides = array<i32>} : memref<2x1024xf32, #tpu.memory_space<vmem>>, vector<16xf32>,
      %get3A_2728 = arith.constant 32 : i32
      %get3A_2729 = arith.index_cast %get3A_2728 : i32 to index
      %get3A_2730 = arith.constant 304 : index
      %get3A_2731 = tpu.vector_load %arg11[%get3A_2729, %get3A_2730] {strides = array<i32>} : memref<64x512xf32, #tpu.memory_space<vmem>>, vector<16xf32>,
      %mul3A_2732 = arith.mulf %get3A_2344, %get3A_2731 : vector<16xf32>
      %sub3A_2733 = arith.subf %scan3A_2336#19, %mul3A_2732 : vector<16xf32>
      %mul3A_2734 = arith.mulf %sub3A_2733, %get3A_2347 : vector<16xf32>
      %get3A_2735 = arith.constant 1 : i32
      %get3A_2736 = arith.index_cast %get3A_2735 : i32 to index
      %get3A_2737 = arith.constant 304 : index
      %get3A_2738 = tpu.vector_load %arg13[%get3A_2736, %get3A_2737] {strides = array<i32>} : memref<2x512xf32, #tpu.memory_space<vmem>>, vector<16xf32>,
      %sub3A_2739 = arith.subf %get3A_2738, %mul3A_2734 : vector<16xf32>
      %swap3A_2740 = arith.constant 1 : i32
      %swap3A_2741 = arith.index_cast %swap3A_2740 : i32 to index
      %swap3A_2742 = arith.constant 304 : index
      %swap3A_2743 = tpu.vector_load %arg15[%swap3A_2741, %swap3A_2742] {strides = array<i32>} : memref<2x1024xf32, #tpu.memory_space<vmem>>, vector<16xf32>,
      tpu.vector_store %arg15[%swap3A_2741, %swap3A_2742], %sub3A_2739 {strides = array<i32>} : memref<2x1024xf32, #tpu.memory_space<vmem>>, vector<16xf32>,
      %swap3A_2744 = arith.constant 1 : i32
      %swap3A_2745 = arith.index_cast %swap3A_2744 : i32 to index
      %swap3A_2746 = arith.constant 816 : index
      %swap3A_2747 = tpu.vector_load %arg15[%swap3A_2745, %swap3A_2746] {strides = array<i32>} : memref<2x1024xf32, #tpu.memory_space<vmem>>, vector<16xf32>,
      tpu.vector_store %arg15[%swap3A_2745, %swap3A_2746], %mul3A_2734 {strides = array<i32>} : memref<2x1024xf32, #tpu.memory_space<vmem>>, vector<16xf32>,
      %get3A_2748 = arith.constant 32 : i32
      %get3A_2749 = arith.index_cast %get3A_2748 : i32 to index
      %get3A_2750 = arith.constant 320 : index
      %get3A_2751 = tpu.vector_load %arg11[%get3A_2749, %get3A_2750] {strides = array<i32>} : memref<64x512xf32, #tpu.memory_space<vmem>>, vector<16xf32>,
      %mul3A_2752 = arith.mulf %get3A_2344, %get3A_2751 : vector<16xf32>
      %sub3A_2753 = arith.subf %scan3A_2336#20, %mul3A_2752 : vector<16xf32>
      %mul3A_2754 = arith.mulf %sub3A_2753, %get3A_2347 : vector<16xf32>
      %get3A_2755 = arith.constant 1 : i32
      %get3A_2756 = arith.index_cast %get3A_2755 : i32 to index
      %get3A_2757 = arith.constant 320 : index
      %get3A_2758 = tpu.vector_load %arg13[%get3A_2756, %get3A_2757] {strides = array<i32>} : memref<2x512xf32, #tpu.memory_space<vmem>>, vector<16xf32>,
      %sub3A_2759 = arith.subf %get3A_2758, %mul3A_2754 : vector<16xf32>
      %swap3A_2760 = arith.constant 1 : i32
      %swap3A_2761 = arith.index_cast %swap3A_2760 : i32 to index
      %swap3A_2762 = arith.constant 320 : index
      %swap3A_2763 = tpu.vector_load %arg15[%swap3A_2761, %swap3A_2762] {strides = array<i32>} : memref<2x1024xf32, #tpu.memory_space<vmem>>, vector<16xf32>,
      tpu.vector_store %arg15[%swap3A_2761, %swap3A_2762], %sub3A_2759 {strides = array<i32>} : memref<2x1024xf32, #tpu.memory_space<vmem>>, vector<16xf32>,
      %swap3A_2764 = arith.constant 1 : i32
      %swap3A_2765 = arith.index_cast %swap3A_2764 : i32 to index
      %swap3A_2766 = arith.constant 832 : index
      %swap3A_2767 = tpu.vector_load %arg15[%swap3A_2765, %swap3A_2766] {strides = array<i32>} : memref<2x1024xf32, #tpu.memory_space<vmem>>, vector<16xf32>,
      tpu.vector_store %arg15[%swap3A_2765, %swap3A_2766], %mul3A_2754 {strides = array<i32>} : memref<2x1024xf32, #tpu.memory_space<vmem>>, vector<16xf32>,
      %get3A_2768 = arith.constant 32 : i32
      %get3A_2769 = arith.index_cast %get3A_2768 : i32 to index
      %get3A_2770 = arith.constant 336 : index
      %get3A_2771 = tpu.vector_load %arg11[%get3A_2769, %get3A_2770] {strides = array<i32>} : memref<64x512xf32, #tpu.memory_space<vmem>>, vector<16xf32>,
      %mul3A_2772 = arith.mulf %get3A_2344, %get3A_2771 : vector<16xf32>
      %sub3A_2773 = arith.subf %scan3A_2336#21, %mul3A_2772 : vector<16xf32>
      %mul3A_2774 = arith.mulf %sub3A_2773, %get3A_2347 : vector<16xf32>
      %get3A_2775 = arith.constant 1 : i32
      %get3A_2776 = arith.index_cast %get3A_2775 : i32 to index
      %get3A_2777 = arith.constant 336 : index
      %get3A_2778 = tpu.vector_load %arg13[%get3A_2776, %get3A_2777] {strides = array<i32>} : memref<2x512xf32, #tpu.memory_space<vmem>>, vector<16xf32>,
      %sub3A_2779 = arith.subf %get3A_2778, %mul3A_2774 : vector<16xf32>
      %swap3A_2780 = arith.constant 1 : i32
      %swap3A_2781 = arith.index_cast %swap3A_2780 : i32 to index
      %swap3A_2782 = arith.constant 336 : index
      %swap3A_2783 = tpu.vector_load %arg15[%swap3A_2781, %swap3A_2782] {strides = array<i32>} : memref<2x1024xf32, #tpu.memory_space<vmem>>, vector<16xf32>,
      tpu.vector_store %arg15[%swap3A_2781, %swap3A_2782], %sub3A_2779 {strides = array<i32>} : memref<2x1024xf32, #tpu.memory_space<vmem>>, vector<16xf32>,
      %swap3A_2784 = arith.constant 1 : i32
      %swap3A_2785 = arith.index_cast %swap3A_2784 : i32 to index
      %swap3A_2786 = arith.constant 848 : index
      %swap3A_2787 = tpu.vector_load %arg15[%swap3A_2785, %swap3A_2786] {strides = array<i32>} : memref<2x1024xf32, #tpu.memory_space<vmem>>, vector<16xf32>,
      tpu.vector_store %arg15[%swap3A_2785, %swap3A_2786], %mul3A_2774 {strides = array<i32>} : memref<2x1024xf32, #tpu.memory_space<vmem>>, vector<16xf32>,
      %get3A_2788 = arith.constant 32 : i32
      %get3A_2789 = arith.index_cast %get3A_2788 : i32 to index
      %get3A_2790 = arith.constant 352 : index
      %get3A_2791 = tpu.vector_load %arg11[%get3A_2789, %get3A_2790] {strides = array<i32>} : memref<64x512xf32, #tpu.memory_space<vmem>>, vector<16xf32>,
      %mul3A_2792 = arith.mulf %get3A_2344, %get3A_2791 : vector<16xf32>
      %sub3A_2793 = arith.subf %scan3A_2336#22, %mul3A_2792 : vector<16xf32>
      %mul3A_2794 = arith.mulf %sub3A_2793, %get3A_2347 : vector<16xf32>
      %get3A_2795 = arith.constant 1 : i32
      %get3A_2796 = arith.index_cast %get3A_2795 : i32 to index
      %get3A_2797 = arith.constant 352 : index
      %get3A_2798 = tpu.vector_load %arg13[%get3A_2796, %get3A_2797] {strides = array<i32>} : memref<2x512xf32, #tpu.memory_space<vmem>>, vector<16xf32>,
      %sub3A_2799 = arith.subf %get3A_2798, %mul3A_2794 : vector<16xf32>
      %swap3A_2800 = arith.constant 1 : i32
      %swap3A_2801 = arith.index_cast %swap3A_2800 : i32 to index
      %swap3A_2802 = arith.constant 352 : index
      %swap3A_2803 = tpu.vector_load %arg15[%swap3A_2801, %swap3A_2802] {strides = array<i32>} : memref<2x1024xf32, #tpu.memory_space<vmem>>, vector<16xf32>,
      tpu.vector_store %arg15[%swap3A_2801, %swap3A_2802], %sub3A_2799 {strides = array<i32>} : memref<2x1024xf32, #tpu.memory_space<vmem>>, vector<16xf32>,
      %swap3A_2804 = arith.constant 1 : i32
      %swap3A_2805 = arith.index_cast %swap3A_2804 : i32 to index
      %swap3A_2806 = arith.constant 864 : index
      %swap3A_2807 = tpu.vector_load %arg15[%swap3A_2805, %swap3A_2806] {strides = array<i32>} : memref<2x1024xf32, #tpu.memory_space<vmem>>, vector<16xf32>,
      tpu.vector_store %arg15[%swap3A_2805, %swap3A_2806], %mul3A_2794 {strides = array<i32>} : memref<2x1024xf32, #tpu.memory_space<vmem>>, vector<16xf32>,
      %get3A_2808 = arith.constant 32 : i32
      %get3A_2809 = arith.index_cast %get3A_2808 : i32 to index
      %get3A_2810 = arith.constant 368 : index
      %get3A_2811 = tpu.vector_load %arg11[%get3A_2809, %get3A_2810] {strides = array<i32>} : memref<64x512xf32, #tpu.memory_space<vmem>>, vector<16xf32>,
      %mul3A_2812 = arith.mulf %get3A_2344, %get3A_2811 : vector<16xf32>
      %sub3A_2813 = arith.subf %scan3A_2336#23, %mul3A_2812 : vector<16xf32>
      %mul3A_2814 = arith.mulf %sub3A_2813, %get3A_2347 : vector<16xf32>
      %get3A_2815 = arith.constant 1 : i32
      %get3A_2816 = arith.index_cast %get3A_2815 : i32 to index
      %get3A_2817 = arith.constant 368 : index
      %get3A_2818 = tpu.vector_load %arg13[%get3A_2816, %get3A_2817] {strides = array<i32>} : memref<2x512xf32, #tpu.memory_space<vmem>>, vector<16xf32>,
      %sub3A_2819 = arith.subf %get3A_2818, %mul3A_2814 : vector<16xf32>
      %swap3A_2820 = arith.constant 1 : i32
      %swap3A_2821 = arith.index_cast %swap3A_2820 : i32 to index
      %swap3A_2822 = arith.constant 368 : index
      %swap3A_2823 = tpu.vector_load %arg15[%swap3A_2821, %swap3A_2822] {strides = array<i32>} : memref<2x1024xf32, #tpu.memory_space<vmem>>, vector<16xf32>,
      tpu.vector_store %arg15[%swap3A_2821, %swap3A_2822], %sub3A_2819 {strides = array<i32>} : memref<2x1024xf32, #tpu.memory_space<vmem>>, vector<16xf32>,
      %swap3A_2824 = arith.constant 1 : i32
      %swap3A_2825 = arith.index_cast %swap3A_2824 : i32 to index
      %swap3A_2826 = arith.constant 880 : index
      %swap3A_2827 = tpu.vector_load %arg15[%swap3A_2825, %swap3A_2826] {strides = array<i32>} : memref<2x1024xf32, #tpu.memory_space<vmem>>, vector<16xf32>,
      tpu.vector_store %arg15[%swap3A_2825, %swap3A_2826], %mul3A_2814 {strides = array<i32>} : memref<2x1024xf32, #tpu.memory_space<vmem>>, vector<16xf32>,
      %get3A_2828 = arith.constant 32 : i32
      %get3A_2829 = arith.index_cast %get3A_2828 : i32 to index
      %get3A_2830 = arith.constant 384 : index
      %get3A_2831 = tpu.vector_load %arg11[%get3A_2829, %get3A_2830] {strides = array<i32>} : memref<64x512xf32, #tpu.memory_space<vmem>>, vector<16xf32>,
      %mul3A_2832 = arith.mulf %get3A_2344, %get3A_2831 : vector<16xf32>
      %sub3A_2833 = arith.subf %scan3A_2336#24, %mul3A_2832 : vector<16xf32>
      %mul3A_2834 = arith.mulf %sub3A_2833, %get3A_2347 : vector<16xf32>
      %get3A_2835 = arith.constant 1 : i32
      %get3A_2836 = arith.index_cast %get3A_2835 : i32 to index
      %get3A_2837 = arith.constant 384 : index
      %get3A_2838 = tpu.vector_load %arg13[%get3A_2836, %get3A_2837] {strides = array<i32>} : memref<2x512xf32, #tpu.memory_space<vmem>>, vector<16xf32>,
      %sub3A_2839 = arith.subf %get3A_2838, %mul3A_2834 : vector<16xf32>
      %swap3A_2840 = arith.constant 1 : i32
      %swap3A_2841 = arith.index_cast %swap3A_2840 : i32 to index
      %swap3A_2842 = arith.constant 384 : index
      %swap3A_2843 = tpu.vector_load %arg15[%swap3A_2841, %swap3A_2842] {strides = array<i32>} : memref<2x1024xf32, #tpu.memory_space<vmem>>, vector<16xf32>,
      tpu.vector_store %arg15[%swap3A_2841, %swap3A_2842], %sub3A_2839 {strides = array<i32>} : memref<2x1024xf32, #tpu.memory_space<vmem>>, vector<16xf32>,
      %swap3A_2844 = arith.constant 1 : i32
      %swap3A_2845 = arith.index_cast %swap3A_2844 : i32 to index
      %swap3A_2846 = arith.constant 896 : index
      %swap3A_2847 = tpu.vector_load %arg15[%swap3A_2845, %swap3A_2846] {strides = array<i32>} : memref<2x1024xf32, #tpu.memory_space<vmem>>, vector<16xf32>,
      tpu.vector_store %arg15[%swap3A_2845, %swap3A_2846], %mul3A_2834 {strides = array<i32>} : memref<2x1024xf32, #tpu.memory_space<vmem>>, vector<16xf32>,
      %get3A_2848 = arith.constant 32 : i32
      %get3A_2849 = arith.index_cast %get3A_2848 : i32 to index
      %get3A_2850 = arith.constant 400 : index
      %get3A_2851 = tpu.vector_load %arg11[%get3A_2849, %get3A_2850] {strides = array<i32>} : memref<64x512xf32, #tpu.memory_space<vmem>>, vector<16xf32>,
      %mul3A_2852 = arith.mulf %get3A_2344, %get3A_2851 : vector<16xf32>
      %sub3A_2853 = arith.subf %scan3A_2336#25, %mul3A_2852 : vector<16xf32>
      %mul3A_2854 = arith.mulf %sub3A_2853, %get3A_2347 : vector<16xf32>
      %get3A_2855 = arith.constant 1 : i32
      %get3A_2856 = arith.index_cast %get3A_2855 : i32 to index
      %get3A_2857 = arith.constant 400 : index
      %get3A_2858 = tpu.vector_load %arg13[%get3A_2856, %get3A_2857] {strides = array<i32>} : memref<2x512xf32, #tpu.memory_space<vmem>>, vector<16xf32>,
      %sub3A_2859 = arith.subf %get3A_2858, %mul3A_2854 : vector<16xf32>
      %swap3A_2860 = arith.constant 1 : i32
      %swap3A_2861 = arith.index_cast %swap3A_2860 : i32 to index
      %swap3A_2862 = arith.constant 400 : index
      %swap3A_2863 = tpu.vector_load %arg15[%swap3A_2861, %swap3A_2862] {strides = array<i32>} : memref<2x1024xf32, #tpu.memory_space<vmem>>, vector<16xf32>,
      tpu.vector_store %arg15[%swap3A_2861, %swap3A_2862], %sub3A_2859 {strides = array<i32>} : memref<2x1024xf32, #tpu.memory_space<vmem>>, vector<16xf32>,
      %swap3A_2864 = arith.constant 1 : i32
      %swap3A_2865 = arith.index_cast %swap3A_2864 : i32 to index
      %swap3A_2866 = arith.constant 912 : index
      %swap3A_2867 = tpu.vector_load %arg15[%swap3A_2865, %swap3A_2866] {strides = array<i32>} : memref<2x1024xf32, #tpu.memory_space<vmem>>, vector<16xf32>,
      tpu.vector_store %arg15[%swap3A_2865, %swap3A_2866], %mul3A_2854 {strides = array<i32>} : memref<2x1024xf32, #tpu.memory_space<vmem>>, vector<16xf32>,
      %get3A_2868 = arith.constant 32 : i32
      %get3A_2869 = arith.index_cast %get3A_2868 : i32 to index
      %get3A_2870 = arith.constant 416 : index
      %get3A_2871 = tpu.vector_load %arg11[%get3A_2869, %get3A_2870] {strides = array<i32>} : memref<64x512xf32, #tpu.memory_space<vmem>>, vector<16xf32>,
      %mul3A_2872 = arith.mulf %get3A_2344, %get3A_2871 : vector<16xf32>
      %sub3A_2873 = arith.subf %scan3A_2336#26, %mul3A_2872 : vector<16xf32>
      %mul3A_2874 = arith.mulf %sub3A_2873, %get3A_2347 : vector<16xf32>
      %get3A_2875 = arith.constant 1 : i32
      %get3A_2876 = arith.index_cast %get3A_2875 : i32 to index
      %get3A_2877 = arith.constant 416 : index
      %get3A_2878 = tpu.vector_load %arg13[%get3A_2876, %get3A_2877] {strides = array<i32>} : memref<2x512xf32, #tpu.memory_space<vmem>>, vector<16xf32>,
      %sub3A_2879 = arith.subf %get3A_2878, %mul3A_2874 : vector<16xf32>
      %swap3A_2880 = arith.constant 1 : i32
      %swap3A_2881 = arith.index_cast %swap3A_2880 : i32 to index
      %swap3A_2882 = arith.constant 416 : index
      %swap3A_2883 = tpu.vector_load %arg15[%swap3A_2881, %swap3A_2882] {strides = array<i32>} : memref<2x1024xf32, #tpu.memory_space<vmem>>, vector<16xf32>,
      tpu.vector_store %arg15[%swap3A_2881, %swap3A_2882], %sub3A_2879 {strides = array<i32>} : memref<2x1024xf32, #tpu.memory_space<vmem>>, vector<16xf32>,
      %swap3A_2884 = arith.constant 1 : i32
      %swap3A_2885 = arith.index_cast %swap3A_2884 : i32 to index
      %swap3A_2886 = arith.constant 928 : index
      %swap3A_2887 = tpu.vector_load %arg15[%swap3A_2885, %swap3A_2886] {strides = array<i32>} : memref<2x1024xf32, #tpu.memory_space<vmem>>, vector<16xf32>,
      tpu.vector_store %arg15[%swap3A_2885, %swap3A_2886], %mul3A_2874 {strides = array<i32>} : memref<2x1024xf32, #tpu.memory_space<vmem>>, vector<16xf32>,
      %get3A_2888 = arith.constant 32 : i32
      %get3A_2889 = arith.index_cast %get3A_2888 : i32 to index
      %get3A_2890 = arith.constant 432 : index
      %get3A_2891 = tpu.vector_load %arg11[%get3A_2889, %get3A_2890] {strides = array<i32>} : memref<64x512xf32, #tpu.memory_space<vmem>>, vector<16xf32>,
      %mul3A_2892 = arith.mulf %get3A_2344, %get3A_2891 : vector<16xf32>
      %sub3A_2893 = arith.subf %scan3A_2336#27, %mul3A_2892 : vector<16xf32>
      %mul3A_2894 = arith.mulf %sub3A_2893, %get3A_2347 : vector<16xf32>
      %get3A_2895 = arith.constant 1 : i32
      %get3A_2896 = arith.index_cast %get3A_2895 : i32 to index
      %get3A_2897 = arith.constant 432 : index
      %get3A_2898 = tpu.vector_load %arg13[%get3A_2896, %get3A_2897] {strides = array<i32>} : memref<2x512xf32, #tpu.memory_space<vmem>>, vector<16xf32>,
      %sub3A_2899 = arith.subf %get3A_2898, %mul3A_2894 : vector<16xf32>
      %swap3A_2900 = arith.constant 1 : i32
      %swap3A_2901 = arith.index_cast %swap3A_2900 : i32 to index
      %swap3A_2902 = arith.constant 432 : index
      %swap3A_2903 = tpu.vector_load %arg15[%swap3A_2901, %swap3A_2902] {strides = array<i32>} : memref<2x1024xf32, #tpu.memory_space<vmem>>, vector<16xf32>,
      tpu.vector_store %arg15[%swap3A_2901, %swap3A_2902], %sub3A_2899 {strides = array<i32>} : memref<2x1024xf32, #tpu.memory_space<vmem>>, vector<16xf32>,
      %swap3A_2904 = arith.constant 1 : i32
      %swap3A_2905 = arith.index_cast %swap3A_2904 : i32 to index
      %swap3A_2906 = arith.constant 944 : index
      %swap3A_2907 = tpu.vector_load %arg15[%swap3A_2905, %swap3A_2906] {strides = array<i32>} : memref<2x1024xf32, #tpu.memory_space<vmem>>, vector<16xf32>,
      tpu.vector_store %arg15[%swap3A_2905, %swap3A_2906], %mul3A_2894 {strides = array<i32>} : memref<2x1024xf32, #tpu.memory_space<vmem>>, vector<16xf32>,
      %get3A_2908 = arith.constant 32 : i32
      %get3A_2909 = arith.index_cast %get3A_2908 : i32 to index
      %get3A_2910 = arith.constant 448 : index
      %get3A_2911 = tpu.vector_load %arg11[%get3A_2909, %get3A_2910] {strides = array<i32>} : memref<64x512xf32, #tpu.memory_space<vmem>>, vector<16xf32>,
      %mul3A_2912 = arith.mulf %get3A_2344, %get3A_2911 : vector<16xf32>
      %sub3A_2913 = arith.subf %scan3A_2336#28, %mul3A_2912 : vector<16xf32>
      %mul3A_2914 = arith.mulf %sub3A_2913, %get3A_2347 : vector<16xf32>
      %get3A_2915 = arith.constant 1 : i32
      %get3A_2916 = arith.index_cast %get3A_2915 : i32 to index
      %get3A_2917 = arith.constant 448 : index
      %get3A_2918 = tpu.vector_load %arg13[%get3A_2916, %get3A_2917] {strides = array<i32>} : memref<2x512xf32, #tpu.memory_space<vmem>>, vector<16xf32>,
      %sub3A_2919 = arith.subf %get3A_2918, %mul3A_2914 : vector<16xf32>
      %swap3A_2920 = arith.constant 1 : i32
      %swap3A_2921 = arith.index_cast %swap3A_2920 : i32 to index
      %swap3A_2922 = arith.constant 448 : index
      %swap3A_2923 = tpu.vector_load %arg15[%swap3A_2921, %swap3A_2922] {strides = array<i32>} : memref<2x1024xf32, #tpu.memory_space<vmem>>, vector<16xf32>,
      tpu.vector_store %arg15[%swap3A_2921, %swap3A_2922], %sub3A_2919 {strides = array<i32>} : memref<2x1024xf32, #tpu.memory_space<vmem>>, vector<16xf32>,
      %swap3A_2924 = arith.constant 1 : i32
      %swap3A_2925 = arith.index_cast %swap3A_2924 : i32 to index
      %swap3A_2926 = arith.constant 960 : index
      %swap3A_2927 = tpu.vector_load %arg15[%swap3A_2925, %swap3A_2926] {strides = array<i32>} : memref<2x1024xf32, #tpu.memory_space<vmem>>, vector<16xf32>,
      tpu.vector_store %arg15[%swap3A_2925, %swap3A_2926], %mul3A_2914 {strides = array<i32>} : memref<2x1024xf32, #tpu.memory_space<vmem>>, vector<16xf32>,
      %get3A_2928 = arith.constant 32 : i32
      %get3A_2929 = arith.index_cast %get3A_2928 : i32 to index
      %get3A_2930 = arith.constant 464 : index
      %get3A_2931 = tpu.vector_load %arg11[%get3A_2929, %get3A_2930] {strides = array<i32>} : memref<64x512xf32, #tpu.memory_space<vmem>>, vector<16xf32>,
      %mul3A_2932 = arith.mulf %get3A_2344, %get3A_2931 : vector<16xf32>
      %sub3A_2933 = arith.subf %scan3A_2336#29, %mul3A_2932 : vector<16xf32>
      %mul3A_2934 = arith.mulf %sub3A_2933, %get3A_2347 : vector<16xf32>
      %get3A_2935 = arith.constant 1 : i32
      %get3A_2936 = arith.index_cast %get3A_2935 : i32 to index
      %get3A_2937 = arith.constant 464 : index
      %get3A_2938 = tpu.vector_load %arg13[%get3A_2936, %get3A_2937] {strides = array<i32>} : memref<2x512xf32, #tpu.memory_space<vmem>>, vector<16xf32>,
      %sub3A_2939 = arith.subf %get3A_2938, %mul3A_2934 : vector<16xf32>
      %swap3A_2940 = arith.constant 1 : i32
      %swap3A_2941 = arith.index_cast %swap3A_2940 : i32 to index
      %swap3A_2942 = arith.constant 464 : index
      %swap3A_2943 = tpu.vector_load %arg15[%swap3A_2941, %swap3A_2942] {strides = array<i32>} : memref<2x1024xf32, #tpu.memory_space<vmem>>, vector<16xf32>,
      tpu.vector_store %arg15[%swap3A_2941, %swap3A_2942], %sub3A_2939 {strides = array<i32>} : memref<2x1024xf32, #tpu.memory_space<vmem>>, vector<16xf32>,
      %swap3A_2944 = arith.constant 1 : i32
      %swap3A_2945 = arith.index_cast %swap3A_2944 : i32 to index
      %swap3A_2946 = arith.constant 976 : index
      %swap3A_2947 = tpu.vector_load %arg15[%swap3A_2945, %swap3A_2946] {strides = array<i32>} : memref<2x1024xf32, #tpu.memory_space<vmem>>, vector<16xf32>,
      tpu.vector_store %arg15[%swap3A_2945, %swap3A_2946], %mul3A_2934 {strides = array<i32>} : memref<2x1024xf32, #tpu.memory_space<vmem>>, vector<16xf32>,
      %get3A_2948 = arith.constant 32 : i32
      %get3A_2949 = arith.index_cast %get3A_2948 : i32 to index
      %get3A_2950 = arith.constant 480 : index
      %get3A_2951 = tpu.vector_load %arg11[%get3A_2949, %get3A_2950] {strides = array<i32>} : memref<64x512xf32, #tpu.memory_space<vmem>>, vector<16xf32>,
      %mul3A_2952 = arith.mulf %get3A_2344, %get3A_2951 : vector<16xf32>
      %sub3A_2953 = arith.subf %scan3A_2336#30, %mul3A_2952 : vector<16xf32>
      %mul3A_2954 = arith.mulf %sub3A_2953, %get3A_2347 : vector<16xf32>
      %get3A_2955 = arith.constant 1 : i32
      %get3A_2956 = arith.index_cast %get3A_2955 : i32 to index
      %get3A_2957 = arith.constant 480 : index
      %get3A_2958 = tpu.vector_load %arg13[%get3A_2956, %get3A_2957] {strides = array<i32>} : memref<2x512xf32, #tpu.memory_space<vmem>>, vector<16xf32>,
      %sub3A_2959 = arith.subf %get3A_2958, %mul3A_2954 : vector<16xf32>
      %swap3A_2960 = arith.constant 1 : i32
      %swap3A_2961 = arith.index_cast %swap3A_2960 : i32 to index
      %swap3A_2962 = arith.constant 480 : index
      %swap3A_2963 = tpu.vector_load %arg15[%swap3A_2961, %swap3A_2962] {strides = array<i32>} : memref<2x1024xf32, #tpu.memory_space<vmem>>, vector<16xf32>,
      tpu.vector_store %arg15[%swap3A_2961, %swap3A_2962], %sub3A_2959 {strides = array<i32>} : memref<2x1024xf32, #tpu.memory_space<vmem>>, vector<16xf32>,
      %swap3A_2964 = arith.constant 1 : i32
      %swap3A_2965 = arith.index_cast %swap3A_2964 : i32 to index
      %swap3A_2966 = arith.constant 992 : index
      %swap3A_2967 = tpu.vector_load %arg15[%swap3A_2965, %swap3A_2966] {strides = array<i32>} : memref<2x1024xf32, #tpu.memory_space<vmem>>, vector<16xf32>,
      tpu.vector_store %arg15[%swap3A_2965, %swap3A_2966], %mul3A_2954 {strides = array<i32>} : memref<2x1024xf32, #tpu.memory_space<vmem>>, vector<16xf32>,
      %get3A_2968 = arith.constant 32 : i32
      %get3A_2969 = arith.index_cast %get3A_2968 : i32 to index
      %get3A_2970 = arith.constant 496 : index
      %get3A_2971 = tpu.vector_load %arg11[%get3A_2969, %get3A_2970] {strides = array<i32>} : memref<64x512xf32, #tpu.memory_space<vmem>>, vector<16xf32>,
      %mul3A_2972 = arith.mulf %get3A_2344, %get3A_2971 : vector<16xf32>
      %sub3A_2973 = arith.subf %scan3A_2336#31, %mul3A_2972 : vector<16xf32>
      %mul3A_2974 = arith.mulf %sub3A_2973, %get3A_2347 : vector<16xf32>
      %get3A_2975 = arith.constant 1 : i32
      %get3A_2976 = arith.index_cast %get3A_2975 : i32 to index
      %get3A_2977 = arith.constant 496 : index
      %get3A_2978 = tpu.vector_load %arg13[%get3A_2976, %get3A_2977] {strides = array<i32>} : memref<2x512xf32, #tpu.memory_space<vmem>>, vector<16xf32>,
      %sub3A_2979 = arith.subf %get3A_2978, %mul3A_2974 : vector<16xf32>
      %swap3A_2980 = arith.constant 1 : i32
      %swap3A_2981 = arith.index_cast %swap3A_2980 : i32 to index
      %swap3A_2982 = arith.constant 496 : index
      %swap3A_2983 = tpu.vector_load %arg15[%swap3A_2981, %swap3A_2982] {strides = array<i32>} : memref<2x1024xf32, #tpu.memory_space<vmem>>, vector<16xf32>,
      tpu.vector_store %arg15[%swap3A_2981, %swap3A_2982], %sub3A_2979 {strides = array<i32>} : memref<2x1024xf32, #tpu.memory_space<vmem>>, vector<16xf32>,
      %swap3A_2984 = arith.constant 1 : i32
      %swap3A_2985 = arith.index_cast %swap3A_2984 : i32 to index
      %swap3A_2986 = arith.constant 1008 : index
      %swap3A_2987 = tpu.vector_load %arg15[%swap3A_2985, %swap3A_2986] {strides = array<i32>} : memref<2x1024xf32, #tpu.memory_space<vmem>>, vector<16xf32>,
      tpu.vector_store %arg15[%swap3A_2985, %swap3A_2986], %mul3A_2974 {strides = array<i32>} : memref<2x1024xf32, #tpu.memory_space<vmem>>, vector<16xf32>,
      %mul3A_2988 = arith.constant 2 : i32
      %mul3A_2989 = arith.muli %add3A_47, %mul3A_2988 : i32
      %add3A_2990 = arith.addi %mul3A_2, %mul3A_2989 : i32
      %dma_start3A_2991 = arith.constant 0 : i32
      %dma_start3A_2992 = tpu.memref_slice %arg5[%add3A_2990, %dma_start3A_2991] : memref<2048x1024xf32, #tpu.memory_space<hbm>> -> memref<2x1024xf32, #tpu.memory_space<hbm>>
      %dma_start3A_2993 = arith.constant 0 : i32
      %dma_start3A_2994 = tpu.memref_slice %arg5[%add3A_2990, %dma_start3A_2993] : memref<2048x1024xf32, #tpu.memory_space<hbm>> -> memref<2x1024xf32, #tpu.memory_space<hbm>>
      tpu.enqueue_dma source(%arg15 : memref<2x1024xf32, #tpu.memory_space<vmem>>) target(%dma_start3A_2994 : memref<2x1024xf32, #tpu.memory_space<hbm>>) target_semaphore(%arg21 : memref<!tpu.dma_semaphore, #tpu.memory_space<semaphore_mem>>)
    }
    %scan3A_31 = arith.constant 16 : i32
    %add3A_32 = arith.constant 60 : i32
    %add3A_33 = arith.addi %mul3A_2, %add3A_32 : i32
    %dma_wait3A = arith.constant 0 : i32
    %dma_wait3A_34 = tpu.memref_slice %arg5[%add3A_33, %dma_wait3A] : memref<2048x1024xf32, #tpu.memory_space<hbm>> -> memref<2x1024xf32, #tpu.memory_space<hbm>>
    %dma_wait3A_35 = arith.constant 0 : i32
    %dma_wait3A_36 = tpu.memref_slice %arg5[%add3A_33, %dma_wait3A_35] : memref<2048x1024xf32, #tpu.memory_space<hbm>> -> memref<2x1024xf32, #tpu.memory_space<hbm>>
    tpu.wait_dma2 semaphore(%arg20 : memref<!tpu.dma_semaphore, #tpu.memory_space<semaphore_mem>>) src(%arg14 : memref<2x1024xf32, #tpu.memory_space<vmem>>) dst(%dma_wait3A_36 : memref<2x1024xf32, #tpu.memory_space<hbm>>)
    %add3A_37 = arith.constant 62 : i32
    %add3A_38 = arith.addi %mul3A_2, %add3A_37 : i32
    %dma_wait3A_39 = arith.constant 0 : i32
    %dma_wait3A_40 = tpu.memref_slice %arg5[%add3A_38, %dma_wait3A_39] : memref<2048x1024xf32, #tpu.memory_space<hbm>> -> memref<2x1024xf32, #tpu.memory_space<hbm>>
    %dma_wait3A_41 = arith.constant 0 : i32
    %dma_wait3A_42 = tpu.memref_slice %arg5[%add3A_38, %dma_wait3A_41] : memref<2048x1024xf32, #tpu.memory_space<hbm>> -> memref<2x1024xf32, #tpu.memory_space<hbm>>
    tpu.wait_dma2 semaphore(%arg21 : memref<!tpu.dma_semaphore, #tpu.memory_space<semaphore_mem>>) src(%arg15 : memref<2x1024xf32, #tpu.memory_space<vmem>>) dst(%dma_wait3A_42 : memref<2x1024xf32, #tpu.memory_space<hbm>>)
    return
  }
}

</mosaic_0001>

<sc_bundles>
// kernel: _intra_agg.3.cloned.1.call-start
scs
__scs_entry_jumppad:
0x0: {  	(pc) =	sbr.rel $0x88, $3  }
0x1: {  	(tag) =	ssettag $0x0;
	lr =	simm.s32 $0x1  }
0x2: {  	[smem:$0x3F9E] =	sst lr;
	_ =	strace $0xD0000000  }
0x3: {  	_ = 	snop  }
0x4: {  	_ = 	snop  }
0x5: {  	_ = 	snop  }
0x6: {  	_ = 	snop  }
0x7: {  	_ = 	snop  }
__scs_overlays_trampoline_lowered:
0x8: {  	[smem:$0x3FAD] =	sst s0  }
0x9: {  	[smem:$0x3FAE] =	sst s1  }
0xa: {  	[smem:$0x3FAF] =	sst s2  }
0xb: {  	[smem:$0x3FB0] =	sst s3  }
0xc: {  	[smem:$0x3FB1] =	sst s4  }
0xd: {  	[smem:$0x3FB2] =	sst s5  }
0xe: {  	[smem:$0x3FB3] =	sst s6  }
0xf: {  	[smem:$0x3FB4] =	sst s7  }
0x10: {  	[smem:$0x3FB5] =	sst s8  }
0x11: {  	[smem:$0x3FB6] =	sst s9;
	s0 =	simm.s32 @!p0 $0x0  }
0x12: {  	s1 =	sld [smem:$0x3F9C];
	s0 =	simm.s32 @p0 $0x1  }
0x13: {  	[smem:$0x3FB7] =	sst s0;
	s0 =	simm.s32 @!p1 $0x0  }
0x14: {  	s2 =	sld [smem:$0x3F9B];
	s0 =	simm.s32 @p1 $0x1  }
0x15: {  	[smem:$0x3FB8] =	sst s0;
	s0 =	simm.s32 @!p2 $0x0  }
0x16: {  	s3 =	sld [smem:$0x3FDB];
	s0 =	simm.s32 @p2 $0x1  }
0x17: {  	s4 =	simm.s32 $0x1BF5;
	[smem:$0x3FBA] =	sst s0  }
0x18: {  	s0 =	sld [smem:$0x3F9D];
	_ =	swait.ge [sflag:s4], $0x0  }
0x19: {  	s7 =	sld [smem:$0x3F9E]  }
0x1a: {  	s8 =	sadd.s32 $0xFFFFE003, lr  }
0x1b: {  	s9 =	sadd.s32 $0xFFFFFEF7, lr;
	s5 =	simm.s32 $0xFFFFFFFF;
	p2 =	slt.u32 s8, $0xFFFFF086  }
0x1c: {  	p1 =	slt.u32 s9, $0xF7A;
	s5 =	simm.s32 @!p2 $0x0  }
0x1d: {  	s5 =	simm.s32 @p1 $0x1;
	p0 =	seq.s32 s7, s2  }
0x1e: {  	s7 =	smul.u32 @!p0 $0xF7A, s2;
	p2 =	seq.s32 @!p0 s5, $0x0  }
0x1f: {  	s9 =	smul.u32 $0xF7A, s1;
	s8 =	simm.s32 @!p0 $0x1BF5;
	p2 =	por !p2, p0  }
0x20: {  	[sflag:s8] =	ssyncset.s32 @!p0 $0xFFFFF086;
	s6 =	sadd.s32 @!p0 s3, s7;
	s7 =	simm.s32 @!p0 $0x108  }
0x21: {  	s3 =	sadd.s32 s3, s9;
	s6 =	sadd.s32 @!p0 $0x88, s6;
	s7 =	simm.s32 @p2 $0x1082  }
0x22: {  	[simem:s7], [sflag:s8] =	dma.local @!p0 [hbm:s6], $0xF7A  }
0x23: {  	s9 =	sor.u32 $0xD0000000, s2;
	s6 =	simm.s32 $0x108;
	_ =	swait.ge @!p0 [sflag:s8], $0x0  }
0x24: {  	s3 =	sadd.s32 $0x88, s3;
	s6 =	simm.s32 @!p1 $0x1082;
	[sflag:s4] =	ssyncset.s32 $0xFFFFF086  }
0x25: {  	[simem:s6], [sflag:s4] =	dma.local [hbm:s3], $0xF7A  }
0x26: {  	[smem:$0x3F9E] =	sst s1;
	(tag) =	ssettag s2;
	_ =	strace s9  }
0x27: {  	s1 =	sld [smem:$0x3FAE]  }
0x28: {  	s2 =	sld [smem:$0x3FAF]  }
0x29: {  	s4 =	sld [smem:$0x3FB1]  }
0x2a: {  	p0 =	seq.s32 s5, $0x0;
	s5 =	sld [smem:$0x3FB2]  }
0x2b: {  	s6 =	sld [smem:$0x3FB3]  }
0x2c: {  	s7 =	sld [smem:$0x3FB4]  }
0x2d: {  	s3 =	simm.s32 $0x108;
	s8 =	sld [smem:$0x3FB5]  }
0x2e: {  	s3 =	simm.s32 @!p0 $0x1082;
	s9 =	sld [smem:$0x3FB6]  }
0x2f: {  	lr =	sadd.s32 s0, s3;
	s0 =	sld [smem:$0x3FAD]  }
0x30: {  	s3 =	sld [smem:$0x3FB0]  }
0x31: {  	[smem:$0x3FB9] =	sst s10  }
0x32: {  	s10 =	sld [smem:$0x3FB7];
	_ =	sdelay $0x3  }
0x33: {  	p0 =	seq.s32 s10, $0x1;
	s10 =	sld [smem:$0x3FB9];
	_ =	sdelay $0x3  }
0x34: {  	[smem:$0x3FB9] =	sst s10  }
0x35: {  	s10 =	sld [smem:$0x3FB8];
	_ =	sdelay $0x3  }
0x36: {  	p1 =	seq.s32 s10, $0x1;
	s10 =	sld [smem:$0x3FB9];
	_ =	sdelay $0x3  }
0x37: {  	[smem:$0x3FB9] =	sst s10  }
0x38: {  	s10 =	sld [smem:$0x3FBA]  }
0x39: {  	_ = 	snop;
	(pc) =	sbr.ind lr, $3  }
0x3a: {  	_ = 	snop  }
0x3b: {  	_ = 	snop  }
0x3c: {  	p2 =	seq.s32 s10, $0x1;
	s10 =	sld [smem:$0x3FB9]  }
0x3d: {  	_ =	shalt  }
0x3e: {  	_ =	shalt  }
0x3f: {  	_ =	shalt  }
0x40: {  	_ =	shalt  }
0x41: {  	_ =	shalt  }
0x42: {  	_ =	shalt  }
0x43: {  	_ =	shalt  }
0x44: {  	_ =	shalt  }
0x45: {  	_ =	shalt  }
0x46: {  	_ =	shalt  }
0x47: {  	_ =	shalt  }
0x48: {  	_ =	shalt  }
0x49: {  	_ =	shalt  }
0x4a: {  	_ =	shalt  }
0x4b: {  	_ =	shalt  }
0x4c: {  	_ =	shalt  }
0x4d: {  	_ =	shalt  }
0x4e: {  	_ =	shalt  }
0x4f: {  	_ =	shalt  }
0x50: {  	_ =	shalt  }
0x51: {  	_ =	shalt  }
0x52: {  	_ =	shalt  }
0x53: {  	_ =	shalt  }
0x54: {  	_ =	shalt  }
0x55: {  	_ =	shalt  }
0x56: {  	_ =	shalt  }
0x57: {  	_ =	shalt  }
0x58: {  	_ =	shalt  }
0x59: {  	_ =	shalt  }
0x5a: {  	_ =	shalt  }
0x5b: {  	_ =	shalt  }
0x5c: {  	_ =	shalt  }
0x5d: {  	_ =	shalt  }
0x5e: {  	_ =	shalt  }
0x5f: {  	_ =	shalt  }
0x60: {  	_ =	shalt  }
0x61: {  	_ =	shalt  }
0x62: {  	_ =	shalt  }
0x63: {  	_ =	shalt  }
0x64: {  	_ =	shalt  }
0x65: {  	_ =	shalt  }
0x66: {  	_ =	shalt  }
0x67: {  	_ =	shalt  }
0x68: {  	_ =	shalt  }
0x69: {  	_ =	shalt  }
0x6a: {  	_ =	shalt  }
0x6b: {  	_ =	shalt  }
0x6c: {  	_ =	shalt  }
0x6d: {  	_ =	shalt  }
0x6e: {  	_ =	shalt  }
0x6f: {  	_ =	shalt  }
0x70: {  	_ =	shalt  }
0x71: {  	_ =	shalt  }
0x72: {  	_ =	shalt  }
0x73: {  	_ =	shalt  }
0x74: {  	_ =	shalt  }
0x75: {  	_ =	shalt  }
0x76: {  	_ =	shalt  }
0x77: {  	_ =	shalt  }
0x78: {  	_ =	shalt  }
0x79: {  	_ =	shalt  }
0x7a: {  	_ =	shalt  }
0x7b: {  	_ =	shalt  }
0x7c: {  	_ =	shalt  }
0x7d: {  	_ =	shalt  }
0x7e: {  	_ =	shalt  }
0x7f: {  	_ =	shalt  }
0x80: {  	_ =	shalt  }
0x81: {  	_ =	shalt  }
0x82: {  	_ =	shalt  }
0x83: {  	_ =	shalt  }
0x84: {  	_ =	shalt  }
0x85: {  	_ =	shalt  }
0x86: {  	_ =	shalt  }
0x87: {  	_ =	shalt  }
.Lfunc_end0:
.L_simem_size_0:
called_computation_lowered:
.L_overlay_start_0:
0x88: {  	s2 =	sld [smem:$0x3FD9]  }
0x89: {  	s3 =	sld [smem:$0x3FFE];
	_ =	sdelay $0x1  }
0x8a: {  	s1 =	srdreg.scid  }
0x8b: {  	s0 =	sand.u32 $0x1, s1  }
0x8c: {  	s18 =	sshll.u32 s0, $0xA;
	s2 =	sadd.s32 s3, s2  }
0x8d: {  	s2 =	sadd.s32 s2, s18  }
0x8e: {  	[smem:$0x3FC5] =	sst s2  }
0x8f: {  	_ = 	snop  }
0x90: {  	s2 =	sld [smem:$0x3FC9]  }
0x91: {  	s19 =	sld [smem:$0x3FC8]  }
0x92: {  	s4 =	sld [smem:$0x3FC7]  }
0x93: {  	s5 =	sld [smem:$0x3FD0];
	(tm) =	ssettm $0x1  }
0x94: {  	s6 =	sld [smem:$0x3FFB];
	_ =	sdelay $0x3  }
0x95: {  	_ =	strace s6  }
0x96: {  	s6 =	sld [smem:$0x3FFC];
	_ =	sdelay $0x3  }
0x97: {  	_ =	strace s6  }
0x98: {  	s6 =	sld [smem:$0x3FFD];
	_ =	sdelay $0x3  }
0x99: {  	_ =	strace s6  }
0x9a: {  	_ =	strace $0x8FFFFFFF  }
0x9b: {  	s20 =	sld [smem:$0x3FDB];
	_ =	sdelay $0x1  }
0x9c: {  	s7 =	simm.s32 $_scs_section_size  }
0x9d: {  	s8 =	simm.s32 $_size__tile_overlayer_lowered;
	s9 =	simm.s32 $_tile_overlayer_lowered  }
0x9e: {  	s23 =	simm.s32 $0x1BFF;
	s22 =	sshll.u32 s9, $0x1;
	s6 =	sadd.s32 s7, s20  }
0x9f: {  	s10 =	simm.s32 $0x0;
	s21 =	sshll.u32 s8, $0x1;
	s8 =	sadd.s32 s22, s6  }
0xa0: {  	[timem:s10], [sflag:s23] =	dma.local [hbm:s8], s21  }
0xa1: {  	_ =	swait.ge [sflag:s23], s21  }
0xa2: {  	s7 =	ssub.s32 $0x0, s21;
	[sflag:s23] =	ssyncset.done $0x0  }
0xa3: {  	[sflag:s23] =	ssyncadd.s32 s7;
	_ =	sdelay $0x1  }
0xa4: {  	s24 =	simm.s32 $0x1B8B  }
0xa5: {  	_ =	swait.ge [sflag:s24], $0x1  }
0xa6: {  	[sflag:s24] =	ssyncset.done $0x0  }
0xa7: {  	s25 =	simm.s32 $0x1B8E;
	[sflag:s24] =	ssyncadd.s32 $0xFFFFFFFF  }
0xa8: {  	s26 =	simm.s32 $execute0_lowered;
	[smem:$0x3FD2] =	sst s25  }
0xa9: {  	s7 =	sshll.u32 s26, $0x1;
	_ =	strace $0x80000046;
	[dreg:$0x1] =	wrdreg $0xFFFFFFFF  }
0xaa: {  	s28 =	simm.s32 $_size_execute0_lowered;
	s6 =	sadd.s32 s6, s7;
	[dreg:$0x0] =	wrdreg $0x0  }
0xab: {  	s7 =	sshll.u32 s28, $0x1;
	[dreg:$0x2] =	wrdreg s6  }
0xac: {  	[dreg:$0x3] =	wrdreg s7  }
0xad: {  	[dreg:$0x4] =	wrdreg $0xC0  }
0xae: {  	_ =	task [dreg:s10], $0x5FFFF  }
0xaf: {  	[dreg:$0x1] =	wrdreg $0xFFFFFFFF  }
0xb0: {  	[dreg:$0x0] =	wrdreg $0x60  }
0xb1: {  	[dreg:$0x2] =	wrdreg s2  }
0xb2: {  	[dreg:$0x3] =	wrdreg s19  }
0xb3: {  	[dreg:$0x4] =	wrdreg s4  }
0xb4: {  	[dreg:$0x5] =	wrdreg s5  }
0xb5: {  	[dreg:$0x6] =	wrdreg $0x9  }
0xb6: {  	_ =	task.clear_ibuf [dreg:s10], $0x7FFFF;
	_ =	strace $0x90000046  }
0xb7: {  	s29 =	simm.s32 $0x9;
	_ =	strace $0x80000048  }
0xb8: {  	_ =	swait.ge [sflag:s29], $0x1  }
0xb9: {  	[sflag:s29] =	ssyncadd.s32 $0xFFFFFFFF  }
0xba: {  	_ =	strace $0x90000048  }
0xbb: {  	_ =	sfence  }
0xbc: {  	s30 =	sld [smem:$0x0];
	_ =	sdelay $0x2  }
0xbd: {  	s31 =	sshll.u32 s1, $0xD;
	s1 =	sshrl.u32 s1, $0x2  }
0xbe: {  	s3 =	sand.u32 $0x4000, s31;
	s1 =	sadd.s32 s1, s30  }
0xbf: {  	s0 =	sor.u32 s3, s0;
	s1 =	sshll.u32 s1, $0x11  }
0xc0: {  	s0 =	sor.u32 s1, s0  }
0xc1: {  	s0 =	sadd.s32 $0x8F2B, s0  }
0xc2: {  	[sflag:s0] =	ssyncadd.remote.s32 $0x1  }
0xc3: {  	_ =	sfence.sel $0xFFFF  }
0xc4: {  	[dreg:$0x0] =	wrdreg $0xFFFFFFFF;
	(pc) =	sbr.abs _section_cstart, $3  }
0xc5: {  	[dreg:$0x1] =	wrdreg $0xFFFFFFFF  }
0xc6: {  	_ =	task.clear_ibuf [dreg:s10], $0x2FFFF;
	_ =	strace $0x9FFFFFFF  }
0xc7: {  	(tm) =	ssettm $0x7FFFFFFF  }
tec
execute0_lowered:
.L_overlay_start_1:
0x0: {  	(tag) =	ssettag $0x1  }
0x1: {  	s1 =	rddreg [dreg:$0x0]  }
0x2: {  	s0 =	rddreg [dreg:$0x1]  }
0x3: {  	s2 =	rddreg [dreg:$0x2]  }
0x4: {  	s8 =	rddreg [dreg:$0x3]  }
0x5: {  	s3 =	srdreg.scid;
	s5 =	simm.s32 $0x0;
	s6 =	stileid.u32  }
0x6: {  	s14 =	simm.s32 $0x800;
	s28 =	simm.s32 $0x16780;
	s29 =	simm.s32 $0x17380  }
0x7: {  	s30 =	simm.s32 $0x1;
	s31 =	simm.s32 $0x3;
	s10 =	simm.s32 $0x17F80  }
0x8: {  	s15 =	simm.s32 $0x0;
	s3 =	sand.u32 $0x1, s3;
	[smem:$0x7FF] =	sst s5  }
0x9: {  	s6 =	sshll.u32 s6, $0x1;
	s9 =	sadd.s32 $0x100, s1;
	s4 =	ssub.s32 $0x2, s3  }
0xa: {  	v0 =	vlaneseq.u32;
	_ =	strace $0x80000047;
	s3 =	sor.u32 s3, s6;
	s7 =	sshrl.u32 s4, $0x1  }
0xb: {  	v3 =	vand.u32 $0x7, v0;
	s6 =	sshll.u32 s3, $0x6;
	s22 =	sshll.u32 s3, $0x8;
	s23 =	sshll.u32 s3, $0xC  }
0xc: {  	[tilespmem:$0x1FFC0] =	vst v3;
	v3 =	vshrl.u32 v0, $0x3;
	s24 =	sshll.u32 s3, $0xD;
	s3 =	simm.s32 $0x400;
	s4 =	ssub.s32 s4, s7  }
0xd: {  	v1 =	vor.u32 $0x10, v0;
	v3 =	vmul.u32 $0x8, v3;
	s0 =	sadd.s32 s0, s22;
	[dreg:$0x6] =	wrdreg s23;
	s25 =	sadd.s32 s2, s23  }
0xe: {  	[tilespmem:$0x1FFF0] =	vst v1;
	s11 =	sadd.s32 s8, s24;
	s7 =	simm.s32 $0x17780;
	[dreg:$0x5] =	wrdreg s0  }
0xf: {  	s8 =	simm.s32 $0x4;
	[dreg:$0x7] =	wrdreg s25;
	s26 =	smax.u32 s4, $0x1;
	[tilespmem:$0x1FFD0] =	vst v3;
	v3 =	vor.u32 $0x8, v0  }
0x10: {  	v2 =	vimm.f32 $0.0e+00;
	vm0 =	vmmov $0xffff;
	s0 =	simm.s32 $0x100;
	s4 =	simm.s32 $0x2;
	[dreg:$0x8] =	wrdreg s26;
	[tilespmem:$0x1FFE0] =	vst v3  }
.LBB2_1:
0x11: {  	[dreg:$0x9] =	wrdreg s15  }
0x12: {  	s12 =	rddreg [dreg:$0x5];
	s25 =	simm.s32 $0x7  }
0x13: {  	[tilespmem:s5], [sflag:$0x7] =	stream.linear.gather [hbm4b:s12+s5], $0x800, $0x38;
	[tilespmem:$0x18780] =	vst v63  }
0x14: {  	_ =	swait.ge [sflag:s25], $0x800  }
0x15: {  	[sflag:s25] =	ssyncset.done $0x0  }
0x16: {  	s12 =	simm.s32 $0x10;
	[sflag:s25] =	ssyncadd.s32 $0xFFFFF800  }
0x17: {  	v3 =	vld [tilespmem:s12+$0xFFFFFFF0]  }
0x18: {  	v6 =	vld [tilespmem:s12+$0x0];
	_ =	sdelay $0x6  }
0x19: {  	[tilespmem:v3+s14+$0x0] =	vst.idx.msk $0xffff, v0  }
0x1a: {  	[tilespmem:v6+s14+$0x0] =	vst.idx.msk $0xffff, v1  }
0x1b: {  	v7 =	vld.idx.msk [tilespmem:v3+s14+$0x0], $0xffff  }
0x1c: {  	v8 =	vld.idx.msk [tilespmem:v6+s14+$0x0], $0xffff;
	_ =	sdelay $0x3  }
0x1d: {  	vm1 =	veq.s32 v7, v0  }
0x1e: {  	vm2 =	veq.s32 v8, v1;
	v7 =	vsel vm1, $0x3F800000, v2  }
0x1f: {  	v8 =	vsel vm2, $0x3F800000, v2;
	(xrf2) =	vadd.scan.msk.f32 $0xffff, v7  }
0x20: {  	(xrf2) =	vadd.scan.msk.f32 $0xffff, v8;
	_ =	sdelay $0x8  }
0x21: {  	v7, _, _ =	vpop (xrf2)  }
0x22: {  	(v2sf) =	vpush v7, $0xF;
	v60, _, _ =	vpop (xrf2)  }
0x23: {  	(v2sf) =	vpush v60, $0xF;
	_ =	sdelay $0x6  }
0x24: {  	v61 =	vmov s5  }
0x25: {  	v7 =	vand.u32 $0xFFFFFFE0, v61  }
0x26: {  	v7 =	vbroadcast v7, $0x0;
	_ =	sdelay $0x4  }
0x27: {  	s13 =	spop (v2sf)  }
0x28: {  	v7 =	vld.idx.msk [tilespmem:v7+s5+$0x0], $0xffff;
	s26 =	spop (v2sf)  }
0x29: {  	s13 =	sadd.f32 s26, s13;
	_ =	sdelay $0x1  }
0x2a: {  	v62 =	vmov s13  }
0x2b: {  	v8 =	vadd.f32 $0.0e+00, v62  }
0x2c: {  	v6 =	vsel vm2, v6, v7;
	s15 =	ssub.f32 $3.200000000e+01, s13  }
0x2d: {  	v3 =	vsel vm1, v3, v7;
	[tilespmem:s12+$0x0] =	vst v6;
	v63 =	vbroadcast v8, $0x0  }
0x2e: {  	[tilespmem:s12+$0xFFFFFFF0] =	vst v3;
	s13 =	simm.s32 $0x2F80;
	v3 =	vmov s15  }
0x2f: {  	s16 =	simm.s32 $0x20;
	s17 =	simm.s32 $0x4F80;
	s15 =	simm.s32 $0x4F80;
	[tilespmem:s13+$0x0] =	vst v3;
	(erf) = vrcp.f32 v63  }
.LBB2_2:
0x30: {  	_ =	sdelay $0x5  }
0x31: {  	s13 =	sadd.s32 $0x80, s13;
	s15 =	sadd.s32 $0x80, s15;
	s12 =	sadd.s32 $0x20, s12  }
0x32: {  	p0 =	sne.s32 s16, $0x7E0;
	s18 =	smov.u32 s16;
	s16 =	sadd.s32 $0x20, s16  }
0x33: {  	v3 =	vpop (erf)  }
0x34: {  	[tilespmem:s17+$0x0] =	vst v3;
	s17 =	smov.u32 s15  }
0x35: {  	v3 =	vld [tilespmem:s12+$0xFFFFFFF0]  }
0x36: {  	v6 =	vld [tilespmem:s12+$0x0];
	_ =	sdelay $0x2  }
0x37: {  	v7 =	vmov s18  }
0x38: {  	v7 =	vand.u32 $0xFFFFFFE0, v7  }
0x39: {  	v7 =	vbroadcast v7, $0x0;
	_ =	sdelay $0x1  }
0x3a: {  	[tilespmem:v3+s14+$0x0] =	vst.idx.msk $0xffff, v0  }
0x3b: {  	[tilespmem:v6+s14+$0x0] =	vst.idx.msk $0xffff, v1  }
0x3c: {  	v8 =	vld.idx.msk [tilespmem:v3+s14+$0x0], $0xffff  }
0x3d: {  	v9 =	vld.idx.msk [tilespmem:v6+s14+$0x0], $0xffff  }
0x3e: {  	v7 =	vld.idx.msk [tilespmem:v7+s5+$0x0], $0xffff;
	_ =	sdelay $0x3  }
0x3f: {  	vm1 =	veq.s32 v8, v0  }
0x40: {  	vm2 =	veq.s32 v9, v1;
	v8 =	vsel vm1, $0x3F800000, v2  }
0x41: {  	v3 =	vsel vm1, v3, v7;
	v6 =	vsel vm2, v6, v7;
	v7 =	vsel vm2, $0x3F800000, v2;
	(xrf2) =	vadd.scan.msk.f32 $0xffff, v8  }
0x42: {  	[tilespmem:s12+$0x0] =	vst v6  }
0x43: {  	[tilespmem:s12+$0xFFFFFFF0] =	vst v3  }
0x44: {  	(xrf2) =	vadd.scan.msk.f32 $0xffff, v7;
	_ =	sdelay $0x6  }
0x45: {  	v3, _, _ =	vpop (xrf2);
	_ =	sdelay $0x2  }
0x46: {  	(v2sf) =	vpush v3, $0xF;
	v3, _, _ =	vpop (xrf2)  }
0x47: {  	(v2sf) =	vpush v3, $0xF;
	_ =	sdelay $0xd  }
0x48: {  	s18 =	spop (v2sf)  }
0x49: {  	s19 =	spop (v2sf)  }
0x4a: {  	s18 =	sadd.f32 s19, s18;
	_ =	sdelay $0x1  }
0x4b: {  	s19 =	ssub.f32 $3.200000000e+01, s18;
	v3 =	vmov s18  }
.Ltmp0:
0x4c: {  	v3 =	vadd.f32 $0.0e+00, v3;
	(pc) =	sbr.rel @p0 .LBB2_2-.Ltmp0, $3  }
0x4d: {  	v6 =	vmov s19  }
0x4e: {  	[tilespmem:s13+$0x0] =	vst v6;
	v3 =	vbroadcast v3, $0x0;
	_ =	sdelay $0x1  }
0x4f: {  	(erf) = vrcp.f32 v3  }
0x50: {  	_ =	sdelay $0x7  }
0x51: {  	v3 =	vpop (erf)  }
0x52: {  	[tilespmem:s17+$0x0] =	vst v3  }
0x53: {  	v3 =	vld [tilespmem:$0x0];
	_ =	sdelay $0x2  }
0x54: {  	v0 =	vld [tilespmem:$0x1FFC0];
	_ =	sdelay $0x1  }
0x55: {  	v1 =	vld [tilespmem:$0x1FFD0];
	v6 =	vshll.u32 v3, $0x2  }
0x56: {  	v3 =	vand.u32 $0x7, v3;
	v6 =	vand.u32 $0xFFFFFFE0, v6  }
0x57: {  	v2 =	vld [tilespmem:$0x1FFE0];
	v3 =	vor.u32 v3, v6  }
0x58: {  	v6 =	vperm.xlane v3, v0;
	_ =	sdelay $0x1  }
0x59: {  	v6 =	vadd.s32 v1, v6;
	_ =	sdelay $0x1  }
0x5a: {  	v3 =	vperm.xlane v3, v2;
	_ =	sdelay $0x1  }
0x5b: {  	s12 =	simm.s32 $0x0;
	s13 =	simm.s32 $0x6F80;
	v3 =	vadd.s32 v1, v3  }
0x5c: {  	[tilespmem:s13], [sflag:$0x1] =	stream.indirect_vreg.gather [hbm4b:s1+s12], $0x80, v6, vm0, $0xb8;
	[tilespmem:$0x18780] =	vst v63  }
0x5d: {  	s23 =	simm.s32 $0x7780  }
0x5e: {  	[tilespmem:s23], [sflag:$0x1] =	stream.indirect_vreg.gather [hbm4b:s9+s12], $0x80, v6, vm0, $0xb8;
	[tilespmem:$0x18780] =	vst v63  }
0x5f: {  	s24 =	simm.s32 $0x7F80  }
0x60: {  	[tilespmem:s24], [sflag:$0x1] =	stream.indirect_vreg.gather [hbm4b:s1+s12], $0x80, v3, vm0, $0xb8;
	[tilespmem:$0x18780] =	vst v63  }
0x61: {  	s25 =	simm.s32 $0x8780  }
0x62: {  	[tilespmem:s25], [sflag:$0x1] =	stream.indirect_vreg.gather [hbm4b:s9+s12], $0x80, v3, vm0, $0xb8;
	[tilespmem:$0x18780] =	vst v63  }
0x63: {  	v3 =	vld [tilespmem:$0x10];
	_ =	sdelay $0x4  }
0x64: {  	v61 =	vshll.u32 v3, $0x2  }
0x65: {  	v3 =	vand.u32 $0x7, v3;
	v6 =	vand.u32 $0xFFFFFFE0, v61  }
0x66: {  	v3 =	vor.u32 v3, v6  }
0x67: {  	v6 =	vperm.xlane v3, v0;
	_ =	sdelay $0x1  }
0x68: {  	v6 =	vadd.s32 v1, v6;
	_ =	sdelay $0x1  }
0x69: {  	v3 =	vperm.xlane v3, v2;
	_ =	sdelay $0x1  }
0x6a: {  	s26 =	simm.s32 $0x8F80;
	v3 =	vadd.s32 v1, v3  }
0x6b: {  	[tilespmem:s26], [sflag:$0x1] =	stream.indirect_vreg.gather [hbm4b:s1+s12], $0x80, v6, vm0, $0xb8;
	[tilespmem:$0x18780] =	vst v63  }
0x6c: {  	s15 =	simm.s32 $0x9780  }
0x6d: {  	[tilespmem:s15], [sflag:$0x1] =	stream.indirect_vreg.gather [hbm4b:s9+s12], $0x80, v6, vm0, $0xb8;
	[tilespmem:$0x18780] =	vst v63  }
0x6e: {  	s16 =	simm.s32 $0x9F80  }
0x6f: {  	[tilespmem:s16], [sflag:$0x1] =	stream.indirect_vreg.gather [hbm4b:s1+s12], $0x80, v3, vm0, $0xb8;
	[tilespmem:$0x18780] =	vst v63  }
0x70: {  	s17 =	simm.s32 $0xA780  }
0x71: {  	[tilespmem:s17], [sflag:$0x1] =	stream.indirect_vreg.gather [hbm4b:s9+s12], $0x80, v3, vm0, $0xb8;
	[tilespmem:$0x18780] =	vst v63  }
0x72: {  	v3 =	vld [tilespmem:$0x20];
	_ =	sdelay $0x4  }
0x73: {  	v62 =	vshll.u32 v3, $0x2  }
0x74: {  	v3 =	vand.u32 $0x7, v3;
	v6 =	vand.u32 $0xFFFFFFE0, v62  }
0x75: {  	v3 =	vor.u32 v3, v6  }
0x76: {  	v6 =	vperm.xlane v3, v0;
	_ =	sdelay $0x1  }
0x77: {  	v6 =	vadd.s32 v1, v6;
	_ =	sdelay $0x1  }
0x78: {  	v3 =	vperm.xlane v3, v2;
	_ =	sdelay $0x1  }
0x79: {  	s18 =	simm.s32 $0xAF80;
	v3 =	vadd.s32 v1, v3  }
0x7a: {  	[tilespmem:s18], [sflag:$0x1] =	stream.indirect_vreg.gather [hbm4b:s1+s12], $0x80, v6, vm0, $0xb8;
	[tilespmem:$0x18780] =	vst v63  }
0x7b: {  	s19 =	simm.s32 $0xB780  }
0x7c: {  	[tilespmem:s19], [sflag:$0x1] =	stream.indirect_vreg.gather [hbm4b:s9+s12], $0x80, v6, vm0, $0xb8;
	[tilespmem:$0x18780] =	vst v63  }
0x7d: {  	s20 =	simm.s32 $0xBF80  }
0x7e: {  	[tilespmem:s20], [sflag:$0x1] =	stream.indirect_vreg.gather [hbm4b:s1+s12], $0x80, v3, vm0, $0xb8;
	[tilespmem:$0x18780] =	vst v63  }
0x7f: {  	s21 =	simm.s32 $0xC780  }
0x80: {  	[tilespmem:s21], [sflag:$0x1] =	stream.indirect_vreg.gather [hbm4b:s9+s12], $0x80, v3, vm0, $0xb8;
	[tilespmem:$0x18780] =	vst v63  }
0x81: {  	v3 =	vld [tilespmem:$0x30];
	_ =	sdelay $0x4  }
0x82: {  	v63 =	vshll.u32 v3, $0x2  }
0x83: {  	v3 =	vand.u32 $0x7, v3;
	v6 =	vand.u32 $0xFFFFFFE0, v63  }
0x84: {  	v3 =	vor.u32 v3, v6  }
0x85: {  	v6 =	vperm.xlane v3, v0;
	_ =	sdelay $0x1  }
0x86: {  	v6 =	vadd.s32 v1, v6;
	_ =	sdelay $0x1  }
0x87: {  	v3 =	vperm.xlane v3, v2;
	_ =	sdelay $0x1  }
0x88: {  	s22 =	simm.s32 $0xCF80;
	v3 =	vadd.s32 v1, v3  }
0x89: {  	[tilespmem:s22], [sflag:$0x1] =	stream.indirect_vreg.gather [hbm4b:s1+s12], $0x80, v6, vm0, $0xb8;
	[tilespmem:$0x18780] =	vst v63  }
0x8a: {  	s23 =	simm.s32 $0xD780  }
0x8b: {  	[tilespmem:s23], [sflag:$0x1] =	stream.indirect_vreg.gather [hbm4b:s9+s12], $0x80, v6, vm0, $0xb8;
	[tilespmem:$0x18780] =	vst v63  }
0x8c: {  	s24 =	simm.s32 $0xDF80  }
0x8d: {  	[tilespmem:s24], [sflag:$0x1] =	stream.indirect_vreg.gather [hbm4b:s1+s12], $0x80, v3, vm0, $0xb8;
	[tilespmem:$0x18780] =	vst v63  }
0x8e: {  	s25 =	simm.s32 $0xE780  }
0x8f: {  	[tilespmem:s25], [sflag:$0x1] =	stream.indirect_vreg.gather [hbm4b:s9+s12], $0x80, v3, vm0, $0xb8;
	[tilespmem:$0x18780] =	vst v63  }
0x90: {  	s13 =	simm.s32 $0x0;
	s26 =	rddreg [dreg:$0x7];
	s15 =	simm.s32 $0x16F80  }
0x91: {  	[tilespmem:s15], [sflag:$0x3] =	stream.strided.gather [hbm4b:s26+s0], $0x400, s3, s0, $0x38;
	[tilespmem:$0x18780] =	vst v63  }
.LBB2_4:
0x92: {  	s17 =	sshll.u32 s13, $0x9  }
0x93: {  	s18 =	sor.u32 $0x100, s17  }
0x94: {  	s15 =	sshrl.u32 s18, $0x2  }
0x95: {  	v3 =	vld [tilespmem:s15+$0x0];
	_ =	sdelay $0x2  }
0x96: {  	v0 =	vld [tilespmem:$0x1FFC0];
	_ =	sdelay $0x1  }
0x97: {  	v1 =	vld [tilespmem:$0x1FFD0];
	v6 =	vshll.u32 v3, $0x2  }
0x98: {  	v3 =	vand.u32 $0x7, v3;
	v6 =	vand.u32 $0xFFFFFFE0, v6  }
0x99: {  	v2 =	vld [tilespmem:$0x1FFE0];
	v3 =	vor.u32 v3, v6  }
0x9a: {  	v6 =	vperm.xlane v3, v0;
	_ =	sdelay $0x1  }
0x9b: {  	v6 =	vadd.s32 v1, v6;
	_ =	sdelay $0x1  }
0x9c: {  	v3 =	vperm.xlane v3, v2;
	_ =	sdelay $0x1  }
0x9d: {  	s16 =	simm.s32 $0xEF80;
	v3 =	vadd.s32 v1, v3  }
0x9e: {  	[tilespmem:s16], [sflag:$0x2] =	stream.indirect_vreg.gather [hbm4b:s1+s5], $0x80, v6, vm0, $0xb8;
	[tilespmem:$0x18780] =	vst v63  }
0x9f: {  	s19 =	simm.s32 $0xF780  }
0xa0: {  	[tilespmem:s19], [sflag:$0x2] =	stream.indirect_vreg.gather [hbm4b:s9+s5], $0x80, v6, vm0, $0xb8;
	[tilespmem:$0x18780] =	vst v63  }
0xa1: {  	s20 =	simm.s32 $0xFF80  }
0xa2: {  	[tilespmem:s20], [sflag:$0x2] =	stream.indirect_vreg.gather [hbm4b:s1+s5], $0x80, v3, vm0, $0xb8;
	[tilespmem:$0x18780] =	vst v63  }
0xa3: {  	s21 =	simm.s32 $0x10780  }
0xa4: {  	[tilespmem:s21], [sflag:$0x2] =	stream.indirect_vreg.gather [hbm4b:s9+s5], $0x80, v3, vm0, $0xb8;
	[tilespmem:$0x18780] =	vst v63  }
0xa5: {  	v3 =	vld [tilespmem:s15+$0x10];
	_ =	sdelay $0x4  }
0xa6: {  	v6 =	vshll.u32 v3, $0x2  }
0xa7: {  	v3 =	vand.u32 $0x7, v3;
	v6 =	vand.u32 $0xFFFFFFE0, v6  }
0xa8: {  	v3 =	vor.u32 v3, v6  }
0xa9: {  	v6 =	vperm.xlane v3, v0;
	_ =	sdelay $0x1  }
0xaa: {  	v6 =	vadd.s32 v1, v6;
	_ =	sdelay $0x1  }
0xab: {  	v3 =	vperm.xlane v3, v2;
	_ =	sdelay $0x1  }
0xac: {  	s22 =	simm.s32 $0x10F80;
	v3 =	vadd.s32 v1, v3  }
0xad: {  	[tilespmem:s22], [sflag:$0x2] =	stream.indirect_vreg.gather [hbm4b:s1+s5], $0x80, v6, vm0, $0xb8;
	[tilespmem:$0x18780] =	vst v63  }
0xae: {  	s23 =	simm.s32 $0x11780  }
0xaf: {  	[tilespmem:s23], [sflag:$0x2] =	stream.indirect_vreg.gather [hbm4b:s9+s5], $0x80, v6, vm0, $0xb8;
	[tilespmem:$0x18780] =	vst v63  }
0xb0: {  	s24 =	simm.s32 $0x11F80  }
0xb1: {  	[tilespmem:s24], [sflag:$0x2] =	stream.indirect_vreg.gather [hbm4b:s1+s5], $0x80, v3, vm0, $0xb8;
	[tilespmem:$0x18780] =	vst v63  }
0xb2: {  	s25 =	simm.s32 $0x12780  }
0xb3: {  	[tilespmem:s25], [sflag:$0x2] =	stream.indirect_vreg.gather [hbm4b:s9+s5], $0x80, v3, vm0, $0xb8;
	[tilespmem:$0x18780] =	vst v63  }
0xb4: {  	v3 =	vld [tilespmem:s15+$0x20];
	_ =	sdelay $0x4  }
0xb5: {  	v6 =	vshll.u32 v3, $0x2  }
0xb6: {  	v3 =	vand.u32 $0x7, v3;
	v6 =	vand.u32 $0xFFFFFFE0, v6  }
0xb7: {  	v3 =	vor.u32 v3, v6  }
0xb8: {  	v6 =	vperm.xlane v3, v0;
	_ =	sdelay $0x1  }
0xb9: {  	v6 =	vadd.s32 v1, v6;
	_ =	sdelay $0x1  }
0xba: {  	v3 =	vperm.xlane v3, v2;
	_ =	sdelay $0x1  }
0xbb: {  	s26 =	simm.s32 $0x12F80;
	v3 =	vadd.s32 v1, v3  }
0xbc: {  	[tilespmem:s26], [sflag:$0x2] =	stream.indirect_vreg.gather [hbm4b:s1+s5], $0x80, v6, vm0, $0xb8;
	[tilespmem:$0x18780] =	vst v63  }
0xbd: {  	s19 =	simm.s32 $0x13780  }
0xbe: {  	[tilespmem:s19], [sflag:$0x2] =	stream.indirect_vreg.gather [hbm4b:s9+s5], $0x80, v6, vm0, $0xb8;
	[tilespmem:$0x18780] =	vst v63  }
0xbf: {  	s20 =	simm.s32 $0x13F80  }
0xc0: {  	[tilespmem:s20], [sflag:$0x2] =	stream.indirect_vreg.gather [hbm4b:s1+s5], $0x80, v3, vm0, $0xb8;
	[tilespmem:$0x18780] =	vst v63  }
0xc1: {  	s21 =	simm.s32 $0x14780  }
0xc2: {  	[tilespmem:s21], [sflag:$0x2] =	stream.indirect_vreg.gather [hbm4b:s9+s5], $0x80, v3, vm0, $0xb8;
	[tilespmem:$0x18780] =	vst v63  }
0xc3: {  	v3 =	vld [tilespmem:s15+$0x30];
	_ =	sdelay $0x4  }
0xc4: {  	v6 =	vshll.u32 v3, $0x2  }
0xc5: {  	v3 =	vand.u32 $0x7, v3;
	v6 =	vand.u32 $0xFFFFFFE0, v6  }
0xc6: {  	v3 =	vor.u32 v3, v6  }
0xc7: {  	v6 =	vperm.xlane v3, v0;
	_ =	sdelay $0x1  }
0xc8: {  	v6 =	vadd.s32 v1, v6;
	_ =	sdelay $0x1  }
0xc9: {  	s25 =	sshll.u32 s13, $0x2;
	v3 =	vperm.xlane v3, v2  }
0xca: {  	s15 =	sadd.s32 s6, s25  }
0xcb: {  	s22 =	simm.s32 $0x14F80;
	s16 =	sshrl.u32 s15, $0x3;
	v3 =	vadd.s32 v1, v3  }
0xcc: {  	[tilespmem:s22], [sflag:$0x2] =	stream.indirect_vreg.gather [hbm4b:s1+s5], $0x80, v6, vm0, $0xb8;
	[tilespmem:$0x18780] =	vst v63  }
0xcd: {  	s23 =	simm.s32 $0x15780;
	s15 =	sand.u32 $0x300, s18;
	s19 =	sshll.u32 s16, $0xC  }
0xce: {  	[tilespmem:s23], [sflag:$0x2] =	stream.indirect_vreg.gather [hbm4b:s9+s5], $0x80, v6, vm0, $0xb8;
	[tilespmem:$0x18780] =	vst v63  }
0xcf: {  	s24 =	simm.s32 $0x15F80;
	s19 =	sor.u32 s15, s19  }
0xd0: {  	[tilespmem:s24], [sflag:$0x2] =	stream.indirect_vreg.gather [hbm4b:s1+s5], $0x80, v3, vm0, $0xb8;
	[tilespmem:$0x18780] =	vst v63  }
0xd1: {  	s19 =	sshrl.u32 s19, $0x3  }
0xd2: {  	[tilespmem:s28], [sflag:$0x2] =	stream.indirect_vreg.gather [hbm4b:s9+s5], $0x80, v3, vm0, $0xb8;
	[tilespmem:$0x18780] =	vst v63  }
0xd3: {  	s19 =	sadd.s32 s2, s19  }
0xd4: {  	[tilespmem:s29], [sflag:$0x4] =	stream.strided.gather [hbm4b:s19+s0], $0x400, s3, s0, $0x38;
	[tilespmem:$0x18780] =	vst v63  }
0xd5: {  	_ =	swait.ge [sflag:s30], $0x8000  }
0xd6: {  	[sflag:s30] =	ssyncset.done $0x0  }
0xd7: {  	[sflag:s30] =	ssyncadd.s32 $0xFFFF8000  }
0xd8: {  	_ =	swait.ge [sflag:s31], $0x400  }
0xd9: {  	p0 =	seq.s32 s13, $0x0;
	[sflag:s31] =	ssyncset.done $0x0  }
0xda: {  	s19 =	simm.s32 @!p0 $0x5;
	[sflag:s31] =	ssyncadd.s32 $0xFFFFFC00  }
0xdb: {  	_ =	swait.ge @!p0 [sflag:s19], $0x800  }
0xdc: {  	s20 =	sand.u32 $0x3000, s12;
	s21 =	sand.u32 $0x380, s12;
	[sflag:s19] =	ssyncset.done @!p0 $0x0  }
0xdd: {  	s21 =	sor.u32 s21, s20;
	[sflag:s19] =	ssyncadd.s32 @!p0 $0xFFFFF800  }
0xde: {  	v62 =	vld [tilespmem:s21+$0x7BF0]  }
0xdf: {  	v7 =	vld [tilespmem:s21+$0x6F80]  }
0xe0: {  	v8 =	vld [tilespmem:s21+$0x6F90]  }
0xe1: {  	v9 =	vld [tilespmem:s21+$0x6FA0]  }
0xe2: {  	v10 =	vld [tilespmem:s21+$0x6FB0]  }
0xe3: {  	v11 =	vld [tilespmem:s21+$0x6FC0]  }
0xe4: {  	v12 =	vld [tilespmem:s21+$0x6FD0]  }
0xe5: {  	v14 =	vld [tilespmem:s21+$0x6FE0]  }
0xe6: {  	v15 =	vld [tilespmem:s21+$0x6FF0]  }
0xe7: {  	v16 =	vld [tilespmem:s21+$0x7380]  }
0xe8: {  	v17 =	vld [tilespmem:s21+$0x7390]  }
0xe9: {  	v18 =	vld [tilespmem:s21+$0x73A0]  }
0xea: {  	v19 =	vld [tilespmem:s21+$0x73B0]  }
0xeb: {  	v20 =	vld [tilespmem:s21+$0x73C0]  }
0xec: {  	v21 =	vld [tilespmem:s21+$0x73D0]  }
0xed: {  	v22 =	vld [tilespmem:s21+$0x73E0]  }
0xee: {  	v13 =	vimm.f32 $0.0e+00;
	v23 =	vld [tilespmem:s21+$0x73F0]  }
0xef: {  	v63 =	vld [tilespmem:s21+$0x7780];
	v6 =	vadd.f32 v62, v13  }
0xf0: {  	v55 =	vadd.f32 v7, v13;
	v54 =	vadd.f32 v8, v13;
	v7 =	vld [tilespmem:s21+$0x7790]  }
0xf1: {  	v52 =	vadd.f32 v9, v13;
	v51 =	vadd.f32 v10, v13;
	v8 =	vld [tilespmem:s21+$0x77A0]  }
0xf2: {  	v49 =	vadd.f32 v11, v13;
	v47 =	vadd.f32 v12, v13;
	v9 =	vld [tilespmem:s21+$0x77B0]  }
0xf3: {  	v45 =	vadd.f32 v14, v13;
	v43 =	vadd.f32 v15, v13;
	v10 =	vld [tilespmem:s21+$0x77C0]  }
0xf4: {  	v41 =	vadd.f32 v16, v13;
	v39 =	vadd.f32 v17, v13;
	v11 =	vld [tilespmem:s21+$0x77D0]  }
0xf5: {  	v36 =	vadd.f32 v18, v13;
	v34 =	vadd.f32 v19, v13;
	v12 =	vld [tilespmem:s21+$0x77E0]  }
0xf6: {  	v31 =	vadd.f32 v20, v13;
	v30 =	vadd.f32 v21, v13;
	v15 =	vld [tilespmem:s21+$0x77F0]  }
0xf7: {  	v26 =	vadd.f32 v22, v13;
	v23 =	vadd.f32 v23, v13;
	v18 =	vld [tilespmem:s21+$0x7B80]  }
0xf8: {  	v22 =	vadd.f32 v63, v13;
	v20 =	vadd.f32 v7, v13  }
0xf9: {  	v44 =	vld [tilespmem:s21+$0x7B90];
	v19 =	vadd.f32 v8, v13;
	v17 =	vadd.f32 v9, v13  }
0xfa: {  	v38 =	vld [tilespmem:s21+$0x7BA0];
	v16 =	vadd.f32 v10, v13;
	v14 =	vadd.f32 v11, v13  }
0xfb: {  	s26 =	sshll.u32 s13, $0x6;
	s22 =	simm.s32 $0x80;
	v32 =	vld [tilespmem:s21+$0x7BB0];
	v12 =	vadd.f32 v12, v13;
	v10 =	vadd.f32 v15, v13  }
0xfc: {  	s20 =	sand.u32 $0x40, s26;
	s25 =	sand.u32 $0x380, s22;
	s23 =	simm.s32 $0x200;
	v29 =	vld [tilespmem:s21+$0x7BC0];
	v9 =	vadd.f32 v18, v13;
	v18 =	vimm.f32 $0.0e+00;
	v15 =	vimm.f32 $0.0e+00  }
0xfd: {  	s24 =	sand.u32 $0x3000, s23;
	s23 =	simm.s32 $0x400;
	s19 =	sshll.u32 s13, $0x1;
	v24 =	vld [tilespmem:s21+$0x7BD0];
	v11 =	vimm.f32 $0.0e+00;
	v8 =	vimm.f32 $0.0e+00;
	v7 =	vimm.f32 $0.0e+00  }
.LBB2_5:
0xfe: {  	p1 =	sne.s32 s23, $0x3E00;
	v13 =	vadd.f32 v44, v13;
	v3 =	vld [tilespmem:s21+$0x7BE0];
	s21 =	sor.u32 s25, s24  }
0xff: {  	v21 =	vld [tilespmem:s21+$0x7BF0];
	v18 =	vadd.f32 v38, v18  }
0x100: {  	v25 =	vld [tilespmem:s21+$0x6F80];
	v15 =	vadd.f32 v32, v15  }
0x101: {  	v27 =	vld [tilespmem:s21+$0x6F90];
	v11 =	vadd.f32 v29, v11  }
0x102: {  	v28 =	vld [tilespmem:s21+$0x6FA0];
	v8 =	vadd.f32 v24, v8  }
0x103: {  	v24 =	vld [tilespmem:s21+$0x6FB0];
	v7 =	vadd.f32 v3, v7  }
0x104: {  	v3 =	vld [tilespmem:s21+$0x6FC0];
	v6 =	vadd.f32 v21, v6  }
0x105: {  	v55 =	vadd.f32 v25, v55;
	v21 =	vld [tilespmem:s21+$0x6FD0]  }
0x106: {  	v54 =	vadd.f32 v27, v54;
	v25 =	vld [tilespmem:s21+$0x6FE0]  }
0x107: {  	v52 =	vadd.f32 v28, v52;
	v27 =	vld [tilespmem:s21+$0x6FF0]  }
0x108: {  	v51 =	vadd.f32 v24, v51;
	v24 =	vld [tilespmem:s21+$0x7380]  }
0x109: {  	v49 =	vadd.f32 v3, v49;
	v3 =	vld [tilespmem:s21+$0x7390]  }
0x10a: {  	v47 =	vadd.f32 v21, v47;
	v21 =	vld [tilespmem:s21+$0x73A0]  }
0x10b: {  	v45 =	vadd.f32 v25, v45;
	v25 =	vld [tilespmem:s21+$0x73B0]  }
0x10c: {  	v43 =	vadd.f32 v27, v43;
	v27 =	vld [tilespmem:s21+$0x73C0]  }
0x10d: {  	v41 =	vadd.f32 v24, v41;
	v24 =	vld [tilespmem:s21+$0x73D0]  }
0x10e: {  	v39 =	vadd.f32 v3, v39;
	v3 =	vld [tilespmem:s21+$0x73E0]  }
0x10f: {  	v36 =	vadd.f32 v21, v36;
	v21 =	vld [tilespmem:s21+$0x73F0]  }
0x110: {  	v34 =	vadd.f32 v25, v34;
	v25 =	vld [tilespmem:s21+$0x7780]  }
0x111: {  	v31 =	vadd.f32 v27, v31;
	v27 =	vld [tilespmem:s21+$0x7790]  }
0x112: {  	v30 =	vadd.f32 v24, v30;
	v24 =	vld [tilespmem:s21+$0x77A0]  }
0x113: {  	v26 =	vadd.f32 v3, v26;
	v3 =	vld [tilespmem:s21+$0x77B0]  }
0x114: {  	v23 =	vadd.f32 v21, v23;
	v21 =	vld [tilespmem:s21+$0x77C0]  }
0x115: {  	v22 =	vadd.f32 v25, v22;
	v25 =	vld [tilespmem:s21+$0x77D0]  }
0x116: {  	v20 =	vadd.f32 v27, v20;
	v27 =	vld [tilespmem:s21+$0x77E0]  }
0x117: {  	v19 =	vadd.f32 v24, v19;
	v24 =	vld [tilespmem:s21+$0x77F0]  }
0x118: {  	v17 =	vadd.f32 v3, v17;
	v3 =	vld [tilespmem:s21+$0x7B80]  }
.Ltmp1:
0x119: {  	v16 =	vadd.f32 v21, v16;
	v44 =	vld [tilespmem:s21+$0x7B90];
	(pc) =	sbr.rel @p1 .LBB2_5-.Ltmp1, $4  }
0x11a: {  	v14 =	vadd.f32 v25, v14;
	v38 =	vld [tilespmem:s21+$0x7BA0]  }
0x11b: {  	v12 =	vadd.f32 v27, v12;
	v32 =	vld [tilespmem:s21+$0x7BB0]  }
0x11c: {  	s22 =	sadd.s32 $0x80, s22;
	v10 =	vadd.f32 v24, v10;
	v29 =	vld [tilespmem:s21+$0x7BC0]  }
0x11d: {  	s24 =	sand.u32 $0x3000, s23;
	s23 =	sadd.s32 $0x200, s23;
	s25 =	sand.u32 $0x380, s22;
	v9 =	vadd.f32 v3, v9;
	v24 =	vld [tilespmem:s21+$0x7BD0]  }
0x11e: {  	v0 =	vld [tilespmem:s21+$0x7BE0]  }
0x11f: {  	v27 =	vld [tilespmem:s17+$0x2F80]  }
0x120: {  	s22 =	sor.u32 s25, s24;
	v25 =	vld [tilespmem:s17+$0x4F80]  }
0x121: {  	v61 =	vld [tilespmem:s22+$0x7BF0]  }
0x122: {  	v3 =	vld [tilespmem:s22+$0x6F80]  }
0x123: {  	v5 =	vld [tilespmem:s22+$0x6F90]  }
0x124: {  	v4 =	vld [tilespmem:s22+$0x6FA0]  }
0x125: {  	v35 =	vld [tilespmem:s22+$0x6FC0]  }
0x126: {  	v58 =	vld [tilespmem:s22+$0x6FD0]  }
0x127: {  	v59 =	vld [tilespmem:s22+$0x6FE0]  }
0x128: {  	v21 =	vld [tilespmem:s22+$0x6FF0]  }
0x129: {  	v28 =	vld [tilespmem:s22+$0x7380]  }
0x12a: {  	v33 =	vld [tilespmem:s22+$0x7390]  }
0x12b: {  	v37 =	vld [tilespmem:s22+$0x73A0]  }
0x12c: {  	v62 =	vld [tilespmem:s22+$0x77D0]  }
0x12d: {  	v63 =	vld [tilespmem:s22+$0x77E0]  }
0x12e: {  	v40 =	vld [tilespmem:s22+$0x73B0]  }
0x12f: {  	v42 =	vld [tilespmem:s22+$0x73C0]  }
0x130: {  	v46 =	vld [tilespmem:s22+$0x73D0]  }
0x131: {  	[tilespmem:$0x1FF10] =	vst v62;
	v62 =	vld [tilespmem:s22+$0x77F0]  }
0x132: {  	[tilespmem:$0x1FF20] =	vst v63;
	v63 =	vld [tilespmem:s22+$0x7B80]  }
0x133: {  	v48 =	vld [tilespmem:s22+$0x73E0]  }
0x134: {  	v50 =	vld [tilespmem:s22+$0x73F0]  }
0x135: {  	v53 =	vld [tilespmem:s22+$0x7780]  }
0x136: {  	[tilespmem:$0x1FF30] =	vst v62;
	v62 =	vld [tilespmem:s22+$0x7B90]  }
0x137: {  	[tilespmem:$0x1FF40] =	vst v63;
	v63 =	vld [tilespmem:s22+$0x7BA0]  }
0x138: {  	v60 =	vld [tilespmem:s22+$0x7790]  }
0x139: {  	v1 =	vld [tilespmem:s22+$0x77C0]  }
0x13a: {  	v2 =	vld [tilespmem:s22+$0x7BE0]  }
0x13b: {  	[tilespmem:$0x1FF50] =	vst v62;
	v62 =	vld [tilespmem:s22+$0x7BB0]  }
0x13c: {  	[tilespmem:$0x1FF60] =	vst v63;
	v63 =	vld [tilespmem:s22+$0x7BC0]  }
0x13d: {  	v56 =	vld [tilespmem:s22+$0x77A0]  }
0x13e: {  	[tilespmem:$0x1FF00] =	vst v1;
	v1 =	vld [tilespmem:$0x6F80]  }
0x13f: {  	[tilespmem:$0x1FFB0] =	vst v2;
	v2 =	vld [tilespmem:$0x6FA0]  }
0x140: {  	[tilespmem:$0x1FF70] =	vst v62;
	v62 =	vld [tilespmem:s22+$0x7BD0]  }
0x141: {  	[tilespmem:$0x1FF90] =	vst v63;
	v63 =	vld [tilespmem:$0x6F90]  }
0x142: {  	v57 =	vld [tilespmem:s22+$0x77B0]  }
0x143: {  	[tilespmem:$0x1FF80] =	vst v0;
	v0 =	vld [tilespmem:s22+$0x6FB0]  }
0x144: {  	v3 =	vadd.f32 v3, v55;
	v55 =	vld [tilespmem:$0x16F80];
	v1 =	vmul.f32 v1, v27  }
0x145: {  	v5 =	vadd.f32 v5, v54;
	v4 =	vadd.f32 v4, v52;
	[tilespmem:$0x1FFA0] =	vst v62;
	v62 =	vld [tilespmem:$0x6FB0]  }
0x146: {  	v54 =	vld [tilespmem:$0x6FC0];
	v2 =	vmul.f32 v2, v27;
	v1 =	vsub.f32 v3, v1;
	v63 =	vmul.f32 v63, v27  }
0x147: {  	v52 =	vld [tilespmem:$0x16F90]  }
0x148: {  	v2 =	vsub.f32 v4, v2;
	v4 =	vld [tilespmem:$0x6FD0];
	v1 =	vmul.f32 v1, v25;
	v3 =	vsub.f32 v5, v63  }
0x149: {  	v0 =	vadd.f32 v0, v51;
	v5 =	vld [tilespmem:$0x16FA0]  }
0x14a: {  	v51 =	vsub.f32 v55, v1;
	v3 =	vmul.f32 v3, v25;
	v55 =	vmul.f32 v62, v27;
	v62 =	vld [tilespmem:$0x6FE0]  }
0x14b: {  	v35 =	vadd.f32 v35, v49;
	v63 =	vmul.f32 v54, v27;
	v54 =	vld [tilespmem:$0x16FB0]  }
0x14c: {  	v2 =	vmul.f32 v2, v25;
	[tilespmem:$0x17780] =	vst v51;
	v51 =	vsub.f32 v52, v3;
	v52 =	vld [tilespmem:$0x16FC0];
	v0 =	vsub.f32 v0, v55  }
0x14d: {  	v47 =	vadd.f32 v58, v47;
	v4 =	vmul.f32 v4, v27;
	v55 =	vld [tilespmem:$0x6FF0]  }
0x14e: {  	v58 =	vld [tilespmem:$0x7380];
	v63 =	vsub.f32 v35, v63;
	v5 =	vsub.f32 v5, v2;
	v0 =	vmul.f32 v0, v25  }
0x14f: {  	v45 =	vadd.f32 v59, v45;
	[tilespmem:$0x17B80] =	vst v1;
	v59 =	vmul.f32 v62, v27;
	v62 =	vld [tilespmem:$0x16FD0]  }
0x150: {  	v4 =	vsub.f32 v47, v4;
	v47 =	vld [tilespmem:$0x16FE0];
	v1 =	vmul.f32 v63, v25;
	[tilespmem:$0x177A0] =	vst v5;
	v5 =	vsub.f32 v54, v0  }
0x151: {  	v21 =	vadd.f32 v21, v43;
	[tilespmem:$0x17BA0] =	vst v2;
	v63 =	vsub.f32 v45, v59;
	v45 =	vld [tilespmem:$0x7390]  }
0x152: {  	v4 =	vmul.f32 v4, v25;
	v54 =	vld [tilespmem:$0x16FF0];
	v35 =	vmul.f32 v55, v27;
	[tilespmem:$0x177B0] =	vst v5;
	v5 =	vsub.f32 v52, v1  }
0x153: {  	v28 =	vadd.f32 v28, v41;
	[tilespmem:$0x17B90] =	vst v3;
	v55 =	vmul.f32 v58, v27;
	v58 =	vld [tilespmem:$0x73A0]  }
0x154: {  	v2 =	vmul.f32 v63, v25;
	[tilespmem:$0x177C0] =	vst v5;
	v5 =	vsub.f32 v21, v35;
	v21 =	vsub.f32 v62, v4  }
0x155: {  	v33 =	vadd.f32 v33, v39;
	[tilespmem:$0x17BB0] =	vst v0;
	v0 =	vsub.f32 v28, v55  }
0x156: {  	v28 =	vld [tilespmem:$0x73C0];
	[tilespmem:$0x177D0] =	vst v21;
	v21 =	vsub.f32 v47, v2;
	v5 =	vmul.f32 v5, v25;
	v3 =	vmul.f32 v45, v27  }
0x157: {  	v36 =	vadd.f32 v37, v36;
	[tilespmem:$0x17BD0] =	vst v4;
	v4 =	vld [tilespmem:$0x17090]  }
0x158: {  	v63 =	vmul.f32 v58, v27;
	[tilespmem:$0x177E0] =	vst v21;
	v21 =	vsub.f32 v54, v5;
	v3 =	vsub.f32 v33, v3  }
0x159: {  	v45 =	vld [tilespmem:$0x73D0]  }
0x15a: {  	v59 =	vld [tilespmem:$0x17080];
	[tilespmem:$0x177F0] =	vst v21;
	v3 =	vmul.f32 v3, v25;
	v21 =	vsub.f32 v36, v63  }
0x15b: {  	v41 =	vld [tilespmem:$0x170A0];
	v31 =	vadd.f32 v42, v31;
	[tilespmem:$0x17BF0] =	vst v5;
	v5 =	vmul.f32 v28, v27  }
0x15c: {  	v49 =	vsub.f32 v4, v3;
	v4 =	vmul.f32 v21, v25;
	v21 =	vld [tilespmem:$0x170C0]  }
0x15d: {  	[tilespmem:$0x17790] =	vst v51;
	v62 =	vld [tilespmem:$0x73B0];
	v0 =	vmul.f32 v0, v25;
	v51 =	vsub.f32 v31, v5  }
0x15e: {  	v30 =	vadd.f32 v46, v30;
	v28 =	vld [tilespmem:$0x73E0];
	v31 =	vmul.f32 v45, v27  }
0x15f: {  	v43 =	vsub.f32 v59, v0;
	[tilespmem:$0x17C80] =	vst v0;
	v5 =	vld [tilespmem:$0x73F0];
	v0 =	vmul.f32 v51, v25  }
0x160: {  	v54 =	vld [tilespmem:$0x7780];
	v30 =	vsub.f32 v30, v31  }
0x161: {  	v52 =	vsub.f32 v41, v4;
	[tilespmem:$0x17CA0] =	vst v4;
	v4 =	vsub.f32 v21, v0;
	v21 =	vld [tilespmem:$0x7790];
	_ =	sdelay $0x1  }
0x162: {  	v34 =	vadd.f32 v40, v34;
	v26 =	vadd.f32 v48, v26;
	v59 =	vmul.f32 v30, v25;
	v30 =	vld [tilespmem:$0x77A0]  }
0x163: {  	v23 =	vadd.f32 v50, v23;
	[tilespmem:$0x17BC0] =	vst v1;
	v47 =	vld [tilespmem:$0x170B0];
	v1 =	vmul.f32 v62, v27;
	v5 =	vmul.f32 v5, v27  }
0x164: {  	v22 =	vadd.f32 v53, v22;
	v28 =	vmul.f32 v28, v27;
	v31 =	vld [tilespmem:$0x170E0];
	v62 =	vmul.f32 v54, v27  }
0x165: {  	v20 =	vadd.f32 v60, v20;
	v5 =	vsub.f32 v23, v5;
	v23 =	vld [tilespmem:$0x17180];
	v21 =	vmul.f32 v21, v27  }
0x166: {  	v33 =	vld [tilespmem:$0x77B0];
	v26 =	vsub.f32 v26, v28;
	v63 =	vsub.f32 v22, v62  }
0x167: {  	v19 =	vadd.f32 v56, v19;
	[tilespmem:$0x17CC0] =	vst v0;
	v28 =	vld [tilespmem:$0x170F0];
	v20 =	vsub.f32 v20, v21;
	v21 =	vmul.f32 v30, v27  }
0x168: {  	v22 =	vld [tilespmem:$0x77C0];
	v0 =	vmul.f32 v63, v25;
	[tilespmem:$0x178C0] =	vst v4;
	v4 =	vmul.f32 v26, v25  }
0x169: {  	v1 =	vsub.f32 v34, v1;
	v19 =	vsub.f32 v19, v21;
	v21 =	vld [tilespmem:$0x1FF00]  }
0x16a: {  	v34 =	vsub.f32 v31, v4;
	[tilespmem:$0x17CE0] =	vst v4;
	v4 =	vsub.f32 v23, v0  }
0x16b: {  	v5 =	vmul.f32 v5, v25;
	v23 =	vld [tilespmem:$0x77D0]  }
0x16c: {  	v1 =	vmul.f32 v1, v25;
	[tilespmem:$0x17980] =	vst v4;
	v4 =	vmul.f32 v19, v25;
	v19 =	vld [tilespmem:$0x1FF10]  }
0x16d: {  	v17 =	vadd.f32 v57, v17;
	v36 =	vsub.f32 v28, v5;
	[tilespmem:$0x17CF0] =	vst v5;
	v5 =	vmul.f32 v22, v27;
	v22 =	vld [tilespmem:$0x1FF20]  }
0x16e: {  	v58 =	vsub.f32 v47, v1;
	[tilespmem:$0x17CB0] =	vst v1;
	v1 =	vmul.f32 v33, v27;
	v16 =	vadd.f32 v21, v16;
	v21 =	vld [tilespmem:$0x77E0];
	_ =	sdelay $0x1  }
0x16f: {  	v18 =	vadd.f32 v38, v18;
	v1 =	vsub.f32 v17, v1;
	v17 =	vld [tilespmem:$0x171C0]  }
0x170: {  	v26 =	vld [tilespmem:$0x171A0];
	v14 =	vadd.f32 v19, v14;
	v38 =	vsub.f32 v16, v5;
	v16 =	vmul.f32 v23, v27;
	_ =	sdelay $0x1  }
0x171: {  	v12 =	vadd.f32 v22, v12;
	v14 =	vsub.f32 v14, v16;
	v16 =	vmul.f32 v21, v27  }
0x172: {  	v40 =	vld [tilespmem:$0x171D0];
	[tilespmem:$0x17D80] =	vst v0;
	v0 =	vmul.f32 v38, v25  }
0x173: {  	v12 =	vsub.f32 v12, v16;
	v16 =	vld [tilespmem:$0x1FF40]  }
0x174: {  	v39 =	vsub.f32 v26, v4;
	[tilespmem:$0x17DA0] =	vst v4;
	v19 =	vld [tilespmem:$0x7B80];
	v4 =	vsub.f32 v17, v0  }
0x175: {  	v17 =	vld [tilespmem:$0x7B90]  }
0x176: {  	[tilespmem:$0x179C0] =	vst v4;
	v4 =	vmul.f32 v12, v25;
	v12 =	vld [tilespmem:$0x1FF50]  }
0x177: {  	v55 =	vld [tilespmem:$0x170D0];
	[tilespmem:$0x17BE0] =	vst v2  }
0x178: {  	[tilespmem:$0x17880] =	vst v43;
	v9 =	vadd.f32 v16, v9;
	v16 =	vld [tilespmem:$0x7BA0]  }
0x179: {  	v13 =	vadd.f32 v44, v13;
	v35 =	vld [tilespmem:$0x17190];
	[tilespmem:$0x17C90] =	vst v3;
	v43 =	vmul.f32 v19, v27  }
0x17a: {  	[tilespmem:$0x17890] =	vst v49;
	v37 =	vmul.f32 v20, v25;
	v20 =	vld [tilespmem:$0x171B0]  }
0x17b: {  	[tilespmem:$0x178A0] =	vst v52;
	v5 =	vld [tilespmem:$0x77F0];
	v12 =	vadd.f32 v12, v13;
	v44 =	vsub.f32 v9, v43;
	v9 =	vmul.f32 v17, v27  }
0x17c: {  	[tilespmem:$0x178B0] =	vst v58;
	v3 =	vsub.f32 v55, v59;
	v21 =	vld [tilespmem:$0x1FF30]  }
0x17d: {  	[tilespmem:$0x17CD0] =	vst v59;
	v1 =	vmul.f32 v1, v25;
	v9 =	vsub.f32 v12, v9;
	v12 =	vmul.f32 v16, v27;
	v16 =	vld [tilespmem:$0x1FF70]  }
0x17e: {  	v45 =	vld [tilespmem:$0x7BB0];
	[tilespmem:$0x178D0] =	vst v3  }
0x17f: {  	v47 =	vld [tilespmem:$0x17290];
	[tilespmem:$0x17DB0] =	vst v1  }
0x180: {  	v15 =	vadd.f32 v32, v15;
	v52 =	vld [tilespmem:$0x172D0];
	[tilespmem:$0x178E0] =	vst v34;
	v2 =	vsub.f32 v35, v37  }
0x181: {  	[tilespmem:$0x178F0] =	vst v36;
	v41 =	vsub.f32 v20, v1;
	v20 =	vld [tilespmem:$0x171E0];
	v5 =	vmul.f32 v5, v27;
	v10 =	vadd.f32 v21, v10  }
0x182: {  	[tilespmem:$0x17D90] =	vst v37;
	v15 =	vadd.f32 v16, v15;
	v16 =	vld [tilespmem:$0x1FF80]  }
0x183: {  	[tilespmem:$0x17990] =	vst v2;
	v5 =	vsub.f32 v10, v5;
	v10 =	vld [tilespmem:$0x17280]  }
0x184: {  	[tilespmem:$0x179A0] =	vst v39;
	v17 =	vld [tilespmem:$0x1FF60]  }
0x185: {  	[tilespmem:$0x179B0] =	vst v41;
	v42 =	vmul.f32 v14, v25;
	v14 =	vld [tilespmem:$0x171F0]  }
0x186: {  	[tilespmem:$0x17DC0] =	vst v0;
	v13 =	vld [tilespmem:$0x7BC0];
	v0 =	vmul.f32 v44, v25  }
0x187: {  	v1 =	vmul.f32 v45, v27;
	v3 =	vsub.f32 v40, v42;
	[tilespmem:$0x17DD0] =	vst v42;
	v7 =	vadd.f32 v16, v7;
	v16 =	vld [tilespmem:$0x1FF90]  }
0x188: {  	v46 =	vsub.f32 v20, v4;
	[tilespmem:$0x17DE0] =	vst v4;
	v5 =	vmul.f32 v5, v25;
	v4 =	vsub.f32 v10, v0;
	v10 =	vld [tilespmem:$0x7BD0]  }
0x189: {  	[tilespmem:$0x179D0] =	vst v3;
	v17 =	vadd.f32 v17, v18;
	v1 =	vsub.f32 v15, v1;
	v15 =	vld [tilespmem:$0x1FFA0]  }
0x18a: {  	v11 =	vadd.f32 v29, v11;
	[tilespmem:$0x179E0] =	vst v46;
	v48 =	vsub.f32 v14, v5;
	v14 =	vld [tilespmem:$0x172A0]  }
0x18b: {  	[tilespmem:$0x17DF0] =	vst v5;
	v49 =	vmul.f32 v9, v25;
	v5 =	vmul.f32 v13, v27;
	v13 =	vld [tilespmem:$0x7BE0];
	v9 =	vsub.f32 v17, v12  }
0x18c: {  	v8 =	vadd.f32 v24, v8;
	[tilespmem:$0x179F0] =	vst v48;
	v12 =	vld [tilespmem:$0x172B0];
	v11 =	vadd.f32 v16, v11  }
0x18d: {  	[tilespmem:$0x17A80] =	vst v4;
	v2 =	vsub.f32 v47, v49;
	v4 =	vmul.f32 v9, v25;
	v9 =	vld [tilespmem:$0x172C0]  }
0x18e: {  	[tilespmem:$0x17E80] =	vst v0;
	v10 =	vmul.f32 v10, v27;
	v8 =	vadd.f32 v15, v8;
	v50 =	vsub.f32 v11, v5;
	v11 =	vld [tilespmem:$0x1FFB0]  }
0x18f: {  	[tilespmem:$0x17E90] =	vst v49;
	v5 =	vld [tilespmem:$0x7BF0]  }
0x190: {  	[tilespmem:$0x17A90] =	vst v2;
	v51 =	vsub.f32 v14, v4;
	v1 =	vmul.f32 v1, v25;
	v8 =	vsub.f32 v8, v10  }
0x191: {  	[tilespmem:$0x17EA0] =	vst v4  }
0x192: {  	[tilespmem:$0x17AA0] =	vst v51;
	v53 =	vsub.f32 v12, v1;
	v54 =	vmul.f32 v8, v25;
	v0 =	vmul.f32 v50, v25  }
0x193: {  	v6 =	vadd.f32 v61, v6;
	[tilespmem:$0x17EB0] =	vst v1;
	v10 =	vmul.f32 v13, v27;
	v7 =	vadd.f32 v11, v7  }
0x194: {  	[tilespmem:$0x17AB0] =	vst v53;
	v3 =	vsub.f32 v52, v54;
	v4 =	vsub.f32 v9, v0;
	v9 =	vld [tilespmem:$0x172E0];
	v5 =	vmul.f32 v5, v27  }
0x195: {  	v55 =	vld [tilespmem:$0x172F0];
	[tilespmem:$0x17ED0] =	vst v54;
	v7 =	vsub.f32 v7, v10  }
0x196: {  	[tilespmem:$0x17AD0] =	vst v3;
	v5 =	vsub.f32 v6, v5  }
0x197: {  	[tilespmem:$0x17AC0] =	vst v4;
	v4 =	vmul.f32 v7, v25  }
0x198: {  	[tilespmem:$0x17EC0] =	vst v0;
	v57 =	vmul.f32 v5, v25  }
0x199: {  	s24 =	simm.s32 $0x0;
	v56 =	vsub.f32 v9, v4;
	[tilespmem:$0x17EE0] =	vst v4  }
0x19a: {  	s25 =	sand.u32 $0x3000, s24;
	v58 =	vsub.f32 v55, v57;
	[tilespmem:$0x17EF0] =	vst v57  }
0x19b: {  	s23 =	sor.u32 s25, s24;
	[tilespmem:$0x17AE0] =	vst v56  }
0x19c: {  	s23 =	sor.u32 $0x4C00, s23;
	[tilespmem:$0x17AF0] =	vst v58  }
0x19d: {  	v0 =	vld [tilespmem:s23+$0x6FF0]  }
0x19e: {  	v59 =	vld [tilespmem:s23+$0x6F80]  }
0x19f: {  	v2 =	vld [tilespmem:s23+$0x6F90]  }
0x1a0: {  	v3 =	vld [tilespmem:s23+$0x6FA0]  }
0x1a1: {  	v4 =	vld [tilespmem:s23+$0x6FB0]  }
0x1a2: {  	v5 =	vld [tilespmem:s23+$0x6FC0]  }
0x1a3: {  	s21 =	sand.u32 $0x380, s24;
	v7 =	vld [tilespmem:s23+$0x6FD0]  }
0x1a4: {  	s21 =	sor.u32 s21, s25;
	v14 =	vld [tilespmem:s23+$0x6FE0]  }
0x1a5: {  	v15 =	vld [tilespmem:s21+$0xAF80]  }
0x1a6: {  	v16 =	vld [tilespmem:s21+$0xAF90]  }
0x1a7: {  	v17 =	vld [tilespmem:s21+$0xAFA0]  }
0x1a8: {  	v18 =	vld [tilespmem:s21+$0xAFB0]  }
0x1a9: {  	v19 =	vld [tilespmem:s21+$0xAFC0]  }
0x1aa: {  	v20 =	vld [tilespmem:s21+$0xAFD0]  }
0x1ab: {  	v21 =	vld [tilespmem:s21+$0xAFE0]  }
0x1ac: {  	v22 =	vld [tilespmem:s21+$0xAFF0]  }
0x1ad: {  	v27 =	vimm.f32 $0.0e+00;
	v23 =	vld [tilespmem:s21+$0xB380]  }
0x1ae: {  	v60 =	vld [tilespmem:s21+$0xB390];
	v6 =	vadd.f32 v0, v27;
	v13 =	vadd.f32 v59, v27  }
0x1af: {  	v61 =	vld [tilespmem:s21+$0xB3A0];
	v12 =	vadd.f32 v2, v27;
	v11 =	vadd.f32 v3, v27  }
0x1b0: {  	v62 =	vld [tilespmem:s21+$0xB3B0];
	v10 =	vadd.f32 v4, v27;
	v9 =	vadd.f32 v5, v27  }
0x1b1: {  	v63 =	vld [tilespmem:s21+$0xB3C0];
	v8 =	vadd.f32 v7, v27;
	v7 =	vadd.f32 v14, v27  }
0x1b2: {  	v55 =	vadd.f32 v15, v27;
	v4 =	vld [tilespmem:s21+$0xB3D0];
	v53 =	vadd.f32 v16, v27  }
0x1b3: {  	v52 =	vadd.f32 v17, v27;
	v5 =	vld [tilespmem:s21+$0xB3E0];
	v51 =	vadd.f32 v18, v27  }
0x1b4: {  	v48 =	vadd.f32 v19, v27;
	v14 =	vld [tilespmem:s21+$0xB3F0];
	v46 =	vadd.f32 v20, v27  }
0x1b5: {  	v43 =	vadd.f32 v21, v27;
	v15 =	vld [tilespmem:s21+$0xB780];
	v42 =	vadd.f32 v22, v27  }
0x1b6: {  	v28 =	vimm.f32 $0.0e+00;
	v39 =	vadd.f32 v23, v27;
	v38 =	vadd.f32 v60, v27;
	v60 =	vld [tilespmem:s21+$0xB790]  }
0x1b7: {  	v34 =	vimm.f32 $0.0e+00;
	v57 =	vld [tilespmem:s21+$0xB7A0];
	v36 =	vadd.f32 v61, v27;
	v33 =	vadd.f32 v62, v27  }
0x1b8: {  	v49 =	vld [tilespmem:s21+$0xB7B0];
	v31 =	vadd.f32 v63, v27;
	v20 =	vimm.f32 $0.0e+00;
	v29 =	vadd.f32 v4, v27  }
0x1b9: {  	s26 =	simm.s32 $0x200;
	v44 =	vld [tilespmem:s21+$0xB7C0];
	v17 =	vimm.f32 $0.0e+00;
	v25 =	vadd.f32 v5, v27;
	v21 =	vadd.f32 v14, v27  }
0x1ba: {  	s24 =	sand.u32 $0x3000, s26;
	s22 =	simm.s32 $0x80;
	s23 =	simm.s32 $0x400;
	v41 =	vld [tilespmem:s21+$0xB7D0];
	v18 =	vadd.f32 v15, v27;
	v15 =	vimm.f32 $0.0e+00;
	v14 =	vimm.f32 $0.0e+00  }
.LBB2_7:
0x1bb: {  	p1 =	sne.s32 s23, $0x3E00;
	s25 =	sand.u32 $0x380, s22;
	s26 =	sor.u32 s24, s22;
	v27 =	vadd.f32 v60, v27;
	v0 =	vld [tilespmem:s21+$0xB7E0]  }
0x1bc: {  	s26 =	sor.u32 $0x4C00, s26;
	v34 =	vadd.f32 v57, v34;
	v1 =	vld [tilespmem:s21+$0xB7F0];
	s21 =	sor.u32 s25, s24  }
0x1bd: {  	v2 =	vld [tilespmem:s26+$0x6FF0];
	v28 =	vadd.f32 v49, v28  }
0x1be: {  	v3 =	vld [tilespmem:s26+$0x6F80];
	v20 =	vadd.f32 v44, v20  }
0x1bf: {  	v4 =	vld [tilespmem:s26+$0x6F90];
	v17 =	vadd.f32 v41, v17  }
0x1c0: {  	v5 =	vld [tilespmem:s26+$0x6FA0];
	v15 =	vadd.f32 v0, v15  }
0x1c1: {  	v0 =	vld [tilespmem:s26+$0x6FB0];
	v14 =	vadd.f32 v1, v14  }
0x1c2: {  	v1 =	vld [tilespmem:s26+$0x6FC0];
	v6 =	vadd.f32 v2, v6  }
0x1c3: {  	v13 =	vadd.f32 v3, v13;
	v2 =	vld [tilespmem:s26+$0x6FD0]  }
0x1c4: {  	v12 =	vadd.f32 v4, v12;
	v3 =	vld [tilespmem:s26+$0x6FE0]  }
0x1c5: {  	v4 =	vld [tilespmem:s21+$0xAF80];
	v11 =	vadd.f32 v5, v11  }
0x1c6: {  	v5 =	vld [tilespmem:s21+$0xAF90];
	v10 =	vadd.f32 v0, v10  }
0x1c7: {  	v0 =	vld [tilespmem:s21+$0xAFA0];
	v9 =	vadd.f32 v1, v9  }
0x1c8: {  	v1 =	vld [tilespmem:s21+$0xAFB0];
	v8 =	vadd.f32 v2, v8  }
0x1c9: {  	v2 =	vld [tilespmem:s21+$0xAFC0];
	v7 =	vadd.f32 v3, v7  }
0x1ca: {  	v55 =	vadd.f32 v4, v55;
	v3 =	vld [tilespmem:s21+$0xAFD0]  }
0x1cb: {  	v53 =	vadd.f32 v5, v53;
	v4 =	vld [tilespmem:s21+$0xAFE0]  }
0x1cc: {  	v52 =	vadd.f32 v0, v52;
	v0 =	vld [tilespmem:s21+$0xAFF0]  }
0x1cd: {  	v51 =	vadd.f32 v1, v51;
	v1 =	vld [tilespmem:s21+$0xB380]  }
0x1ce: {  	v48 =	vadd.f32 v2, v48;
	v2 =	vld [tilespmem:s21+$0xB390]  }
0x1cf: {  	v46 =	vadd.f32 v3, v46;
	v3 =	vld [tilespmem:s21+$0xB3A0]  }
0x1d0: {  	v43 =	vadd.f32 v4, v43;
	v4 =	vld [tilespmem:s21+$0xB3B0]  }
0x1d1: {  	v42 =	vadd.f32 v0, v42;
	v0 =	vld [tilespmem:s21+$0xB3C0]  }
0x1d2: {  	v39 =	vadd.f32 v1, v39;
	v1 =	vld [tilespmem:s21+$0xB3D0]  }
0x1d3: {  	v38 =	vadd.f32 v2, v38;
	v2 =	vld [tilespmem:s21+$0xB3E0]  }
0x1d4: {  	v36 =	vadd.f32 v3, v36;
	v3 =	vld [tilespmem:s21+$0xB3F0]  }
0x1d5: {  	v33 =	vadd.f32 v4, v33;
	v4 =	vld [tilespmem:s21+$0xB780]  }
.Ltmp2:
0x1d6: {  	v31 =	vadd.f32 v0, v31;
	v60 =	vld [tilespmem:s21+$0xB790];
	(pc) =	sbr.rel @p1 .LBB2_7-.Ltmp2, $4  }
0x1d7: {  	v29 =	vadd.f32 v1, v29;
	v57 =	vld [tilespmem:s21+$0xB7A0]  }
0x1d8: {  	v25 =	vadd.f32 v2, v25;
	v49 =	vld [tilespmem:s21+$0xB7B0]  }
0x1d9: {  	v21 =	vadd.f32 v3, v21;
	v44 =	vld [tilespmem:s21+$0xB7C0]  }
0x1da: {  	s22 =	sadd.s32 $0x80, s22;
	s24 =	sand.u32 $0x3000, s23;
	s23 =	sadd.s32 $0x200, s23;
	v18 =	vadd.f32 v4, v18;
	v41 =	vld [tilespmem:s21+$0xB7D0]  }
0x1db: {  	v0 =	vld [tilespmem:s21+$0xB7E0]  }
0x1dc: {  	v61 =	vld [tilespmem:s21+$0xB7F0]  }
0x1dd: {  	s23 =	sor.u32 s24, s22;
	v1 =	vld [tilespmem:$0xAFA0]  }
0x1de: {  	v3 =	vld [tilespmem:$0xAFB0];
	s23 =	sor.u32 $0x4C00, s23  }
0x1df: {  	v62 =	vld [tilespmem:s23+$0x6FF0]  }
0x1e0: {  	v63 =	vld [tilespmem:s23+$0x6F80]  }
0x1e1: {  	v4 =	vld [tilespmem:s23+$0x6F90]  }
0x1e2: {  	v5 =	vld [tilespmem:s23+$0x6FA0]  }
0x1e3: {  	v16 =	vld [tilespmem:s23+$0x6FB0]  }
0x1e4: {  	v19 =	vld [tilespmem:s23+$0x6FC0]  }
0x1e5: {  	s25 =	sand.u32 $0x380, s22;
	v22 =	vld [tilespmem:s23+$0x6FD0]  }
0x1e6: {  	s21 =	sor.u32 s25, s24;
	v23 =	vld [tilespmem:s23+$0x6FE0]  }
0x1e7: {  	v2 =	vld [tilespmem:s21+$0xAF80]  }
0x1e8: {  	v58 =	vld [tilespmem:s21+$0xAF90]  }
0x1e9: {  	v59 =	vld [tilespmem:s21+$0xAFA0]  }
0x1ea: {  	v26 =	vld [tilespmem:s21+$0xB3A0]  }
0x1eb: {  	v30 =	vld [tilespmem:s21+$0xB3B0]  }
0x1ec: {  	v32 =	vld [tilespmem:s21+$0xB3C0]  }
0x1ed: {  	v35 =	vld [tilespmem:s21+$0xB3D0]  }
0x1ee: {  	v37 =	vld [tilespmem:s21+$0xB3E0]  }
0x1ef: {  	v40 =	vld [tilespmem:s21+$0xB3F0]  }
0x1f0: {  	v45 =	vld [tilespmem:s21+$0xB780]  }
0x1f1: {  	v47 =	vld [tilespmem:s21+$0xB790]  }
0x1f2: {  	v50 =	vld [tilespmem:s21+$0xB7A0]  }
0x1f3: {  	v54 =	vld [tilespmem:s21+$0xB7B0]  }
0x1f4: {  	v56 =	vld [tilespmem:s21+$0xB7C0]  }
0x1f5: {  	v24 =	vld [tilespmem:s21+$0xB7D0]  }
0x1f6: {  	[tilespmem:$0x1FE50] =	vst v61;
	v61 =	vld [tilespmem:s21+$0xB7E0]  }
0x1f7: {  	[tilespmem:$0x1FE30] =	vst v0;
	v0 =	vld [tilespmem:$0xAF90]  }
0x1f8: {  	v17 =	vadd.f32 v41, v17;
	v41 =	vld [tilespmem:$0x1FE30]  }
0x1f9: {  	[tilespmem:$0x1FEF0] =	vst v62;
	v62 =	vld [tilespmem:s21+$0xAFB0]  }
0x1fa: {  	[tilespmem:$0x1FE80] =	vst v63;
	v63 =	vld [tilespmem:s21+$0xAFC0]  }
0x1fb: {  	[tilespmem:$0x1FE90] =	vst v4;
	v4 =	vld [tilespmem:s21+$0xAFD0]  }
0x1fc: {  	[tilespmem:$0x1FEA0] =	vst v5;
	v5 =	vld [tilespmem:s21+$0xAFE0]  }
0x1fd: {  	[tilespmem:$0x1FEB0] =	vst v16;
	v16 =	vld [tilespmem:s21+$0xAFF0]  }
0x1fe: {  	[tilespmem:$0x1FEC0] =	vst v19;
	v19 =	vld [tilespmem:s21+$0xB380]  }
0x1ff: {  	[tilespmem:$0x1FEE0] =	vst v23;
	v23 =	vld [tilespmem:s21+$0xB390]  }
0x200: {  	[tilespmem:$0x1FE40] =	vst v24;
	v24 =	vld [tilespmem:s17+$0x3000]  }
0x201: {  	[tilespmem:$0x1FED0] =	vst v22;
	v22 =	vld [tilespmem:s21+$0xB7F0]  }
0x202: {  	v53 =	vadd.f32 v58, v53;
	v58 =	vld [tilespmem:$0x17010]  }
0x203: {  	v25 =	vadd.f32 v37, v25;
	v37 =	vld [tilespmem:$0xB7D0]  }
0x204: {  	v21 =	vadd.f32 v40, v21;
	v40 =	vld [tilespmem:$0x17230]  }
0x205: {  	v18 =	vadd.f32 v45, v18;
	v45 =	vld [tilespmem:$0x17240]  }
0x206: {  	[tilespmem:$0x1FE60] =	vst v61;
	v61 =	vld [tilespmem:$0xAF80]  }
0x207: {  	v15 =	vadd.f32 v41, v15;
	v41 =	vld [tilespmem:$0x1FEC0]  }
0x208: {  	[tilespmem:$0x1FE70] =	vst v22;
	v22 =	vld [tilespmem:s17+$0x5000]  }
0x209: {  	v51 =	vadd.f32 v62, v51;
	v62 =	vld [tilespmem:$0x17030]  }
0x20a: {  	v4 =	vadd.f32 v4, v46;
	v46 =	vld [tilespmem:$0xAFF0]  }
0x20b: {  	v20 =	vadd.f32 v44, v20;
	v23 =	vadd.f32 v23, v38;
	v38 =	vld [tilespmem:$0xB780]  }
0x20c: {  	v2 =	vadd.f32 v2, v55;
	v16 =	vadd.f32 v16, v42;
	v42 =	vld [tilespmem:$0x17150]  }
0x20d: {  	v20 =	vadd.f32 v56, v20;
	v0 =	vmul.f32 v0, v24;
	v56 =	vld [tilespmem:$0x1FE70];
	v55 =	vmul.f32 v61, v24  }
0x20e: {  	v52 =	vadd.f32 v59, v52;
	v1 =	vmul.f32 v1, v24;
	v61 =	vld [tilespmem:$0x17000]  }
0x20f: {  	v0 =	vsub.f32 v53, v0;
	v2 =	vsub.f32 v2, v55;
	v55 =	vld [tilespmem:$0xAFC0]  }
0x210: {  	v3 =	vmul.f32 v3, v24;
	v1 =	vsub.f32 v52, v1;
	v52 =	vld [tilespmem:$0xAFD0]  }
0x211: {  	v53 =	vld [tilespmem:$0x17020];
	v0 =	vmul.f32 v0, v22;
	v2 =	vmul.f32 v2, v22  }
0x212: {  	v48 =	vadd.f32 v63, v48;
	v3 =	vsub.f32 v51, v3;
	v51 =	vld [tilespmem:$0x17060]  }
0x213: {  	v63 =	vsub.f32 v58, v0;
	v58 =	vld [tilespmem:$0x17040];
	v59 =	vsub.f32 v61, v2  }
0x214: {  	v61 =	vld [tilespmem:$0xAFE0];
	v55 =	vmul.f32 v55, v24  }
0x215: {  	v1 =	vmul.f32 v1, v22;
	[tilespmem:$0x17800] =	vst v59;
	v59 =	vmul.f32 v52, v24;
	v52 =	vld [tilespmem:$0xB380]  }
0x216: {  	v3 =	vmul.f32 v3, v22;
	[tilespmem:$0x17C00] =	vst v2;
	v2 =	vsub.f32 v48, v55;
	v55 =	vld [tilespmem:$0x17050]  }
0x217: {  	[tilespmem:$0x17C20] =	vst v1;
	v48 =	vsub.f32 v53, v1;
	v1 =	vld [tilespmem:$0xB390]  }
0x218: {  	[tilespmem:$0x17810] =	vst v63;
	v4 =	vsub.f32 v4, v59;
	v59 =	vsub.f32 v62, v3;
	v62 =	vmul.f32 v46, v24;
	v46 =	vld [tilespmem:$0x17070]  }
0x219: {  	v5 =	vadd.f32 v5, v43;
	v63 =	vmul.f32 v61, v24;
	[tilespmem:$0x17820] =	vst v48;
	v48 =	vld [tilespmem:$0xB3A0]  }
0x21a: {  	v19 =	vadd.f32 v19, v39;
	v2 =	vmul.f32 v2, v22;
	[tilespmem:$0x17830] =	vst v59;
	v4 =	vmul.f32 v4, v22;
	v59 =	vld [tilespmem:$0xB3B0]  }
0x21b: {  	[tilespmem:$0x17C10] =	vst v0;
	v0 =	vsub.f32 v5, v63;
	v63 =	vmul.f32 v52, v24;
	v52 =	vsub.f32 v16, v62;
	v62 =	vld [tilespmem:$0xB3C0]  }
0x21c: {  	[tilespmem:$0x17C30] =	vst v3;
	v53 =	vsub.f32 v55, v4;
	v55 =	vld [tilespmem:$0x17100]  }
0x21d: {  	v61 =	vsub.f32 v58, v2;
	[tilespmem:$0x17C40] =	vst v2;
	v1 =	vmul.f32 v1, v24;
	v58 =	vsub.f32 v19, v63;
	v63 =	vld [tilespmem:$0x17110]  }
0x21e: {  	[tilespmem:$0x17C50] =	vst v4;
	v5 =	vmul.f32 v52, v22;
	v52 =	vld [tilespmem:$0xB3D0]  }
0x21f: {  	[tilespmem:$0x17840] =	vst v61;
	v0 =	vmul.f32 v0, v22;
	v1 =	vsub.f32 v23, v1;
	v23 =	vld [tilespmem:$0x17300]  }
0x220: {  	[tilespmem:$0x17850] =	vst v53;
	v43 =	vsub.f32 v46, v5;
	v46 =	vmul.f32 v48, v24;
	v48 =	vld [tilespmem:$0x17120]  }
0x221: {  	v61 =	vsub.f32 v51, v0;
	v2 =	vmul.f32 v58, v22;
	[tilespmem:$0x17C60] =	vst v0;
	v3 =	vmul.f32 v59, v24;
	v59 =	vld [tilespmem:$0xB3E0]  }
0x222: {  	v26 =	vadd.f32 v26, v36;
	v30 =	vadd.f32 v30, v33;
	[tilespmem:$0x17C70] =	vst v5;
	v58 =	vmul.f32 v62, v24;
	v62 =	vld [tilespmem:$0x17140]  }
0x223: {  	v31 =	vadd.f32 v32, v31;
	[tilespmem:$0x17860] =	vst v61;
	v51 =	vsub.f32 v55, v2;
	v55 =	vld [tilespmem:$0x17130]  }
0x224: {  	v1 =	vmul.f32 v1, v22;
	[tilespmem:$0x17870] =	vst v43;
	v53 =	vsub.f32 v26, v46;
	v26 =	vadd.f32 v57, v34;
	v34 =	vld [tilespmem:$0xB3F0]  }
0x225: {  	v27 =	vadd.f32 v60, v27;
	v3 =	vsub.f32 v30, v3;
	[tilespmem:$0x17D00] =	vst v2;
	v57 =	vld [tilespmem:$0xB7A0]  }
0x226: {  	v60 =	vsub.f32 v63, v1;
	v63 =	vsub.f32 v31, v58;
	[tilespmem:$0x17D10] =	vst v1;
	v31 =	vld [tilespmem:$0x17210]  }
0x227: {  	[tilespmem:$0x17900] =	vst v51;
	v61 =	vmul.f32 v53, v22;
	v51 =	vld [tilespmem:$0xB790]  }
0x228: {  	v29 =	vadd.f32 v35, v29;
	v36 =	vmul.f32 v52, v24;
	v3 =	vmul.f32 v3, v22;
	v53 =	vld [tilespmem:$0x17170];
	[tilespmem:$0x17910] =	vst v60  }
0x229: {  	v26 =	vadd.f32 v50, v26;
	v50 =	vld [tilespmem:$0xBB80];
	v39 =	vmul.f32 v63, v22;
	[tilespmem:$0x17D20] =	vst v61  }
0x22a: {  	v46 =	vsub.f32 v29, v36;
	v19 =	vmul.f32 v59, v24;
	v59 =	vld [tilespmem:$0x17200];
	v35 =	vsub.f32 v48, v61;
	[tilespmem:$0x17D30] =	vst v3  }
0x22b: {  	v28 =	vadd.f32 v49, v28;
	v48 =	vld [tilespmem:$0x17160];
	v43 =	vsub.f32 v55, v3;
	[tilespmem:$0x17D40] =	vst v39  }
0x22c: {  	v29 =	vld [tilespmem:$0xB7C0];
	v49 =	vsub.f32 v62, v39;
	v52 =	vmul.f32 v46, v22;
	v19 =	vsub.f32 v25, v19;
	[tilespmem:$0x17920] =	vst v35  }
0x22d: {  	v60 =	vadd.f32 v47, v27;
	v27 =	vld [tilespmem:$0xBBB0];
	v5 =	vmul.f32 v34, v24;
	[tilespmem:$0x17930] =	vst v43  }
0x22e: {  	v55 =	vmul.f32 v38, v24;
	v62 =	vld [tilespmem:$0xB7B0];
	[tilespmem:$0x17940] =	vst v49;
	v2 =	vsub.f32 v42, v52;
	v58 =	vmul.f32 v19, v22  }
0x22f: {  	v33 =	vmul.f32 v57, v24;
	v34 =	vld [tilespmem:$0x17220];
	v5 =	vsub.f32 v21, v5;
	[tilespmem:$0x17D50] =	vst v52  }
0x230: {  	v46 =	vld [tilespmem:$0x1FE40];
	v61 =	vsub.f32 v18, v55;
	[tilespmem:$0x17950] =	vst v2;
	v63 =	vsub.f32 v48, v58  }
0x231: {  	v25 =	vld [tilespmem:$0x1FE90];
	v39 =	vsub.f32 v26, v33;
	v5 =	vmul.f32 v5, v22;
	[tilespmem:$0x17D60] =	vst v58  }
0x232: {  	v16 =	vmul.f32 v51, v24;
	v43 =	vld [tilespmem:$0xB7E0];
	v30 =	vmul.f32 v61, v22;
	[tilespmem:$0x17960] =	vst v63  }
0x233: {  	v51 =	vld [tilespmem:$0x1FE50];
	v44 =	vmul.f32 v39, v22;
	[tilespmem:$0x17D70] =	vst v5  }
0x234: {  	v52 =	vld [tilespmem:$0x1FE60];
	v42 =	vmul.f32 v29, v24;
	v16 =	vsub.f32 v60, v16;
	v32 =	vsub.f32 v53, v5;
	[tilespmem:$0x17E00] =	vst v30  }
0x235: {  	v35 =	vadd.f32 v54, v28;
	v55 =	vld [tilespmem:$0x17260];
	v36 =	vsub.f32 v59, v30;
	[tilespmem:$0x17E20] =	vst v44  }
0x236: {  	v48 =	vld [tilespmem:$0xB7F0];
	v3 =	vmul.f32 v62, v24;
	v47 =	vsub.f32 v20, v42;
	v38 =	vmul.f32 v16, v22;
	[tilespmem:$0x17970] =	vst v32  }
0x237: {  	v19 =	vmul.f32 v37, v24;
	v58 =	vld [tilespmem:$0xBB90];
	v49 =	vsub.f32 v34, v44;
	[tilespmem:$0x17A00] =	vst v36  }
0x238: {  	v61 =	vld [tilespmem:$0x1FE80];
	v17 =	vadd.f32 v46, v17;
	v3 =	vsub.f32 v35, v3;
	v0 =	vmul.f32 v47, v22;
	[tilespmem:$0x17E10] =	vst v38  }
0x239: {  	v53 =	vld [tilespmem:$0x17250];
	v15 =	vadd.f32 v52, v15;
	v1 =	vsub.f32 v31, v38;
	[tilespmem:$0x17A20] =	vst v49  }
0x23a: {  	v60 =	vld [tilespmem:$0x17270];
	v17 =	vsub.f32 v17, v19;
	v18 =	vmul.f32 v43, v24;
	v3 =	vmul.f32 v3, v22;
	[tilespmem:$0x17E40] =	vst v0  }
0x23b: {  	v46 =	vld [tilespmem:$0x1FED0];
	v14 =	vadd.f32 v51, v14;
	v57 =	vsub.f32 v45, v0;
	[tilespmem:$0x17A10] =	vst v1  }
0x23c: {  	v62 =	vmul.f32 v50, v24;
	v63 =	vld [tilespmem:$0xBBA0];
	v59 =	vmul.f32 v17, v22;
	v15 =	vsub.f32 v15, v18;
	[tilespmem:$0x17E30] =	vst v3  }
0x23d: {  	v30 =	vld [tilespmem:$0xBBC0];
	v14 =	vadd.f32 v56, v14;
	v5 =	vmul.f32 v48, v24;
	v54 =	vsub.f32 v40, v3;
	[tilespmem:$0x17A40] =	vst v57  }
0x23e: {  	v31 =	vld [tilespmem:$0x1FEA0];
	v13 =	vadd.f32 v61, v13;
	v2 =	vsub.f32 v53, v59;
	v21 =	vmul.f32 v15, v22;
	[tilespmem:$0x17E50] =	vst v59  }
0x23f: {  	v12 =	vadd.f32 v25, v12;
	v36 =	vld [tilespmem:$0x1FEB0];
	v29 =	vmul.f32 v58, v24;
	v5 =	vsub.f32 v14, v5;
	[tilespmem:$0x17A30] =	vst v54  }
0x240: {  	v43 =	vld [tilespmem:$0xBBE0];
	v26 =	vsub.f32 v13, v62;
	[tilespmem:$0x17A50] =	vst v2;
	v28 =	vsub.f32 v55, v21  }
0x241: {  	v32 =	vld [tilespmem:$0x17310];
	v12 =	vsub.f32 v12, v29;
	v5 =	vmul.f32 v5, v22;
	[tilespmem:$0x17E60] =	vst v21  }
0x242: {  	v9 =	vadd.f32 v41, v9;
	v38 =	vld [tilespmem:$0xBBD0];
	v8 =	vadd.f32 v46, v8;
	v0 =	vmul.f32 v26, v22;
	[tilespmem:$0x17A60] =	vst v28  }
0x243: {  	v51 =	vld [tilespmem:$0x1FEE0];
	v42 =	vmul.f32 v30, v24;
	v11 =	vadd.f32 v31, v11;
	v39 =	vmul.f32 v12, v22;
	[tilespmem:$0x17E70] =	vst v5  }
0x244: {  	v34 =	vmul.f32 v63, v24;
	v10 =	vadd.f32 v36, v10;
	v33 =	vsub.f32 v60, v5;
	[tilespmem:$0x17F00] =	vst v0  }
0x245: {  	v45 =	vld [tilespmem:$0x17340];
	v3 =	vmul.f32 v27, v24;
	v47 =	vsub.f32 v9, v42;
	v37 =	vsub.f32 v23, v0;
	[tilespmem:$0x17F10] =	vst v39  }
0x246: {  	v48 =	vld [tilespmem:$0xBBF0];
	v11 =	vsub.f32 v11, v34;
	v1 =	vsub.f32 v32, v39;
	[tilespmem:$0x17A70] =	vst v33  }
0x247: {  	v50 =	vmul.f32 v38, v24;
	v55 =	vld [tilespmem:$0x1FEF0];
	v3 =	vsub.f32 v10, v3;
	v0 =	vmul.f32 v47, v22;
	[tilespmem:$0x17B00] =	vst v37  }
0x248: {  	v35 =	vld [tilespmem:$0x17320];
	v7 =	vadd.f32 v51, v7;
	v54 =	vmul.f32 v43, v24;
	v44 =	vmul.f32 v11, v22;
	[tilespmem:$0x17B10] =	vst v1  }
0x249: {  	v40 =	vld [tilespmem:$0x17330];
	v8 =	vsub.f32 v8, v50;
	v3 =	vmul.f32 v3, v22;
	[tilespmem:$0x17F40] =	vst v0  }
0x24a: {  	v52 =	vld [tilespmem:$0x17350];
	v7 =	vsub.f32 v7, v54;
	v56 =	vsub.f32 v45, v0;
	[tilespmem:$0x17F20] =	vst v44  }
0x24b: {  	v57 =	vld [tilespmem:$0x17360];
	v58 =	vmul.f32 v8, v22;
	[tilespmem:$0x17F30] =	vst v3  }
0x24c: {  	v5 =	vmul.f32 v48, v24;
	v60 =	vmul.f32 v7, v22;
	v6 =	vadd.f32 v55, v6;
	[tilespmem:$0x17B40] =	vst v56  }
0x24d: {  	v59 =	vld [tilespmem:$0x17370];
	v49 =	vsub.f32 v35, v44;
	[tilespmem:$0x17F50] =	vst v58  }
0x24e: {  	v53 =	vsub.f32 v40, v3;
	[tilespmem:$0x17F60] =	vst v60;
	v5 =	vsub.f32 v6, v5  }
0x24f: {  	v2 =	vsub.f32 v52, v58;
	[tilespmem:$0x17B20] =	vst v49  }
0x250: {  	p1 =	seq.s32 s13, $0xF;
	v61 =	vsub.f32 v57, v60;
	[tilespmem:$0x17B30] =	vst v53;
	v62 =	vmul.f32 v5, v22  }
.Ltmp3:
0x251: {  	[tilespmem:$0x17B50] =	vst v2;
	(pc) =	sbr.rel @p1 .LBB2_10-.Ltmp3, $4  }
0x252: {  	s26 =	sand.u32 $0x1C00, s17;
	[tilespmem:$0x17B60] =	vst v61;
	v63 =	vsub.f32 v59, v62  }
0x253: {  	s21 =	sadd.s32 s26, s11;
	[tilespmem:$0x17F70] =	vst v62  }
0x254: {  	s20 =	sadd.s32 s20, s21;
	[tilespmem:$0x17B70] =	vst v63  }
0x255: {  	[hbm4b:s20+s0] =	stream.strided.scatter [tilespmem:s7], [sflag:$0x5], $0x800, s3, s0, $0x38;
	[tilespmem:$0x18780] =	vst v63  }
0x256: {  	s19 =	sadd.s32 $0x2, s19  }
0x257: {  	s20 =	sshll.u32 s19, $0x6  }
0x258: {  	s20 =	sand.u32 $0x3FFFFFC0, s20  }
0x259: {  	v0 =	vld [tilespmem:s20+$0x0];
	_ =	sdelay $0x2  }
0x25a: {  	v2 =	vld [tilespmem:$0x1FFC0];
	_ =	sdelay $0x1  }
0x25b: {  	v3 =	vld [tilespmem:$0x1FFD0];
	v1 =	vshll.u32 v0, $0x2  }
0x25c: {  	v0 =	vand.u32 $0x7, v0;
	v1 =	vand.u32 $0xFFFFFFE0, v1  }
0x25d: {  	v4 =	vld [tilespmem:$0x1FFE0];
	v0 =	vor.u32 v0, v1  }
0x25e: {  	v1 =	vperm.xlane v0, v2;
	_ =	sdelay $0x1  }
0x25f: {  	v1 =	vadd.s32 v3, v1;
	_ =	sdelay $0x1  }
0x260: {  	v0 =	vperm.xlane v0, v4;
	_ =	sdelay $0x1  }
0x261: {  	s21 =	simm.s32 $0x6F80;
	v0 =	vadd.s32 v3, v0  }
0x262: {  	[tilespmem:s21], [sflag:$0x1] =	stream.indirect_vreg.gather [hbm4b:s1+s5], $0x80, v1, vm0, $0xb8;
	[tilespmem:$0x18780] =	vst v63  }
0x263: {  	s25 =	simm.s32 $0x7780  }
0x264: {  	[tilespmem:s25], [sflag:$0x1] =	stream.indirect_vreg.gather [hbm4b:s9+s5], $0x80, v1, vm0, $0xb8;
	[tilespmem:$0x18780] =	vst v63  }
0x265: {  	s26 =	simm.s32 $0x7F80  }
0x266: {  	[tilespmem:s26], [sflag:$0x1] =	stream.indirect_vreg.gather [hbm4b:s1+s5], $0x80, v0, vm0, $0xb8;
	[tilespmem:$0x18780] =	vst v63  }
0x267: {  	s22 =	simm.s32 $0x8780  }
0x268: {  	[tilespmem:s22], [sflag:$0x1] =	stream.indirect_vreg.gather [hbm4b:s9+s5], $0x80, v0, vm0, $0xb8;
	[tilespmem:$0x18780] =	vst v63  }
0x269: {  	v0 =	vld [tilespmem:s20+$0x10];
	_ =	sdelay $0x4  }
0x26a: {  	v61 =	vshll.u32 v0, $0x2  }
0x26b: {  	v0 =	vand.u32 $0x7, v0;
	v1 =	vand.u32 $0xFFFFFFE0, v61  }
0x26c: {  	v0 =	vor.u32 v0, v1  }
0x26d: {  	v1 =	vperm.xlane v0, v2;
	_ =	sdelay $0x1  }
0x26e: {  	v1 =	vadd.s32 v3, v1;
	_ =	sdelay $0x1  }
0x26f: {  	v0 =	vperm.xlane v0, v4;
	_ =	sdelay $0x1  }
0x270: {  	s23 =	simm.s32 $0x8F80;
	v0 =	vadd.s32 v3, v0  }
0x271: {  	[tilespmem:s23], [sflag:$0x1] =	stream.indirect_vreg.gather [hbm4b:s1+s5], $0x80, v1, vm0, $0xb8;
	[tilespmem:$0x18780] =	vst v63  }
0x272: {  	s24 =	simm.s32 $0x9780  }
0x273: {  	[tilespmem:s24], [sflag:$0x1] =	stream.indirect_vreg.gather [hbm4b:s9+s5], $0x80, v1, vm0, $0xb8;
	[tilespmem:$0x18780] =	vst v63  }
0x274: {  	s25 =	simm.s32 $0x9F80  }
0x275: {  	[tilespmem:s25], [sflag:$0x1] =	stream.indirect_vreg.gather [hbm4b:s1+s5], $0x80, v0, vm0, $0xb8;
	[tilespmem:$0x18780] =	vst v63  }
0x276: {  	s26 =	simm.s32 $0xA780  }
0x277: {  	[tilespmem:s26], [sflag:$0x1] =	stream.indirect_vreg.gather [hbm4b:s9+s5], $0x80, v0, vm0, $0xb8;
	[tilespmem:$0x18780] =	vst v63  }
0x278: {  	v0 =	vld [tilespmem:s20+$0x20];
	_ =	sdelay $0x4  }
0x279: {  	v62 =	vshll.u32 v0, $0x2  }
0x27a: {  	v0 =	vand.u32 $0x7, v0;
	v1 =	vand.u32 $0xFFFFFFE0, v62  }
0x27b: {  	v0 =	vor.u32 v0, v1  }
0x27c: {  	v1 =	vperm.xlane v0, v2;
	_ =	sdelay $0x1  }
0x27d: {  	v1 =	vadd.s32 v3, v1;
	_ =	sdelay $0x1  }
0x27e: {  	v0 =	vperm.xlane v0, v4;
	_ =	sdelay $0x1  }
0x27f: {  	s22 =	simm.s32 $0xAF80;
	v0 =	vadd.s32 v3, v0  }
0x280: {  	[tilespmem:s22], [sflag:$0x1] =	stream.indirect_vreg.gather [hbm4b:s1+s5], $0x80, v1, vm0, $0xb8;
	[tilespmem:$0x18780] =	vst v63  }
0x281: {  	s23 =	simm.s32 $0xB780  }
0x282: {  	[tilespmem:s23], [sflag:$0x1] =	stream.indirect_vreg.gather [hbm4b:s9+s5], $0x80, v1, vm0, $0xb8;
	[tilespmem:$0x18780] =	vst v63  }
0x283: {  	s24 =	simm.s32 $0xBF80  }
0x284: {  	[tilespmem:s24], [sflag:$0x1] =	stream.indirect_vreg.gather [hbm4b:s1+s5], $0x80, v0, vm0, $0xb8;
	[tilespmem:$0x18780] =	vst v63  }
0x285: {  	s25 =	simm.s32 $0xC780  }
0x286: {  	[tilespmem:s25], [sflag:$0x1] =	stream.indirect_vreg.gather [hbm4b:s9+s5], $0x80, v0, vm0, $0xb8;
	[tilespmem:$0x18780] =	vst v63  }
0x287: {  	v0 =	vld [tilespmem:s20+$0x30];
	_ =	sdelay $0x4  }
0x288: {  	v63 =	vshll.u32 v0, $0x2  }
0x289: {  	v0 =	vand.u32 $0x7, v0;
	v1 =	vand.u32 $0xFFFFFFE0, v63  }
0x28a: {  	v0 =	vor.u32 v0, v1  }
0x28b: {  	v1 =	vperm.xlane v0, v2;
	_ =	sdelay $0x1  }
0x28c: {  	v1 =	vadd.s32 v3, v1;
	_ =	sdelay $0x1  }
0x28d: {  	v0 =	vperm.xlane v0, v4;
	_ =	sdelay $0x1  }
0x28e: {  	s21 =	simm.s32 $0xD780;
	s26 =	simm.s32 $0xCF80;
	v0 =	vadd.s32 v3, v0  }
0x28f: {  	[tilespmem:s26], [sflag:$0x1] =	stream.indirect_vreg.gather [hbm4b:s1+s5], $0x80, v1, vm0, $0xb8;
	[tilespmem:$0x18780] =	vst v63  }
0x290: {  	s24 =	sshll.u32 s19, $0x7;
	s19 =	sshll.u32 s19, $0x5;
	s25 =	rddreg [dreg:$0x6]  }
0x291: {  	[tilespmem:s21], [sflag:$0x1] =	stream.indirect_vreg.gather [hbm4b:s9+s5], $0x80, v1, vm0, $0xb8;
	[tilespmem:$0x18780] =	vst v63  }
0x292: {  	s22 =	simm.s32 $0xDF80;
	s19 =	sand.u32 $0x40, s19;
	s20 =	sadd.s32 s25, s24  }
0x293: {  	[tilespmem:s22], [sflag:$0x1] =	stream.indirect_vreg.gather [hbm4b:s1+s5], $0x80, v0, vm0, $0xb8;
	[tilespmem:$0x18780] =	vst v63  }
0x294: {  	s23 =	simm.s32 $0xE780;
	s19 =	sadd.s32 s2, s19;
	s20 =	sand.u32 $0x3FE00, s20  }
0x295: {  	[tilespmem:s23], [sflag:$0x1] =	stream.indirect_vreg.gather [hbm4b:s9+s5], $0x80, v0, vm0, $0xb8;
	[tilespmem:$0x18780] =	vst v63  }
0x296: {  	s19 =	sadd.s32 s20, s19;
	s26 =	simm.s32 $0x16F80  }
0x297: {  	[tilespmem:s26], [sflag:$0x3] =	stream.strided.gather [hbm4b:s19+s0], $0x400, s3, s0, $0x38;
	[tilespmem:$0x18780] =	vst v63  }
.LBB2_10:
0x298: {  	_ =	swait.ge [sflag:s4], $0x8000  }
0x299: {  	[sflag:s4] =	ssyncset.done $0x0  }
0x29a: {  	[sflag:s4] =	ssyncadd.s32 $0xFFFF8000  }
0x29b: {  	_ =	swait.ge [sflag:s8], $0x400  }
0x29c: {  	[sflag:s8] =	ssyncset.done $0x0  }
0x29d: {  	s19 =	simm.s32 @!p0 $0x6;
	[sflag:s8] =	ssyncadd.s32 $0xFFFFFC00  }
0x29e: {  	s20 =	simm.s32 $0x0;
	_ =	swait.ge @!p0 [sflag:s19], $0x800  }
0x29f: {  	s21 =	sand.u32 $0x3000, s20;
	s20 =	sand.u32 $0x380, s20;
	[sflag:s19] =	ssyncset.done @!p0 $0x0  }
0x2a0: {  	[sflag:s19] =	ssyncadd.s32 @!p0 $0xFFFFF800;
	s19 =	sor.u32 s20, s21  }
0x2a1: {  	v0 =	vld [tilespmem:s19+$0xFBF0]  }
0x2a2: {  	v1 =	vld [tilespmem:s19+$0xEF80]  }
0x2a3: {  	v2 =	vld [tilespmem:s19+$0xEF90]  }
0x2a4: {  	v3 =	vld [tilespmem:s19+$0xEFA0]  }
0x2a5: {  	v4 =	vld [tilespmem:s19+$0xEFB0]  }
0x2a6: {  	v5 =	vld [tilespmem:s19+$0xEFC0]  }
0x2a7: {  	v7 =	vld [tilespmem:s19+$0xEFD0]  }
0x2a8: {  	v8 =	vld [tilespmem:s19+$0xEFE0]  }
0x2a9: {  	v9 =	vld [tilespmem:s19+$0xEFF0]  }
0x2aa: {  	v10 =	vld [tilespmem:s19+$0xF380]  }
0x2ab: {  	v11 =	vld [tilespmem:s19+$0xF390]  }
0x2ac: {  	v12 =	vld [tilespmem:s19+$0xF3A0]  }
0x2ad: {  	v14 =	vld [tilespmem:s19+$0xF3B0]  }
0x2ae: {  	v15 =	vld [tilespmem:s19+$0xF3C0]  }
0x2af: {  	v16 =	vld [tilespmem:s19+$0xF3D0]  }
0x2b0: {  	v17 =	vld [tilespmem:s19+$0xF3E0]  }
0x2b1: {  	v13 =	vimm.f32 $0.0e+00;
	v18 =	vld [tilespmem:s19+$0xF3F0]  }
0x2b2: {  	v60 =	vld [tilespmem:s19+$0xF780];
	v6 =	vadd.f32 v0, v13  }
0x2b3: {  	v61 =	vld [tilespmem:s19+$0xF790];
	v55 =	vadd.f32 v1, v13;
	v54 =	vadd.f32 v2, v13  }
0x2b4: {  	v62 =	vld [tilespmem:s19+$0xF7A0];
	v53 =	vadd.f32 v3, v13;
	v51 =	vadd.f32 v4, v13  }
0x2b5: {  	v63 =	vld [tilespmem:s19+$0xF7B0];
	v49 =	vadd.f32 v5, v13;
	v48 =	vadd.f32 v7, v13  }
0x2b6: {  	v46 =	vadd.f32 v8, v13;
	v43 =	vadd.f32 v9, v13;
	v4 =	vld [tilespmem:s19+$0xF7C0]  }
0x2b7: {  	v41 =	vadd.f32 v10, v13;
	v39 =	vadd.f32 v11, v13;
	v5 =	vld [tilespmem:s19+$0xF7D0]  }
0x2b8: {  	v36 =	vadd.f32 v12, v13;
	v34 =	vadd.f32 v14, v13;
	v7 =	vld [tilespmem:s19+$0xF7E0]  }
0x2b9: {  	v31 =	vadd.f32 v15, v13;
	v30 =	vadd.f32 v16, v13;
	v8 =	vld [tilespmem:s19+$0xF7F0]  }
0x2ba: {  	v26 =	vadd.f32 v17, v13;
	v23 =	vadd.f32 v18, v13;
	v9 =	vld [tilespmem:s19+$0xFB80]  }
0x2bb: {  	v44 =	vld [tilespmem:s19+$0xFB90];
	v22 =	vadd.f32 v60, v13;
	v20 =	vadd.f32 v61, v13  }
0x2bc: {  	v38 =	vld [tilespmem:s19+$0xFBA0];
	v19 =	vadd.f32 v62, v13;
	v17 =	vadd.f32 v63, v13;
	v18 =	vimm.f32 $0.0e+00  }
0x2bd: {  	v33 =	vld [tilespmem:s19+$0xFBB0];
	v15 =	vimm.f32 $0.0e+00;
	v16 =	vadd.f32 v4, v13;
	v14 =	vadd.f32 v5, v13  }
0x2be: {  	s26 =	simm.s32 $0x200;
	s20 =	simm.s32 $0x80;
	v29 =	vld [tilespmem:s19+$0xFBC0];
	v11 =	vimm.f32 $0.0e+00;
	v12 =	vadd.f32 v7, v13;
	v10 =	vadd.f32 v8, v13  }
0x2bf: {  	s22 =	sand.u32 $0x3000, s26;
	s21 =	simm.s32 $0x400;
	s23 =	sand.u32 $0x380, s20;
	v24 =	vld [tilespmem:s19+$0xFBD0];
	v9 =	vadd.f32 v9, v13;
	v8 =	vimm.f32 $0.0e+00;
	v7 =	vimm.f32 $0.0e+00  }
.LBB2_11:
0x2c0: {  	p0 =	sne.s32 s21, $0x3E00;
	v13 =	vadd.f32 v44, v13;
	v0 =	vld [tilespmem:s19+$0xFBE0];
	s19 =	sor.u32 s23, s22  }
0x2c1: {  	v1 =	vld [tilespmem:s19+$0xFBF0];
	v18 =	vadd.f32 v38, v18  }
0x2c2: {  	v2 =	vld [tilespmem:s19+$0xEF80];
	v15 =	vadd.f32 v33, v15  }
0x2c3: {  	v3 =	vld [tilespmem:s19+$0xEF90];
	v11 =	vadd.f32 v29, v11  }
0x2c4: {  	v4 =	vld [tilespmem:s19+$0xEFA0];
	v8 =	vadd.f32 v24, v8  }
0x2c5: {  	v5 =	vld [tilespmem:s19+$0xEFB0];
	v7 =	vadd.f32 v0, v7  }
0x2c6: {  	v0 =	vld [tilespmem:s19+$0xEFC0];
	v6 =	vadd.f32 v1, v6  }
0x2c7: {  	v55 =	vadd.f32 v2, v55;
	v1 =	vld [tilespmem:s19+$0xEFD0]  }
0x2c8: {  	v54 =	vadd.f32 v3, v54;
	v2 =	vld [tilespmem:s19+$0xEFE0]  }
0x2c9: {  	v53 =	vadd.f32 v4, v53;
	v3 =	vld [tilespmem:s19+$0xEFF0]  }
0x2ca: {  	v51 =	vadd.f32 v5, v51;
	v4 =	vld [tilespmem:s19+$0xF380]  }
0x2cb: {  	v49 =	vadd.f32 v0, v49;
	v0 =	vld [tilespmem:s19+$0xF390]  }
0x2cc: {  	v48 =	vadd.f32 v1, v48;
	v1 =	vld [tilespmem:s19+$0xF3A0]  }
0x2cd: {  	v46 =	vadd.f32 v2, v46;
	v2 =	vld [tilespmem:s19+$0xF3B0]  }
0x2ce: {  	v43 =	vadd.f32 v3, v43;
	v3 =	vld [tilespmem:s19+$0xF3C0]  }
0x2cf: {  	v41 =	vadd.f32 v4, v41;
	v4 =	vld [tilespmem:s19+$0xF3D0]  }
0x2d0: {  	v39 =	vadd.f32 v0, v39;
	v0 =	vld [tilespmem:s19+$0xF3E0]  }
0x2d1: {  	v36 =	vadd.f32 v1, v36;
	v1 =	vld [tilespmem:s19+$0xF3F0]  }
0x2d2: {  	v34 =	vadd.f32 v2, v34;
	v2 =	vld [tilespmem:s19+$0xF780]  }
0x2d3: {  	v31 =	vadd.f32 v3, v31;
	v3 =	vld [tilespmem:s19+$0xF790]  }
0x2d4: {  	v30 =	vadd.f32 v4, v30;
	v4 =	vld [tilespmem:s19+$0xF7A0]  }
0x2d5: {  	v26 =	vadd.f32 v0, v26;
	v0 =	vld [tilespmem:s19+$0xF7B0]  }
0x2d6: {  	v23 =	vadd.f32 v1, v23;
	v1 =	vld [tilespmem:s19+$0xF7C0]  }
0x2d7: {  	v22 =	vadd.f32 v2, v22;
	v2 =	vld [tilespmem:s19+$0xF7D0]  }
0x2d8: {  	v20 =	vadd.f32 v3, v20;
	v3 =	vld [tilespmem:s19+$0xF7E0]  }
0x2d9: {  	v19 =	vadd.f32 v4, v19;
	v4 =	vld [tilespmem:s19+$0xF7F0]  }
0x2da: {  	v17 =	vadd.f32 v0, v17;
	v0 =	vld [tilespmem:s19+$0xFB80]  }
.Ltmp4:
0x2db: {  	v16 =	vadd.f32 v1, v16;
	v44 =	vld [tilespmem:s19+$0xFB90];
	(pc) =	sbr.rel @p0 .LBB2_11-.Ltmp4, $4  }
0x2dc: {  	v14 =	vadd.f32 v2, v14;
	v38 =	vld [tilespmem:s19+$0xFBA0]  }
0x2dd: {  	v12 =	vadd.f32 v3, v12;
	v33 =	vld [tilespmem:s19+$0xFBB0]  }
0x2de: {  	s20 =	sadd.s32 $0x80, s20;
	v10 =	vadd.f32 v4, v10;
	v29 =	vld [tilespmem:s19+$0xFBC0]  }
0x2df: {  	s22 =	sand.u32 $0x3000, s21;
	s21 =	sadd.s32 $0x200, s21;
	s23 =	sand.u32 $0x380, s20;
	v9 =	vadd.f32 v0, v9;
	v24 =	vld [tilespmem:s19+$0xFBD0]  }
0x2e0: {  	v0 =	vld [tilespmem:s19+$0xFBE0];
	_ =	sdelay $0x3  }
0x2e1: {  	s20 =	sor.u32 s23, s22  }
0x2e2: {  	[tilespmem:$0x1FDE0] =	vst v0;
	v0 =	vld [tilespmem:s20+$0xF7D0];
	_ =	sdelay $0x4  }
0x2e3: {  	[tilespmem:$0x1FD70] =	vst v0;
	v0 =	vld [tilespmem:s20+$0xF7E0];
	_ =	sdelay $0x4  }
0x2e4: {  	[tilespmem:$0x1FD80] =	vst v0;
	v0 =	vld [tilespmem:s20+$0xF7F0];
	_ =	sdelay $0x4  }
0x2e5: {  	[tilespmem:$0x1FD90] =	vst v0;
	v0 =	vld [tilespmem:s20+$0xFB80];
	_ =	sdelay $0x2  }
0x2e6: {  	v27 =	vld [tilespmem:s18+$0x2F80]  }
0x2e7: {  	v2 =	vld [tilespmem:$0xEFA0]  }
0x2e8: {  	[tilespmem:$0x1FDA0] =	vst v0;
	v0 =	vld [tilespmem:s20+$0xFB90]  }
0x2e9: {  	v25 =	vld [tilespmem:s18+$0x4F80]  }
0x2ea: {  	v4 =	vld [tilespmem:$0xEFB0]  }
0x2eb: {  	v57 =	vld [tilespmem:s20+$0xFBF0]  }
0x2ec: {  	v3 =	vld [tilespmem:s20+$0xEF80]  }
0x2ed: {  	[tilespmem:$0x1FDB0] =	vst v0;
	v0 =	vld [tilespmem:s20+$0xFBA0]  }
0x2ee: {  	v58 =	vld [tilespmem:s20+$0xEF90]  }
0x2ef: {  	v59 =	vld [tilespmem:s20+$0xEFA0]  }
0x2f0: {  	v61 =	vld [tilespmem:s20+$0xEFB0]  }
0x2f1: {  	v62 =	vld [tilespmem:s20+$0xEFC0]  }
0x2f2: {  	[tilespmem:$0x1FDC0] =	vst v0;
	v0 =	vld [tilespmem:s20+$0xFBB0]  }
0x2f3: {  	v63 =	vld [tilespmem:s20+$0xEFD0]  }
0x2f4: {  	v5 =	vld [tilespmem:s20+$0xEFE0]  }
0x2f5: {  	v21 =	vld [tilespmem:s20+$0xEFF0]  }
0x2f6: {  	v28 =	vld [tilespmem:s20+$0xF380]  }
0x2f7: {  	[tilespmem:$0x1FDD0] =	vst v0;
	v0 =	vld [tilespmem:s20+$0xFBC0]  }
0x2f8: {  	v32 =	vld [tilespmem:s20+$0xF390]  }
0x2f9: {  	v35 =	vld [tilespmem:s20+$0xF3A0]  }
0x2fa: {  	v37 =	vld [tilespmem:s20+$0xF3B0]  }
0x2fb: {  	v40 =	vld [tilespmem:s20+$0xF3C0]  }
0x2fc: {  	[tilespmem:$0x1FDF0] =	vst v0;
	v0 =	vld [tilespmem:s20+$0xFBD0]  }
0x2fd: {  	v42 =	vld [tilespmem:s20+$0xF3D0]  }
0x2fe: {  	v45 =	vld [tilespmem:s20+$0xF3E0]  }
0x2ff: {  	v47 =	vld [tilespmem:s20+$0xF3F0]  }
0x300: {  	v50 =	vld [tilespmem:s20+$0xF780]  }
0x301: {  	[tilespmem:$0x1FE00] =	vst v0;
	v0 =	vld [tilespmem:$0xEF80]  }
0x302: {  	v1 =	vld [tilespmem:s20+$0xFBE0]  }
0x303: {  	v60 =	vld [tilespmem:s20+$0xF790]  }
0x304: {  	v52 =	vld [tilespmem:s20+$0xF7A0]  }
0x305: {  	v56 =	vld [tilespmem:s20+$0xF7B0]  }
0x306: {  	[tilespmem:$0x1FE20] =	vst v57;
	v57 =	vld [tilespmem:s20+$0xF7C0];
	v3 =	vadd.f32 v3, v55;
	v0 =	vmul.f32 v0, v27  }
0x307: {  	[tilespmem:$0x1FE10] =	vst v1;
	v1 =	vld [tilespmem:$0xEF90]  }
0x308: {  	v0 =	vsub.f32 v3, v0;
	v3 =	vld [tilespmem:$0xEFC0]  }
0x309: {  	v2 =	vmul.f32 v2, v27;
	v55 =	vld [tilespmem:$0x17380];
	v53 =	vadd.f32 v59, v53  }
0x30a: {  	v54 =	vadd.f32 v58, v54;
	v58 =	vld [tilespmem:$0x17390]  }
0x30b: {  	v2 =	vsub.f32 v53, v2;
	v53 =	vld [tilespmem:$0xEFD0]  }
0x30c: {  	v51 =	vadd.f32 v61, v51;
	v59 =	vld [tilespmem:$0xEFE0];
	v1 =	vmul.f32 v1, v27  }
0x30d: {  	v49 =	vadd.f32 v62, v49;
	v61 =	vld [tilespmem:$0x173B0];
	v0 =	vmul.f32 v0, v25;
	v3 =	vmul.f32 v3, v27  }
0x30e: {  	v1 =	vsub.f32 v54, v1;
	v54 =	vld [tilespmem:$0x173A0]  }
0x30f: {  	v4 =	vmul.f32 v4, v27;
	v55 =	vsub.f32 v55, v0;
	[tilespmem:$0x18380] =	vst v0;
	v0 =	vsub.f32 v49, v3;
	v3 =	vld [tilespmem:$0xEFF0]  }
0x310: {  	v48 =	vadd.f32 v63, v48;
	v63 =	vmul.f32 v53, v27;
	v53 =	vld [tilespmem:$0xF380];
	v1 =	vmul.f32 v1, v25  }
0x311: {  	v5 =	vadd.f32 v5, v46;
	v4 =	vsub.f32 v51, v4  }
0x312: {  	v21 =	vadd.f32 v21, v43;
	v2 =	vmul.f32 v2, v25;
	v58 =	vsub.f32 v58, v1;
	[tilespmem:$0x17F80] =	vst v55;
	v55 =	vld [tilespmem:$0x173C0]  }
0x313: {  	v46 =	vld [tilespmem:$0x173D0];
	v28 =	vadd.f32 v28, v41;
	v4 =	vmul.f32 v4, v25;
	v48 =	vsub.f32 v48, v63  }
0x314: {  	v63 =	vld [tilespmem:$0x173F0];
	v62 =	vsub.f32 v54, v2;
	v54 =	vmul.f32 v59, v27;
	[tilespmem:$0x17F90] =	vst v58;
	v3 =	vmul.f32 v3, v27  }
0x315: {  	v59 =	vld [tilespmem:$0x173E0];
	v58 =	vsub.f32 v61, v4;
	[tilespmem:$0x183B0] =	vst v4;
	v4 =	vmul.f32 v53, v27;
	v0 =	vmul.f32 v0, v25  }
0x316: {  	[tilespmem:$0x18390] =	vst v1;
	v1 =	vsub.f32 v5, v54;
	v3 =	vsub.f32 v21, v3;
	v21 =	vld [tilespmem:$0x17480]  }
0x317: {  	[tilespmem:$0x17FA0] =	vst v62;
	v62 =	vmul.f32 v48, v25;
	v54 =	vld [tilespmem:$0xF3A0];
	v5 =	vsub.f32 v55, v0;
	v55 =	vsub.f32 v28, v4  }
0x318: {  	[tilespmem:$0x183C0] =	vst v0;
	v28 =	vld [tilespmem:$0xF3C0]  }
0x319: {  	v61 =	vld [tilespmem:$0xF390];
	v1 =	vmul.f32 v1, v25;
	[tilespmem:$0x17FC0] =	vst v5;
	v5 =	vsub.f32 v46, v62;
	v0 =	vmul.f32 v55, v25  }
0x31a: {  	[tilespmem:$0x183D0] =	vst v62;
	v4 =	vld [tilespmem:$0xF3B0]  }
0x31b: {  	[tilespmem:$0x17FD0] =	vst v5;
	v5 =	vsub.f32 v59, v1;
	v3 =	vmul.f32 v3, v25;
	v62 =	vsub.f32 v21, v0;
	v21 =	vld [tilespmem:$0xF3D0]  }
0x31c: {  	v35 =	vadd.f32 v35, v36;
	v34 =	vadd.f32 v37, v34;
	v41 =	vld [tilespmem:$0x174C0]  }
0x31d: {  	v59 =	vmul.f32 v54, v27;
	v37 =	vmul.f32 v28, v27;
	v28 =	vld [tilespmem:$0xF3E0];
	[tilespmem:$0x17FE0] =	vst v5;
	v5 =	vsub.f32 v63, v3  }
0x31e: {  	v31 =	vadd.f32 v40, v31;
	[tilespmem:$0x183A0] =	vst v2;
	v2 =	vmul.f32 v61, v27;
	v61 =	vld [tilespmem:$0x174A0]  }
0x31f: {  	v4 =	vmul.f32 v4, v27;
	v63 =	vld [tilespmem:$0x174B0];
	[tilespmem:$0x17FF0] =	vst v5;
	v5 =	vsub.f32 v35, v59  }
0x320: {  	v30 =	vadd.f32 v42, v30;
	v42 =	vsub.f32 v31, v37;
	v31 =	vld [tilespmem:$0xF780];
	v21 =	vmul.f32 v21, v27  }
0x321: {  	v26 =	vadd.f32 v45, v26;
	v4 =	vsub.f32 v34, v4;
	v5 =	vmul.f32 v5, v25  }
0x322: {  	v43 =	vld [tilespmem:$0xF3F0];
	[tilespmem:$0x18480] =	vst v0;
	v0 =	vmul.f32 v42, v25;
	v28 =	vmul.f32 v28, v27;
	v21 =	vsub.f32 v30, v21  }
0x323: {  	v51 =	vld [tilespmem:$0xF790];
	v4 =	vmul.f32 v4, v25;
	v46 =	vsub.f32 v61, v5  }
0x324: {  	[tilespmem:$0x184A0] =	vst v5;
	v5 =	vsub.f32 v41, v0;
	v30 =	vld [tilespmem:$0x174E0];
	v53 =	vmul.f32 v21, v25;
	v21 =	vsub.f32 v26, v28  }
0x325: {  	v22 =	vadd.f32 v50, v22;
	[tilespmem:$0x184B0] =	vst v4;
	v49 =	vsub.f32 v63, v4;
	v4 =	vmul.f32 v31, v27;
	v28 =	vld [tilespmem:$0xF7A0]  }
0x326: {  	[tilespmem:$0x180C0] =	vst v5;
	v5 =	vmul.f32 v21, v25;
	v21 =	vld [tilespmem:$0x17580]  }
0x327: {  	v23 =	vadd.f32 v47, v23;
	[tilespmem:$0x183F0] =	vst v3;
	v3 =	vmul.f32 v43, v27;
	v54 =	vsub.f32 v22, v4  }
0x328: {  	v20 =	vadd.f32 v60, v20;
	v22 =	vmul.f32 v51, v27  }
0x329: {  	v3 =	vsub.f32 v23, v3;
	v23 =	vld [tilespmem:$0xF7C0];
	[tilespmem:$0x184C0] =	vst v0;
	v0 =	vmul.f32 v54, v25  }
0x32a: {  	v19 =	vadd.f32 v52, v19;
	v4 =	vld [tilespmem:$0xF7B0];
	v20 =	vsub.f32 v20, v22;
	v22 =	vmul.f32 v28, v27  }
0x32b: {  	v55 =	vsub.f32 v30, v5;
	[tilespmem:$0x184E0] =	vst v5;
	v5 =	vsub.f32 v21, v0;
	v21 =	vld [tilespmem:$0xF7D0]  }
0x32c: {  	v19 =	vsub.f32 v19, v22  }
0x32d: {  	v26 =	vld [tilespmem:$0x174F0]  }
0x32e: {  	v16 =	vadd.f32 v57, v16;
	v61 =	vmul.f32 v23, v27;
	[tilespmem:$0x18180] =	vst v5;
	v5 =	vmul.f32 v19, v25;
	v19 =	vld [tilespmem:$0x1FD70]  }
0x32f: {  	v17 =	vadd.f32 v56, v17;
	v22 =	vld [tilespmem:$0xF7E0]  }
0x330: {  	[tilespmem:$0x18080] =	vst v62;
	v62 =	vsub.f32 v16, v61;
	v4 =	vmul.f32 v4, v27;
	v16 =	vmul.f32 v21, v27;
	v21 =	vld [tilespmem:$0x1FD80]  }
0x331: {  	v3 =	vmul.f32 v3, v25  }
0x332: {  	v4 =	vsub.f32 v17, v4;
	v17 =	vld [tilespmem:$0x175C0]  }
0x333: {  	v59 =	vsub.f32 v26, v3;
	v26 =	vld [tilespmem:$0x175A0];
	v14 =	vadd.f32 v19, v14  }
0x334: {  	v32 =	vadd.f32 v32, v39  }
0x335: {  	v14 =	vsub.f32 v14, v16;
	v16 =	vmul.f32 v22, v27;
	v12 =	vadd.f32 v21, v12  }
0x336: {  	v60 =	vmul.f32 v20, v25;
	v20 =	vld [tilespmem:$0x175B0];
	[tilespmem:$0x18580] =	vst v0;
	v0 =	vmul.f32 v62, v25  }
0x337: {  	v2 =	vsub.f32 v32, v2;
	v12 =	vsub.f32 v12, v16;
	v16 =	vld [tilespmem:$0x1FDA0]  }
0x338: {  	v32 =	vsub.f32 v26, v5;
	[tilespmem:$0x185A0] =	vst v5;
	v5 =	vsub.f32 v17, v0;
	v19 =	vld [tilespmem:$0xFB80]  }
0x339: {  	v17 =	vld [tilespmem:$0xFB90]  }
0x33a: {  	[tilespmem:$0x181C0] =	vst v5;
	v5 =	vmul.f32 v12, v25;
	v12 =	vld [tilespmem:$0x1FDB0]  }
0x33b: {  	[tilespmem:$0x17FB0] =	vst v58;
	v58 =	vld [tilespmem:$0x17490];
	v4 =	vmul.f32 v4, v25  }
0x33c: {  	v9 =	vadd.f32 v16, v9;
	v16 =	vld [tilespmem:$0xFBA0]  }
0x33d: {  	v13 =	vadd.f32 v44, v13;
	v34 =	vsub.f32 v20, v4;
	[tilespmem:$0x185B0] =	vst v4;
	v4 =	vmul.f32 v19, v27  }
0x33e: {  	v48 =	vld [tilespmem:$0x174D0];
	v2 =	vmul.f32 v2, v25  }
0x33f: {  	v63 =	vld [tilespmem:$0xF7F0];
	v12 =	vadd.f32 v12, v13;
	v36 =	vsub.f32 v9, v4;
	v9 =	vmul.f32 v17, v27  }
0x340: {  	[tilespmem:$0x183E0] =	vst v1;
	v40 =	vsub.f32 v58, v2;
	v21 =	vld [tilespmem:$0x1FD90]  }
0x341: {  	[tilespmem:$0x18490] =	vst v2;
	v9 =	vsub.f32 v12, v9;
	v12 =	vmul.f32 v16, v27;
	v16 =	vld [tilespmem:$0x1FDD0]  }
0x342: {  	v58 =	vld [tilespmem:$0x17590];
	[tilespmem:$0x18090] =	vst v40  }
0x343: {  	[tilespmem:$0x184F0] =	vst v3  }
0x344: {  	v15 =	vadd.f32 v33, v15;
	[tilespmem:$0x180B0] =	vst v49  }
0x345: {  	v33 =	vld [tilespmem:$0x175D0];
	[tilespmem:$0x180A0] =	vst v46;
	v2 =	vsub.f32 v48, v53  }
0x346: {  	[tilespmem:$0x184D0] =	vst v53;
	v3 =	vmul.f32 v63, v27;
	v10 =	vadd.f32 v21, v10;
	v15 =	vadd.f32 v16, v15;
	v16 =	vld [tilespmem:$0x1FDE0]  }
0x347: {  	v1 =	vsub.f32 v58, v60;
	[tilespmem:$0x18590] =	vst v60;
	v20 =	vld [tilespmem:$0x175E0]  }
0x348: {  	[tilespmem:$0x180D0] =	vst v2;
	v3 =	vsub.f32 v10, v3;
	v10 =	vld [tilespmem:$0x17680]  }
0x349: {  	[tilespmem:$0x18190] =	vst v1;
	v4 =	vld [tilespmem:$0xFBB0]  }
0x34a: {  	[tilespmem:$0x180E0] =	vst v55;
	v13 =	vld [tilespmem:$0xFBC0]  }
0x34b: {  	[tilespmem:$0x180F0] =	vst v59;
	v7 =	vadd.f32 v16, v7;
	v16 =	vld [tilespmem:$0x1FDF0]  }
0x34c: {  	[tilespmem:$0x185C0] =	vst v0;
	v35 =	vmul.f32 v14, v25;
	v14 =	vld [tilespmem:$0x175F0]  }
0x34d: {  	v18 =	vadd.f32 v38, v18;
	[tilespmem:$0x181B0] =	vst v34;
	v17 =	vld [tilespmem:$0x1FDC0]  }
0x34e: {  	v38 =	vld [tilespmem:$0x17690];
	v11 =	vadd.f32 v29, v11;
	[tilespmem:$0x181A0] =	vst v32;
	v2 =	vsub.f32 v33, v35;
	v0 =	vmul.f32 v36, v25  }
0x34f: {  	v43 =	vld [tilespmem:$0xFBF0];
	[tilespmem:$0x185D0] =	vst v35;
	v37 =	vsub.f32 v20, v5;
	v3 =	vmul.f32 v3, v25;
	v4 =	vmul.f32 v4, v27  }
0x350: {  	[tilespmem:$0x185E0] =	vst v5;
	v5 =	vsub.f32 v10, v0;
	v10 =	vld [tilespmem:$0xFBD0];
	v41 =	vmul.f32 v13, v27;
	v11 =	vadd.f32 v16, v11  }
0x351: {  	[tilespmem:$0x181D0] =	vst v2;
	v39 =	vsub.f32 v14, v3;
	v4 =	vsub.f32 v15, v4;
	v15 =	vld [tilespmem:$0x1FE00]  }
0x352: {  	[tilespmem:$0x181E0] =	vst v37;
	v17 =	vadd.f32 v17, v18;
	v42 =	vsub.f32 v11, v41;
	v11 =	vld [tilespmem:$0x1FE10]  }
0x353: {  	v14 =	vld [tilespmem:$0x176A0];
	[tilespmem:$0x185F0] =	vst v3  }
0x354: {  	[tilespmem:$0x181F0] =	vst v39;
	v40 =	vmul.f32 v9, v25;
	v13 =	vld [tilespmem:$0xFBE0];
	v9 =	vsub.f32 v17, v12  }
0x355: {  	v8 =	vadd.f32 v24, v8;
	[tilespmem:$0x18680] =	vst v0;
	v12 =	vld [tilespmem:$0x176B0]  }
0x356: {  	[tilespmem:$0x18280] =	vst v5;
	v1 =	vsub.f32 v38, v40;
	v5 =	vmul.f32 v9, v25;
	v9 =	vld [tilespmem:$0x176C0]  }
0x357: {  	[tilespmem:$0x18690] =	vst v40;
	v10 =	vmul.f32 v10, v27;
	v8 =	vadd.f32 v15, v8;
	v7 =	vadd.f32 v11, v7;
	v11 =	vld [tilespmem:$0x1FE20]  }
0x358: {  	v45 =	vld [tilespmem:$0x176D0];
	[tilespmem:$0x18290] =	vst v1;
	v44 =	vsub.f32 v14, v5;
	v4 =	vmul.f32 v4, v25  }
0x359: {  	[tilespmem:$0x186A0] =	vst v5;
	v8 =	vsub.f32 v8, v10;
	v0 =	vmul.f32 v42, v25  }
0x35a: {  	[tilespmem:$0x182A0] =	vst v44;
	v46 =	vsub.f32 v12, v4;
	v10 =	vmul.f32 v13, v27  }
0x35b: {  	[tilespmem:$0x186B0] =	vst v4;
	v47 =	vmul.f32 v8, v25;
	v5 =	vsub.f32 v9, v0;
	v9 =	vld [tilespmem:$0x176E0]  }
0x35c: {  	v3 =	vmul.f32 v43, v27;
	[tilespmem:$0x182B0] =	vst v46;
	v7 =	vsub.f32 v7, v10;
	v6 =	vadd.f32 v11, v6  }
0x35d: {  	v4 =	vld [tilespmem:$0x176F0];
	v2 =	vsub.f32 v45, v47;
	[tilespmem:$0x186D0] =	vst v47  }
0x35e: {  	[tilespmem:$0x182C0] =	vst v5;
	v5 =	vmul.f32 v7, v25;
	v3 =	vsub.f32 v6, v3  }
0x35f: {  	[tilespmem:$0x182D0] =	vst v2  }
0x360: {  	[tilespmem:$0x186C0] =	vst v0;
	v48 =	vsub.f32 v9, v5;
	v49 =	vmul.f32 v3, v25  }
0x361: {  	s23 =	simm.s32 $0x0;
	[tilespmem:$0x186E0] =	vst v5  }
0x362: {  	s24 =	sand.u32 $0x3000, s23;
	[tilespmem:$0x182E0] =	vst v48;
	v50 =	vsub.f32 v4, v49  }
0x363: {  	s25 =	sand.u32 $0x380, s23;
	s18 =	sor.u32 s24, s23;
	[tilespmem:$0x186F0] =	vst v49  }
0x364: {  	s19 =	sor.u32 s25, s24;
	s18 =	sor.u32 $0x4C00, s18;
	[tilespmem:$0x182F0] =	vst v50  }
0x365: {  	s19 =	sadd.s32 $0xEF80, s19;
	v0 =	vld [tilespmem:s18+$0xEFF0]  }
0x366: {  	v1 =	vld [tilespmem:s19+$0x4000]  }
0x367: {  	v2 =	vld [tilespmem:s19+$0x4010]  }
0x368: {  	v51 =	vld [tilespmem:s19+$0x4020]  }
0x369: {  	v4 =	vld [tilespmem:s19+$0x4030]  }
0x36a: {  	v5 =	vld [tilespmem:s19+$0x4040]  }
0x36b: {  	v7 =	vld [tilespmem:s19+$0x4050]  }
0x36c: {  	v8 =	vld [tilespmem:s19+$0x4060]  }
0x36d: {  	v9 =	vld [tilespmem:s19+$0x4070]  }
0x36e: {  	v10 =	vld [tilespmem:s19+$0x4400]  }
0x36f: {  	v11 =	vld [tilespmem:s19+$0x4410]  }
0x370: {  	v12 =	vld [tilespmem:s19+$0x4420]  }
0x371: {  	v13 =	vld [tilespmem:s19+$0x4430]  }
0x372: {  	v14 =	vld [tilespmem:s19+$0x4440]  }
0x373: {  	v16 =	vld [tilespmem:s19+$0x4450]  }
0x374: {  	v15 =	vimm.f32 $0.0e+00;
	v17 =	vld [tilespmem:s19+$0x4460]  }
0x375: {  	v18 =	vld [tilespmem:s19+$0x4470];
	v6 =	vadd.f32 v0, v15  }
0x376: {  	v60 =	vld [tilespmem:s19+$0x4800];
	v56 =	vadd.f32 v1, v15;
	v54 =	vadd.f32 v2, v15  }
0x377: {  	v61 =	vld [tilespmem:s19+$0x4810];
	v53 =	vadd.f32 v51, v15;
	v51 =	vadd.f32 v4, v15  }
0x378: {  	v62 =	vld [tilespmem:s19+$0x4820];
	v50 =	vadd.f32 v5, v15;
	v47 =	vadd.f32 v7, v15  }
0x379: {  	v63 =	vld [tilespmem:s19+$0x4830];
	v45 =	vadd.f32 v8, v15;
	v42 =	vadd.f32 v9, v15  }
0x37a: {  	v4 =	vld [tilespmem:s19+$0x4840];
	v40 =	vadd.f32 v10, v15;
	v39 =	vadd.f32 v11, v15  }
0x37b: {  	v5 =	vld [tilespmem:s19+$0x4850];
	v36 =	vadd.f32 v12, v15;
	v32 =	vadd.f32 v13, v15  }
0x37c: {  	v7 =	vld [tilespmem:s19+$0x4860];
	v30 =	vadd.f32 v14, v15;
	v28 =	vadd.f32 v16, v15  }
0x37d: {  	v8 =	vld [tilespmem:s19+$0x4870];
	v24 =	vadd.f32 v17, v15;
	v23 =	vadd.f32 v18, v15  }
0x37e: {  	v49 =	vld [tilespmem:s18+$0xEF80];
	v22 =	vadd.f32 v60, v15;
	v19 =	vadd.f32 v61, v15  }
0x37f: {  	v20 =	vimm.f32 $0.0e+00;
	v44 =	vld [tilespmem:s18+$0xEF90];
	v18 =	vadd.f32 v62, v15;
	v16 =	vadd.f32 v63, v15  }
0x380: {  	v37 =	vld [tilespmem:s18+$0xEFA0];
	v17 =	vimm.f32 $0.0e+00;
	v12 =	vimm.f32 $0.0e+00;
	v14 =	vadd.f32 v4, v15  }
0x381: {  	s26 =	simm.s32 $0x200;
	v31 =	vld [tilespmem:s18+$0xEFB0];
	v10 =	vimm.f32 $0.0e+00;
	v13 =	vadd.f32 v5, v15;
	v11 =	vadd.f32 v7, v15  }
0x382: {  	s21 =	sand.u32 $0x3000, s26;
	s20 =	simm.s32 $0x400;
	v29 =	vld [tilespmem:s18+$0xEFC0];
	s19 =	simm.s32 $0x80;
	v9 =	vadd.f32 v8, v15;
	v8 =	vimm.f32 $0.0e+00;
	v7 =	vimm.f32 $0.0e+00  }
.LBB2_13:
0x383: {  	p0 =	sne.s32 s20, $0x3E00;
	s22 =	sand.u32 $0x380, s19;
	s23 =	sor.u32 s21, s19;
	v15 =	vadd.f32 v49, v15;
	v0 =	vld [tilespmem:s18+$0xEFD0]  }
0x384: {  	s21 =	sor.u32 s22, s21;
	v20 =	vadd.f32 v44, v20;
	v1 =	vld [tilespmem:s18+$0xEFE0];
	s18 =	sor.u32 $0x4C00, s23  }
0x385: {  	s21 =	sadd.s32 $0xEF80, s21;
	v2 =	vld [tilespmem:s18+$0xEFF0];
	v17 =	vadd.f32 v37, v17  }
0x386: {  	v3 =	vld [tilespmem:s21+$0x4000];
	v12 =	vadd.f32 v31, v12  }
0x387: {  	v4 =	vld [tilespmem:s21+$0x4010];
	v10 =	vadd.f32 v29, v10  }
0x388: {  	v5 =	vld [tilespmem:s21+$0x4020];
	v8 =	vadd.f32 v0, v8  }
0x389: {  	v0 =	vld [tilespmem:s21+$0x4030];
	v7 =	vadd.f32 v1, v7  }
0x38a: {  	v1 =	vld [tilespmem:s21+$0x4040];
	v6 =	vadd.f32 v2, v6  }
0x38b: {  	v56 =	vadd.f32 v3, v56;
	v2 =	vld [tilespmem:s21+$0x4050]  }
0x38c: {  	v54 =	vadd.f32 v4, v54;
	v3 =	vld [tilespmem:s21+$0x4060]  }
0x38d: {  	v53 =	vadd.f32 v5, v53;
	v4 =	vld [tilespmem:s21+$0x4070]  }
0x38e: {  	v51 =	vadd.f32 v0, v51;
	v0 =	vld [tilespmem:s21+$0x4400]  }
0x38f: {  	v50 =	vadd.f32 v1, v50;
	v1 =	vld [tilespmem:s21+$0x4410]  }
0x390: {  	v47 =	vadd.f32 v2, v47;
	v2 =	vld [tilespmem:s21+$0x4420]  }
0x391: {  	v45 =	vadd.f32 v3, v45;
	v3 =	vld [tilespmem:s21+$0x4430]  }
0x392: {  	v42 =	vadd.f32 v4, v42;
	v4 =	vld [tilespmem:s21+$0x4440]  }
0x393: {  	v40 =	vadd.f32 v0, v40;
	v0 =	vld [tilespmem:s21+$0x4450]  }
0x394: {  	v39 =	vadd.f32 v1, v39;
	v1 =	vld [tilespmem:s21+$0x4460]  }
0x395: {  	v36 =	vadd.f32 v2, v36;
	v2 =	vld [tilespmem:s21+$0x4470]  }
0x396: {  	v32 =	vadd.f32 v3, v32;
	v3 =	vld [tilespmem:s21+$0x4800]  }
0x397: {  	v30 =	vadd.f32 v4, v30;
	v4 =	vld [tilespmem:s21+$0x4810]  }
0x398: {  	v28 =	vadd.f32 v0, v28;
	v0 =	vld [tilespmem:s21+$0x4820]  }
0x399: {  	v24 =	vadd.f32 v1, v24;
	v1 =	vld [tilespmem:s21+$0x4830]  }
0x39a: {  	v23 =	vadd.f32 v2, v23;
	v2 =	vld [tilespmem:s21+$0x4840]  }
0x39b: {  	v22 =	vadd.f32 v3, v22;
	v3 =	vld [tilespmem:s21+$0x4850]  }
0x39c: {  	v19 =	vadd.f32 v4, v19;
	v4 =	vld [tilespmem:s21+$0x4860]  }
0x39d: {  	v18 =	vadd.f32 v0, v18;
	v0 =	vld [tilespmem:s21+$0x4870]  }
.Ltmp5:
0x39e: {  	v16 =	vadd.f32 v1, v16;
	v49 =	vld [tilespmem:s18+$0xEF80];
	(pc) =	sbr.rel @p0 .LBB2_13-.Ltmp5, $4  }
0x39f: {  	v14 =	vadd.f32 v2, v14;
	v44 =	vld [tilespmem:s18+$0xEF90]  }
0x3a0: {  	v13 =	vadd.f32 v3, v13;
	v37 =	vld [tilespmem:s18+$0xEFA0]  }
0x3a1: {  	v11 =	vadd.f32 v4, v11;
	v31 =	vld [tilespmem:s18+$0xEFB0]  }
0x3a2: {  	s19 =	sadd.s32 $0x80, s19;
	s21 =	sand.u32 $0x3000, s20;
	s20 =	sadd.s32 $0x200, s20;
	v9 =	vadd.f32 v0, v9;
	v29 =	vld [tilespmem:s18+$0xEFC0]  }
0x3a3: {  	v0 =	vld [tilespmem:s18+$0xEFD0]  }
0x3a4: {  	s24 =	sor.u32 s21, s19;
	v62 =	vld [tilespmem:s18+$0xEFE0]  }
0x3a5: {  	s20 =	sand.u32 $0x380, s19;
	v2 =	vld [tilespmem:$0x12FA0];
	s19 =	sor.u32 $0x4C00, s24  }
0x3a6: {  	v63 =	vld [tilespmem:s19+$0xEFF0]  }
0x3a7: {  	s20 =	sor.u32 s20, s21;
	v1 =	vld [tilespmem:s19+$0xEFE0]  }
0x3a8: {  	s25 =	sadd.s32 $0xEF80, s20;
	v17 =	vadd.f32 v37, v17;
	v37 =	vld [tilespmem:$0x13BD0]  }
0x3a9: {  	v3 =	vld [tilespmem:s25+$0x4000]  }
0x3aa: {  	v59 =	vld [tilespmem:s25+$0x4010]  }
0x3ab: {  	v61 =	vld [tilespmem:s25+$0x4020]  }
0x3ac: {  	v5 =	vld [tilespmem:s25+$0x4050]  }
0x3ad: {  	v21 =	vld [tilespmem:s25+$0x4060]  }
0x3ae: {  	v27 =	vld [tilespmem:s25+$0x4070]  }
0x3af: {  	v33 =	vld [tilespmem:s25+$0x4400]  }
0x3b0: {  	v34 =	vld [tilespmem:s25+$0x4410]  }
0x3b1: {  	v35 =	vld [tilespmem:s25+$0x4420]  }
0x3b2: {  	v38 =	vld [tilespmem:s25+$0x4430]  }
0x3b3: {  	v41 =	vld [tilespmem:s25+$0x4440]  }
0x3b4: {  	v43 =	vld [tilespmem:s25+$0x4450]  }
0x3b5: {  	v46 =	vld [tilespmem:s25+$0x4460]  }
0x3b6: {  	v48 =	vld [tilespmem:s25+$0x4470]  }
0x3b7: {  	v58 =	vld [tilespmem:s25+$0x4800]  }
0x3b8: {  	v52 =	vld [tilespmem:s25+$0x4810]  }
0x3b9: {  	v60 =	vld [tilespmem:s25+$0x4820]  }
0x3ba: {  	v55 =	vld [tilespmem:s25+$0x4830]  }
0x3bb: {  	v57 =	vld [tilespmem:s25+$0x4840]  }
0x3bc: {  	v4 =	vld [tilespmem:s25+$0x4850]  }
0x3bd: {  	v25 =	vld [tilespmem:s25+$0x4860]  }
0x3be: {  	v26 =	vld [tilespmem:s25+$0x4870]  }
0x3bf: {  	v12 =	vadd.f32 v31, v12;
	v31 =	vld [tilespmem:$0x17710]  }
0x3c0: {  	[tilespmem:$0x1FD20] =	vst v62;
	v62 =	vld [tilespmem:s25+$0x4030]  }
0x3c1: {  	[tilespmem:$0x1FCF0] =	vst v0;
	v0 =	vld [tilespmem:$0x12F80]  }
0x3c2: {  	v10 =	vadd.f32 v29, v10;
	v29 =	vld [tilespmem:$0x1FCF0]  }
0x3c3: {  	[tilespmem:$0x1FD60] =	vst v63;
	v63 =	vld [tilespmem:s25+$0x4040]  }
0x3c4: {  	[tilespmem:$0x1FD50] =	vst v1;
	v1 =	vld [tilespmem:$0x12F90]  }
0x3c5: {  	[tilespmem:$0x1FCA0] =	vst v4;
	v4 =	vld [tilespmem:s19+$0xEF80]  }
0x3c6: {  	[tilespmem:$0x1FCC0] =	vst v26;
	v26 =	vld [tilespmem:s19+$0xEFA0]  }
0x3c7: {  	[tilespmem:$0x1FCB0] =	vst v25;
	v25 =	vld [tilespmem:s19+$0xEF90]  }
0x3c8: {  	v3 =	vadd.f32 v3, v56;
	v56 =	vld [tilespmem:$0x17400]  }
0x3c9: {  	v54 =	vadd.f32 v59, v54;
	v59 =	vld [tilespmem:$0x17410]  }
0x3ca: {  	v53 =	vadd.f32 v61, v53;
	v61 =	vld [tilespmem:$0x12FE0]  }
0x3cb: {  	[tilespmem:$0x1FD00] =	vst v26;
	v26 =	vld [tilespmem:s19+$0xEFD0]  }
0x3cc: {  	[tilespmem:$0x1FCD0] =	vst v4;
	v4 =	vld [tilespmem:s19+$0xEFB0]  }
0x3cd: {  	v27 =	vadd.f32 v27, v42;
	v42 =	vld [tilespmem:$0x17470]  }
0x3ce: {  	v32 =	vadd.f32 v38, v32;
	v38 =	vld [tilespmem:$0x133F0]  }
0x3cf: {  	[tilespmem:$0x1FCE0] =	vst v25;
	v25 =	vld [tilespmem:s19+$0xEFC0]  }
0x3d0: {  	[tilespmem:$0x1FD40] =	vst v26;
	v26 =	vld [tilespmem:s17+$0x3100]  }
0x3d1: {  	[tilespmem:$0x1FD10] =	vst v4;
	v4 =	vld [tilespmem:$0x12FB0]  }
0x3d2: {  	v33 =	vadd.f32 v33, v40;
	v40 =	vld [tilespmem:$0x13780]  }
0x3d3: {  	v30 =	vadd.f32 v41, v30;
	v41 =	vld [tilespmem:$0x17550]  }
0x3d4: {  	[tilespmem:$0x1FD30] =	vst v25;
	v25 =	vld [tilespmem:s17+$0x5100]  }
0x3d5: {  	v15 =	vadd.f32 v49, v15;
	v49 =	vld [tilespmem:$0x1FCB0];
	v0 =	vmul.f32 v0, v26;
	v1 =	vmul.f32 v1, v26  }
0x3d6: {  	v51 =	vadd.f32 v62, v51;
	v62 =	vld [tilespmem:$0x17430];
	v2 =	vmul.f32 v2, v26;
	v4 =	vmul.f32 v4, v26  }
0x3d7: {  	v0 =	vsub.f32 v3, v0;
	v1 =	vsub.f32 v54, v1;
	v54 =	vld [tilespmem:$0x17420]  }
0x3d8: {  	v2 =	vsub.f32 v53, v2;
	v4 =	vsub.f32 v51, v4;
	v51 =	vld [tilespmem:$0x13380]  }
0x3d9: {  	v3 =	vld [tilespmem:$0x12FC0];
	v0 =	vmul.f32 v0, v25  }
0x3da: {  	v50 =	vadd.f32 v63, v50;
	v53 =	vld [tilespmem:$0x12FD0];
	v1 =	vmul.f32 v1, v25;
	v2 =	vmul.f32 v2, v25  }
0x3db: {  	v11 =	vadd.f32 v49, v11;
	v49 =	vld [tilespmem:$0x13BF0];
	v56 =	vsub.f32 v56, v0  }
0x3dc: {  	v63 =	vsub.f32 v59, v1;
	v59 =	vsub.f32 v54, v2;
	v54 =	vld [tilespmem:$0x17450]  }
0x3dd: {  	v5 =	vadd.f32 v5, v47;
	[tilespmem:$0x18400] =	vst v0;
	v47 =	vmul.f32 v51, v26;
	v51 =	vld [tilespmem:$0x133A0]  }
0x3de: {  	v4 =	vmul.f32 v4, v25;
	v3 =	vmul.f32 v3, v26;
	[tilespmem:$0x18000] =	vst v56;
	v56 =	vld [tilespmem:$0x17440]  }
0x3df: {  	[tilespmem:$0x18010] =	vst v63;
	v63 =	vmul.f32 v53, v26;
	v53 =	vmul.f32 v61, v26;
	v61 =	vld [tilespmem:$0x17460]  }
0x3e0: {  	v0 =	vsub.f32 v50, v3;
	v3 =	vld [tilespmem:$0x12FF0];
	[tilespmem:$0x18020] =	vst v59;
	v59 =	vsub.f32 v62, v4  }
0x3e1: {  	v21 =	vadd.f32 v21, v45;
	[tilespmem:$0x18410] =	vst v1;
	v62 =	vld [tilespmem:$0x13390]  }
0x3e2: {  	v5 =	vsub.f32 v5, v63;
	v0 =	vmul.f32 v0, v25;
	[tilespmem:$0x18030] =	vst v59;
	v59 =	vld [tilespmem:$0x133B0]  }
0x3e3: {  	[tilespmem:$0x18420] =	vst v2;
	v1 =	vsub.f32 v21, v53;
	v45 =	vmul.f32 v51, v26;
	v51 =	vld [tilespmem:$0x133D0]  }
0x3e4: {  	[tilespmem:$0x18430] =	vst v4;
	v5 =	vmul.f32 v5, v25;
	v63 =	vsub.f32 v56, v0;
	v56 =	vsub.f32 v33, v47;
	v47 =	vld [tilespmem:$0x17520]  }
0x3e5: {  	v1 =	vmul.f32 v1, v25;
	[tilespmem:$0x18440] =	vst v0;
	v33 =	vld [tilespmem:$0x17620]  }
0x3e6: {  	v3 =	vmul.f32 v3, v26;
	v53 =	vsub.f32 v54, v5;
	v54 =	vld [tilespmem:$0x17500];
	[tilespmem:$0x18450] =	vst v5  }
0x3e7: {  	v34 =	vadd.f32 v34, v39;
	v35 =	vadd.f32 v35, v36;
	v2 =	vmul.f32 v62, v26;
	v62 =	vld [tilespmem:$0x133C0];
	[tilespmem:$0x18460] =	vst v1  }
0x3e8: {  	v61 =	vsub.f32 v61, v1;
	[tilespmem:$0x18040] =	vst v63;
	v63 =	vld [tilespmem:$0x17510];
	v3 =	vsub.f32 v27, v3  }
0x3e9: {  	v0 =	vmul.f32 v56, v25;
	[tilespmem:$0x18050] =	vst v53;
	v2 =	vsub.f32 v34, v2;
	v4 =	vmul.f32 v59, v26;
	v59 =	vld [tilespmem:$0x133E0]  }
0x3ea: {  	[tilespmem:$0x18060] =	vst v61;
	v53 =	vsub.f32 v35, v45;
	v45 =	vld [tilespmem:$0x17560];
	v27 =	vmul.f32 v51, v26;
	v3 =	vmul.f32 v3, v25  }
0x3eb: {  	[tilespmem:$0x18500] =	vst v0;
	v51 =	vmul.f32 v40, v26;
	v40 =	vld [tilespmem:$0x137E0];
	v2 =	vmul.f32 v2, v25  }
0x3ec: {  	v28 =	vadd.f32 v43, v28;
	v50 =	vsub.f32 v54, v0;
	v54 =	vld [tilespmem:$0x17530];
	[tilespmem:$0x18470] =	vst v3  }
0x3ed: {  	v4 =	vsub.f32 v32, v4;
	v56 =	vmul.f32 v62, v26;
	v62 =	vmul.f32 v53, v25;
	v53 =	vld [tilespmem:$0x137A0];
	[tilespmem:$0x18510] =	vst v2  }
0x3ee: {  	v27 =	vsub.f32 v28, v27;
	v28 =	vld [tilespmem:$0x13BC0];
	v42 =	vsub.f32 v42, v3;
	[tilespmem:$0x18100] =	vst v50  }
0x3ef: {  	v61 =	vsub.f32 v63, v2;
	v63 =	vld [tilespmem:$0x17540];
	[tilespmem:$0x18520] =	vst v62  }
0x3f0: {  	v4 =	vmul.f32 v4, v25;
	v3 =	vmul.f32 v38, v26;
	v38 =	vld [tilespmem:$0x17630];
	[tilespmem:$0x18070] =	vst v42  }
0x3f1: {  	v35 =	vsub.f32 v30, v56;
	v39 =	vsub.f32 v47, v62;
	v47 =	vld [tilespmem:$0x13790];
	[tilespmem:$0x18110] =	vst v61  }
0x3f2: {  	v23 =	vadd.f32 v48, v23;
	v48 =	vmul.f32 v27, v25;
	v50 =	vld [tilespmem:$0x17570];
	[tilespmem:$0x18530] =	vst v4  }
0x3f3: {  	v24 =	vadd.f32 v46, v24;
	v56 =	vld [tilespmem:$0x17600];
	v0 =	vmul.f32 v35, v25;
	[tilespmem:$0x18120] =	vst v39  }
0x3f4: {  	v43 =	vmul.f32 v59, v26;
	v59 =	vld [tilespmem:$0x137B0];
	v3 =	vsub.f32 v23, v3;
	v2 =	vsub.f32 v41, v48;
	[tilespmem:$0x18550] =	vst v48  }
0x3f5: {  	v22 =	vadd.f32 v58, v22;
	v62 =	vld [tilespmem:$0x137C0];
	v42 =	vsub.f32 v54, v4;
	[tilespmem:$0x18540] =	vst v0  }
0x3f6: {  	v19 =	vadd.f32 v52, v19;
	v23 =	vld [tilespmem:$0x13BB0];
	v24 =	vsub.f32 v24, v43;
	v3 =	vmul.f32 v3, v25;
	[tilespmem:$0x18150] =	vst v2  }
0x3f7: {  	v58 =	vsub.f32 v22, v51;
	v52 =	vmul.f32 v40, v26;
	v35 =	vld [tilespmem:$0x137D0];
	v46 =	vsub.f32 v63, v0;
	[tilespmem:$0x18130] =	vst v42  }
0x3f8: {  	v43 =	vld [tilespmem:$0x1FCA0];
	v54 =	vmul.f32 v24, v25;
	[tilespmem:$0x18570] =	vst v3  }
0x3f9: {  	v48 =	vld [tilespmem:$0x13B80];
	v11 =	vsub.f32 v11, v52;
	v0 =	vmul.f32 v58, v25;
	[tilespmem:$0x18140] =	vst v46  }
0x3fa: {  	v18 =	vadd.f32 v60, v18;
	v32 =	vmul.f32 v53, v26;
	v53 =	vld [tilespmem:$0x17660];
	v30 =	vsub.f32 v50, v3;
	[tilespmem:$0x18560] =	vst v54  }
0x3fb: {  	v20 =	vadd.f32 v44, v20;
	v63 =	vld [tilespmem:$0x17610];
	v39 =	vmul.f32 v62, v26;
	v62 =	vmul.f32 v11, v25;
	[tilespmem:$0x18600] =	vst v0  }
0x3fc: {  	v21 =	vmul.f32 v47, v26;
	v18 =	vsub.f32 v18, v32;
	v42 =	vld [tilespmem:$0x17640];
	v61 =	vsub.f32 v45, v54;
	[tilespmem:$0x18170] =	vst v30  }
0x3fd: {  	v16 =	vadd.f32 v55, v16;
	v50 =	vld [tilespmem:$0x17650];
	v34 =	vsub.f32 v56, v0;
	[tilespmem:$0x18660] =	vst v62  }
0x3fe: {  	v4 =	vmul.f32 v59, v26;
	v59 =	vld [tilespmem:$0x1FCD0];
	v19 =	vsub.f32 v19, v21;
	v41 =	vmul.f32 v18, v25;
	[tilespmem:$0x18160] =	vst v61  }
0x3ff: {  	v14 =	vadd.f32 v57, v14;
	v45 =	vld [tilespmem:$0x137F0];
	[tilespmem:$0x18200] =	vst v34;
	v24 =	vsub.f32 v53, v62  }
0x400: {  	v54 =	vld [tilespmem:$0x1FCC0];
	v4 =	vsub.f32 v16, v4;
	v13 =	vadd.f32 v43, v13;
	v36 =	vmul.f32 v19, v25;
	[tilespmem:$0x18620] =	vst v41  }
0x401: {  	v56 =	vld [tilespmem:$0x13B90];
	v44 =	vsub.f32 v14, v39;
	v47 =	vmul.f32 v35, v26;
	v46 =	vsub.f32 v33, v41;
	[tilespmem:$0x18260] =	vst v24  }
0x402: {  	v21 =	vld [tilespmem:$0x1FCE0];
	v4 =	vmul.f32 v4, v25;
	[tilespmem:$0x18610] =	vst v36  }
0x403: {  	v30 =	vld [tilespmem:$0x1FD00];
	v0 =	vmul.f32 v44, v25;
	v13 =	vsub.f32 v13, v47;
	[tilespmem:$0x18220] =	vst v46  }
0x404: {  	v35 =	vld [tilespmem:$0x1FD10];
	v14 =	vadd.f32 v59, v15;
	v1 =	vsub.f32 v63, v36;
	[tilespmem:$0x18630] =	vst v4  }
0x405: {  	v60 =	vmul.f32 v48, v26;
	v61 =	vld [tilespmem:$0x13BA0];
	v51 =	vsub.f32 v38, v4;
	v9 =	vadd.f32 v54, v9;
	[tilespmem:$0x18640] =	vst v0  }
0x406: {  	v55 =	vsub.f32 v42, v0;
	v57 =	vmul.f32 v13, v25;
	v3 =	vmul.f32 v45, v26;
	v63 =	vld [tilespmem:$0x17700];
	[tilespmem:$0x18210] =	vst v1  }
0x407: {  	v40 =	vld [tilespmem:$0x17730];
	v11 =	vadd.f32 v21, v20;
	v22 =	vsub.f32 v14, v60;
	[tilespmem:$0x18230] =	vst v51  }
0x408: {  	v58 =	vld [tilespmem:$0x17670];
	v27 =	vmul.f32 v56, v26;
	[tilespmem:$0x18240] =	vst v55;
	v2 =	vsub.f32 v50, v57;
	v3 =	vsub.f32 v9, v3  }
0x409: {  	v47 =	vld [tilespmem:$0x1FD40];
	v4 =	vmul.f32 v23, v26;
	v12 =	vadd.f32 v35, v12;
	[tilespmem:$0x18650] =	vst v57;
	v0 =	vmul.f32 v22, v25  }
0x40a: {  	v42 =	vld [tilespmem:$0x1FD30];
	v17 =	vadd.f32 v30, v17;
	v11 =	vsub.f32 v11, v27;
	[tilespmem:$0x18250] =	vst v2;
	v3 =	vmul.f32 v3, v25  }
0x40b: {  	v34 =	vld [tilespmem:$0x17720];
	v33 =	vmul.f32 v61, v26;
	v4 =	vsub.f32 v12, v4;
	v36 =	vsub.f32 v63, v0;
	[tilespmem:$0x18700] =	vst v0  }
0x40c: {  	v8 =	vadd.f32 v29, v8;
	v41 =	vld [tilespmem:$0x1FD20];
	v38 =	vmul.f32 v11, v25;
	[tilespmem:$0x18670] =	vst v3  }
0x40d: {  	v44 =	vld [tilespmem:$0x13BE0];
	v39 =	vsub.f32 v17, v33;
	v4 =	vmul.f32 v4, v25;
	[tilespmem:$0x18300] =	vst v36  }
0x40e: {  	v9 =	vmul.f32 v37, v26;
	v51 =	vld [tilespmem:$0x1FD50];
	v8 =	vadd.f32 v47, v8;
	v32 =	vsub.f32 v58, v3;
	[tilespmem:$0x18710] =	vst v38  }
0x40f: {  	v55 =	vld [tilespmem:$0x1FD60];
	v10 =	vadd.f32 v42, v10;
	v45 =	vmul.f32 v39, v25;
	[tilespmem:$0x18730] =	vst v4  }
0x410: {  	v52 =	vld [tilespmem:$0x17750];
	v43 =	vmul.f32 v28, v26;
	v8 =	vsub.f32 v8, v9;
	v1 =	vsub.f32 v31, v38;
	[tilespmem:$0x18270] =	vst v32  }
0x411: {  	v46 =	vld [tilespmem:$0x17740];
	v7 =	vadd.f32 v41, v7;
	v53 =	vsub.f32 v40, v4;
	[tilespmem:$0x18720] =	vst v45  }
0x412: {  	v48 =	vsub.f32 v10, v43;
	v58 =	vmul.f32 v8, v25;
	[tilespmem:$0x18310] =	vst v1  }
0x413: {  	v54 =	vmul.f32 v44, v26;
	v7 =	vadd.f32 v51, v7;
	v50 =	vsub.f32 v34, v45;
	[tilespmem:$0x18330] =	vst v53  }
0x414: {  	v57 =	vld [tilespmem:$0x17760];
	v3 =	vmul.f32 v49, v26;
	v6 =	vadd.f32 v55, v6;
	v0 =	vmul.f32 v48, v25;
	[tilespmem:$0x18750] =	vst v58  }
0x415: {  	v59 =	vld [tilespmem:$0x17770];
	v7 =	vsub.f32 v7, v54;
	v2 =	vsub.f32 v52, v58;
	[tilespmem:$0x18320] =	vst v50  }
0x416: {  	v3 =	vsub.f32 v6, v3;
	v56 =	vsub.f32 v46, v0;
	[tilespmem:$0x18740] =	vst v0  }
0x417: {  	s13 =	sadd.s32 $0x1, s13;
	v60 =	vmul.f32 v7, v25;
	[tilespmem:$0x18350] =	vst v2  }
0x418: {  	p0 =	sne.s32 s13, $0x10;
	v62 =	vmul.f32 v3, v25;
	[tilespmem:$0x18340] =	vst v56  }
.Ltmp6:
0x419: {  	s16 =	sshll.u32 s16, $0xD;
	v61 =	vsub.f32 v57, v60;
	[tilespmem:$0x18760] =	vst v60;
	(pc) =	sbr.rel @p0 .LBB2_4-.Ltmp6, $4  }
0x41a: {  	s15 =	sor.u32 s15, s16;
	v63 =	vsub.f32 v59, v62;
	[tilespmem:$0x18770] =	vst v62  }
0x41b: {  	s26 =	rddreg [dreg:$0x3];
	s15 =	sshrl.u32 s15, $0x3;
	[tilespmem:$0x18360] =	vst v61  }
0x41c: {  	s15 =	sadd.s32 s26, s15;
	[tilespmem:$0x18370] =	vst v63  }
0x41d: {  	[hbm4b:s15+s0] =	stream.strided.scatter [tilespmem:s10], [sflag:$0x6], $0x800, s3, s0, $0x38;
	[tilespmem:$0x18780] =	vst v63  }
0x41e: {  	s12 =	simm.s32 $0x5  }
0x41f: {  	_ =	swait.ge [sflag:s12], $0x800  }
0x420: {  	[sflag:s12] =	ssyncset.done $0x0  }
0x421: {  	s13 =	simm.s32 $0x6;
	[sflag:s12] =	ssyncadd.s32 $0xFFFFF800  }
0x422: {  	_ =	swait.ge [sflag:s13], $0x800  }
0x423: {  	s15 =	rddreg [dreg:$0x9]  }
0x424: {  	s26 =	rddreg [dreg:$0x8];
	s15 =	sadd.s32 $0x1, s15  }
0x425: {  	p0 =	sne.s32 s15, s26  }
.Ltmp7:
0x426: {  	_ = 	snop;
	(pc) =	sbr.rel @p0 .LBB2_1-.Ltmp7, $3  }
0x427: {  	_ =	sdelay $0x1  }
0x428: {  	[sflag:s13] =	ssyncset.done $0x0  }
0x429: {  	v0 =	vlaneseq.u32;
	v2 =	vimm.f32 $0.0e+00;
	v1 =	vld [tilespmem:$0x1FFF0];
	[sflag:s13] =	ssyncadd.s32 $0xFFFFF800  }
0x42a: {  	_ =	sfence.sel $0x180000  }
0x42b: {  	[bflag:$0x0] =	sbarrier.arrive $0xFFFF  }
0x42c: {  	_ =	strace $0x90000047  }
0x42d: {  	s0 =	stileid.u32;
	[bflag:$0x2] =	sbarrier.arrive $0xFFFF  }
0x42e: {  	p0 =	sne.s32 s0, $0x0;
	s0 =	rddreg [dreg:$0x4]  }
0x42f: {  	s0 =	sadd.s32 @!p0 $0x100000, s0  }
0x430: {  	[sflag:s0] =	ssyncadd.tile.s32 @!p0 $0x1;
	_ =	shalt  }
.Lfunc_end2:
_tile_overlayer_lowered:
.L_overlay_start_2:
0x431: {  	(tag) =	ssettag $0x2  }
0x432: {  	s0 =	rddreg [dreg:$0x0];
	s2 =	stileid.u32  }
0x433: {  	s1 =	rddreg [dreg:$0x1];
	p0 =	sne.s32 s2, $0x0  }
0x434: {  	s3 =	rddreg [dreg:$0x2];
	[bflag:$0x3] =	sbarrier.arrive $0xFFFF;
	s2 =	simm.s32 @!p0 $0x1C07  }
0x435: {  	[timem:s3], [sflag:s2] =	dma.local @!p0 [hbm:s0], s1  }
0x436: {  	s0 =	simm.s32 @!p0 $0x7  }
0x437: {  	_ =	swait.ge @!p0 [sflag:s0], s1  }
0x438: {  	s1 =	ssub.s32 @!p0 $0x0, s1;
	[sflag:s0] =	ssyncset.done @!p0 $0x0  }
0x439: {  	[sflag:s0] =	ssyncadd.s32 @!p0 s1  }
0x43a: {  	[bflag:$0x3] =	sbarrier.arrive $0xFFFF  }
0x43b: {  	_ =	shalt  }

</sc_bundles>
